<compile_context>
chip_gen: v7x
topology: tpu7x:2x2x1
jax: 0.10.2.dev20260603
libtpu: 0.0.44.dev20260713+nightly
codegen_flags: <defaults>
</compile_context>

<pallas_src>
import functools
import math

import jax
import jax.numpy as jnp
from jax import lax
from jax.experimental import pallas as pl
from jax.experimental.pallas import tpu as pltpu
from jax.experimental.pallas import tpu_sc as plsc

B, Lq, L, D = 2, 2048, 2048, 64
RUNS, STEPS = 4, 32
BETA = 1.0
SCALE = 1.0 / math.sqrt(D)
NQ = B * Lq
NCH = NQ * RUNS
NW = 32
QPW = NQ // NW
QPG = 16
NG = QPW // QPG
GROUP = RUNS * STEPS * QPG
ROWS = QPG * L
DN = (((1,), (0,)), ((), ()))


def _qk_body(q_ref, kt_ref, s_ref, qh_s, ql_s):
    j = pl.program_id(1)

    @pl.when(j == 0)
    def _():
        qq = q_ref[0]
        qqh = qq.astype(jnp.bfloat16)
        qh_s[...] = qqh
        ql_s[...] = (qq - qqh.astype(jnp.float32)).astype(jnp.bfloat16)

    kk = kt_ref[0]
    kkh = kk.astype(jnp.bfloat16)
    kkl = (kk - kkh.astype(jnp.float32)).astype(jnp.bfloat16)
    qqh = qh_s[...]
    acc = lax.dot_general(qqh, kkh, DN, preferred_element_type=jnp.float32)
    acc += lax.dot_general(qqh, kkl, DN, preferred_element_type=jnp.float32)
    acc += lax.dot_general(ql_s[...], kkh, DN,
                           preferred_element_type=jnp.float32)
    s_ref[:, 0] = (acc * SCALE).reshape(Lq // 8, 8, 128)


def _wv_body(w_ref, v_ref, o_ref):
    acc = jnp.zeros((512, D), jnp.float32)
    for j in range(L // 128):
        wj = w_ref[:, j].reshape(512, 128)
        wh = wj.astype(jnp.bfloat16)
        wl = (wj - wh.astype(jnp.float32)).astype(jnp.bfloat16)
        vj = v_ref[0, j]
        vh = vj.astype(jnp.bfloat16)
        vl = (vj - vh.astype(jnp.float32)).astype(jnp.bfloat16)
        acc += lax.dot_general(wh, vh, DN, preferred_element_type=jnp.float32)
        acc += lax.dot_general(wh, vl, DN, preferred_element_type=jnp.float32)
        acc += lax.dot_general(wl, vh, DN, preferred_element_type=jnp.float32)
    o_ref[0] = acc


def _sc_body(s_hbm, vi_hbm, th_hbm, w_hbm, sg_v, mg_v, wg_v, vb, tb, ixb, sgb,
             sem):
    c = lax.axis_index("c")
    s = lax.axis_index("s")
    w = s * 2 + c
    zero16 = jnp.zeros((16,), jnp.float32)
    lane = lax.iota(jnp.int32, 16)
    lane_l = lane * L
    lane_i = lane >> 3
    lane_s = lane & 7

    def zinit(i, carry):
        for u in range(8):
            mg_v[pl.ds((i * 8 + u) * 16, 16)] = zero16
        return carry

    lax.fori_loop(0, ROWS // 128, zinit, 0)

    def zinit4(n8, carry):
        for u in range(8):
            n = n8 * 8 + u
            wg_v[n >> 10, (n >> 6) & 15, (n >> 3) & 7,
                 pl.ds((n & 7) * 16, 16)] = zero16
        return carry

    lax.fori_loop(0, ROWS // 128, zinit4, 0)

    def group_body(g, carry):
        wg = w * NGB + g
        cp_s = pltpu.async_copy(s_hbm.at[pl.ds(wg * 2, 2)], sg_v, sem)
        cp_v = pltpu.async_copy(
            vi_hbm.at[:, pl.ds((wg >> 1) * 128, 128)], vb, sem)
        cp_t = pltpu.async_copy(
            th_hbm.at[:, pl.ds((wg >> 1) * 128, 128)], tb, sem)
        cp_s.wait()
        cp_v.wait()
        cp_t.wait()
        half = (wg & 1) * 64
        for r in range(RUNS):
            lane_r = lane * RUNS + r + half

            def step1(t, cnt):
                tvec = jnp.full((16,), t, jnp.int32)
                vi = plsc.load_gather(vb, [tvec, lane_r])
                z = plsc.load_gather(tb, [tvec, lane_r])
                a = plsc.load_gather(
                    sg_v, [lane_i, vi >> 7, lane_s, vi & 127])
                sig = 1.0 / (1.0 + jnp.exp(-a))
                new = jnp.where(z <= sig, 1.0, 0.0).astype(jnp.float32)
                ix = lane_l + vi
                old = plsc.load_gather(mg_v, [ix])
                plsc.store_scatter(mg_v, [ix], new)
                sg = new - old
                o = (r * STEPS + t) * 16
                ixb[pl.ds(o, 16)] = vi
                sgb[pl.ds(o, 16)] = sg
                return cnt + sg

            def t_body(t4, cnt):
                for u in range(4):
                    cnt = step1(t4 * 4 + u, cnt)
                return cnt

            cnt = lax.fori_loop(0, STEPS // 4, t_body, zero16)
            wr = 0.25 / jnp.maximum(cnt, 1.0)

            def t2_body(t4, carry2):
                for u in range(4):
                    o = (r * STEPS + t4 * 4 + u) * 16
                    vi = ixb[pl.ds(o, 16)]
                    sg = sgb[pl.ds(o, 16)]
                    plsc.addupdate_scatter(
                        wg_v, [lane_i, vi >> 7, lane_s, vi & 127], sg * wr)
                    plsc.store_scatter(mg_v, [lane_l + vi], zero16)
                return carry2

            lax.fori_loop(0, STEPS // 4, t2_body, 0)
        pltpu.sync_copy(wg_v, w_hbm.at[pl.ds(wg * 2, 2)])

        def t3_body(i4, carry3):
            for u in range(4):
                vi = ixb[pl.ds((i4 * 4 + u) * 16, 16)]
                plsc.store_scatter(
                    wg_v, [lane_i, vi >> 7, lane_s, vi & 127], zero16)
            return carry3

        lax.fori_loop(0, RUNS * STEPS // 4, t3_body, 0)
        return carry

    lax.fori_loop(0, NGB, group_body, 0)


NGB = NG // B


_sc_weights = functools.partial(
    pl.kernel,
    out_type=jax.ShapeDtypeStruct((NQ // B // 8, L // 128, 8, 128),
                                  jnp.float32),
    mesh=plsc.VectorSubcoreMesh(core_axis_name="c", subcore_axis_name="s"),
    compiler_params=pltpu.CompilerParams(needs_layout_passes=False),
    scratch_types=[
        pltpu.VMEM((2, L // 128, 8, 128), jnp.float32),
        pltpu.VMEM((ROWS,), jnp.float32),
        pltpu.VMEM((2, L // 128, 8, 128), jnp.float32),
        pltpu.VMEM((STEPS, 2 * RUNS * QPG), jnp.int32),
        pltpu.VMEM((STEPS, 2 * RUNS * QPG), jnp.float32),
        pltpu.VMEM((GROUP,), jnp.int32),
        pltpu.VMEM((GROUP,), jnp.float32),
        pltpu.SemaphoreType.DMA,
    ],
)(_sc_body)


def kernel(q, k, v):
    qf = q.astype(jnp.float32)
    kf = k.astype(jnp.float32)
    vf = v.astype(jnp.float32)

    rkey = jax.random.key(1234)
    k1, k2 = jax.random.split(rkey)
    vidx_all = jax.random.randint(k1, (STEPS, NCH), 0, L)
    z_all = jax.random.uniform(k2, (STEPS, NCH), dtype=jnp.float32)
    vidx_all = vidx_all.astype(jnp.int32)

    kt = kf.transpose(0, 2, 1)
    v4 = vf.reshape(B, L // 128, 128, D)

    outs = []
    for b in range(B):
        s4 = pl.pallas_call(
            _qk_body,
            grid=(1, L // 128),
            in_specs=[
                pl.BlockSpec((1, Lq, D), lambda bb, j: (0, 0, 0)),
                pl.BlockSpec((1, D, 128), lambda bb, j: (0, 0, j)),
            ],
            out_specs=pl.BlockSpec((Lq // 8, 1, 8, 128),
                                   lambda bb, j: (0, j, 0, 0)),
            out_shape=jax.ShapeDtypeStruct((Lq // 8, L // 128, 8, 128),
                                           jnp.float32),
            scratch_shapes=[
                pltpu.VMEM((Lq, D), jnp.bfloat16),
                pltpu.VMEM((Lq, D), jnp.bfloat16),
            ],
        )(qf[b:b + 1], kt[b:b + 1])

        w4 = _sc_weights(s4,
                         vidx_all[:, b * (NCH // B):(b + 1) * (NCH // B)],
                         z_all[:, b * (NCH // B):(b + 1) * (NCH // B)])

        ob = pl.pallas_call(
            _wv_body,
            grid=(1, Lq // 512),
            in_specs=[
                pl.BlockSpec((64, L // 128, 8, 128),
                             lambda bb, i: (i, 0, 0, 0)),
                pl.BlockSpec((1, L // 128, 128, D),
                             lambda bb, i: (0, 0, 0, 0)),
            ],
            out_specs=pl.BlockSpec((1, 512, D), lambda bb, i: (0, i, 0)),
            out_shape=jax.ShapeDtypeStruct((1, Lq, D), jnp.float32),
        )(w4, v4[b:b + 1])
        outs.append(ob)
    return jnp.concatenate(outs, axis=0)

# --- scband reference (transcript-rebuilt; emitter-appended) ---
"""Pipeline reference for scband-general-attention-10230612099229 (READ-ONLY COPY).

The authoritative reference and input builder live on the scoring server;
editing this copy changes nothing except your own understanding.
"""

import jax, jax.numpy as jnp
import numpy as np
import math

B, Lq, L, D = 2, 2048, 2048, 64
RUNS, STEPS, BETA = 4, 32, 1.0


def setup_inputs(seed: int = 0) -> dict:
    key = jax.random.key(seed)
    kq, kk, kv = jax.random.split(key, 3)
    q = jax.random.normal(kq, (B, Lq, D), dtype=jnp.float32)
    k = jax.random.normal(kk, (B, L, D), dtype=jnp.float32)
    v = jax.random.normal(kv, (B, L, D), dtype=jnp.float32)
    return {"q": q, "k": k, "v": v}


def _gibbs_forward(q, k, v):
    # Faithful translation of _gibbs_sample_subsets with f2_type='modular_dot',
    # init='empty', f1=MeanAggregator (sum_v / max(count,1)).
    scale = 1.0 / math.sqrt(D)
    n_queries = B * Lq
    n_chains = n_queries * RUNS
    q_flat = q.astype(jnp.float32).reshape(n_queries, D)
    q_rep = jnp.repeat(q_flat, RUNS, axis=0)
    batch_for_query = jnp.repeat(jnp.arange(B), Lq)
    batch_idx = jnp.repeat(batch_for_query, RUNS)
    chain_ids = jnp.arange(n_chains)

    rkey = jax.random.key(1234)
    k1, k2 = jax.random.split(rkey)
    vidx_all = jax.random.randint(k1, (STEPS, n_chains), 0, L)
    z_all = jax.random.uniform(k2, (STEPS, n_chains), dtype=jnp.float32)

    kf = k.astype(jnp.float32)
    vf = v.astype(jnp.float32)

    mask = jnp.zeros((n_chains, L), dtype=bool)
    count = jnp.zeros((n_chains,), dtype=jnp.int32)
    sum_v = jnp.zeros((n_chains, D), dtype=jnp.float32)

    for t in range(STEPS):
        vidx = vidx_all[t]
        z = z_all[t]
        old_in = mask[chain_ids, vidx]
        kv_g = kf[batch_idx, vidx]
        vv = vf[batch_idx, vidx]
        a_v = jnp.sum(q_rep * kv_g, axis=-1) * scale
        delta = a_v  # f2_type == 'modular_dot'
        p_add = jax.nn.sigmoid(BETA * delta)
        new_in = z <= p_add
        sign = new_in.astype(jnp.float32) - old_in.astype(jnp.float32)
        mask = mask.at[chain_ids, vidx].set(new_in)
        count = count + sign.astype(jnp.int32)
        sum_v = sum_v + sign[:, None] * vv

    # MeanAggregator: sum_v / clamp_min(count, 1)
    denom = jnp.maximum(count.astype(jnp.float32), 1.0)[:, None]
    out_chain = sum_v / denom
    out = out_chain.reshape(B, Lq, RUNS, D).mean(axis=2)
    return out


def reference(q, k, v):
    return _gibbs_forward(q, k, v)

if __name__ == "__main__":
    import jax
    _d = setup_inputs()
    print(jax.jit(kernel)(*tuple(_d.values())))

</pallas_src>

<mosaic_0001>
#map = affine_map<(d0, d1) -> (0, 0, 0, 0)>
#map1 = affine_map<(d0, d1) -> (0, 0)>
module attributes {stable_mosaic.version = 14 : i64} {
  func.func @_sc_body(%arg0: i32, %arg1: i32, %arg2: memref<256x16x8x128xf32, #tpu.memory_space<hbm>>, %arg3: memref<32x8192xi32, #tpu.memory_space<hbm>>, %arg4: memref<32x8192xf32, #tpu.memory_space<hbm>>, %arg5: memref<256x16x8x128xf32, #tpu.memory_space<hbm>>, %arg6: memref<2x16x8x128xf32, #tpu.memory_space<vmem>>, %arg7: memref<32768xf32, #tpu.memory_space<vmem>>, %arg8: memref<2x16x8x128xf32, #tpu.memory_space<vmem>>, %arg9: memref<32x128xi32, #tpu.memory_space<vmem>>, %arg10: memref<32x128xf32, #tpu.memory_space<vmem>>, %arg11: memref<2048xi32, #tpu.memory_space<vmem>>, %arg12: memref<2048xf32, #tpu.memory_space<vmem>>, %arg13: memref<!tpu.dma_semaphore, #tpu.memory_space<semaphore_mem>>) attributes {dimension_semantics = [#tpu.dimension_semantics<core_parallel>, #tpu.dimension_semantics<subcore_parallel>], iteration_bounds = array<i64: 2, 16>, scalar_prefetch = 0 : i64, scratch_operands = 8 : i64, tpu.core_type = #tpu.core_type<sc_vector_subcore>, window_params = [{transform_indices = #map}, {transform_indices = #map1}, {transform_indices = #map1}, {transform_indices = #map}]} {
    %mul3A = arith.constant 2 : i32
    %mul3A_0 = arith.muli %arg1, %mul3A : i32
    %add3A = arith.addi %mul3A_0, %arg0 : i32
    %broadcast_in_dim3A = arith.constant 0.000000e+00 : f32
    %broadcast_in_dim3A_1 = vector.broadcast %broadcast_in_dim3A : f32 to vector<16xf32>
    %iota3A = tpu.iota {dimensions = array<i32: 0>} : vector<16xi32>
    %mul3A_2 = arith.constant 2048 : i32
    %mul3A_3 = vector.broadcast %mul3A_2 : i32 to vector<16xi32>
    %mul3A_4 = arith.muli %iota3A, %mul3A_3 : vector<16xi32>
    %shift_right_arithmetic3A = arith.constant 3 : i32
    %shift_right_arithmetic3A_5 = vector.broadcast %shift_right_arithmetic3A : i32 to vector<16xi32>
    %shift_right_arithmetic3A_6 = arith.shrsi %iota3A, %shift_right_arithmetic3A_5 : vector<16xi32>
    %and3A = arith.constant 7 : i32
    %and3A_7 = vector.broadcast %and3A : i32 to vector<16xi32>
    %and3A_8 = arith.andi %iota3A, %and3A_7 : vector<16xi32>
    %scan3A = arith.constant 0 : i32
    %scan3A_9 = arith.constant 0 : i32
    %scan3A_10 = arith.constant 256 : i32
    %scan3A_11 = arith.addi %scan3A_9, %scan3A_10 : i32
    %scan3A_12 = arith.constant 1 : i32
    scf.for %scan3A_26 = %scan3A_9 to %scan3A_11 step %scan3A_12  : i32 {
      %mul3A_27 = arith.constant 8 : i32
      %mul3A_28 = arith.muli %scan3A_26, %mul3A_27 : i32
      %add3A_29 = arith.constant 0 : i32
      %add3A_30 = arith.addi %mul3A_28, %add3A_29 : i32
      %mul3A_31 = arith.constant 16 : i32
      %mul3A_32 = arith.muli %add3A_30, %mul3A_31 : i32
      %swap3A = arith.index_cast %mul3A_32 : i32 to index
      %swap3A_33 = tpu.vector_load %arg7[%swap3A] {strides = array<i32>} : memref<32768xf32, #tpu.memory_space<vmem>>, vector<16xf32>,
      tpu.vector_store %arg7[%swap3A], %broadcast_in_dim3A_1 {strides = array<i32>} : memref<32768xf32, #tpu.memory_space<vmem>>, vector<16xf32>,
      %mul3A_34 = arith.constant 8 : i32
      %mul3A_35 = arith.muli %scan3A_26, %mul3A_34 : i32
      %add3A_36 = arith.constant 1 : i32
      %add3A_37 = arith.addi %mul3A_35, %add3A_36 : i32
      %mul3A_38 = arith.constant 16 : i32
      %mul3A_39 = arith.muli %add3A_37, %mul3A_38 : i32
      %swap3A_40 = arith.index_cast %mul3A_39 : i32 to index
      %swap3A_41 = tpu.vector_load %arg7[%swap3A_40] {strides = array<i32>} : memref<32768xf32, #tpu.memory_space<vmem>>, vector<16xf32>,
      tpu.vector_store %arg7[%swap3A_40], %broadcast_in_dim3A_1 {strides = array<i32>} : memref<32768xf32, #tpu.memory_space<vmem>>, vector<16xf32>,
      %mul3A_42 = arith.constant 8 : i32
      %mul3A_43 = arith.muli %scan3A_26, %mul3A_42 : i32
      %add3A_44 = arith.constant 2 : i32
      %add3A_45 = arith.addi %mul3A_43, %add3A_44 : i32
      %mul3A_46 = arith.constant 16 : i32
      %mul3A_47 = arith.muli %add3A_45, %mul3A_46 : i32
      %swap3A_48 = arith.index_cast %mul3A_47 : i32 to index
      %swap3A_49 = tpu.vector_load %arg7[%swap3A_48] {strides = array<i32>} : memref<32768xf32, #tpu.memory_space<vmem>>, vector<16xf32>,
      tpu.vector_store %arg7[%swap3A_48], %broadcast_in_dim3A_1 {strides = array<i32>} : memref<32768xf32, #tpu.memory_space<vmem>>, vector<16xf32>,
      %mul3A_50 = arith.constant 8 : i32
      %mul3A_51 = arith.muli %scan3A_26, %mul3A_50 : i32
      %add3A_52 = arith.constant 3 : i32
      %add3A_53 = arith.addi %mul3A_51, %add3A_52 : i32
      %mul3A_54 = arith.constant 16 : i32
      %mul3A_55 = arith.muli %add3A_53, %mul3A_54 : i32
      %swap3A_56 = arith.index_cast %mul3A_55 : i32 to index
      %swap3A_57 = tpu.vector_load %arg7[%swap3A_56] {strides = array<i32>} : memref<32768xf32, #tpu.memory_space<vmem>>, vector<16xf32>,
      tpu.vector_store %arg7[%swap3A_56], %broadcast_in_dim3A_1 {strides = array<i32>} : memref<32768xf32, #tpu.memory_space<vmem>>, vector<16xf32>,
      %mul3A_58 = arith.constant 8 : i32
      %mul3A_59 = arith.muli %scan3A_26, %mul3A_58 : i32
      %add3A_60 = arith.constant 4 : i32
      %add3A_61 = arith.addi %mul3A_59, %add3A_60 : i32
      %mul3A_62 = arith.constant 16 : i32
      %mul3A_63 = arith.muli %add3A_61, %mul3A_62 : i32
      %swap3A_64 = arith.index_cast %mul3A_63 : i32 to index
      %swap3A_65 = tpu.vector_load %arg7[%swap3A_64] {strides = array<i32>} : memref<32768xf32, #tpu.memory_space<vmem>>, vector<16xf32>,
      tpu.vector_store %arg7[%swap3A_64], %broadcast_in_dim3A_1 {strides = array<i32>} : memref<32768xf32, #tpu.memory_space<vmem>>, vector<16xf32>,
      %mul3A_66 = arith.constant 8 : i32
      %mul3A_67 = arith.muli %scan3A_26, %mul3A_66 : i32
      %add3A_68 = arith.constant 5 : i32
      %add3A_69 = arith.addi %mul3A_67, %add3A_68 : i32
      %mul3A_70 = arith.constant 16 : i32
      %mul3A_71 = arith.muli %add3A_69, %mul3A_70 : i32
      %swap3A_72 = arith.index_cast %mul3A_71 : i32 to index
      %swap3A_73 = tpu.vector_load %arg7[%swap3A_72] {strides = array<i32>} : memref<32768xf32, #tpu.memory_space<vmem>>, vector<16xf32>,
      tpu.vector_store %arg7[%swap3A_72], %broadcast_in_dim3A_1 {strides = array<i32>} : memref<32768xf32, #tpu.memory_space<vmem>>, vector<16xf32>,
      %mul3A_74 = arith.constant 8 : i32
      %mul3A_75 = arith.muli %scan3A_26, %mul3A_74 : i32
      %add3A_76 = arith.constant 6 : i32
      %add3A_77 = arith.addi %mul3A_75, %add3A_76 : i32
      %mul3A_78 = arith.constant 16 : i32
      %mul3A_79 = arith.muli %add3A_77, %mul3A_78 : i32
      %swap3A_80 = arith.index_cast %mul3A_79 : i32 to index
      %swap3A_81 = tpu.vector_load %arg7[%swap3A_80] {strides = array<i32>} : memref<32768xf32, #tpu.memory_space<vmem>>, vector<16xf32>,
      tpu.vector_store %arg7[%swap3A_80], %broadcast_in_dim3A_1 {strides = array<i32>} : memref<32768xf32, #tpu.memory_space<vmem>>, vector<16xf32>,
      %mul3A_82 = arith.constant 8 : i32
      %mul3A_83 = arith.muli %scan3A_26, %mul3A_82 : i32
      %add3A_84 = arith.constant 7 : i32
      %add3A_85 = arith.addi %mul3A_83, %add3A_84 : i32
      %mul3A_86 = arith.constant 16 : i32
      %mul3A_87 = arith.muli %add3A_85, %mul3A_86 : i32
      %swap3A_88 = arith.index_cast %mul3A_87 : i32 to index
      %swap3A_89 = tpu.vector_load %arg7[%swap3A_88] {strides = array<i32>} : memref<32768xf32, #tpu.memory_space<vmem>>, vector<16xf32>,
      tpu.vector_store %arg7[%swap3A_88], %broadcast_in_dim3A_1 {strides = array<i32>} : memref<32768xf32, #tpu.memory_space<vmem>>, vector<16xf32>,
    }
    %scan3A_13 = arith.constant 256 : i32
    %scan3A_14 = arith.constant 0 : i32
    %scan3A_15 = arith.constant 0 : i32
    %scan3A_16 = arith.constant 256 : i32
    %scan3A_17 = arith.addi %scan3A_15, %scan3A_16 : i32
    %scan3A_18 = arith.constant 1 : i32
    scf.for %scan3A_26 = %scan3A_15 to %scan3A_17 step %scan3A_18  : i32 {
      %mul3A_27 = arith.constant 8 : i32
      %mul3A_28 = arith.muli %scan3A_26, %mul3A_27 : i32
      %add3A_29 = arith.constant 0 : i32
      %add3A_30 = arith.addi %mul3A_28, %add3A_29 : i32
      %shift_right_arithmetic3A_31 = arith.constant 10 : i32
      %shift_right_arithmetic3A_32 = arith.shrsi %add3A_30, %shift_right_arithmetic3A_31 : i32
      %shift_right_arithmetic3A_33 = arith.constant 6 : i32
      %shift_right_arithmetic3A_34 = arith.shrsi %add3A_30, %shift_right_arithmetic3A_33 : i32
      %and3A_35 = arith.constant 15 : i32
      %and3A_36 = arith.andi %shift_right_arithmetic3A_34, %and3A_35 : i32
      %shift_right_arithmetic3A_37 = arith.constant 3 : i32
      %shift_right_arithmetic3A_38 = arith.shrsi %add3A_30, %shift_right_arithmetic3A_37 : i32
      %and3A_39 = arith.constant 7 : i32
      %and3A_40 = arith.andi %shift_right_arithmetic3A_38, %and3A_39 : i32
      %and3A_41 = arith.constant 7 : i32
      %and3A_42 = arith.andi %add3A_30, %and3A_41 : i32
      %mul3A_43 = arith.constant 16 : i32
      %mul3A_44 = arith.muli %and3A_42, %mul3A_43 : i32
      %swap3A = arith.index_cast %shift_right_arithmetic3A_32 : i32 to index
      %swap3A_45 = arith.index_cast %and3A_36 : i32 to index
      %swap3A_46 = arith.index_cast %and3A_40 : i32 to index
      %swap3A_47 = arith.index_cast %mul3A_44 : i32 to index
      %swap3A_48 = tpu.vector_load %arg8[%swap3A, %swap3A_45, %swap3A_46, %swap3A_47] {strides = array<i32>} : memref<2x16x8x128xf32, #tpu.memory_space<vmem>>, vector<16xf32>,
      tpu.vector_store %arg8[%swap3A, %swap3A_45, %swap3A_46, %swap3A_47], %broadcast_in_dim3A_1 {strides = array<i32>} : memref<2x16x8x128xf32, #tpu.memory_space<vmem>>, vector<16xf32>,
      %mul3A_49 = arith.constant 8 : i32
      %mul3A_50 = arith.muli %scan3A_26, %mul3A_49 : i32
      %add3A_51 = arith.constant 1 : i32
      %add3A_52 = arith.addi %mul3A_50, %add3A_51 : i32
      %shift_right_arithmetic3A_53 = arith.constant 10 : i32
      %shift_right_arithmetic3A_54 = arith.shrsi %add3A_52, %shift_right_arithmetic3A_53 : i32
      %shift_right_arithmetic3A_55 = arith.constant 6 : i32
      %shift_right_arithmetic3A_56 = arith.shrsi %add3A_52, %shift_right_arithmetic3A_55 : i32
      %and3A_57 = arith.constant 15 : i32
      %and3A_58 = arith.andi %shift_right_arithmetic3A_56, %and3A_57 : i32
      %shift_right_arithmetic3A_59 = arith.constant 3 : i32
      %shift_right_arithmetic3A_60 = arith.shrsi %add3A_52, %shift_right_arithmetic3A_59 : i32
      %and3A_61 = arith.constant 7 : i32
      %and3A_62 = arith.andi %shift_right_arithmetic3A_60, %and3A_61 : i32
      %and3A_63 = arith.constant 7 : i32
      %and3A_64 = arith.andi %add3A_52, %and3A_63 : i32
      %mul3A_65 = arith.constant 16 : i32
      %mul3A_66 = arith.muli %and3A_64, %mul3A_65 : i32
      %swap3A_67 = arith.index_cast %shift_right_arithmetic3A_54 : i32 to index
      %swap3A_68 = arith.index_cast %and3A_58 : i32 to index
      %swap3A_69 = arith.index_cast %and3A_62 : i32 to index
      %swap3A_70 = arith.index_cast %mul3A_66 : i32 to index
      %swap3A_71 = tpu.vector_load %arg8[%swap3A_67, %swap3A_68, %swap3A_69, %swap3A_70] {strides = array<i32>} : memref<2x16x8x128xf32, #tpu.memory_space<vmem>>, vector<16xf32>,
      tpu.vector_store %arg8[%swap3A_67, %swap3A_68, %swap3A_69, %swap3A_70], %broadcast_in_dim3A_1 {strides = array<i32>} : memref<2x16x8x128xf32, #tpu.memory_space<vmem>>, vector<16xf32>,
      %mul3A_72 = arith.constant 8 : i32
      %mul3A_73 = arith.muli %scan3A_26, %mul3A_72 : i32
      %add3A_74 = arith.constant 2 : i32
      %add3A_75 = arith.addi %mul3A_73, %add3A_74 : i32
      %shift_right_arithmetic3A_76 = arith.constant 10 : i32
      %shift_right_arithmetic3A_77 = arith.shrsi %add3A_75, %shift_right_arithmetic3A_76 : i32
      %shift_right_arithmetic3A_78 = arith.constant 6 : i32
      %shift_right_arithmetic3A_79 = arith.shrsi %add3A_75, %shift_right_arithmetic3A_78 : i32
      %and3A_80 = arith.constant 15 : i32
      %and3A_81 = arith.andi %shift_right_arithmetic3A_79, %and3A_80 : i32
      %shift_right_arithmetic3A_82 = arith.constant 3 : i32
      %shift_right_arithmetic3A_83 = arith.shrsi %add3A_75, %shift_right_arithmetic3A_82 : i32
      %and3A_84 = arith.constant 7 : i32
      %and3A_85 = arith.andi %shift_right_arithmetic3A_83, %and3A_84 : i32
      %and3A_86 = arith.constant 7 : i32
      %and3A_87 = arith.andi %add3A_75, %and3A_86 : i32
      %mul3A_88 = arith.constant 16 : i32
      %mul3A_89 = arith.muli %and3A_87, %mul3A_88 : i32
      %swap3A_90 = arith.index_cast %shift_right_arithmetic3A_77 : i32 to index
      %swap3A_91 = arith.index_cast %and3A_81 : i32 to index
      %swap3A_92 = arith.index_cast %and3A_85 : i32 to index
      %swap3A_93 = arith.index_cast %mul3A_89 : i32 to index
      %swap3A_94 = tpu.vector_load %arg8[%swap3A_90, %swap3A_91, %swap3A_92, %swap3A_93] {strides = array<i32>} : memref<2x16x8x128xf32, #tpu.memory_space<vmem>>, vector<16xf32>,
      tpu.vector_store %arg8[%swap3A_90, %swap3A_91, %swap3A_92, %swap3A_93], %broadcast_in_dim3A_1 {strides = array<i32>} : memref<2x16x8x128xf32, #tpu.memory_space<vmem>>, vector<16xf32>,
      %mul3A_95 = arith.constant 8 : i32
      %mul3A_96 = arith.muli %scan3A_26, %mul3A_95 : i32
      %add3A_97 = arith.constant 3 : i32
      %add3A_98 = arith.addi %mul3A_96, %add3A_97 : i32
      %shift_right_arithmetic3A_99 = arith.constant 10 : i32
      %shift_right_arithmetic3A_100 = arith.shrsi %add3A_98, %shift_right_arithmetic3A_99 : i32
      %shift_right_arithmetic3A_101 = arith.constant 6 : i32
      %shift_right_arithmetic3A_102 = arith.shrsi %add3A_98, %shift_right_arithmetic3A_101 : i32
      %and3A_103 = arith.constant 15 : i32
      %and3A_104 = arith.andi %shift_right_arithmetic3A_102, %and3A_103 : i32
      %shift_right_arithmetic3A_105 = arith.constant 3 : i32
      %shift_right_arithmetic3A_106 = arith.shrsi %add3A_98, %shift_right_arithmetic3A_105 : i32
      %and3A_107 = arith.constant 7 : i32
      %and3A_108 = arith.andi %shift_right_arithmetic3A_106, %and3A_107 : i32
      %and3A_109 = arith.constant 7 : i32
      %and3A_110 = arith.andi %add3A_98, %and3A_109 : i32
      %mul3A_111 = arith.constant 16 : i32
      %mul3A_112 = arith.muli %and3A_110, %mul3A_111 : i32
      %swap3A_113 = arith.index_cast %shift_right_arithmetic3A_100 : i32 to index
      %swap3A_114 = arith.index_cast %and3A_104 : i32 to index
      %swap3A_115 = arith.index_cast %and3A_108 : i32 to index
      %swap3A_116 = arith.index_cast %mul3A_112 : i32 to index
      %swap3A_117 = tpu.vector_load %arg8[%swap3A_113, %swap3A_114, %swap3A_115, %swap3A_116] {strides = array<i32>} : memref<2x16x8x128xf32, #tpu.memory_space<vmem>>, vector<16xf32>,
      tpu.vector_store %arg8[%swap3A_113, %swap3A_114, %swap3A_115, %swap3A_116], %broadcast_in_dim3A_1 {strides = array<i32>} : memref<2x16x8x128xf32, #tpu.memory_space<vmem>>, vector<16xf32>,
      %mul3A_118 = arith.constant 8 : i32
      %mul3A_119 = arith.muli %scan3A_26, %mul3A_118 : i32
      %add3A_120 = arith.constant 4 : i32
      %add3A_121 = arith.addi %mul3A_119, %add3A_120 : i32
      %shift_right_arithmetic3A_122 = arith.constant 10 : i32
      %shift_right_arithmetic3A_123 = arith.shrsi %add3A_121, %shift_right_arithmetic3A_122 : i32
      %shift_right_arithmetic3A_124 = arith.constant 6 : i32
      %shift_right_arithmetic3A_125 = arith.shrsi %add3A_121, %shift_right_arithmetic3A_124 : i32
      %and3A_126 = arith.constant 15 : i32
      %and3A_127 = arith.andi %shift_right_arithmetic3A_125, %and3A_126 : i32
      %shift_right_arithmetic3A_128 = arith.constant 3 : i32
      %shift_right_arithmetic3A_129 = arith.shrsi %add3A_121, %shift_right_arithmetic3A_128 : i32
      %and3A_130 = arith.constant 7 : i32
      %and3A_131 = arith.andi %shift_right_arithmetic3A_129, %and3A_130 : i32
      %and3A_132 = arith.constant 7 : i32
      %and3A_133 = arith.andi %add3A_121, %and3A_132 : i32
      %mul3A_134 = arith.constant 16 : i32
      %mul3A_135 = arith.muli %and3A_133, %mul3A_134 : i32
      %swap3A_136 = arith.index_cast %shift_right_arithmetic3A_123 : i32 to index
      %swap3A_137 = arith.index_cast %and3A_127 : i32 to index
      %swap3A_138 = arith.index_cast %and3A_131 : i32 to index
      %swap3A_139 = arith.index_cast %mul3A_135 : i32 to index
      %swap3A_140 = tpu.vector_load %arg8[%swap3A_136, %swap3A_137, %swap3A_138, %swap3A_139] {strides = array<i32>} : memref<2x16x8x128xf32, #tpu.memory_space<vmem>>, vector<16xf32>,
      tpu.vector_store %arg8[%swap3A_136, %swap3A_137, %swap3A_138, %swap3A_139], %broadcast_in_dim3A_1 {strides = array<i32>} : memref<2x16x8x128xf32, #tpu.memory_space<vmem>>, vector<16xf32>,
      %mul3A_141 = arith.constant 8 : i32
      %mul3A_142 = arith.muli %scan3A_26, %mul3A_141 : i32
      %add3A_143 = arith.constant 5 : i32
      %add3A_144 = arith.addi %mul3A_142, %add3A_143 : i32
      %shift_right_arithmetic3A_145 = arith.constant 10 : i32
      %shift_right_arithmetic3A_146 = arith.shrsi %add3A_144, %shift_right_arithmetic3A_145 : i32
      %shift_right_arithmetic3A_147 = arith.constant 6 : i32
      %shift_right_arithmetic3A_148 = arith.shrsi %add3A_144, %shift_right_arithmetic3A_147 : i32
      %and3A_149 = arith.constant 15 : i32
      %and3A_150 = arith.andi %shift_right_arithmetic3A_148, %and3A_149 : i32
      %shift_right_arithmetic3A_151 = arith.constant 3 : i32
      %shift_right_arithmetic3A_152 = arith.shrsi %add3A_144, %shift_right_arithmetic3A_151 : i32
      %and3A_153 = arith.constant 7 : i32
      %and3A_154 = arith.andi %shift_right_arithmetic3A_152, %and3A_153 : i32
      %and3A_155 = arith.constant 7 : i32
      %and3A_156 = arith.andi %add3A_144, %and3A_155 : i32
      %mul3A_157 = arith.constant 16 : i32
      %mul3A_158 = arith.muli %and3A_156, %mul3A_157 : i32
      %swap3A_159 = arith.index_cast %shift_right_arithmetic3A_146 : i32 to index
      %swap3A_160 = arith.index_cast %and3A_150 : i32 to index
      %swap3A_161 = arith.index_cast %and3A_154 : i32 to index
      %swap3A_162 = arith.index_cast %mul3A_158 : i32 to index
      %swap3A_163 = tpu.vector_load %arg8[%swap3A_159, %swap3A_160, %swap3A_161, %swap3A_162] {strides = array<i32>} : memref<2x16x8x128xf32, #tpu.memory_space<vmem>>, vector<16xf32>,
      tpu.vector_store %arg8[%swap3A_159, %swap3A_160, %swap3A_161, %swap3A_162], %broadcast_in_dim3A_1 {strides = array<i32>} : memref<2x16x8x128xf32, #tpu.memory_space<vmem>>, vector<16xf32>,
      %mul3A_164 = arith.constant 8 : i32
      %mul3A_165 = arith.muli %scan3A_26, %mul3A_164 : i32
      %add3A_166 = arith.constant 6 : i32
      %add3A_167 = arith.addi %mul3A_165, %add3A_166 : i32
      %shift_right_arithmetic3A_168 = arith.constant 10 : i32
      %shift_right_arithmetic3A_169 = arith.shrsi %add3A_167, %shift_right_arithmetic3A_168 : i32
      %shift_right_arithmetic3A_170 = arith.constant 6 : i32
      %shift_right_arithmetic3A_171 = arith.shrsi %add3A_167, %shift_right_arithmetic3A_170 : i32
      %and3A_172 = arith.constant 15 : i32
      %and3A_173 = arith.andi %shift_right_arithmetic3A_171, %and3A_172 : i32
      %shift_right_arithmetic3A_174 = arith.constant 3 : i32
      %shift_right_arithmetic3A_175 = arith.shrsi %add3A_167, %shift_right_arithmetic3A_174 : i32
      %and3A_176 = arith.constant 7 : i32
      %and3A_177 = arith.andi %shift_right_arithmetic3A_175, %and3A_176 : i32
      %and3A_178 = arith.constant 7 : i32
      %and3A_179 = arith.andi %add3A_167, %and3A_178 : i32
      %mul3A_180 = arith.constant 16 : i32
      %mul3A_181 = arith.muli %and3A_179, %mul3A_180 : i32
      %swap3A_182 = arith.index_cast %shift_right_arithmetic3A_169 : i32 to index
      %swap3A_183 = arith.index_cast %and3A_173 : i32 to index
      %swap3A_184 = arith.index_cast %and3A_177 : i32 to index
      %swap3A_185 = arith.index_cast %mul3A_181 : i32 to index
      %swap3A_186 = tpu.vector_load %arg8[%swap3A_182, %swap3A_183, %swap3A_184, %swap3A_185] {strides = array<i32>} : memref<2x16x8x128xf32, #tpu.memory_space<vmem>>, vector<16xf32>,
      tpu.vector_store %arg8[%swap3A_182, %swap3A_183, %swap3A_184, %swap3A_185], %broadcast_in_dim3A_1 {strides = array<i32>} : memref<2x16x8x128xf32, #tpu.memory_space<vmem>>, vector<16xf32>,
      %mul3A_187 = arith.constant 8 : i32
      %mul3A_188 = arith.muli %scan3A_26, %mul3A_187 : i32
      %add3A_189 = arith.constant 7 : i32
      %add3A_190 = arith.addi %mul3A_188, %add3A_189 : i32
      %shift_right_arithmetic3A_191 = arith.constant 10 : i32
      %shift_right_arithmetic3A_192 = arith.shrsi %add3A_190, %shift_right_arithmetic3A_191 : i32
      %shift_right_arithmetic3A_193 = arith.constant 6 : i32
      %shift_right_arithmetic3A_194 = arith.shrsi %add3A_190, %shift_right_arithmetic3A_193 : i32
      %and3A_195 = arith.constant 15 : i32
      %and3A_196 = arith.andi %shift_right_arithmetic3A_194, %and3A_195 : i32
      %shift_right_arithmetic3A_197 = arith.constant 3 : i32
      %shift_right_arithmetic3A_198 = arith.shrsi %add3A_190, %shift_right_arithmetic3A_197 : i32
      %and3A_199 = arith.constant 7 : i32
      %and3A_200 = arith.andi %shift_right_arithmetic3A_198, %and3A_199 : i32
      %and3A_201 = arith.constant 7 : i32
      %and3A_202 = arith.andi %add3A_190, %and3A_201 : i32
      %mul3A_203 = arith.constant 16 : i32
      %mul3A_204 = arith.muli %and3A_202, %mul3A_203 : i32
      %swap3A_205 = arith.index_cast %shift_right_arithmetic3A_192 : i32 to index
      %swap3A_206 = arith.index_cast %and3A_196 : i32 to index
      %swap3A_207 = arith.index_cast %and3A_200 : i32 to index
      %swap3A_208 = arith.index_cast %mul3A_204 : i32 to index
      %swap3A_209 = tpu.vector_load %arg8[%swap3A_205, %swap3A_206, %swap3A_207, %swap3A_208] {strides = array<i32>} : memref<2x16x8x128xf32, #tpu.memory_space<vmem>>, vector<16xf32>,
      tpu.vector_store %arg8[%swap3A_205, %swap3A_206, %swap3A_207, %swap3A_208], %broadcast_in_dim3A_1 {strides = array<i32>} : memref<2x16x8x128xf32, #tpu.memory_space<vmem>>, vector<16xf32>,
    }
    %scan3A_19 = arith.constant 256 : i32
    %scan3A_20 = arith.constant 0 : i32
    %scan3A_21 = arith.constant 0 : i32
    %scan3A_22 = arith.constant 4 : i32
    %scan3A_23 = arith.addi %scan3A_21, %scan3A_22 : i32
    %scan3A_24 = arith.constant 1 : i32
    scf.for %scan3A_26 = %scan3A_21 to %scan3A_23 step %scan3A_24  : i32 {
      %mul3A_27 = arith.constant 4 : i32
      %mul3A_28 = arith.muli %add3A, %mul3A_27 : i32
      %add3A_29 = arith.addi %mul3A_28, %scan3A_26 : i32
      %mul3A_30 = arith.constant 2 : i32
      %mul3A_31 = arith.muli %add3A_29, %mul3A_30 : i32
      %dma_start3A = arith.constant 0 : i32
      %dma_start3A_32 = arith.constant 0 : i32
      %dma_start3A_33 = arith.constant 0 : i32
      %dma_start3A_34 = tpu.memref_slice %arg2[%mul3A_31, %dma_start3A, %dma_start3A_32, %dma_start3A_33] : memref<256x16x8x128xf32, #tpu.memory_space<hbm>> -> memref<2x16x8x128xf32, #tpu.memory_space<hbm>>
      %dma_start3A_35 = arith.constant 0 : i32
      %dma_start3A_36 = arith.constant 0 : i32
      %dma_start3A_37 = arith.constant 0 : i32
      %dma_start3A_38 = tpu.memref_slice %arg2[%mul3A_31, %dma_start3A_35, %dma_start3A_36, %dma_start3A_37] : memref<256x16x8x128xf32, #tpu.memory_space<hbm>> -> memref<2x16x8x128xf32, #tpu.memory_space<hbm>>
      tpu.enqueue_dma source(%dma_start3A_38 : memref<2x16x8x128xf32, #tpu.memory_space<hbm>>) target(%arg6 : memref<2x16x8x128xf32, #tpu.memory_space<vmem>>) target_semaphore(%arg13 : memref<!tpu.dma_semaphore, #tpu.memory_space<semaphore_mem>>)
      %shift_right_arithmetic3A_39 = arith.constant 1 : i32
      %shift_right_arithmetic3A_40 = arith.shrsi %add3A_29, %shift_right_arithmetic3A_39 : i32
      %mul3A_41 = arith.constant 128 : i32
      %mul3A_42 = arith.muli %shift_right_arithmetic3A_40, %mul3A_41 : i32
      %dma_start3A_43 = arith.constant 0 : i32
      %dma_start3A_44 = tpu.memref_slice %arg3[%dma_start3A_43, %mul3A_42] : memref<32x8192xi32, #tpu.memory_space<hbm>> -> memref<32x128xi32, #tpu.memory_space<hbm>>
      %dma_start3A_45 = arith.constant 0 : i32
      %dma_start3A_46 = tpu.memref_slice %arg3[%dma_start3A_45, %mul3A_42] : memref<32x8192xi32, #tpu.memory_space<hbm>> -> memref<32x128xi32, #tpu.memory_space<hbm>>
      tpu.enqueue_dma source(%dma_start3A_46 : memref<32x128xi32, #tpu.memory_space<hbm>>) target(%arg9 : memref<32x128xi32, #tpu.memory_space<vmem>>) target_semaphore(%arg13 : memref<!tpu.dma_semaphore, #tpu.memory_space<semaphore_mem>>)
      %shift_right_arithmetic3A_47 = arith.constant 1 : i32
      %shift_right_arithmetic3A_48 = arith.shrsi %add3A_29, %shift_right_arithmetic3A_47 : i32
      %mul3A_49 = arith.constant 128 : i32
      %mul3A_50 = arith.muli %shift_right_arithmetic3A_48, %mul3A_49 : i32
      %dma_start3A_51 = arith.constant 0 : i32
      %dma_start3A_52 = tpu.memref_slice %arg4[%dma_start3A_51, %mul3A_50] : memref<32x8192xf32, #tpu.memory_space<hbm>> -> memref<32x128xf32, #tpu.memory_space<hbm>>
      %dma_start3A_53 = arith.constant 0 : i32
      %dma_start3A_54 = tpu.memref_slice %arg4[%dma_start3A_53, %mul3A_50] : memref<32x8192xf32, #tpu.memory_space<hbm>> -> memref<32x128xf32, #tpu.memory_space<hbm>>
      tpu.enqueue_dma source(%dma_start3A_54 : memref<32x128xf32, #tpu.memory_space<hbm>>) target(%arg10 : memref<32x128xf32, #tpu.memory_space<vmem>>) target_semaphore(%arg13 : memref<!tpu.dma_semaphore, #tpu.memory_space<semaphore_mem>>)
      %dma_wait3A = arith.constant 0 : i32
      %dma_wait3A_55 = arith.constant 0 : i32
      %dma_wait3A_56 = arith.constant 0 : i32
      %dma_wait3A_57 = tpu.memref_slice %arg2[%mul3A_31, %dma_wait3A, %dma_wait3A_55, %dma_wait3A_56] : memref<256x16x8x128xf32, #tpu.memory_space<hbm>> -> memref<2x16x8x128xf32, #tpu.memory_space<hbm>>
      %dma_wait3A_58 = arith.constant 0 : i32
      %dma_wait3A_59 = arith.constant 0 : i32
      %dma_wait3A_60 = arith.constant 0 : i32
      %dma_wait3A_61 = tpu.memref_slice %arg2[%mul3A_31, %dma_wait3A_58, %dma_wait3A_59, %dma_wait3A_60] : memref<256x16x8x128xf32, #tpu.memory_space<hbm>> -> memref<2x16x8x128xf32, #tpu.memory_space<hbm>>
      tpu.wait_dma2 semaphore(%arg13 : memref<!tpu.dma_semaphore, #tpu.memory_space<semaphore_mem>>) src(%dma_wait3A_61 : memref<2x16x8x128xf32, #tpu.memory_space<hbm>>) dst(%arg6 : memref<2x16x8x128xf32, #tpu.memory_space<vmem>>)
      %dma_wait3A_62 = arith.constant 0 : i32
      %dma_wait3A_63 = tpu.memref_slice %arg3[%dma_wait3A_62, %mul3A_42] : memref<32x8192xi32, #tpu.memory_space<hbm>> -> memref<32x128xi32, #tpu.memory_space<hbm>>
      %dma_wait3A_64 = arith.constant 0 : i32
      %dma_wait3A_65 = tpu.memref_slice %arg3[%dma_wait3A_64, %mul3A_42] : memref<32x8192xi32, #tpu.memory_space<hbm>> -> memref<32x128xi32, #tpu.memory_space<hbm>>
      tpu.wait_dma2 semaphore(%arg13 : memref<!tpu.dma_semaphore, #tpu.memory_space<semaphore_mem>>) src(%dma_wait3A_65 : memref<32x128xi32, #tpu.memory_space<hbm>>) dst(%arg9 : memref<32x128xi32, #tpu.memory_space<vmem>>)
      %dma_wait3A_66 = arith.constant 0 : i32
      %dma_wait3A_67 = tpu.memref_slice %arg4[%dma_wait3A_66, %mul3A_50] : memref<32x8192xf32, #tpu.memory_space<hbm>> -> memref<32x128xf32, #tpu.memory_space<hbm>>
      %dma_wait3A_68 = arith.constant 0 : i32
      %dma_wait3A_69 = tpu.memref_slice %arg4[%dma_wait3A_68, %mul3A_50] : memref<32x8192xf32, #tpu.memory_space<hbm>> -> memref<32x128xf32, #tpu.memory_space<hbm>>
      tpu.wait_dma2 semaphore(%arg13 : memref<!tpu.dma_semaphore, #tpu.memory_space<semaphore_mem>>) src(%dma_wait3A_69 : memref<32x128xf32, #tpu.memory_space<hbm>>) dst(%arg10 : memref<32x128xf32, #tpu.memory_space<vmem>>)
      %and3A_70 = arith.constant 1 : i32
      %and3A_71 = arith.andi %add3A_29, %and3A_70 : i32
      %mul3A_72 = arith.constant 64 : i32
      %mul3A_73 = arith.muli %and3A_71, %mul3A_72 : i32
      %mul3A_74 = arith.constant 4 : i32
      %mul3A_75 = vector.broadcast %mul3A_74 : i32 to vector<16xi32>
      %mul3A_76 = arith.muli %iota3A, %mul3A_75 : vector<16xi32>
      %add3A_77 = arith.constant 0 : i32
      %add3A_78 = vector.broadcast %add3A_77 : i32 to vector<16xi32>
      %add3A_79 = arith.addi %mul3A_76, %add3A_78 : vector<16xi32>
      %add3A_80 = vector.broadcast %mul3A_73 : i32 to vector<16xi32>
      %add3A_81 = arith.addi %add3A_79, %add3A_80 : vector<16xi32>
      %scan3A_82 = arith.constant 0 : i32
      %scan3A_83 = arith.constant 8 : i32
      %scan3A_84 = arith.addi %scan3A_82, %scan3A_83 : i32
      %scan3A_85 = arith.constant 1 : i32
      %scan3A_86 = scf.for %scan3A_184 = %scan3A_82 to %scan3A_84 step %scan3A_85 iter_args(%scan3A_185 = %broadcast_in_dim3A_1) -> (vector<16xf32>)  : i32 {
        %mul3A_186 = arith.constant 4 : i32
        %mul3A_187 = arith.muli %scan3A_184, %mul3A_186 : i32
        %add3A_188 = arith.constant 0 : i32
        %add3A_189 = arith.addi %mul3A_187, %add3A_188 : i32
        %broadcast_in_dim3A_190 = vector.broadcast %add3A_189 : i32 to vector<16xi32>
        %gather3A = tpu.vector_load_idx %arg9[%broadcast_in_dim3A_190, %add3A_81] : memref<32x128xi32, #tpu.memory_space<vmem>>[vector<16xi32>, vector<16xi32>], vector<16xi32>,
        %gather3A_191 = tpu.vector_load_idx %arg10[%broadcast_in_dim3A_190, %add3A_81] : memref<32x128xf32, #tpu.memory_space<vmem>>[vector<16xi32>, vector<16xi32>], vector<16xf32>,
        %shift_right_arithmetic3A_192 = arith.constant 7 : i32
        %shift_right_arithmetic3A_193 = vector.broadcast %shift_right_arithmetic3A_192 : i32 to vector<16xi32>
        %shift_right_arithmetic3A_194 = arith.shrsi %gather3A, %shift_right_arithmetic3A_193 : vector<16xi32>
        %and3A_195 = arith.constant 127 : i32
        %and3A_196 = vector.broadcast %and3A_195 : i32 to vector<16xi32>
        %and3A_197 = arith.andi %gather3A, %and3A_196 : vector<16xi32>
        %gather3A_198 = tpu.vector_load_idx %arg6[%shift_right_arithmetic3A_6, %shift_right_arithmetic3A_194, %and3A_8, %and3A_197] : memref<2x16x8x128xf32, #tpu.memory_space<vmem>>[vector<16xi32>, vector<16xi32>, vector<16xi32>, vector<16xi32>], vector<16xf32>,
        %neg3A = arith.constant 0.000000e+00 : f32
        %neg3A_199 = vector.broadcast %neg3A : f32 to vector<16xf32>
        %neg3A_200 = arith.subf %neg3A_199, %gather3A_198 : vector<16xf32>
        %exp3A = math.exp %neg3A_200 : vector<16xf32>
        %add3A_201 = arith.constant 1.000000e+00 : f32
        %add3A_202 = vector.broadcast %add3A_201 : f32 to vector<16xf32>
        %add3A_203 = arith.addf %add3A_202, %exp3A : vector<16xf32>
        %div3A_204 = arith.constant 1.000000e+00 : f32
        %div3A_205 = vector.broadcast %div3A_204 : f32 to vector<16xf32>
        %div3A_206 = arith.divf %div3A_205, %add3A_203 : vector<16xf32>
        %le3A = arith.cmpf ole, %gather3A_191, %div3A_206 : vector<16xf32>
        %jit3A = arith.constant 1.000000e+00 : f32
        %jit3A_207 = arith.constant 0.000000e+00 : f32
        %broadcast_in_dim3A_208 = vector.broadcast %jit3A : f32 to vector<16xf32>
        %broadcast_in_dim3A_209 = vector.broadcast %jit3A_207 : f32 to vector<16xf32>
        %select_n3A = arith.select %le3A, %broadcast_in_dim3A_208, %broadcast_in_dim3A_209 : vector<16xi1>, vector<16xf32>
        %add3A_210 = arith.addi %mul3A_4, %gather3A : vector<16xi32>
        %gather3A_211 = tpu.vector_load_idx %arg7[%add3A_210] : memref<32768xf32, #tpu.memory_space<vmem>>[vector<16xi32>], vector<16xf32>,
        tpu.vector_store_idx %arg7[%add3A_210], %select_n3A : memref<32768xf32, #tpu.memory_space<vmem>>[vector<16xi32>], vector<16xf32>,
        %sub3A = arith.subf %select_n3A, %gather3A_211 : vector<16xf32>
        %add3A_212 = arith.constant 0 : i32
        %add3A_213 = arith.addi %add3A_212, %add3A_189 : i32
        %mul3A_214 = arith.constant 16 : i32
        %mul3A_215 = arith.muli %add3A_213, %mul3A_214 : i32
        %swap3A = arith.index_cast %mul3A_215 : i32 to index
        %swap3A_216 = tpu.vector_load %arg11[%swap3A] {strides = array<i32>} : memref<2048xi32, #tpu.memory_space<vmem>>, vector<16xi32>,
        tpu.vector_store %arg11[%swap3A], %gather3A {strides = array<i32>} : memref<2048xi32, #tpu.memory_space<vmem>>, vector<16xi32>,
        %swap3A_217 = arith.index_cast %mul3A_215 : i32 to index
        %swap3A_218 = tpu.vector_load %arg12[%swap3A_217] {strides = array<i32>} : memref<2048xf32, #tpu.memory_space<vmem>>, vector<16xf32>,
        tpu.vector_store %arg12[%swap3A_217], %sub3A {strides = array<i32>} : memref<2048xf32, #tpu.memory_space<vmem>>, vector<16xf32>,
        %add3A_219 = arith.addf %scan3A_185, %sub3A : vector<16xf32>
        %mul3A_220 = arith.constant 4 : i32
        %mul3A_221 = arith.muli %scan3A_184, %mul3A_220 : i32
        %add3A_222 = arith.constant 1 : i32
        %add3A_223 = arith.addi %mul3A_221, %add3A_222 : i32
        %broadcast_in_dim3A_224 = vector.broadcast %add3A_223 : i32 to vector<16xi32>
        %gather3A_225 = tpu.vector_load_idx %arg9[%broadcast_in_dim3A_224, %add3A_81] : memref<32x128xi32, #tpu.memory_space<vmem>>[vector<16xi32>, vector<16xi32>], vector<16xi32>,
        %gather3A_226 = tpu.vector_load_idx %arg10[%broadcast_in_dim3A_224, %add3A_81] : memref<32x128xf32, #tpu.memory_space<vmem>>[vector<16xi32>, vector<16xi32>], vector<16xf32>,
        %shift_right_arithmetic3A_227 = arith.constant 7 : i32
        %shift_right_arithmetic3A_228 = vector.broadcast %shift_right_arithmetic3A_227 : i32 to vector<16xi32>
        %shift_right_arithmetic3A_229 = arith.shrsi %gather3A_225, %shift_right_arithmetic3A_228 : vector<16xi32>
        %and3A_230 = arith.constant 127 : i32
        %and3A_231 = vector.broadcast %and3A_230 : i32 to vector<16xi32>
        %and3A_232 = arith.andi %gather3A_225, %and3A_231 : vector<16xi32>
        %gather3A_233 = tpu.vector_load_idx %arg6[%shift_right_arithmetic3A_6, %shift_right_arithmetic3A_229, %and3A_8, %and3A_232] : memref<2x16x8x128xf32, #tpu.memory_space<vmem>>[vector<16xi32>, vector<16xi32>, vector<16xi32>, vector<16xi32>], vector<16xf32>,
        %neg3A_234 = arith.constant 0.000000e+00 : f32
        %neg3A_235 = vector.broadcast %neg3A_234 : f32 to vector<16xf32>
        %neg3A_236 = arith.subf %neg3A_235, %gather3A_233 : vector<16xf32>
        %exp3A_237 = math.exp %neg3A_236 : vector<16xf32>
        %add3A_238 = arith.constant 1.000000e+00 : f32
        %add3A_239 = vector.broadcast %add3A_238 : f32 to vector<16xf32>
        %add3A_240 = arith.addf %add3A_239, %exp3A_237 : vector<16xf32>
        %div3A_241 = arith.constant 1.000000e+00 : f32
        %div3A_242 = vector.broadcast %div3A_241 : f32 to vector<16xf32>
        %div3A_243 = arith.divf %div3A_242, %add3A_240 : vector<16xf32>
        %le3A_244 = arith.cmpf ole, %gather3A_226, %div3A_243 : vector<16xf32>
        %jit3A_245 = arith.constant 1.000000e+00 : f32
        %jit3A_246 = arith.constant 0.000000e+00 : f32
        %broadcast_in_dim3A_247 = vector.broadcast %jit3A_245 : f32 to vector<16xf32>
        %broadcast_in_dim3A_248 = vector.broadcast %jit3A_246 : f32 to vector<16xf32>
        %select_n3A_249 = arith.select %le3A_244, %broadcast_in_dim3A_247, %broadcast_in_dim3A_248 : vector<16xi1>, vector<16xf32>
        %add3A_250 = arith.addi %mul3A_4, %gather3A_225 : vector<16xi32>
        %gather3A_251 = tpu.vector_load_idx %arg7[%add3A_250] : memref<32768xf32, #tpu.memory_space<vmem>>[vector<16xi32>], vector<16xf32>,
        tpu.vector_store_idx %arg7[%add3A_250], %select_n3A_249 : memref<32768xf32, #tpu.memory_space<vmem>>[vector<16xi32>], vector<16xf32>,
        %sub3A_252 = arith.subf %select_n3A_249, %gather3A_251 : vector<16xf32>
        %add3A_253 = arith.constant 0 : i32
        %add3A_254 = arith.addi %add3A_253, %add3A_223 : i32
        %mul3A_255 = arith.constant 16 : i32
        %mul3A_256 = arith.muli %add3A_254, %mul3A_255 : i32
        %swap3A_257 = arith.index_cast %mul3A_256 : i32 to index
        %swap3A_258 = tpu.vector_load %arg11[%swap3A_257] {strides = array<i32>} : memref<2048xi32, #tpu.memory_space<vmem>>, vector<16xi32>,
        tpu.vector_store %arg11[%swap3A_257], %gather3A_225 {strides = array<i32>} : memref<2048xi32, #tpu.memory_space<vmem>>, vector<16xi32>,
        %swap3A_259 = arith.index_cast %mul3A_256 : i32 to index
        %swap3A_260 = tpu.vector_load %arg12[%swap3A_259] {strides = array<i32>} : memref<2048xf32, #tpu.memory_space<vmem>>, vector<16xf32>,
        tpu.vector_store %arg12[%swap3A_259], %sub3A_252 {strides = array<i32>} : memref<2048xf32, #tpu.memory_space<vmem>>, vector<16xf32>,
        %add3A_261 = arith.addf %add3A_219, %sub3A_252 : vector<16xf32>
        %mul3A_262 = arith.constant 4 : i32
        %mul3A_263 = arith.muli %scan3A_184, %mul3A_262 : i32
        %add3A_264 = arith.constant 2 : i32
        %add3A_265 = arith.addi %mul3A_263, %add3A_264 : i32
        %broadcast_in_dim3A_266 = vector.broadcast %add3A_265 : i32 to vector<16xi32>
        %gather3A_267 = tpu.vector_load_idx %arg9[%broadcast_in_dim3A_266, %add3A_81] : memref<32x128xi32, #tpu.memory_space<vmem>>[vector<16xi32>, vector<16xi32>], vector<16xi32>,
        %gather3A_268 = tpu.vector_load_idx %arg10[%broadcast_in_dim3A_266, %add3A_81] : memref<32x128xf32, #tpu.memory_space<vmem>>[vector<16xi32>, vector<16xi32>], vector<16xf32>,
        %shift_right_arithmetic3A_269 = arith.constant 7 : i32
        %shift_right_arithmetic3A_270 = vector.broadcast %shift_right_arithmetic3A_269 : i32 to vector<16xi32>
        %shift_right_arithmetic3A_271 = arith.shrsi %gather3A_267, %shift_right_arithmetic3A_270 : vector<16xi32>
        %and3A_272 = arith.constant 127 : i32
        %and3A_273 = vector.broadcast %and3A_272 : i32 to vector<16xi32>
        %and3A_274 = arith.andi %gather3A_267, %and3A_273 : vector<16xi32>
        %gather3A_275 = tpu.vector_load_idx %arg6[%shift_right_arithmetic3A_6, %shift_right_arithmetic3A_271, %and3A_8, %and3A_274] : memref<2x16x8x128xf32, #tpu.memory_space<vmem>>[vector<16xi32>, vector<16xi32>, vector<16xi32>, vector<16xi32>], vector<16xf32>,
        %neg3A_276 = arith.constant 0.000000e+00 : f32
        %neg3A_277 = vector.broadcast %neg3A_276 : f32 to vector<16xf32>
        %neg3A_278 = arith.subf %neg3A_277, %gather3A_275 : vector<16xf32>
        %exp3A_279 = math.exp %neg3A_278 : vector<16xf32>
        %add3A_280 = arith.constant 1.000000e+00 : f32
        %add3A_281 = vector.broadcast %add3A_280 : f32 to vector<16xf32>
        %add3A_282 = arith.addf %add3A_281, %exp3A_279 : vector<16xf32>
        %div3A_283 = arith.constant 1.000000e+00 : f32
        %div3A_284 = vector.broadcast %div3A_283 : f32 to vector<16xf32>
        %div3A_285 = arith.divf %div3A_284, %add3A_282 : vector<16xf32>
        %le3A_286 = arith.cmpf ole, %gather3A_268, %div3A_285 : vector<16xf32>
        %jit3A_287 = arith.constant 1.000000e+00 : f32
        %jit3A_288 = arith.constant 0.000000e+00 : f32
        %broadcast_in_dim3A_289 = vector.broadcast %jit3A_287 : f32 to vector<16xf32>
        %broadcast_in_dim3A_290 = vector.broadcast %jit3A_288 : f32 to vector<16xf32>
        %select_n3A_291 = arith.select %le3A_286, %broadcast_in_dim3A_289, %broadcast_in_dim3A_290 : vector<16xi1>, vector<16xf32>
        %add3A_292 = arith.addi %mul3A_4, %gather3A_267 : vector<16xi32>
        %gather3A_293 = tpu.vector_load_idx %arg7[%add3A_292] : memref<32768xf32, #tpu.memory_space<vmem>>[vector<16xi32>], vector<16xf32>,
        tpu.vector_store_idx %arg7[%add3A_292], %select_n3A_291 : memref<32768xf32, #tpu.memory_space<vmem>>[vector<16xi32>], vector<16xf32>,
        %sub3A_294 = arith.subf %select_n3A_291, %gather3A_293 : vector<16xf32>
        %add3A_295 = arith.constant 0 : i32
        %add3A_296 = arith.addi %add3A_295, %add3A_265 : i32
        %mul3A_297 = arith.constant 16 : i32
        %mul3A_298 = arith.muli %add3A_296, %mul3A_297 : i32
        %swap3A_299 = arith.index_cast %mul3A_298 : i32 to index
        %swap3A_300 = tpu.vector_load %arg11[%swap3A_299] {strides = array<i32>} : memref<2048xi32, #tpu.memory_space<vmem>>, vector<16xi32>,
        tpu.vector_store %arg11[%swap3A_299], %gather3A_267 {strides = array<i32>} : memref<2048xi32, #tpu.memory_space<vmem>>, vector<16xi32>,
        %swap3A_301 = arith.index_cast %mul3A_298 : i32 to index
        %swap3A_302 = tpu.vector_load %arg12[%swap3A_301] {strides = array<i32>} : memref<2048xf32, #tpu.memory_space<vmem>>, vector<16xf32>,
        tpu.vector_store %arg12[%swap3A_301], %sub3A_294 {strides = array<i32>} : memref<2048xf32, #tpu.memory_space<vmem>>, vector<16xf32>,
        %add3A_303 = arith.addf %add3A_261, %sub3A_294 : vector<16xf32>
        %mul3A_304 = arith.constant 4 : i32
        %mul3A_305 = arith.muli %scan3A_184, %mul3A_304 : i32
        %add3A_306 = arith.constant 3 : i32
        %add3A_307 = arith.addi %mul3A_305, %add3A_306 : i32
        %broadcast_in_dim3A_308 = vector.broadcast %add3A_307 : i32 to vector<16xi32>
        %gather3A_309 = tpu.vector_load_idx %arg9[%broadcast_in_dim3A_308, %add3A_81] : memref<32x128xi32, #tpu.memory_space<vmem>>[vector<16xi32>, vector<16xi32>], vector<16xi32>,
        %gather3A_310 = tpu.vector_load_idx %arg10[%broadcast_in_dim3A_308, %add3A_81] : memref<32x128xf32, #tpu.memory_space<vmem>>[vector<16xi32>, vector<16xi32>], vector<16xf32>,
        %shift_right_arithmetic3A_311 = arith.constant 7 : i32
        %shift_right_arithmetic3A_312 = vector.broadcast %shift_right_arithmetic3A_311 : i32 to vector<16xi32>
        %shift_right_arithmetic3A_313 = arith.shrsi %gather3A_309, %shift_right_arithmetic3A_312 : vector<16xi32>
        %and3A_314 = arith.constant 127 : i32
        %and3A_315 = vector.broadcast %and3A_314 : i32 to vector<16xi32>
        %and3A_316 = arith.andi %gather3A_309, %and3A_315 : vector<16xi32>
        %gather3A_317 = tpu.vector_load_idx %arg6[%shift_right_arithmetic3A_6, %shift_right_arithmetic3A_313, %and3A_8, %and3A_316] : memref<2x16x8x128xf32, #tpu.memory_space<vmem>>[vector<16xi32>, vector<16xi32>, vector<16xi32>, vector<16xi32>], vector<16xf32>,
        %neg3A_318 = arith.constant 0.000000e+00 : f32
        %neg3A_319 = vector.broadcast %neg3A_318 : f32 to vector<16xf32>
        %neg3A_320 = arith.subf %neg3A_319, %gather3A_317 : vector<16xf32>
        %exp3A_321 = math.exp %neg3A_320 : vector<16xf32>
        %add3A_322 = arith.constant 1.000000e+00 : f32
        %add3A_323 = vector.broadcast %add3A_322 : f32 to vector<16xf32>
        %add3A_324 = arith.addf %add3A_323, %exp3A_321 : vector<16xf32>
        %div3A_325 = arith.constant 1.000000e+00 : f32
        %div3A_326 = vector.broadcast %div3A_325 : f32 to vector<16xf32>
        %div3A_327 = arith.divf %div3A_326, %add3A_324 : vector<16xf32>
        %le3A_328 = arith.cmpf ole, %gather3A_310, %div3A_327 : vector<16xf32>
        %jit3A_329 = arith.constant 1.000000e+00 : f32
        %jit3A_330 = arith.constant 0.000000e+00 : f32
        %broadcast_in_dim3A_331 = vector.broadcast %jit3A_329 : f32 to vector<16xf32>
        %broadcast_in_dim3A_332 = vector.broadcast %jit3A_330 : f32 to vector<16xf32>
        %select_n3A_333 = arith.select %le3A_328, %broadcast_in_dim3A_331, %broadcast_in_dim3A_332 : vector<16xi1>, vector<16xf32>
        %add3A_334 = arith.addi %mul3A_4, %gather3A_309 : vector<16xi32>
        %gather3A_335 = tpu.vector_load_idx %arg7[%add3A_334] : memref<32768xf32, #tpu.memory_space<vmem>>[vector<16xi32>], vector<16xf32>,
        tpu.vector_store_idx %arg7[%add3A_334], %select_n3A_333 : memref<32768xf32, #tpu.memory_space<vmem>>[vector<16xi32>], vector<16xf32>,
        %sub3A_336 = arith.subf %select_n3A_333, %gather3A_335 : vector<16xf32>
        %add3A_337 = arith.constant 0 : i32
        %add3A_338 = arith.addi %add3A_337, %add3A_307 : i32
        %mul3A_339 = arith.constant 16 : i32
        %mul3A_340 = arith.muli %add3A_338, %mul3A_339 : i32
        %swap3A_341 = arith.index_cast %mul3A_340 : i32 to index
        %swap3A_342 = tpu.vector_load %arg11[%swap3A_341] {strides = array<i32>} : memref<2048xi32, #tpu.memory_space<vmem>>, vector<16xi32>,
        tpu.vector_store %arg11[%swap3A_341], %gather3A_309 {strides = array<i32>} : memref<2048xi32, #tpu.memory_space<vmem>>, vector<16xi32>,
        %swap3A_343 = arith.index_cast %mul3A_340 : i32 to index
        %swap3A_344 = tpu.vector_load %arg12[%swap3A_343] {strides = array<i32>} : memref<2048xf32, #tpu.memory_space<vmem>>, vector<16xf32>,
        tpu.vector_store %arg12[%swap3A_343], %sub3A_336 {strides = array<i32>} : memref<2048xf32, #tpu.memory_space<vmem>>, vector<16xf32>,
        %add3A_345 = arith.addf %add3A_303, %sub3A_336 : vector<16xf32>
        scf.yield %add3A_345 : vector<16xf32>
      }
      %scan3A_87 = arith.constant 8 : i32
      %max3A = arith.constant 1.000000e+00 : f32
      %max3A_88 = vector.broadcast %max3A : f32 to vector<16xf32>
      %max3A_89 = arith.maximumf %scan3A_86, %max3A_88 : vector<16xf32>
      %div3A = arith.constant 2.500000e-01 : f32
      %div3A_90 = vector.broadcast %div3A : f32 to vector<16xf32>
      %div3A_91 = arith.divf %div3A_90, %max3A_89 : vector<16xf32>
      %scan3A_92 = arith.constant 0 : i32
      %scan3A_93 = arith.constant 0 : i32
      %scan3A_94 = arith.constant 8 : i32
      %scan3A_95 = arith.addi %scan3A_93, %scan3A_94 : i32
      %scan3A_96 = arith.constant 1 : i32
      scf.for %scan3A_184 = %scan3A_93 to %scan3A_95 step %scan3A_96  : i32 {
        %mul3A_185 = arith.constant 4 : i32
        %mul3A_186 = arith.muli %scan3A_184, %mul3A_185 : i32
        %add3A_187 = arith.constant 0 : i32
        %add3A_188 = arith.addi %add3A_187, %mul3A_186 : i32
        %add3A_189 = arith.constant 0 : i32
        %add3A_190 = arith.addi %add3A_188, %add3A_189 : i32
        %mul3A_191 = arith.constant 16 : i32
        %mul3A_192 = arith.muli %add3A_190, %mul3A_191 : i32
        %get3A = arith.index_cast %mul3A_192 : i32 to index
        %get3A_193 = tpu.vector_load %arg11[%get3A] {strides = array<i32>} : memref<2048xi32, #tpu.memory_space<vmem>>, vector<16xi32>,
        %get3A_194 = arith.index_cast %mul3A_192 : i32 to index
        %get3A_195 = tpu.vector_load %arg12[%get3A_194] {strides = array<i32>} : memref<2048xf32, #tpu.memory_space<vmem>>, vector<16xf32>,
        %shift_right_arithmetic3A_196 = arith.constant 7 : i32
        %shift_right_arithmetic3A_197 = vector.broadcast %shift_right_arithmetic3A_196 : i32 to vector<16xi32>
        %shift_right_arithmetic3A_198 = arith.shrsi %get3A_193, %shift_right_arithmetic3A_197 : vector<16xi32>
        %and3A_199 = arith.constant 127 : i32
        %and3A_200 = vector.broadcast %and3A_199 : i32 to vector<16xi32>
        %and3A_201 = arith.andi %get3A_193, %and3A_200 : vector<16xi32>
        %mul3A_202 = arith.mulf %get3A_195, %div3A_91 : vector<16xf32>
        tpu.vector_store_idx %arg8[%shift_right_arithmetic3A_6, %shift_right_arithmetic3A_198, %and3A_8, %and3A_201], %mul3A_202 {add = true} : memref<2x16x8x128xf32, #tpu.memory_space<vmem>>[vector<16xi32>, vector<16xi32>, vector<16xi32>, vector<16xi32>], vector<16xf32>,
        %add3A_203 = arith.addi %mul3A_4, %get3A_193 : vector<16xi32>
        tpu.vector_store_idx %arg7[%add3A_203], %broadcast_in_dim3A_1 : memref<32768xf32, #tpu.memory_space<vmem>>[vector<16xi32>], vector<16xf32>,
        %mul3A_204 = arith.constant 4 : i32
        %mul3A_205 = arith.muli %scan3A_184, %mul3A_204 : i32
        %add3A_206 = arith.constant 0 : i32
        %add3A_207 = arith.addi %add3A_206, %mul3A_205 : i32
        %add3A_208 = arith.constant 1 : i32
        %add3A_209 = arith.addi %add3A_207, %add3A_208 : i32
        %mul3A_210 = arith.constant 16 : i32
        %mul3A_211 = arith.muli %add3A_209, %mul3A_210 : i32
        %get3A_212 = arith.index_cast %mul3A_211 : i32 to index
        %get3A_213 = tpu.vector_load %arg11[%get3A_212] {strides = array<i32>} : memref<2048xi32, #tpu.memory_space<vmem>>, vector<16xi32>,
        %get3A_214 = arith.index_cast %mul3A_211 : i32 to index
        %get3A_215 = tpu.vector_load %arg12[%get3A_214] {strides = array<i32>} : memref<2048xf32, #tpu.memory_space<vmem>>, vector<16xf32>,
        %shift_right_arithmetic3A_216 = arith.constant 7 : i32
        %shift_right_arithmetic3A_217 = vector.broadcast %shift_right_arithmetic3A_216 : i32 to vector<16xi32>
        %shift_right_arithmetic3A_218 = arith.shrsi %get3A_213, %shift_right_arithmetic3A_217 : vector<16xi32>
        %and3A_219 = arith.constant 127 : i32
        %and3A_220 = vector.broadcast %and3A_219 : i32 to vector<16xi32>
        %and3A_221 = arith.andi %get3A_213, %and3A_220 : vector<16xi32>
        %mul3A_222 = arith.mulf %get3A_215, %div3A_91 : vector<16xf32>
        tpu.vector_store_idx %arg8[%shift_right_arithmetic3A_6, %shift_right_arithmetic3A_218, %and3A_8, %and3A_221], %mul3A_222 {add = true} : memref<2x16x8x128xf32, #tpu.memory_space<vmem>>[vector<16xi32>, vector<16xi32>, vector<16xi32>, vector<16xi32>], vector<16xf32>,
        %add3A_223 = arith.addi %mul3A_4, %get3A_213 : vector<16xi32>
        tpu.vector_store_idx %arg7[%add3A_223], %broadcast_in_dim3A_1 : memref<32768xf32, #tpu.memory_space<vmem>>[vector<16xi32>], vector<16xf32>,
        %mul3A_224 = arith.constant 4 : i32
        %mul3A_225 = arith.muli %scan3A_184, %mul3A_224 : i32
        %add3A_226 = arith.constant 0 : i32
        %add3A_227 = arith.addi %add3A_226, %mul3A_225 : i32
        %add3A_228 = arith.constant 2 : i32
        %add3A_229 = arith.addi %add3A_227, %add3A_228 : i32
        %mul3A_230 = arith.constant 16 : i32
        %mul3A_231 = arith.muli %add3A_229, %mul3A_230 : i32
        %get3A_232 = arith.index_cast %mul3A_231 : i32 to index
        %get3A_233 = tpu.vector_load %arg11[%get3A_232] {strides = array<i32>} : memref<2048xi32, #tpu.memory_space<vmem>>, vector<16xi32>,
        %get3A_234 = arith.index_cast %mul3A_231 : i32 to index
        %get3A_235 = tpu.vector_load %arg12[%get3A_234] {strides = array<i32>} : memref<2048xf32, #tpu.memory_space<vmem>>, vector<16xf32>,
        %shift_right_arithmetic3A_236 = arith.constant 7 : i32
        %shift_right_arithmetic3A_237 = vector.broadcast %shift_right_arithmetic3A_236 : i32 to vector<16xi32>
        %shift_right_arithmetic3A_238 = arith.shrsi %get3A_233, %shift_right_arithmetic3A_237 : vector<16xi32>
        %and3A_239 = arith.constant 127 : i32
        %and3A_240 = vector.broadcast %and3A_239 : i32 to vector<16xi32>
        %and3A_241 = arith.andi %get3A_233, %and3A_240 : vector<16xi32>
        %mul3A_242 = arith.mulf %get3A_235, %div3A_91 : vector<16xf32>
        tpu.vector_store_idx %arg8[%shift_right_arithmetic3A_6, %shift_right_arithmetic3A_238, %and3A_8, %and3A_241], %mul3A_242 {add = true} : memref<2x16x8x128xf32, #tpu.memory_space<vmem>>[vector<16xi32>, vector<16xi32>, vector<16xi32>, vector<16xi32>], vector<16xf32>,
        %add3A_243 = arith.addi %mul3A_4, %get3A_233 : vector<16xi32>
        tpu.vector_store_idx %arg7[%add3A_243], %broadcast_in_dim3A_1 : memref<32768xf32, #tpu.memory_space<vmem>>[vector<16xi32>], vector<16xf32>,
        %mul3A_244 = arith.constant 4 : i32
        %mul3A_245 = arith.muli %scan3A_184, %mul3A_244 : i32
        %add3A_246 = arith.constant 0 : i32
        %add3A_247 = arith.addi %add3A_246, %mul3A_245 : i32
        %add3A_248 = arith.constant 3 : i32
        %add3A_249 = arith.addi %add3A_247, %add3A_248 : i32
        %mul3A_250 = arith.constant 16 : i32
        %mul3A_251 = arith.muli %add3A_249, %mul3A_250 : i32
        %get3A_252 = arith.index_cast %mul3A_251 : i32 to index
        %get3A_253 = tpu.vector_load %arg11[%get3A_252] {strides = array<i32>} : memref<2048xi32, #tpu.memory_space<vmem>>, vector<16xi32>,
        %get3A_254 = arith.index_cast %mul3A_251 : i32 to index
        %get3A_255 = tpu.vector_load %arg12[%get3A_254] {strides = array<i32>} : memref<2048xf32, #tpu.memory_space<vmem>>, vector<16xf32>,
        %shift_right_arithmetic3A_256 = arith.constant 7 : i32
        %shift_right_arithmetic3A_257 = vector.broadcast %shift_right_arithmetic3A_256 : i32 to vector<16xi32>
        %shift_right_arithmetic3A_258 = arith.shrsi %get3A_253, %shift_right_arithmetic3A_257 : vector<16xi32>
        %and3A_259 = arith.constant 127 : i32
        %and3A_260 = vector.broadcast %and3A_259 : i32 to vector<16xi32>
        %and3A_261 = arith.andi %get3A_253, %and3A_260 : vector<16xi32>
        %mul3A_262 = arith.mulf %get3A_255, %div3A_91 : vector<16xf32>
        tpu.vector_store_idx %arg8[%shift_right_arithmetic3A_6, %shift_right_arithmetic3A_258, %and3A_8, %and3A_261], %mul3A_262 {add = true} : memref<2x16x8x128xf32, #tpu.memory_space<vmem>>[vector<16xi32>, vector<16xi32>, vector<16xi32>, vector<16xi32>], vector<16xf32>,
        %add3A_263 = arith.addi %mul3A_4, %get3A_253 : vector<16xi32>
        tpu.vector_store_idx %arg7[%add3A_263], %broadcast_in_dim3A_1 : memref<32768xf32, #tpu.memory_space<vmem>>[vector<16xi32>], vector<16xf32>,
      }
      %scan3A_97 = arith.constant 8 : i32
      %mul3A_98 = arith.constant 4 : i32
      %mul3A_99 = vector.broadcast %mul3A_98 : i32 to vector<16xi32>
      %mul3A_100 = arith.muli %iota3A, %mul3A_99 : vector<16xi32>
      %add3A_101 = arith.constant 1 : i32
      %add3A_102 = vector.broadcast %add3A_101 : i32 to vector<16xi32>
      %add3A_103 = arith.addi %mul3A_100, %add3A_102 : vector<16xi32>
      %add3A_104 = vector.broadcast %mul3A_73 : i32 to vector<16xi32>
      %add3A_105 = arith.addi %add3A_103, %add3A_104 : vector<16xi32>
      %scan3A_106 = arith.constant 0 : i32
      %scan3A_107 = arith.constant 8 : i32
      %scan3A_108 = arith.addi %scan3A_106, %scan3A_107 : i32
      %scan3A_109 = arith.constant 1 : i32
      %scan3A_110 = scf.for %scan3A_184 = %scan3A_106 to %scan3A_108 step %scan3A_109 iter_args(%scan3A_185 = %broadcast_in_dim3A_1) -> (vector<16xf32>)  : i32 {
        %mul3A_186 = arith.constant 4 : i32
        %mul3A_187 = arith.muli %scan3A_184, %mul3A_186 : i32
        %add3A_188 = arith.constant 0 : i32
        %add3A_189 = arith.addi %mul3A_187, %add3A_188 : i32
        %broadcast_in_dim3A_190 = vector.broadcast %add3A_189 : i32 to vector<16xi32>
        %gather3A = tpu.vector_load_idx %arg9[%broadcast_in_dim3A_190, %add3A_105] : memref<32x128xi32, #tpu.memory_space<vmem>>[vector<16xi32>, vector<16xi32>], vector<16xi32>,
        %gather3A_191 = tpu.vector_load_idx %arg10[%broadcast_in_dim3A_190, %add3A_105] : memref<32x128xf32, #tpu.memory_space<vmem>>[vector<16xi32>, vector<16xi32>], vector<16xf32>,
        %shift_right_arithmetic3A_192 = arith.constant 7 : i32
        %shift_right_arithmetic3A_193 = vector.broadcast %shift_right_arithmetic3A_192 : i32 to vector<16xi32>
        %shift_right_arithmetic3A_194 = arith.shrsi %gather3A, %shift_right_arithmetic3A_193 : vector<16xi32>
        %and3A_195 = arith.constant 127 : i32
        %and3A_196 = vector.broadcast %and3A_195 : i32 to vector<16xi32>
        %and3A_197 = arith.andi %gather3A, %and3A_196 : vector<16xi32>
        %gather3A_198 = tpu.vector_load_idx %arg6[%shift_right_arithmetic3A_6, %shift_right_arithmetic3A_194, %and3A_8, %and3A_197] : memref<2x16x8x128xf32, #tpu.memory_space<vmem>>[vector<16xi32>, vector<16xi32>, vector<16xi32>, vector<16xi32>], vector<16xf32>,
        %neg3A = arith.constant 0.000000e+00 : f32
        %neg3A_199 = vector.broadcast %neg3A : f32 to vector<16xf32>
        %neg3A_200 = arith.subf %neg3A_199, %gather3A_198 : vector<16xf32>
        %exp3A = math.exp %neg3A_200 : vector<16xf32>
        %add3A_201 = arith.constant 1.000000e+00 : f32
        %add3A_202 = vector.broadcast %add3A_201 : f32 to vector<16xf32>
        %add3A_203 = arith.addf %add3A_202, %exp3A : vector<16xf32>
        %div3A_204 = arith.constant 1.000000e+00 : f32
        %div3A_205 = vector.broadcast %div3A_204 : f32 to vector<16xf32>
        %div3A_206 = arith.divf %div3A_205, %add3A_203 : vector<16xf32>
        %le3A = arith.cmpf ole, %gather3A_191, %div3A_206 : vector<16xf32>
        %jit3A = arith.constant 1.000000e+00 : f32
        %jit3A_207 = arith.constant 0.000000e+00 : f32
        %broadcast_in_dim3A_208 = vector.broadcast %jit3A : f32 to vector<16xf32>
        %broadcast_in_dim3A_209 = vector.broadcast %jit3A_207 : f32 to vector<16xf32>
        %select_n3A = arith.select %le3A, %broadcast_in_dim3A_208, %broadcast_in_dim3A_209 : vector<16xi1>, vector<16xf32>
        %add3A_210 = arith.addi %mul3A_4, %gather3A : vector<16xi32>
        %gather3A_211 = tpu.vector_load_idx %arg7[%add3A_210] : memref<32768xf32, #tpu.memory_space<vmem>>[vector<16xi32>], vector<16xf32>,
        tpu.vector_store_idx %arg7[%add3A_210], %select_n3A : memref<32768xf32, #tpu.memory_space<vmem>>[vector<16xi32>], vector<16xf32>,
        %sub3A = arith.subf %select_n3A, %gather3A_211 : vector<16xf32>
        %add3A_212 = arith.constant 32 : i32
        %add3A_213 = arith.addi %add3A_212, %add3A_189 : i32
        %mul3A_214 = arith.constant 16 : i32
        %mul3A_215 = arith.muli %add3A_213, %mul3A_214 : i32
        %swap3A = arith.index_cast %mul3A_215 : i32 to index
        %swap3A_216 = tpu.vector_load %arg11[%swap3A] {strides = array<i32>} : memref<2048xi32, #tpu.memory_space<vmem>>, vector<16xi32>,
        tpu.vector_store %arg11[%swap3A], %gather3A {strides = array<i32>} : memref<2048xi32, #tpu.memory_space<vmem>>, vector<16xi32>,
        %swap3A_217 = arith.index_cast %mul3A_215 : i32 to index
        %swap3A_218 = tpu.vector_load %arg12[%swap3A_217] {strides = array<i32>} : memref<2048xf32, #tpu.memory_space<vmem>>, vector<16xf32>,
        tpu.vector_store %arg12[%swap3A_217], %sub3A {strides = array<i32>} : memref<2048xf32, #tpu.memory_space<vmem>>, vector<16xf32>,
        %add3A_219 = arith.addf %scan3A_185, %sub3A : vector<16xf32>
        %mul3A_220 = arith.constant 4 : i32
        %mul3A_221 = arith.muli %scan3A_184, %mul3A_220 : i32
        %add3A_222 = arith.constant 1 : i32
        %add3A_223 = arith.addi %mul3A_221, %add3A_222 : i32
        %broadcast_in_dim3A_224 = vector.broadcast %add3A_223 : i32 to vector<16xi32>
        %gather3A_225 = tpu.vector_load_idx %arg9[%broadcast_in_dim3A_224, %add3A_105] : memref<32x128xi32, #tpu.memory_space<vmem>>[vector<16xi32>, vector<16xi32>], vector<16xi32>,
        %gather3A_226 = tpu.vector_load_idx %arg10[%broadcast_in_dim3A_224, %add3A_105] : memref<32x128xf32, #tpu.memory_space<vmem>>[vector<16xi32>, vector<16xi32>], vector<16xf32>,
        %shift_right_arithmetic3A_227 = arith.constant 7 : i32
        %shift_right_arithmetic3A_228 = vector.broadcast %shift_right_arithmetic3A_227 : i32 to vector<16xi32>
        %shift_right_arithmetic3A_229 = arith.shrsi %gather3A_225, %shift_right_arithmetic3A_228 : vector<16xi32>
        %and3A_230 = arith.constant 127 : i32
        %and3A_231 = vector.broadcast %and3A_230 : i32 to vector<16xi32>
        %and3A_232 = arith.andi %gather3A_225, %and3A_231 : vector<16xi32>
        %gather3A_233 = tpu.vector_load_idx %arg6[%shift_right_arithmetic3A_6, %shift_right_arithmetic3A_229, %and3A_8, %and3A_232] : memref<2x16x8x128xf32, #tpu.memory_space<vmem>>[vector<16xi32>, vector<16xi32>, vector<16xi32>, vector<16xi32>], vector<16xf32>,
        %neg3A_234 = arith.constant 0.000000e+00 : f32
        %neg3A_235 = vector.broadcast %neg3A_234 : f32 to vector<16xf32>
        %neg3A_236 = arith.subf %neg3A_235, %gather3A_233 : vector<16xf32>
        %exp3A_237 = math.exp %neg3A_236 : vector<16xf32>
        %add3A_238 = arith.constant 1.000000e+00 : f32
        %add3A_239 = vector.broadcast %add3A_238 : f32 to vector<16xf32>
        %add3A_240 = arith.addf %add3A_239, %exp3A_237 : vector<16xf32>
        %div3A_241 = arith.constant 1.000000e+00 : f32
        %div3A_242 = vector.broadcast %div3A_241 : f32 to vector<16xf32>
        %div3A_243 = arith.divf %div3A_242, %add3A_240 : vector<16xf32>
        %le3A_244 = arith.cmpf ole, %gather3A_226, %div3A_243 : vector<16xf32>
        %jit3A_245 = arith.constant 1.000000e+00 : f32
        %jit3A_246 = arith.constant 0.000000e+00 : f32
        %broadcast_in_dim3A_247 = vector.broadcast %jit3A_245 : f32 to vector<16xf32>
        %broadcast_in_dim3A_248 = vector.broadcast %jit3A_246 : f32 to vector<16xf32>
        %select_n3A_249 = arith.select %le3A_244, %broadcast_in_dim3A_247, %broadcast_in_dim3A_248 : vector<16xi1>, vector<16xf32>
        %add3A_250 = arith.addi %mul3A_4, %gather3A_225 : vector<16xi32>
        %gather3A_251 = tpu.vector_load_idx %arg7[%add3A_250] : memref<32768xf32, #tpu.memory_space<vmem>>[vector<16xi32>], vector<16xf32>,
        tpu.vector_store_idx %arg7[%add3A_250], %select_n3A_249 : memref<32768xf32, #tpu.memory_space<vmem>>[vector<16xi32>], vector<16xf32>,
        %sub3A_252 = arith.subf %select_n3A_249, %gather3A_251 : vector<16xf32>
        %add3A_253 = arith.constant 32 : i32
        %add3A_254 = arith.addi %add3A_253, %add3A_223 : i32
        %mul3A_255 = arith.constant 16 : i32
        %mul3A_256 = arith.muli %add3A_254, %mul3A_255 : i32
        %swap3A_257 = arith.index_cast %mul3A_256 : i32 to index
        %swap3A_258 = tpu.vector_load %arg11[%swap3A_257] {strides = array<i32>} : memref<2048xi32, #tpu.memory_space<vmem>>, vector<16xi32>,
        tpu.vector_store %arg11[%swap3A_257], %gather3A_225 {strides = array<i32>} : memref<2048xi32, #tpu.memory_space<vmem>>, vector<16xi32>,
        %swap3A_259 = arith.index_cast %mul3A_256 : i32 to index
        %swap3A_260 = tpu.vector_load %arg12[%swap3A_259] {strides = array<i32>} : memref<2048xf32, #tpu.memory_space<vmem>>, vector<16xf32>,
        tpu.vector_store %arg12[%swap3A_259], %sub3A_252 {strides = array<i32>} : memref<2048xf32, #tpu.memory_space<vmem>>, vector<16xf32>,
        %add3A_261 = arith.addf %add3A_219, %sub3A_252 : vector<16xf32>
        %mul3A_262 = arith.constant 4 : i32
        %mul3A_263 = arith.muli %scan3A_184, %mul3A_262 : i32
        %add3A_264 = arith.constant 2 : i32
        %add3A_265 = arith.addi %mul3A_263, %add3A_264 : i32
        %broadcast_in_dim3A_266 = vector.broadcast %add3A_265 : i32 to vector<16xi32>
        %gather3A_267 = tpu.vector_load_idx %arg9[%broadcast_in_dim3A_266, %add3A_105] : memref<32x128xi32, #tpu.memory_space<vmem>>[vector<16xi32>, vector<16xi32>], vector<16xi32>,
        %gather3A_268 = tpu.vector_load_idx %arg10[%broadcast_in_dim3A_266, %add3A_105] : memref<32x128xf32, #tpu.memory_space<vmem>>[vector<16xi32>, vector<16xi32>], vector<16xf32>,
        %shift_right_arithmetic3A_269 = arith.constant 7 : i32
        %shift_right_arithmetic3A_270 = vector.broadcast %shift_right_arithmetic3A_269 : i32 to vector<16xi32>
        %shift_right_arithmetic3A_271 = arith.shrsi %gather3A_267, %shift_right_arithmetic3A_270 : vector<16xi32>
        %and3A_272 = arith.constant 127 : i32
        %and3A_273 = vector.broadcast %and3A_272 : i32 to vector<16xi32>
        %and3A_274 = arith.andi %gather3A_267, %and3A_273 : vector<16xi32>
        %gather3A_275 = tpu.vector_load_idx %arg6[%shift_right_arithmetic3A_6, %shift_right_arithmetic3A_271, %and3A_8, %and3A_274] : memref<2x16x8x128xf32, #tpu.memory_space<vmem>>[vector<16xi32>, vector<16xi32>, vector<16xi32>, vector<16xi32>], vector<16xf32>,
        %neg3A_276 = arith.constant 0.000000e+00 : f32
        %neg3A_277 = vector.broadcast %neg3A_276 : f32 to vector<16xf32>
        %neg3A_278 = arith.subf %neg3A_277, %gather3A_275 : vector<16xf32>
        %exp3A_279 = math.exp %neg3A_278 : vector<16xf32>
        %add3A_280 = arith.constant 1.000000e+00 : f32
        %add3A_281 = vector.broadcast %add3A_280 : f32 to vector<16xf32>
        %add3A_282 = arith.addf %add3A_281, %exp3A_279 : vector<16xf32>
        %div3A_283 = arith.constant 1.000000e+00 : f32
        %div3A_284 = vector.broadcast %div3A_283 : f32 to vector<16xf32>
        %div3A_285 = arith.divf %div3A_284, %add3A_282 : vector<16xf32>
        %le3A_286 = arith.cmpf ole, %gather3A_268, %div3A_285 : vector<16xf32>
        %jit3A_287 = arith.constant 1.000000e+00 : f32
        %jit3A_288 = arith.constant 0.000000e+00 : f32
        %broadcast_in_dim3A_289 = vector.broadcast %jit3A_287 : f32 to vector<16xf32>
        %broadcast_in_dim3A_290 = vector.broadcast %jit3A_288 : f32 to vector<16xf32>
        %select_n3A_291 = arith.select %le3A_286, %broadcast_in_dim3A_289, %broadcast_in_dim3A_290 : vector<16xi1>, vector<16xf32>
        %add3A_292 = arith.addi %mul3A_4, %gather3A_267 : vector<16xi32>
        %gather3A_293 = tpu.vector_load_idx %arg7[%add3A_292] : memref<32768xf32, #tpu.memory_space<vmem>>[vector<16xi32>], vector<16xf32>,
        tpu.vector_store_idx %arg7[%add3A_292], %select_n3A_291 : memref<32768xf32, #tpu.memory_space<vmem>>[vector<16xi32>], vector<16xf32>,
        %sub3A_294 = arith.subf %select_n3A_291, %gather3A_293 : vector<16xf32>
        %add3A_295 = arith.constant 32 : i32
        %add3A_296 = arith.addi %add3A_295, %add3A_265 : i32
        %mul3A_297 = arith.constant 16 : i32
        %mul3A_298 = arith.muli %add3A_296, %mul3A_297 : i32
        %swap3A_299 = arith.index_cast %mul3A_298 : i32 to index
        %swap3A_300 = tpu.vector_load %arg11[%swap3A_299] {strides = array<i32>} : memref<2048xi32, #tpu.memory_space<vmem>>, vector<16xi32>,
        tpu.vector_store %arg11[%swap3A_299], %gather3A_267 {strides = array<i32>} : memref<2048xi32, #tpu.memory_space<vmem>>, vector<16xi32>,
        %swap3A_301 = arith.index_cast %mul3A_298 : i32 to index
        %swap3A_302 = tpu.vector_load %arg12[%swap3A_301] {strides = array<i32>} : memref<2048xf32, #tpu.memory_space<vmem>>, vector<16xf32>,
        tpu.vector_store %arg12[%swap3A_301], %sub3A_294 {strides = array<i32>} : memref<2048xf32, #tpu.memory_space<vmem>>, vector<16xf32>,
        %add3A_303 = arith.addf %add3A_261, %sub3A_294 : vector<16xf32>
        %mul3A_304 = arith.constant 4 : i32
        %mul3A_305 = arith.muli %scan3A_184, %mul3A_304 : i32
        %add3A_306 = arith.constant 3 : i32
        %add3A_307 = arith.addi %mul3A_305, %add3A_306 : i32
        %broadcast_in_dim3A_308 = vector.broadcast %add3A_307 : i32 to vector<16xi32>
        %gather3A_309 = tpu.vector_load_idx %arg9[%broadcast_in_dim3A_308, %add3A_105] : memref<32x128xi32, #tpu.memory_space<vmem>>[vector<16xi32>, vector<16xi32>], vector<16xi32>,
        %gather3A_310 = tpu.vector_load_idx %arg10[%broadcast_in_dim3A_308, %add3A_105] : memref<32x128xf32, #tpu.memory_space<vmem>>[vector<16xi32>, vector<16xi32>], vector<16xf32>,
        %shift_right_arithmetic3A_311 = arith.constant 7 : i32
        %shift_right_arithmetic3A_312 = vector.broadcast %shift_right_arithmetic3A_311 : i32 to vector<16xi32>
        %shift_right_arithmetic3A_313 = arith.shrsi %gather3A_309, %shift_right_arithmetic3A_312 : vector<16xi32>
        %and3A_314 = arith.constant 127 : i32
        %and3A_315 = vector.broadcast %and3A_314 : i32 to vector<16xi32>
        %and3A_316 = arith.andi %gather3A_309, %and3A_315 : vector<16xi32>
        %gather3A_317 = tpu.vector_load_idx %arg6[%shift_right_arithmetic3A_6, %shift_right_arithmetic3A_313, %and3A_8, %and3A_316] : memref<2x16x8x128xf32, #tpu.memory_space<vmem>>[vector<16xi32>, vector<16xi32>, vector<16xi32>, vector<16xi32>], vector<16xf32>,
        %neg3A_318 = arith.constant 0.000000e+00 : f32
        %neg3A_319 = vector.broadcast %neg3A_318 : f32 to vector<16xf32>
        %neg3A_320 = arith.subf %neg3A_319, %gather3A_317 : vector<16xf32>
        %exp3A_321 = math.exp %neg3A_320 : vector<16xf32>
        %add3A_322 = arith.constant 1.000000e+00 : f32
        %add3A_323 = vector.broadcast %add3A_322 : f32 to vector<16xf32>
        %add3A_324 = arith.addf %add3A_323, %exp3A_321 : vector<16xf32>
        %div3A_325 = arith.constant 1.000000e+00 : f32
        %div3A_326 = vector.broadcast %div3A_325 : f32 to vector<16xf32>
        %div3A_327 = arith.divf %div3A_326, %add3A_324 : vector<16xf32>
        %le3A_328 = arith.cmpf ole, %gather3A_310, %div3A_327 : vector<16xf32>
        %jit3A_329 = arith.constant 1.000000e+00 : f32
        %jit3A_330 = arith.constant 0.000000e+00 : f32
        %broadcast_in_dim3A_331 = vector.broadcast %jit3A_329 : f32 to vector<16xf32>
        %broadcast_in_dim3A_332 = vector.broadcast %jit3A_330 : f32 to vector<16xf32>
        %select_n3A_333 = arith.select %le3A_328, %broadcast_in_dim3A_331, %broadcast_in_dim3A_332 : vector<16xi1>, vector<16xf32>
        %add3A_334 = arith.addi %mul3A_4, %gather3A_309 : vector<16xi32>
        %gather3A_335 = tpu.vector_load_idx %arg7[%add3A_334] : memref<32768xf32, #tpu.memory_space<vmem>>[vector<16xi32>], vector<16xf32>,
        tpu.vector_store_idx %arg7[%add3A_334], %select_n3A_333 : memref<32768xf32, #tpu.memory_space<vmem>>[vector<16xi32>], vector<16xf32>,
        %sub3A_336 = arith.subf %select_n3A_333, %gather3A_335 : vector<16xf32>
        %add3A_337 = arith.constant 32 : i32
        %add3A_338 = arith.addi %add3A_337, %add3A_307 : i32
        %mul3A_339 = arith.constant 16 : i32
        %mul3A_340 = arith.muli %add3A_338, %mul3A_339 : i32
        %swap3A_341 = arith.index_cast %mul3A_340 : i32 to index
        %swap3A_342 = tpu.vector_load %arg11[%swap3A_341] {strides = array<i32>} : memref<2048xi32, #tpu.memory_space<vmem>>, vector<16xi32>,
        tpu.vector_store %arg11[%swap3A_341], %gather3A_309 {strides = array<i32>} : memref<2048xi32, #tpu.memory_space<vmem>>, vector<16xi32>,
        %swap3A_343 = arith.index_cast %mul3A_340 : i32 to index
        %swap3A_344 = tpu.vector_load %arg12[%swap3A_343] {strides = array<i32>} : memref<2048xf32, #tpu.memory_space<vmem>>, vector<16xf32>,
        tpu.vector_store %arg12[%swap3A_343], %sub3A_336 {strides = array<i32>} : memref<2048xf32, #tpu.memory_space<vmem>>, vector<16xf32>,
        %add3A_345 = arith.addf %add3A_303, %sub3A_336 : vector<16xf32>
        scf.yield %add3A_345 : vector<16xf32>
      }
      %scan3A_111 = arith.constant 8 : i32
      %max3A_112 = arith.constant 1.000000e+00 : f32
      %max3A_113 = vector.broadcast %max3A_112 : f32 to vector<16xf32>
      %max3A_114 = arith.maximumf %scan3A_110, %max3A_113 : vector<16xf32>
      %div3A_115 = arith.constant 2.500000e-01 : f32
      %div3A_116 = vector.broadcast %div3A_115 : f32 to vector<16xf32>
      %div3A_117 = arith.divf %div3A_116, %max3A_114 : vector<16xf32>
      %scan3A_118 = arith.constant 0 : i32
      %scan3A_119 = arith.constant 0 : i32
      %scan3A_120 = arith.constant 8 : i32
      %scan3A_121 = arith.addi %scan3A_119, %scan3A_120 : i32
      %scan3A_122 = arith.constant 1 : i32
      scf.for %scan3A_184 = %scan3A_119 to %scan3A_121 step %scan3A_122  : i32 {
        %mul3A_185 = arith.constant 4 : i32
        %mul3A_186 = arith.muli %scan3A_184, %mul3A_185 : i32
        %add3A_187 = arith.constant 32 : i32
        %add3A_188 = arith.addi %add3A_187, %mul3A_186 : i32
        %add3A_189 = arith.constant 0 : i32
        %add3A_190 = arith.addi %add3A_188, %add3A_189 : i32
        %mul3A_191 = arith.constant 16 : i32
        %mul3A_192 = arith.muli %add3A_190, %mul3A_191 : i32
        %get3A = arith.index_cast %mul3A_192 : i32 to index
        %get3A_193 = tpu.vector_load %arg11[%get3A] {strides = array<i32>} : memref<2048xi32, #tpu.memory_space<vmem>>, vector<16xi32>,
        %get3A_194 = arith.index_cast %mul3A_192 : i32 to index
        %get3A_195 = tpu.vector_load %arg12[%get3A_194] {strides = array<i32>} : memref<2048xf32, #tpu.memory_space<vmem>>, vector<16xf32>,
        %shift_right_arithmetic3A_196 = arith.constant 7 : i32
        %shift_right_arithmetic3A_197 = vector.broadcast %shift_right_arithmetic3A_196 : i32 to vector<16xi32>
        %shift_right_arithmetic3A_198 = arith.shrsi %get3A_193, %shift_right_arithmetic3A_197 : vector<16xi32>
        %and3A_199 = arith.constant 127 : i32
        %and3A_200 = vector.broadcast %and3A_199 : i32 to vector<16xi32>
        %and3A_201 = arith.andi %get3A_193, %and3A_200 : vector<16xi32>
        %mul3A_202 = arith.mulf %get3A_195, %div3A_117 : vector<16xf32>
        tpu.vector_store_idx %arg8[%shift_right_arithmetic3A_6, %shift_right_arithmetic3A_198, %and3A_8, %and3A_201], %mul3A_202 {add = true} : memref<2x16x8x128xf32, #tpu.memory_space<vmem>>[vector<16xi32>, vector<16xi32>, vector<16xi32>, vector<16xi32>], vector<16xf32>,
        %add3A_203 = arith.addi %mul3A_4, %get3A_193 : vector<16xi32>
        tpu.vector_store_idx %arg7[%add3A_203], %broadcast_in_dim3A_1 : memref<32768xf32, #tpu.memory_space<vmem>>[vector<16xi32>], vector<16xf32>,
        %mul3A_204 = arith.constant 4 : i32
        %mul3A_205 = arith.muli %scan3A_184, %mul3A_204 : i32
        %add3A_206 = arith.constant 32 : i32
        %add3A_207 = arith.addi %add3A_206, %mul3A_205 : i32
        %add3A_208 = arith.constant 1 : i32
        %add3A_209 = arith.addi %add3A_207, %add3A_208 : i32
        %mul3A_210 = arith.constant 16 : i32
        %mul3A_211 = arith.muli %add3A_209, %mul3A_210 : i32
        %get3A_212 = arith.index_cast %mul3A_211 : i32 to index
        %get3A_213 = tpu.vector_load %arg11[%get3A_212] {strides = array<i32>} : memref<2048xi32, #tpu.memory_space<vmem>>, vector<16xi32>,
        %get3A_214 = arith.index_cast %mul3A_211 : i32 to index
        %get3A_215 = tpu.vector_load %arg12[%get3A_214] {strides = array<i32>} : memref<2048xf32, #tpu.memory_space<vmem>>, vector<16xf32>,
        %shift_right_arithmetic3A_216 = arith.constant 7 : i32
        %shift_right_arithmetic3A_217 = vector.broadcast %shift_right_arithmetic3A_216 : i32 to vector<16xi32>
        %shift_right_arithmetic3A_218 = arith.shrsi %get3A_213, %shift_right_arithmetic3A_217 : vector<16xi32>
        %and3A_219 = arith.constant 127 : i32
        %and3A_220 = vector.broadcast %and3A_219 : i32 to vector<16xi32>
        %and3A_221 = arith.andi %get3A_213, %and3A_220 : vector<16xi32>
        %mul3A_222 = arith.mulf %get3A_215, %div3A_117 : vector<16xf32>
        tpu.vector_store_idx %arg8[%shift_right_arithmetic3A_6, %shift_right_arithmetic3A_218, %and3A_8, %and3A_221], %mul3A_222 {add = true} : memref<2x16x8x128xf32, #tpu.memory_space<vmem>>[vector<16xi32>, vector<16xi32>, vector<16xi32>, vector<16xi32>], vector<16xf32>,
        %add3A_223 = arith.addi %mul3A_4, %get3A_213 : vector<16xi32>
        tpu.vector_store_idx %arg7[%add3A_223], %broadcast_in_dim3A_1 : memref<32768xf32, #tpu.memory_space<vmem>>[vector<16xi32>], vector<16xf32>,
        %mul3A_224 = arith.constant 4 : i32
        %mul3A_225 = arith.muli %scan3A_184, %mul3A_224 : i32
        %add3A_226 = arith.constant 32 : i32
        %add3A_227 = arith.addi %add3A_226, %mul3A_225 : i32
        %add3A_228 = arith.constant 2 : i32
        %add3A_229 = arith.addi %add3A_227, %add3A_228 : i32
        %mul3A_230 = arith.constant 16 : i32
        %mul3A_231 = arith.muli %add3A_229, %mul3A_230 : i32
        %get3A_232 = arith.index_cast %mul3A_231 : i32 to index
        %get3A_233 = tpu.vector_load %arg11[%get3A_232] {strides = array<i32>} : memref<2048xi32, #tpu.memory_space<vmem>>, vector<16xi32>,
        %get3A_234 = arith.index_cast %mul3A_231 : i32 to index
        %get3A_235 = tpu.vector_load %arg12[%get3A_234] {strides = array<i32>} : memref<2048xf32, #tpu.memory_space<vmem>>, vector<16xf32>,
        %shift_right_arithmetic3A_236 = arith.constant 7 : i32
        %shift_right_arithmetic3A_237 = vector.broadcast %shift_right_arithmetic3A_236 : i32 to vector<16xi32>
        %shift_right_arithmetic3A_238 = arith.shrsi %get3A_233, %shift_right_arithmetic3A_237 : vector<16xi32>
        %and3A_239 = arith.constant 127 : i32
        %and3A_240 = vector.broadcast %and3A_239 : i32 to vector<16xi32>
        %and3A_241 = arith.andi %get3A_233, %and3A_240 : vector<16xi32>
        %mul3A_242 = arith.mulf %get3A_235, %div3A_117 : vector<16xf32>
        tpu.vector_store_idx %arg8[%shift_right_arithmetic3A_6, %shift_right_arithmetic3A_238, %and3A_8, %and3A_241], %mul3A_242 {add = true} : memref<2x16x8x128xf32, #tpu.memory_space<vmem>>[vector<16xi32>, vector<16xi32>, vector<16xi32>, vector<16xi32>], vector<16xf32>,
        %add3A_243 = arith.addi %mul3A_4, %get3A_233 : vector<16xi32>
        tpu.vector_store_idx %arg7[%add3A_243], %broadcast_in_dim3A_1 : memref<32768xf32, #tpu.memory_space<vmem>>[vector<16xi32>], vector<16xf32>,
        %mul3A_244 = arith.constant 4 : i32
        %mul3A_245 = arith.muli %scan3A_184, %mul3A_244 : i32
        %add3A_246 = arith.constant 32 : i32
        %add3A_247 = arith.addi %add3A_246, %mul3A_245 : i32
        %add3A_248 = arith.constant 3 : i32
        %add3A_249 = arith.addi %add3A_247, %add3A_248 : i32
        %mul3A_250 = arith.constant 16 : i32
        %mul3A_251 = arith.muli %add3A_249, %mul3A_250 : i32
        %get3A_252 = arith.index_cast %mul3A_251 : i32 to index
        %get3A_253 = tpu.vector_load %arg11[%get3A_252] {strides = array<i32>} : memref<2048xi32, #tpu.memory_space<vmem>>, vector<16xi32>,
        %get3A_254 = arith.index_cast %mul3A_251 : i32 to index
        %get3A_255 = tpu.vector_load %arg12[%get3A_254] {strides = array<i32>} : memref<2048xf32, #tpu.memory_space<vmem>>, vector<16xf32>,
        %shift_right_arithmetic3A_256 = arith.constant 7 : i32
        %shift_right_arithmetic3A_257 = vector.broadcast %shift_right_arithmetic3A_256 : i32 to vector<16xi32>
        %shift_right_arithmetic3A_258 = arith.shrsi %get3A_253, %shift_right_arithmetic3A_257 : vector<16xi32>
        %and3A_259 = arith.constant 127 : i32
        %and3A_260 = vector.broadcast %and3A_259 : i32 to vector<16xi32>
        %and3A_261 = arith.andi %get3A_253, %and3A_260 : vector<16xi32>
        %mul3A_262 = arith.mulf %get3A_255, %div3A_117 : vector<16xf32>
        tpu.vector_store_idx %arg8[%shift_right_arithmetic3A_6, %shift_right_arithmetic3A_258, %and3A_8, %and3A_261], %mul3A_262 {add = true} : memref<2x16x8x128xf32, #tpu.memory_space<vmem>>[vector<16xi32>, vector<16xi32>, vector<16xi32>, vector<16xi32>], vector<16xf32>,
        %add3A_263 = arith.addi %mul3A_4, %get3A_253 : vector<16xi32>
        tpu.vector_store_idx %arg7[%add3A_263], %broadcast_in_dim3A_1 : memref<32768xf32, #tpu.memory_space<vmem>>[vector<16xi32>], vector<16xf32>,
      }
      %scan3A_123 = arith.constant 8 : i32
      %mul3A_124 = arith.constant 4 : i32
      %mul3A_125 = vector.broadcast %mul3A_124 : i32 to vector<16xi32>
      %mul3A_126 = arith.muli %iota3A, %mul3A_125 : vector<16xi32>
      %add3A_127 = arith.constant 2 : i32
      %add3A_128 = vector.broadcast %add3A_127 : i32 to vector<16xi32>
      %add3A_129 = arith.addi %mul3A_126, %add3A_128 : vector<16xi32>
      %add3A_130 = vector.broadcast %mul3A_73 : i32 to vector<16xi32>
      %add3A_131 = arith.addi %add3A_129, %add3A_130 : vector<16xi32>
      %scan3A_132 = arith.constant 0 : i32
      %scan3A_133 = arith.constant 8 : i32
      %scan3A_134 = arith.addi %scan3A_132, %scan3A_133 : i32
      %scan3A_135 = arith.constant 1 : i32
      %scan3A_136 = scf.for %scan3A_184 = %scan3A_132 to %scan3A_134 step %scan3A_135 iter_args(%scan3A_185 = %broadcast_in_dim3A_1) -> (vector<16xf32>)  : i32 {
        %mul3A_186 = arith.constant 4 : i32
        %mul3A_187 = arith.muli %scan3A_184, %mul3A_186 : i32
        %add3A_188 = arith.constant 0 : i32
        %add3A_189 = arith.addi %mul3A_187, %add3A_188 : i32
        %broadcast_in_dim3A_190 = vector.broadcast %add3A_189 : i32 to vector<16xi32>
        %gather3A = tpu.vector_load_idx %arg9[%broadcast_in_dim3A_190, %add3A_131] : memref<32x128xi32, #tpu.memory_space<vmem>>[vector<16xi32>, vector<16xi32>], vector<16xi32>,
        %gather3A_191 = tpu.vector_load_idx %arg10[%broadcast_in_dim3A_190, %add3A_131] : memref<32x128xf32, #tpu.memory_space<vmem>>[vector<16xi32>, vector<16xi32>], vector<16xf32>,
        %shift_right_arithmetic3A_192 = arith.constant 7 : i32
        %shift_right_arithmetic3A_193 = vector.broadcast %shift_right_arithmetic3A_192 : i32 to vector<16xi32>
        %shift_right_arithmetic3A_194 = arith.shrsi %gather3A, %shift_right_arithmetic3A_193 : vector<16xi32>
        %and3A_195 = arith.constant 127 : i32
        %and3A_196 = vector.broadcast %and3A_195 : i32 to vector<16xi32>
        %and3A_197 = arith.andi %gather3A, %and3A_196 : vector<16xi32>
        %gather3A_198 = tpu.vector_load_idx %arg6[%shift_right_arithmetic3A_6, %shift_right_arithmetic3A_194, %and3A_8, %and3A_197] : memref<2x16x8x128xf32, #tpu.memory_space<vmem>>[vector<16xi32>, vector<16xi32>, vector<16xi32>, vector<16xi32>], vector<16xf32>,
        %neg3A = arith.constant 0.000000e+00 : f32
        %neg3A_199 = vector.broadcast %neg3A : f32 to vector<16xf32>
        %neg3A_200 = arith.subf %neg3A_199, %gather3A_198 : vector<16xf32>
        %exp3A = math.exp %neg3A_200 : vector<16xf32>
        %add3A_201 = arith.constant 1.000000e+00 : f32
        %add3A_202 = vector.broadcast %add3A_201 : f32 to vector<16xf32>
        %add3A_203 = arith.addf %add3A_202, %exp3A : vector<16xf32>
        %div3A_204 = arith.constant 1.000000e+00 : f32
        %div3A_205 = vector.broadcast %div3A_204 : f32 to vector<16xf32>
        %div3A_206 = arith.divf %div3A_205, %add3A_203 : vector<16xf32>
        %le3A = arith.cmpf ole, %gather3A_191, %div3A_206 : vector<16xf32>
        %jit3A = arith.constant 1.000000e+00 : f32
        %jit3A_207 = arith.constant 0.000000e+00 : f32
        %broadcast_in_dim3A_208 = vector.broadcast %jit3A : f32 to vector<16xf32>
        %broadcast_in_dim3A_209 = vector.broadcast %jit3A_207 : f32 to vector<16xf32>
        %select_n3A = arith.select %le3A, %broadcast_in_dim3A_208, %broadcast_in_dim3A_209 : vector<16xi1>, vector<16xf32>
        %add3A_210 = arith.addi %mul3A_4, %gather3A : vector<16xi32>
        %gather3A_211 = tpu.vector_load_idx %arg7[%add3A_210] : memref<32768xf32, #tpu.memory_space<vmem>>[vector<16xi32>], vector<16xf32>,
        tpu.vector_store_idx %arg7[%add3A_210], %select_n3A : memref<32768xf32, #tpu.memory_space<vmem>>[vector<16xi32>], vector<16xf32>,
        %sub3A = arith.subf %select_n3A, %gather3A_211 : vector<16xf32>
        %add3A_212 = arith.constant 64 : i32
        %add3A_213 = arith.addi %add3A_212, %add3A_189 : i32
        %mul3A_214 = arith.constant 16 : i32
        %mul3A_215 = arith.muli %add3A_213, %mul3A_214 : i32
        %swap3A = arith.index_cast %mul3A_215 : i32 to index
        %swap3A_216 = tpu.vector_load %arg11[%swap3A] {strides = array<i32>} : memref<2048xi32, #tpu.memory_space<vmem>>, vector<16xi32>,
        tpu.vector_store %arg11[%swap3A], %gather3A {strides = array<i32>} : memref<2048xi32, #tpu.memory_space<vmem>>, vector<16xi32>,
        %swap3A_217 = arith.index_cast %mul3A_215 : i32 to index
        %swap3A_218 = tpu.vector_load %arg12[%swap3A_217] {strides = array<i32>} : memref<2048xf32, #tpu.memory_space<vmem>>, vector<16xf32>,
        tpu.vector_store %arg12[%swap3A_217], %sub3A {strides = array<i32>} : memref<2048xf32, #tpu.memory_space<vmem>>, vector<16xf32>,
        %add3A_219 = arith.addf %scan3A_185, %sub3A : vector<16xf32>
        %mul3A_220 = arith.constant 4 : i32
        %mul3A_221 = arith.muli %scan3A_184, %mul3A_220 : i32
        %add3A_222 = arith.constant 1 : i32
        %add3A_223 = arith.addi %mul3A_221, %add3A_222 : i32
        %broadcast_in_dim3A_224 = vector.broadcast %add3A_223 : i32 to vector<16xi32>
        %gather3A_225 = tpu.vector_load_idx %arg9[%broadcast_in_dim3A_224, %add3A_131] : memref<32x128xi32, #tpu.memory_space<vmem>>[vector<16xi32>, vector<16xi32>], vector<16xi32>,
        %gather3A_226 = tpu.vector_load_idx %arg10[%broadcast_in_dim3A_224, %add3A_131] : memref<32x128xf32, #tpu.memory_space<vmem>>[vector<16xi32>, vector<16xi32>], vector<16xf32>,
        %shift_right_arithmetic3A_227 = arith.constant 7 : i32
        %shift_right_arithmetic3A_228 = vector.broadcast %shift_right_arithmetic3A_227 : i32 to vector<16xi32>
        %shift_right_arithmetic3A_229 = arith.shrsi %gather3A_225, %shift_right_arithmetic3A_228 : vector<16xi32>
        %and3A_230 = arith.constant 127 : i32
        %and3A_231 = vector.broadcast %and3A_230 : i32 to vector<16xi32>
        %and3A_232 = arith.andi %gather3A_225, %and3A_231 : vector<16xi32>
        %gather3A_233 = tpu.vector_load_idx %arg6[%shift_right_arithmetic3A_6, %shift_right_arithmetic3A_229, %and3A_8, %and3A_232] : memref<2x16x8x128xf32, #tpu.memory_space<vmem>>[vector<16xi32>, vector<16xi32>, vector<16xi32>, vector<16xi32>], vector<16xf32>,
        %neg3A_234 = arith.constant 0.000000e+00 : f32
        %neg3A_235 = vector.broadcast %neg3A_234 : f32 to vector<16xf32>
        %neg3A_236 = arith.subf %neg3A_235, %gather3A_233 : vector<16xf32>
        %exp3A_237 = math.exp %neg3A_236 : vector<16xf32>
        %add3A_238 = arith.constant 1.000000e+00 : f32
        %add3A_239 = vector.broadcast %add3A_238 : f32 to vector<16xf32>
        %add3A_240 = arith.addf %add3A_239, %exp3A_237 : vector<16xf32>
        %div3A_241 = arith.constant 1.000000e+00 : f32
        %div3A_242 = vector.broadcast %div3A_241 : f32 to vector<16xf32>
        %div3A_243 = arith.divf %div3A_242, %add3A_240 : vector<16xf32>
        %le3A_244 = arith.cmpf ole, %gather3A_226, %div3A_243 : vector<16xf32>
        %jit3A_245 = arith.constant 1.000000e+00 : f32
        %jit3A_246 = arith.constant 0.000000e+00 : f32
        %broadcast_in_dim3A_247 = vector.broadcast %jit3A_245 : f32 to vector<16xf32>
        %broadcast_in_dim3A_248 = vector.broadcast %jit3A_246 : f32 to vector<16xf32>
        %select_n3A_249 = arith.select %le3A_244, %broadcast_in_dim3A_247, %broadcast_in_dim3A_248 : vector<16xi1>, vector<16xf32>
        %add3A_250 = arith.addi %mul3A_4, %gather3A_225 : vector<16xi32>
        %gather3A_251 = tpu.vector_load_idx %arg7[%add3A_250] : memref<32768xf32, #tpu.memory_space<vmem>>[vector<16xi32>], vector<16xf32>,
        tpu.vector_store_idx %arg7[%add3A_250], %select_n3A_249 : memref<32768xf32, #tpu.memory_space<vmem>>[vector<16xi32>], vector<16xf32>,
        %sub3A_252 = arith.subf %select_n3A_249, %gather3A_251 : vector<16xf32>
        %add3A_253 = arith.constant 64 : i32
        %add3A_254 = arith.addi %add3A_253, %add3A_223 : i32
        %mul3A_255 = arith.constant 16 : i32
        %mul3A_256 = arith.muli %add3A_254, %mul3A_255 : i32
        %swap3A_257 = arith.index_cast %mul3A_256 : i32 to index
        %swap3A_258 = tpu.vector_load %arg11[%swap3A_257] {strides = array<i32>} : memref<2048xi32, #tpu.memory_space<vmem>>, vector<16xi32>,
        tpu.vector_store %arg11[%swap3A_257], %gather3A_225 {strides = array<i32>} : memref<2048xi32, #tpu.memory_space<vmem>>, vector<16xi32>,
        %swap3A_259 = arith.index_cast %mul3A_256 : i32 to index
        %swap3A_260 = tpu.vector_load %arg12[%swap3A_259] {strides = array<i32>} : memref<2048xf32, #tpu.memory_space<vmem>>, vector<16xf32>,
        tpu.vector_store %arg12[%swap3A_259], %sub3A_252 {strides = array<i32>} : memref<2048xf32, #tpu.memory_space<vmem>>, vector<16xf32>,
        %add3A_261 = arith.addf %add3A_219, %sub3A_252 : vector<16xf32>
        %mul3A_262 = arith.constant 4 : i32
        %mul3A_263 = arith.muli %scan3A_184, %mul3A_262 : i32
        %add3A_264 = arith.constant 2 : i32
        %add3A_265 = arith.addi %mul3A_263, %add3A_264 : i32
        %broadcast_in_dim3A_266 = vector.broadcast %add3A_265 : i32 to vector<16xi32>
        %gather3A_267 = tpu.vector_load_idx %arg9[%broadcast_in_dim3A_266, %add3A_131] : memref<32x128xi32, #tpu.memory_space<vmem>>[vector<16xi32>, vector<16xi32>], vector<16xi32>,
        %gather3A_268 = tpu.vector_load_idx %arg10[%broadcast_in_dim3A_266, %add3A_131] : memref<32x128xf32, #tpu.memory_space<vmem>>[vector<16xi32>, vector<16xi32>], vector<16xf32>,
        %shift_right_arithmetic3A_269 = arith.constant 7 : i32
        %shift_right_arithmetic3A_270 = vector.broadcast %shift_right_arithmetic3A_269 : i32 to vector<16xi32>
        %shift_right_arithmetic3A_271 = arith.shrsi %gather3A_267, %shift_right_arithmetic3A_270 : vector<16xi32>
        %and3A_272 = arith.constant 127 : i32
        %and3A_273 = vector.broadcast %and3A_272 : i32 to vector<16xi32>
        %and3A_274 = arith.andi %gather3A_267, %and3A_273 : vector<16xi32>
        %gather3A_275 = tpu.vector_load_idx %arg6[%shift_right_arithmetic3A_6, %shift_right_arithmetic3A_271, %and3A_8, %and3A_274] : memref<2x16x8x128xf32, #tpu.memory_space<vmem>>[vector<16xi32>, vector<16xi32>, vector<16xi32>, vector<16xi32>], vector<16xf32>,
        %neg3A_276 = arith.constant 0.000000e+00 : f32
        %neg3A_277 = vector.broadcast %neg3A_276 : f32 to vector<16xf32>
        %neg3A_278 = arith.subf %neg3A_277, %gather3A_275 : vector<16xf32>
        %exp3A_279 = math.exp %neg3A_278 : vector<16xf32>
        %add3A_280 = arith.constant 1.000000e+00 : f32
        %add3A_281 = vector.broadcast %add3A_280 : f32 to vector<16xf32>
        %add3A_282 = arith.addf %add3A_281, %exp3A_279 : vector<16xf32>
        %div3A_283 = arith.constant 1.000000e+00 : f32
        %div3A_284 = vector.broadcast %div3A_283 : f32 to vector<16xf32>
        %div3A_285 = arith.divf %div3A_284, %add3A_282 : vector<16xf32>
        %le3A_286 = arith.cmpf ole, %gather3A_268, %div3A_285 : vector<16xf32>
        %jit3A_287 = arith.constant 1.000000e+00 : f32
        %jit3A_288 = arith.constant 0.000000e+00 : f32
        %broadcast_in_dim3A_289 = vector.broadcast %jit3A_287 : f32 to vector<16xf32>
        %broadcast_in_dim3A_290 = vector.broadcast %jit3A_288 : f32 to vector<16xf32>
        %select_n3A_291 = arith.select %le3A_286, %broadcast_in_dim3A_289, %broadcast_in_dim3A_290 : vector<16xi1>, vector<16xf32>
        %add3A_292 = arith.addi %mul3A_4, %gather3A_267 : vector<16xi32>
        %gather3A_293 = tpu.vector_load_idx %arg7[%add3A_292] : memref<32768xf32, #tpu.memory_space<vmem>>[vector<16xi32>], vector<16xf32>,
        tpu.vector_store_idx %arg7[%add3A_292], %select_n3A_291 : memref<32768xf32, #tpu.memory_space<vmem>>[vector<16xi32>], vector<16xf32>,
        %sub3A_294 = arith.subf %select_n3A_291, %gather3A_293 : vector<16xf32>
        %add3A_295 = arith.constant 64 : i32
        %add3A_296 = arith.addi %add3A_295, %add3A_265 : i32
        %mul3A_297 = arith.constant 16 : i32
        %mul3A_298 = arith.muli %add3A_296, %mul3A_297 : i32
        %swap3A_299 = arith.index_cast %mul3A_298 : i32 to index
        %swap3A_300 = tpu.vector_load %arg11[%swap3A_299] {strides = array<i32>} : memref<2048xi32, #tpu.memory_space<vmem>>, vector<16xi32>,
        tpu.vector_store %arg11[%swap3A_299], %gather3A_267 {strides = array<i32>} : memref<2048xi32, #tpu.memory_space<vmem>>, vector<16xi32>,
        %swap3A_301 = arith.index_cast %mul3A_298 : i32 to index
        %swap3A_302 = tpu.vector_load %arg12[%swap3A_301] {strides = array<i32>} : memref<2048xf32, #tpu.memory_space<vmem>>, vector<16xf32>,
        tpu.vector_store %arg12[%swap3A_301], %sub3A_294 {strides = array<i32>} : memref<2048xf32, #tpu.memory_space<vmem>>, vector<16xf32>,
        %add3A_303 = arith.addf %add3A_261, %sub3A_294 : vector<16xf32>
        %mul3A_304 = arith.constant 4 : i32
        %mul3A_305 = arith.muli %scan3A_184, %mul3A_304 : i32
        %add3A_306 = arith.constant 3 : i32
        %add3A_307 = arith.addi %mul3A_305, %add3A_306 : i32
        %broadcast_in_dim3A_308 = vector.broadcast %add3A_307 : i32 to vector<16xi32>
        %gather3A_309 = tpu.vector_load_idx %arg9[%broadcast_in_dim3A_308, %add3A_131] : memref<32x128xi32, #tpu.memory_space<vmem>>[vector<16xi32>, vector<16xi32>], vector<16xi32>,
        %gather3A_310 = tpu.vector_load_idx %arg10[%broadcast_in_dim3A_308, %add3A_131] : memref<32x128xf32, #tpu.memory_space<vmem>>[vector<16xi32>, vector<16xi32>], vector<16xf32>,
        %shift_right_arithmetic3A_311 = arith.constant 7 : i32
        %shift_right_arithmetic3A_312 = vector.broadcast %shift_right_arithmetic3A_311 : i32 to vector<16xi32>
        %shift_right_arithmetic3A_313 = arith.shrsi %gather3A_309, %shift_right_arithmetic3A_312 : vector<16xi32>
        %and3A_314 = arith.constant 127 : i32
        %and3A_315 = vector.broadcast %and3A_314 : i32 to vector<16xi32>
        %and3A_316 = arith.andi %gather3A_309, %and3A_315 : vector<16xi32>
        %gather3A_317 = tpu.vector_load_idx %arg6[%shift_right_arithmetic3A_6, %shift_right_arithmetic3A_313, %and3A_8, %and3A_316] : memref<2x16x8x128xf32, #tpu.memory_space<vmem>>[vector<16xi32>, vector<16xi32>, vector<16xi32>, vector<16xi32>], vector<16xf32>,
        %neg3A_318 = arith.constant 0.000000e+00 : f32
        %neg3A_319 = vector.broadcast %neg3A_318 : f32 to vector<16xf32>
        %neg3A_320 = arith.subf %neg3A_319, %gather3A_317 : vector<16xf32>
        %exp3A_321 = math.exp %neg3A_320 : vector<16xf32>
        %add3A_322 = arith.constant 1.000000e+00 : f32
        %add3A_323 = vector.broadcast %add3A_322 : f32 to vector<16xf32>
        %add3A_324 = arith.addf %add3A_323, %exp3A_321 : vector<16xf32>
        %div3A_325 = arith.constant 1.000000e+00 : f32
        %div3A_326 = vector.broadcast %div3A_325 : f32 to vector<16xf32>
        %div3A_327 = arith.divf %div3A_326, %add3A_324 : vector<16xf32>
        %le3A_328 = arith.cmpf ole, %gather3A_310, %div3A_327 : vector<16xf32>
        %jit3A_329 = arith.constant 1.000000e+00 : f32
        %jit3A_330 = arith.constant 0.000000e+00 : f32
        %broadcast_in_dim3A_331 = vector.broadcast %jit3A_329 : f32 to vector<16xf32>
        %broadcast_in_dim3A_332 = vector.broadcast %jit3A_330 : f32 to vector<16xf32>
        %select_n3A_333 = arith.select %le3A_328, %broadcast_in_dim3A_331, %broadcast_in_dim3A_332 : vector<16xi1>, vector<16xf32>
        %add3A_334 = arith.addi %mul3A_4, %gather3A_309 : vector<16xi32>
        %gather3A_335 = tpu.vector_load_idx %arg7[%add3A_334] : memref<32768xf32, #tpu.memory_space<vmem>>[vector<16xi32>], vector<16xf32>,
        tpu.vector_store_idx %arg7[%add3A_334], %select_n3A_333 : memref<32768xf32, #tpu.memory_space<vmem>>[vector<16xi32>], vector<16xf32>,
        %sub3A_336 = arith.subf %select_n3A_333, %gather3A_335 : vector<16xf32>
        %add3A_337 = arith.constant 64 : i32
        %add3A_338 = arith.addi %add3A_337, %add3A_307 : i32
        %mul3A_339 = arith.constant 16 : i32
        %mul3A_340 = arith.muli %add3A_338, %mul3A_339 : i32
        %swap3A_341 = arith.index_cast %mul3A_340 : i32 to index
        %swap3A_342 = tpu.vector_load %arg11[%swap3A_341] {strides = array<i32>} : memref<2048xi32, #tpu.memory_space<vmem>>, vector<16xi32>,
        tpu.vector_store %arg11[%swap3A_341], %gather3A_309 {strides = array<i32>} : memref<2048xi32, #tpu.memory_space<vmem>>, vector<16xi32>,
        %swap3A_343 = arith.index_cast %mul3A_340 : i32 to index
        %swap3A_344 = tpu.vector_load %arg12[%swap3A_343] {strides = array<i32>} : memref<2048xf32, #tpu.memory_space<vmem>>, vector<16xf32>,
        tpu.vector_store %arg12[%swap3A_343], %sub3A_336 {strides = array<i32>} : memref<2048xf32, #tpu.memory_space<vmem>>, vector<16xf32>,
        %add3A_345 = arith.addf %add3A_303, %sub3A_336 : vector<16xf32>
        scf.yield %add3A_345 : vector<16xf32>
      }
      %scan3A_137 = arith.constant 8 : i32
      %max3A_138 = arith.constant 1.000000e+00 : f32
      %max3A_139 = vector.broadcast %max3A_138 : f32 to vector<16xf32>
      %max3A_140 = arith.maximumf %scan3A_136, %max3A_139 : vector<16xf32>
      %div3A_141 = arith.constant 2.500000e-01 : f32
      %div3A_142 = vector.broadcast %div3A_141 : f32 to vector<16xf32>
      %div3A_143 = arith.divf %div3A_142, %max3A_140 : vector<16xf32>
      %scan3A_144 = arith.constant 0 : i32
      %scan3A_145 = arith.constant 0 : i32
      %scan3A_146 = arith.constant 8 : i32
      %scan3A_147 = arith.addi %scan3A_145, %scan3A_146 : i32
      %scan3A_148 = arith.constant 1 : i32
      scf.for %scan3A_184 = %scan3A_145 to %scan3A_147 step %scan3A_148  : i32 {
        %mul3A_185 = arith.constant 4 : i32
        %mul3A_186 = arith.muli %scan3A_184, %mul3A_185 : i32
        %add3A_187 = arith.constant 64 : i32
        %add3A_188 = arith.addi %add3A_187, %mul3A_186 : i32
        %add3A_189 = arith.constant 0 : i32
        %add3A_190 = arith.addi %add3A_188, %add3A_189 : i32
        %mul3A_191 = arith.constant 16 : i32
        %mul3A_192 = arith.muli %add3A_190, %mul3A_191 : i32
        %get3A = arith.index_cast %mul3A_192 : i32 to index
        %get3A_193 = tpu.vector_load %arg11[%get3A] {strides = array<i32>} : memref<2048xi32, #tpu.memory_space<vmem>>, vector<16xi32>,
        %get3A_194 = arith.index_cast %mul3A_192 : i32 to index
        %get3A_195 = tpu.vector_load %arg12[%get3A_194] {strides = array<i32>} : memref<2048xf32, #tpu.memory_space<vmem>>, vector<16xf32>,
        %shift_right_arithmetic3A_196 = arith.constant 7 : i32
        %shift_right_arithmetic3A_197 = vector.broadcast %shift_right_arithmetic3A_196 : i32 to vector<16xi32>
        %shift_right_arithmetic3A_198 = arith.shrsi %get3A_193, %shift_right_arithmetic3A_197 : vector<16xi32>
        %and3A_199 = arith.constant 127 : i32
        %and3A_200 = vector.broadcast %and3A_199 : i32 to vector<16xi32>
        %and3A_201 = arith.andi %get3A_193, %and3A_200 : vector<16xi32>
        %mul3A_202 = arith.mulf %get3A_195, %div3A_143 : vector<16xf32>
        tpu.vector_store_idx %arg8[%shift_right_arithmetic3A_6, %shift_right_arithmetic3A_198, %and3A_8, %and3A_201], %mul3A_202 {add = true} : memref<2x16x8x128xf32, #tpu.memory_space<vmem>>[vector<16xi32>, vector<16xi32>, vector<16xi32>, vector<16xi32>], vector<16xf32>,
        %add3A_203 = arith.addi %mul3A_4, %get3A_193 : vector<16xi32>
        tpu.vector_store_idx %arg7[%add3A_203], %broadcast_in_dim3A_1 : memref<32768xf32, #tpu.memory_space<vmem>>[vector<16xi32>], vector<16xf32>,
        %mul3A_204 = arith.constant 4 : i32
        %mul3A_205 = arith.muli %scan3A_184, %mul3A_204 : i32
        %add3A_206 = arith.constant 64 : i32
        %add3A_207 = arith.addi %add3A_206, %mul3A_205 : i32
        %add3A_208 = arith.constant 1 : i32
        %add3A_209 = arith.addi %add3A_207, %add3A_208 : i32
        %mul3A_210 = arith.constant 16 : i32
        %mul3A_211 = arith.muli %add3A_209, %mul3A_210 : i32
        %get3A_212 = arith.index_cast %mul3A_211 : i32 to index
        %get3A_213 = tpu.vector_load %arg11[%get3A_212] {strides = array<i32>} : memref<2048xi32, #tpu.memory_space<vmem>>, vector<16xi32>,
        %get3A_214 = arith.index_cast %mul3A_211 : i32 to index
        %get3A_215 = tpu.vector_load %arg12[%get3A_214] {strides = array<i32>} : memref<2048xf32, #tpu.memory_space<vmem>>, vector<16xf32>,
        %shift_right_arithmetic3A_216 = arith.constant 7 : i32
        %shift_right_arithmetic3A_217 = vector.broadcast %shift_right_arithmetic3A_216 : i32 to vector<16xi32>
        %shift_right_arithmetic3A_218 = arith.shrsi %get3A_213, %shift_right_arithmetic3A_217 : vector<16xi32>
        %and3A_219 = arith.constant 127 : i32
        %and3A_220 = vector.broadcast %and3A_219 : i32 to vector<16xi32>
        %and3A_221 = arith.andi %get3A_213, %and3A_220 : vector<16xi32>
        %mul3A_222 = arith.mulf %get3A_215, %div3A_143 : vector<16xf32>
        tpu.vector_store_idx %arg8[%shift_right_arithmetic3A_6, %shift_right_arithmetic3A_218, %and3A_8, %and3A_221], %mul3A_222 {add = true} : memref<2x16x8x128xf32, #tpu.memory_space<vmem>>[vector<16xi32>, vector<16xi32>, vector<16xi32>, vector<16xi32>], vector<16xf32>,
        %add3A_223 = arith.addi %mul3A_4, %get3A_213 : vector<16xi32>
        tpu.vector_store_idx %arg7[%add3A_223], %broadcast_in_dim3A_1 : memref<32768xf32, #tpu.memory_space<vmem>>[vector<16xi32>], vector<16xf32>,
        %mul3A_224 = arith.constant 4 : i32
        %mul3A_225 = arith.muli %scan3A_184, %mul3A_224 : i32
        %add3A_226 = arith.constant 64 : i32
        %add3A_227 = arith.addi %add3A_226, %mul3A_225 : i32
        %add3A_228 = arith.constant 2 : i32
        %add3A_229 = arith.addi %add3A_227, %add3A_228 : i32
        %mul3A_230 = arith.constant 16 : i32
        %mul3A_231 = arith.muli %add3A_229, %mul3A_230 : i32
        %get3A_232 = arith.index_cast %mul3A_231 : i32 to index
        %get3A_233 = tpu.vector_load %arg11[%get3A_232] {strides = array<i32>} : memref<2048xi32, #tpu.memory_space<vmem>>, vector<16xi32>,
        %get3A_234 = arith.index_cast %mul3A_231 : i32 to index
        %get3A_235 = tpu.vector_load %arg12[%get3A_234] {strides = array<i32>} : memref<2048xf32, #tpu.memory_space<vmem>>, vector<16xf32>,
        %shift_right_arithmetic3A_236 = arith.constant 7 : i32
        %shift_right_arithmetic3A_237 = vector.broadcast %shift_right_arithmetic3A_236 : i32 to vector<16xi32>
        %shift_right_arithmetic3A_238 = arith.shrsi %get3A_233, %shift_right_arithmetic3A_237 : vector<16xi32>
        %and3A_239 = arith.constant 127 : i32
        %and3A_240 = vector.broadcast %and3A_239 : i32 to vector<16xi32>
        %and3A_241 = arith.andi %get3A_233, %and3A_240 : vector<16xi32>
        %mul3A_242 = arith.mulf %get3A_235, %div3A_143 : vector<16xf32>
        tpu.vector_store_idx %arg8[%shift_right_arithmetic3A_6, %shift_right_arithmetic3A_238, %and3A_8, %and3A_241], %mul3A_242 {add = true} : memref<2x16x8x128xf32, #tpu.memory_space<vmem>>[vector<16xi32>, vector<16xi32>, vector<16xi32>, vector<16xi32>], vector<16xf32>,
        %add3A_243 = arith.addi %mul3A_4, %get3A_233 : vector<16xi32>
        tpu.vector_store_idx %arg7[%add3A_243], %broadcast_in_dim3A_1 : memref<32768xf32, #tpu.memory_space<vmem>>[vector<16xi32>], vector<16xf32>,
        %mul3A_244 = arith.constant 4 : i32
        %mul3A_245 = arith.muli %scan3A_184, %mul3A_244 : i32
        %add3A_246 = arith.constant 64 : i32
        %add3A_247 = arith.addi %add3A_246, %mul3A_245 : i32
        %add3A_248 = arith.constant 3 : i32
        %add3A_249 = arith.addi %add3A_247, %add3A_248 : i32
        %mul3A_250 = arith.constant 16 : i32
        %mul3A_251 = arith.muli %add3A_249, %mul3A_250 : i32
        %get3A_252 = arith.index_cast %mul3A_251 : i32 to index
        %get3A_253 = tpu.vector_load %arg11[%get3A_252] {strides = array<i32>} : memref<2048xi32, #tpu.memory_space<vmem>>, vector<16xi32>,
        %get3A_254 = arith.index_cast %mul3A_251 : i32 to index
        %get3A_255 = tpu.vector_load %arg12[%get3A_254] {strides = array<i32>} : memref<2048xf32, #tpu.memory_space<vmem>>, vector<16xf32>,
        %shift_right_arithmetic3A_256 = arith.constant 7 : i32
        %shift_right_arithmetic3A_257 = vector.broadcast %shift_right_arithmetic3A_256 : i32 to vector<16xi32>
        %shift_right_arithmetic3A_258 = arith.shrsi %get3A_253, %shift_right_arithmetic3A_257 : vector<16xi32>
        %and3A_259 = arith.constant 127 : i32
        %and3A_260 = vector.broadcast %and3A_259 : i32 to vector<16xi32>
        %and3A_261 = arith.andi %get3A_253, %and3A_260 : vector<16xi32>
        %mul3A_262 = arith.mulf %get3A_255, %div3A_143 : vector<16xf32>
        tpu.vector_store_idx %arg8[%shift_right_arithmetic3A_6, %shift_right_arithmetic3A_258, %and3A_8, %and3A_261], %mul3A_262 {add = true} : memref<2x16x8x128xf32, #tpu.memory_space<vmem>>[vector<16xi32>, vector<16xi32>, vector<16xi32>, vector<16xi32>], vector<16xf32>,
        %add3A_263 = arith.addi %mul3A_4, %get3A_253 : vector<16xi32>
        tpu.vector_store_idx %arg7[%add3A_263], %broadcast_in_dim3A_1 : memref<32768xf32, #tpu.memory_space<vmem>>[vector<16xi32>], vector<16xf32>,
      }
      %scan3A_149 = arith.constant 8 : i32
      %mul3A_150 = arith.constant 4 : i32
      %mul3A_151 = vector.broadcast %mul3A_150 : i32 to vector<16xi32>
      %mul3A_152 = arith.muli %iota3A, %mul3A_151 : vector<16xi32>
      %add3A_153 = arith.constant 3 : i32
      %add3A_154 = vector.broadcast %add3A_153 : i32 to vector<16xi32>
      %add3A_155 = arith.addi %mul3A_152, %add3A_154 : vector<16xi32>
      %add3A_156 = vector.broadcast %mul3A_73 : i32 to vector<16xi32>
      %add3A_157 = arith.addi %add3A_155, %add3A_156 : vector<16xi32>
      %scan3A_158 = arith.constant 0 : i32
      %scan3A_159 = arith.constant 8 : i32
      %scan3A_160 = arith.addi %scan3A_158, %scan3A_159 : i32
      %scan3A_161 = arith.constant 1 : i32
      %scan3A_162 = scf.for %scan3A_184 = %scan3A_158 to %scan3A_160 step %scan3A_161 iter_args(%scan3A_185 = %broadcast_in_dim3A_1) -> (vector<16xf32>)  : i32 {
        %mul3A_186 = arith.constant 4 : i32
        %mul3A_187 = arith.muli %scan3A_184, %mul3A_186 : i32
        %add3A_188 = arith.constant 0 : i32
        %add3A_189 = arith.addi %mul3A_187, %add3A_188 : i32
        %broadcast_in_dim3A_190 = vector.broadcast %add3A_189 : i32 to vector<16xi32>
        %gather3A = tpu.vector_load_idx %arg9[%broadcast_in_dim3A_190, %add3A_157] : memref<32x128xi32, #tpu.memory_space<vmem>>[vector<16xi32>, vector<16xi32>], vector<16xi32>,
        %gather3A_191 = tpu.vector_load_idx %arg10[%broadcast_in_dim3A_190, %add3A_157] : memref<32x128xf32, #tpu.memory_space<vmem>>[vector<16xi32>, vector<16xi32>], vector<16xf32>,
        %shift_right_arithmetic3A_192 = arith.constant 7 : i32
        %shift_right_arithmetic3A_193 = vector.broadcast %shift_right_arithmetic3A_192 : i32 to vector<16xi32>
        %shift_right_arithmetic3A_194 = arith.shrsi %gather3A, %shift_right_arithmetic3A_193 : vector<16xi32>
        %and3A_195 = arith.constant 127 : i32
        %and3A_196 = vector.broadcast %and3A_195 : i32 to vector<16xi32>
        %and3A_197 = arith.andi %gather3A, %and3A_196 : vector<16xi32>
        %gather3A_198 = tpu.vector_load_idx %arg6[%shift_right_arithmetic3A_6, %shift_right_arithmetic3A_194, %and3A_8, %and3A_197] : memref<2x16x8x128xf32, #tpu.memory_space<vmem>>[vector<16xi32>, vector<16xi32>, vector<16xi32>, vector<16xi32>], vector<16xf32>,
        %neg3A = arith.constant 0.000000e+00 : f32
        %neg3A_199 = vector.broadcast %neg3A : f32 to vector<16xf32>
        %neg3A_200 = arith.subf %neg3A_199, %gather3A_198 : vector<16xf32>
        %exp3A = math.exp %neg3A_200 : vector<16xf32>
        %add3A_201 = arith.constant 1.000000e+00 : f32
        %add3A_202 = vector.broadcast %add3A_201 : f32 to vector<16xf32>
        %add3A_203 = arith.addf %add3A_202, %exp3A : vector<16xf32>
        %div3A_204 = arith.constant 1.000000e+00 : f32
        %div3A_205 = vector.broadcast %div3A_204 : f32 to vector<16xf32>
        %div3A_206 = arith.divf %div3A_205, %add3A_203 : vector<16xf32>
        %le3A = arith.cmpf ole, %gather3A_191, %div3A_206 : vector<16xf32>
        %jit3A = arith.constant 1.000000e+00 : f32
        %jit3A_207 = arith.constant 0.000000e+00 : f32
        %broadcast_in_dim3A_208 = vector.broadcast %jit3A : f32 to vector<16xf32>
        %broadcast_in_dim3A_209 = vector.broadcast %jit3A_207 : f32 to vector<16xf32>
        %select_n3A = arith.select %le3A, %broadcast_in_dim3A_208, %broadcast_in_dim3A_209 : vector<16xi1>, vector<16xf32>
        %add3A_210 = arith.addi %mul3A_4, %gather3A : vector<16xi32>
        %gather3A_211 = tpu.vector_load_idx %arg7[%add3A_210] : memref<32768xf32, #tpu.memory_space<vmem>>[vector<16xi32>], vector<16xf32>,
        tpu.vector_store_idx %arg7[%add3A_210], %select_n3A : memref<32768xf32, #tpu.memory_space<vmem>>[vector<16xi32>], vector<16xf32>,
        %sub3A = arith.subf %select_n3A, %gather3A_211 : vector<16xf32>
        %add3A_212 = arith.constant 96 : i32
        %add3A_213 = arith.addi %add3A_212, %add3A_189 : i32
        %mul3A_214 = arith.constant 16 : i32
        %mul3A_215 = arith.muli %add3A_213, %mul3A_214 : i32
        %swap3A = arith.index_cast %mul3A_215 : i32 to index
        %swap3A_216 = tpu.vector_load %arg11[%swap3A] {strides = array<i32>} : memref<2048xi32, #tpu.memory_space<vmem>>, vector<16xi32>,
        tpu.vector_store %arg11[%swap3A], %gather3A {strides = array<i32>} : memref<2048xi32, #tpu.memory_space<vmem>>, vector<16xi32>,
        %swap3A_217 = arith.index_cast %mul3A_215 : i32 to index
        %swap3A_218 = tpu.vector_load %arg12[%swap3A_217] {strides = array<i32>} : memref<2048xf32, #tpu.memory_space<vmem>>, vector<16xf32>,
        tpu.vector_store %arg12[%swap3A_217], %sub3A {strides = array<i32>} : memref<2048xf32, #tpu.memory_space<vmem>>, vector<16xf32>,
        %add3A_219 = arith.addf %scan3A_185, %sub3A : vector<16xf32>
        %mul3A_220 = arith.constant 4 : i32
        %mul3A_221 = arith.muli %scan3A_184, %mul3A_220 : i32
        %add3A_222 = arith.constant 1 : i32
        %add3A_223 = arith.addi %mul3A_221, %add3A_222 : i32
        %broadcast_in_dim3A_224 = vector.broadcast %add3A_223 : i32 to vector<16xi32>
        %gather3A_225 = tpu.vector_load_idx %arg9[%broadcast_in_dim3A_224, %add3A_157] : memref<32x128xi32, #tpu.memory_space<vmem>>[vector<16xi32>, vector<16xi32>], vector<16xi32>,
        %gather3A_226 = tpu.vector_load_idx %arg10[%broadcast_in_dim3A_224, %add3A_157] : memref<32x128xf32, #tpu.memory_space<vmem>>[vector<16xi32>, vector<16xi32>], vector<16xf32>,
        %shift_right_arithmetic3A_227 = arith.constant 7 : i32
        %shift_right_arithmetic3A_228 = vector.broadcast %shift_right_arithmetic3A_227 : i32 to vector<16xi32>
        %shift_right_arithmetic3A_229 = arith.shrsi %gather3A_225, %shift_right_arithmetic3A_228 : vector<16xi32>
        %and3A_230 = arith.constant 127 : i32
        %and3A_231 = vector.broadcast %and3A_230 : i32 to vector<16xi32>
        %and3A_232 = arith.andi %gather3A_225, %and3A_231 : vector<16xi32>
        %gather3A_233 = tpu.vector_load_idx %arg6[%shift_right_arithmetic3A_6, %shift_right_arithmetic3A_229, %and3A_8, %and3A_232] : memref<2x16x8x128xf32, #tpu.memory_space<vmem>>[vector<16xi32>, vector<16xi32>, vector<16xi32>, vector<16xi32>], vector<16xf32>,
        %neg3A_234 = arith.constant 0.000000e+00 : f32
        %neg3A_235 = vector.broadcast %neg3A_234 : f32 to vector<16xf32>
        %neg3A_236 = arith.subf %neg3A_235, %gather3A_233 : vector<16xf32>
        %exp3A_237 = math.exp %neg3A_236 : vector<16xf32>
        %add3A_238 = arith.constant 1.000000e+00 : f32
        %add3A_239 = vector.broadcast %add3A_238 : f32 to vector<16xf32>
        %add3A_240 = arith.addf %add3A_239, %exp3A_237 : vector<16xf32>
        %div3A_241 = arith.constant 1.000000e+00 : f32
        %div3A_242 = vector.broadcast %div3A_241 : f32 to vector<16xf32>
        %div3A_243 = arith.divf %div3A_242, %add3A_240 : vector<16xf32>
        %le3A_244 = arith.cmpf ole, %gather3A_226, %div3A_243 : vector<16xf32>
        %jit3A_245 = arith.constant 1.000000e+00 : f32
        %jit3A_246 = arith.constant 0.000000e+00 : f32
        %broadcast_in_dim3A_247 = vector.broadcast %jit3A_245 : f32 to vector<16xf32>
        %broadcast_in_dim3A_248 = vector.broadcast %jit3A_246 : f32 to vector<16xf32>
        %select_n3A_249 = arith.select %le3A_244, %broadcast_in_dim3A_247, %broadcast_in_dim3A_248 : vector<16xi1>, vector<16xf32>
        %add3A_250 = arith.addi %mul3A_4, %gather3A_225 : vector<16xi32>
        %gather3A_251 = tpu.vector_load_idx %arg7[%add3A_250] : memref<32768xf32, #tpu.memory_space<vmem>>[vector<16xi32>], vector<16xf32>,
        tpu.vector_store_idx %arg7[%add3A_250], %select_n3A_249 : memref<32768xf32, #tpu.memory_space<vmem>>[vector<16xi32>], vector<16xf32>,
        %sub3A_252 = arith.subf %select_n3A_249, %gather3A_251 : vector<16xf32>
        %add3A_253 = arith.constant 96 : i32
        %add3A_254 = arith.addi %add3A_253, %add3A_223 : i32
        %mul3A_255 = arith.constant 16 : i32
        %mul3A_256 = arith.muli %add3A_254, %mul3A_255 : i32
        %swap3A_257 = arith.index_cast %mul3A_256 : i32 to index
        %swap3A_258 = tpu.vector_load %arg11[%swap3A_257] {strides = array<i32>} : memref<2048xi32, #tpu.memory_space<vmem>>, vector<16xi32>,
        tpu.vector_store %arg11[%swap3A_257], %gather3A_225 {strides = array<i32>} : memref<2048xi32, #tpu.memory_space<vmem>>, vector<16xi32>,
        %swap3A_259 = arith.index_cast %mul3A_256 : i32 to index
        %swap3A_260 = tpu.vector_load %arg12[%swap3A_259] {strides = array<i32>} : memref<2048xf32, #tpu.memory_space<vmem>>, vector<16xf32>,
        tpu.vector_store %arg12[%swap3A_259], %sub3A_252 {strides = array<i32>} : memref<2048xf32, #tpu.memory_space<vmem>>, vector<16xf32>,
        %add3A_261 = arith.addf %add3A_219, %sub3A_252 : vector<16xf32>
        %mul3A_262 = arith.constant 4 : i32
        %mul3A_263 = arith.muli %scan3A_184, %mul3A_262 : i32
        %add3A_264 = arith.constant 2 : i32
        %add3A_265 = arith.addi %mul3A_263, %add3A_264 : i32
        %broadcast_in_dim3A_266 = vector.broadcast %add3A_265 : i32 to vector<16xi32>
        %gather3A_267 = tpu.vector_load_idx %arg9[%broadcast_in_dim3A_266, %add3A_157] : memref<32x128xi32, #tpu.memory_space<vmem>>[vector<16xi32>, vector<16xi32>], vector<16xi32>,
        %gather3A_268 = tpu.vector_load_idx %arg10[%broadcast_in_dim3A_266, %add3A_157] : memref<32x128xf32, #tpu.memory_space<vmem>>[vector<16xi32>, vector<16xi32>], vector<16xf32>,
        %shift_right_arithmetic3A_269 = arith.constant 7 : i32
        %shift_right_arithmetic3A_270 = vector.broadcast %shift_right_arithmetic3A_269 : i32 to vector<16xi32>
        %shift_right_arithmetic3A_271 = arith.shrsi %gather3A_267, %shift_right_arithmetic3A_270 : vector<16xi32>
        %and3A_272 = arith.constant 127 : i32
        %and3A_273 = vector.broadcast %and3A_272 : i32 to vector<16xi32>
        %and3A_274 = arith.andi %gather3A_267, %and3A_273 : vector<16xi32>
        %gather3A_275 = tpu.vector_load_idx %arg6[%shift_right_arithmetic3A_6, %shift_right_arithmetic3A_271, %and3A_8, %and3A_274] : memref<2x16x8x128xf32, #tpu.memory_space<vmem>>[vector<16xi32>, vector<16xi32>, vector<16xi32>, vector<16xi32>], vector<16xf32>,
        %neg3A_276 = arith.constant 0.000000e+00 : f32
        %neg3A_277 = vector.broadcast %neg3A_276 : f32 to vector<16xf32>
        %neg3A_278 = arith.subf %neg3A_277, %gather3A_275 : vector<16xf32>
        %exp3A_279 = math.exp %neg3A_278 : vector<16xf32>
        %add3A_280 = arith.constant 1.000000e+00 : f32
        %add3A_281 = vector.broadcast %add3A_280 : f32 to vector<16xf32>
        %add3A_282 = arith.addf %add3A_281, %exp3A_279 : vector<16xf32>
        %div3A_283 = arith.constant 1.000000e+00 : f32
        %div3A_284 = vector.broadcast %div3A_283 : f32 to vector<16xf32>
        %div3A_285 = arith.divf %div3A_284, %add3A_282 : vector<16xf32>
        %le3A_286 = arith.cmpf ole, %gather3A_268, %div3A_285 : vector<16xf32>
        %jit3A_287 = arith.constant 1.000000e+00 : f32
        %jit3A_288 = arith.constant 0.000000e+00 : f32
        %broadcast_in_dim3A_289 = vector.broadcast %jit3A_287 : f32 to vector<16xf32>
        %broadcast_in_dim3A_290 = vector.broadcast %jit3A_288 : f32 to vector<16xf32>
        %select_n3A_291 = arith.select %le3A_286, %broadcast_in_dim3A_289, %broadcast_in_dim3A_290 : vector<16xi1>, vector<16xf32>
        %add3A_292 = arith.addi %mul3A_4, %gather3A_267 : vector<16xi32>
        %gather3A_293 = tpu.vector_load_idx %arg7[%add3A_292] : memref<32768xf32, #tpu.memory_space<vmem>>[vector<16xi32>], vector<16xf32>,
        tpu.vector_store_idx %arg7[%add3A_292], %select_n3A_291 : memref<32768xf32, #tpu.memory_space<vmem>>[vector<16xi32>], vector<16xf32>,
        %sub3A_294 = arith.subf %select_n3A_291, %gather3A_293 : vector<16xf32>
        %add3A_295 = arith.constant 96 : i32
        %add3A_296 = arith.addi %add3A_295, %add3A_265 : i32
        %mul3A_297 = arith.constant 16 : i32
        %mul3A_298 = arith.muli %add3A_296, %mul3A_297 : i32
        %swap3A_299 = arith.index_cast %mul3A_298 : i32 to index
        %swap3A_300 = tpu.vector_load %arg11[%swap3A_299] {strides = array<i32>} : memref<2048xi32, #tpu.memory_space<vmem>>, vector<16xi32>,
        tpu.vector_store %arg11[%swap3A_299], %gather3A_267 {strides = array<i32>} : memref<2048xi32, #tpu.memory_space<vmem>>, vector<16xi32>,
        %swap3A_301 = arith.index_cast %mul3A_298 : i32 to index
        %swap3A_302 = tpu.vector_load %arg12[%swap3A_301] {strides = array<i32>} : memref<2048xf32, #tpu.memory_space<vmem>>, vector<16xf32>,
        tpu.vector_store %arg12[%swap3A_301], %sub3A_294 {strides = array<i32>} : memref<2048xf32, #tpu.memory_space<vmem>>, vector<16xf32>,
        %add3A_303 = arith.addf %add3A_261, %sub3A_294 : vector<16xf32>
        %mul3A_304 = arith.constant 4 : i32
        %mul3A_305 = arith.muli %scan3A_184, %mul3A_304 : i32
        %add3A_306 = arith.constant 3 : i32
        %add3A_307 = arith.addi %mul3A_305, %add3A_306 : i32
        %broadcast_in_dim3A_308 = vector.broadcast %add3A_307 : i32 to vector<16xi32>
        %gather3A_309 = tpu.vector_load_idx %arg9[%broadcast_in_dim3A_308, %add3A_157] : memref<32x128xi32, #tpu.memory_space<vmem>>[vector<16xi32>, vector<16xi32>], vector<16xi32>,
        %gather3A_310 = tpu.vector_load_idx %arg10[%broadcast_in_dim3A_308, %add3A_157] : memref<32x128xf32, #tpu.memory_space<vmem>>[vector<16xi32>, vector<16xi32>], vector<16xf32>,
        %shift_right_arithmetic3A_311 = arith.constant 7 : i32
        %shift_right_arithmetic3A_312 = vector.broadcast %shift_right_arithmetic3A_311 : i32 to vector<16xi32>
        %shift_right_arithmetic3A_313 = arith.shrsi %gather3A_309, %shift_right_arithmetic3A_312 : vector<16xi32>
        %and3A_314 = arith.constant 127 : i32
        %and3A_315 = vector.broadcast %and3A_314 : i32 to vector<16xi32>
        %and3A_316 = arith.andi %gather3A_309, %and3A_315 : vector<16xi32>
        %gather3A_317 = tpu.vector_load_idx %arg6[%shift_right_arithmetic3A_6, %shift_right_arithmetic3A_313, %and3A_8, %and3A_316] : memref<2x16x8x128xf32, #tpu.memory_space<vmem>>[vector<16xi32>, vector<16xi32>, vector<16xi32>, vector<16xi32>], vector<16xf32>,
        %neg3A_318 = arith.constant 0.000000e+00 : f32
        %neg3A_319 = vector.broadcast %neg3A_318 : f32 to vector<16xf32>
        %neg3A_320 = arith.subf %neg3A_319, %gather3A_317 : vector<16xf32>
        %exp3A_321 = math.exp %neg3A_320 : vector<16xf32>
        %add3A_322 = arith.constant 1.000000e+00 : f32
        %add3A_323 = vector.broadcast %add3A_322 : f32 to vector<16xf32>
        %add3A_324 = arith.addf %add3A_323, %exp3A_321 : vector<16xf32>
        %div3A_325 = arith.constant 1.000000e+00 : f32
        %div3A_326 = vector.broadcast %div3A_325 : f32 to vector<16xf32>
        %div3A_327 = arith.divf %div3A_326, %add3A_324 : vector<16xf32>
        %le3A_328 = arith.cmpf ole, %gather3A_310, %div3A_327 : vector<16xf32>
        %jit3A_329 = arith.constant 1.000000e+00 : f32
        %jit3A_330 = arith.constant 0.000000e+00 : f32
        %broadcast_in_dim3A_331 = vector.broadcast %jit3A_329 : f32 to vector<16xf32>
        %broadcast_in_dim3A_332 = vector.broadcast %jit3A_330 : f32 to vector<16xf32>
        %select_n3A_333 = arith.select %le3A_328, %broadcast_in_dim3A_331, %broadcast_in_dim3A_332 : vector<16xi1>, vector<16xf32>
        %add3A_334 = arith.addi %mul3A_4, %gather3A_309 : vector<16xi32>
        %gather3A_335 = tpu.vector_load_idx %arg7[%add3A_334] : memref<32768xf32, #tpu.memory_space<vmem>>[vector<16xi32>], vector<16xf32>,
        tpu.vector_store_idx %arg7[%add3A_334], %select_n3A_333 : memref<32768xf32, #tpu.memory_space<vmem>>[vector<16xi32>], vector<16xf32>,
        %sub3A_336 = arith.subf %select_n3A_333, %gather3A_335 : vector<16xf32>
        %add3A_337 = arith.constant 96 : i32
        %add3A_338 = arith.addi %add3A_337, %add3A_307 : i32
        %mul3A_339 = arith.constant 16 : i32
        %mul3A_340 = arith.muli %add3A_338, %mul3A_339 : i32
        %swap3A_341 = arith.index_cast %mul3A_340 : i32 to index
        %swap3A_342 = tpu.vector_load %arg11[%swap3A_341] {strides = array<i32>} : memref<2048xi32, #tpu.memory_space<vmem>>, vector<16xi32>,
        tpu.vector_store %arg11[%swap3A_341], %gather3A_309 {strides = array<i32>} : memref<2048xi32, #tpu.memory_space<vmem>>, vector<16xi32>,
        %swap3A_343 = arith.index_cast %mul3A_340 : i32 to index
        %swap3A_344 = tpu.vector_load %arg12[%swap3A_343] {strides = array<i32>} : memref<2048xf32, #tpu.memory_space<vmem>>, vector<16xf32>,
        tpu.vector_store %arg12[%swap3A_343], %sub3A_336 {strides = array<i32>} : memref<2048xf32, #tpu.memory_space<vmem>>, vector<16xf32>,
        %add3A_345 = arith.addf %add3A_303, %sub3A_336 : vector<16xf32>
        scf.yield %add3A_345 : vector<16xf32>
      }
      %scan3A_163 = arith.constant 8 : i32
      %max3A_164 = arith.constant 1.000000e+00 : f32
      %max3A_165 = vector.broadcast %max3A_164 : f32 to vector<16xf32>
      %max3A_166 = arith.maximumf %scan3A_162, %max3A_165 : vector<16xf32>
      %div3A_167 = arith.constant 2.500000e-01 : f32
      %div3A_168 = vector.broadcast %div3A_167 : f32 to vector<16xf32>
      %div3A_169 = arith.divf %div3A_168, %max3A_166 : vector<16xf32>
      %scan3A_170 = arith.constant 0 : i32
      %scan3A_171 = arith.constant 0 : i32
      %scan3A_172 = arith.constant 8 : i32
      %scan3A_173 = arith.addi %scan3A_171, %scan3A_172 : i32
      %scan3A_174 = arith.constant 1 : i32
      scf.for %scan3A_184 = %scan3A_171 to %scan3A_173 step %scan3A_174  : i32 {
        %mul3A_185 = arith.constant 4 : i32
        %mul3A_186 = arith.muli %scan3A_184, %mul3A_185 : i32
        %add3A_187 = arith.constant 96 : i32
        %add3A_188 = arith.addi %add3A_187, %mul3A_186 : i32
        %add3A_189 = arith.constant 0 : i32
        %add3A_190 = arith.addi %add3A_188, %add3A_189 : i32
        %mul3A_191 = arith.constant 16 : i32
        %mul3A_192 = arith.muli %add3A_190, %mul3A_191 : i32
        %get3A = arith.index_cast %mul3A_192 : i32 to index
        %get3A_193 = tpu.vector_load %arg11[%get3A] {strides = array<i32>} : memref<2048xi32, #tpu.memory_space<vmem>>, vector<16xi32>,
        %get3A_194 = arith.index_cast %mul3A_192 : i32 to index
        %get3A_195 = tpu.vector_load %arg12[%get3A_194] {strides = array<i32>} : memref<2048xf32, #tpu.memory_space<vmem>>, vector<16xf32>,
        %shift_right_arithmetic3A_196 = arith.constant 7 : i32
        %shift_right_arithmetic3A_197 = vector.broadcast %shift_right_arithmetic3A_196 : i32 to vector<16xi32>
        %shift_right_arithmetic3A_198 = arith.shrsi %get3A_193, %shift_right_arithmetic3A_197 : vector<16xi32>
        %and3A_199 = arith.constant 127 : i32
        %and3A_200 = vector.broadcast %and3A_199 : i32 to vector<16xi32>
        %and3A_201 = arith.andi %get3A_193, %and3A_200 : vector<16xi32>
        %mul3A_202 = arith.mulf %get3A_195, %div3A_169 : vector<16xf32>
        tpu.vector_store_idx %arg8[%shift_right_arithmetic3A_6, %shift_right_arithmetic3A_198, %and3A_8, %and3A_201], %mul3A_202 {add = true} : memref<2x16x8x128xf32, #tpu.memory_space<vmem>>[vector<16xi32>, vector<16xi32>, vector<16xi32>, vector<16xi32>], vector<16xf32>,
        %add3A_203 = arith.addi %mul3A_4, %get3A_193 : vector<16xi32>
        tpu.vector_store_idx %arg7[%add3A_203], %broadcast_in_dim3A_1 : memref<32768xf32, #tpu.memory_space<vmem>>[vector<16xi32>], vector<16xf32>,
        %mul3A_204 = arith.constant 4 : i32
        %mul3A_205 = arith.muli %scan3A_184, %mul3A_204 : i32
        %add3A_206 = arith.constant 96 : i32
        %add3A_207 = arith.addi %add3A_206, %mul3A_205 : i32
        %add3A_208 = arith.constant 1 : i32
        %add3A_209 = arith.addi %add3A_207, %add3A_208 : i32
        %mul3A_210 = arith.constant 16 : i32
        %mul3A_211 = arith.muli %add3A_209, %mul3A_210 : i32
        %get3A_212 = arith.index_cast %mul3A_211 : i32 to index
        %get3A_213 = tpu.vector_load %arg11[%get3A_212] {strides = array<i32>} : memref<2048xi32, #tpu.memory_space<vmem>>, vector<16xi32>,
        %get3A_214 = arith.index_cast %mul3A_211 : i32 to index
        %get3A_215 = tpu.vector_load %arg12[%get3A_214] {strides = array<i32>} : memref<2048xf32, #tpu.memory_space<vmem>>, vector<16xf32>,
        %shift_right_arithmetic3A_216 = arith.constant 7 : i32
        %shift_right_arithmetic3A_217 = vector.broadcast %shift_right_arithmetic3A_216 : i32 to vector<16xi32>
        %shift_right_arithmetic3A_218 = arith.shrsi %get3A_213, %shift_right_arithmetic3A_217 : vector<16xi32>
        %and3A_219 = arith.constant 127 : i32
        %and3A_220 = vector.broadcast %and3A_219 : i32 to vector<16xi32>
        %and3A_221 = arith.andi %get3A_213, %and3A_220 : vector<16xi32>
        %mul3A_222 = arith.mulf %get3A_215, %div3A_169 : vector<16xf32>
        tpu.vector_store_idx %arg8[%shift_right_arithmetic3A_6, %shift_right_arithmetic3A_218, %and3A_8, %and3A_221], %mul3A_222 {add = true} : memref<2x16x8x128xf32, #tpu.memory_space<vmem>>[vector<16xi32>, vector<16xi32>, vector<16xi32>, vector<16xi32>], vector<16xf32>,
        %add3A_223 = arith.addi %mul3A_4, %get3A_213 : vector<16xi32>
        tpu.vector_store_idx %arg7[%add3A_223], %broadcast_in_dim3A_1 : memref<32768xf32, #tpu.memory_space<vmem>>[vector<16xi32>], vector<16xf32>,
        %mul3A_224 = arith.constant 4 : i32
        %mul3A_225 = arith.muli %scan3A_184, %mul3A_224 : i32
        %add3A_226 = arith.constant 96 : i32
        %add3A_227 = arith.addi %add3A_226, %mul3A_225 : i32
        %add3A_228 = arith.constant 2 : i32
        %add3A_229 = arith.addi %add3A_227, %add3A_228 : i32
        %mul3A_230 = arith.constant 16 : i32
        %mul3A_231 = arith.muli %add3A_229, %mul3A_230 : i32
        %get3A_232 = arith.index_cast %mul3A_231 : i32 to index
        %get3A_233 = tpu.vector_load %arg11[%get3A_232] {strides = array<i32>} : memref<2048xi32, #tpu.memory_space<vmem>>, vector<16xi32>,
        %get3A_234 = arith.index_cast %mul3A_231 : i32 to index
        %get3A_235 = tpu.vector_load %arg12[%get3A_234] {strides = array<i32>} : memref<2048xf32, #tpu.memory_space<vmem>>, vector<16xf32>,
        %shift_right_arithmetic3A_236 = arith.constant 7 : i32
        %shift_right_arithmetic3A_237 = vector.broadcast %shift_right_arithmetic3A_236 : i32 to vector<16xi32>
        %shift_right_arithmetic3A_238 = arith.shrsi %get3A_233, %shift_right_arithmetic3A_237 : vector<16xi32>
        %and3A_239 = arith.constant 127 : i32
        %and3A_240 = vector.broadcast %and3A_239 : i32 to vector<16xi32>
        %and3A_241 = arith.andi %get3A_233, %and3A_240 : vector<16xi32>
        %mul3A_242 = arith.mulf %get3A_235, %div3A_169 : vector<16xf32>
        tpu.vector_store_idx %arg8[%shift_right_arithmetic3A_6, %shift_right_arithmetic3A_238, %and3A_8, %and3A_241], %mul3A_242 {add = true} : memref<2x16x8x128xf32, #tpu.memory_space<vmem>>[vector<16xi32>, vector<16xi32>, vector<16xi32>, vector<16xi32>], vector<16xf32>,
        %add3A_243 = arith.addi %mul3A_4, %get3A_233 : vector<16xi32>
        tpu.vector_store_idx %arg7[%add3A_243], %broadcast_in_dim3A_1 : memref<32768xf32, #tpu.memory_space<vmem>>[vector<16xi32>], vector<16xf32>,
        %mul3A_244 = arith.constant 4 : i32
        %mul3A_245 = arith.muli %scan3A_184, %mul3A_244 : i32
        %add3A_246 = arith.constant 96 : i32
        %add3A_247 = arith.addi %add3A_246, %mul3A_245 : i32
        %add3A_248 = arith.constant 3 : i32
        %add3A_249 = arith.addi %add3A_247, %add3A_248 : i32
        %mul3A_250 = arith.constant 16 : i32
        %mul3A_251 = arith.muli %add3A_249, %mul3A_250 : i32
        %get3A_252 = arith.index_cast %mul3A_251 : i32 to index
        %get3A_253 = tpu.vector_load %arg11[%get3A_252] {strides = array<i32>} : memref<2048xi32, #tpu.memory_space<vmem>>, vector<16xi32>,
        %get3A_254 = arith.index_cast %mul3A_251 : i32 to index
        %get3A_255 = tpu.vector_load %arg12[%get3A_254] {strides = array<i32>} : memref<2048xf32, #tpu.memory_space<vmem>>, vector<16xf32>,
        %shift_right_arithmetic3A_256 = arith.constant 7 : i32
        %shift_right_arithmetic3A_257 = vector.broadcast %shift_right_arithmetic3A_256 : i32 to vector<16xi32>
        %shift_right_arithmetic3A_258 = arith.shrsi %get3A_253, %shift_right_arithmetic3A_257 : vector<16xi32>
        %and3A_259 = arith.constant 127 : i32
        %and3A_260 = vector.broadcast %and3A_259 : i32 to vector<16xi32>
        %and3A_261 = arith.andi %get3A_253, %and3A_260 : vector<16xi32>
        %mul3A_262 = arith.mulf %get3A_255, %div3A_169 : vector<16xf32>
        tpu.vector_store_idx %arg8[%shift_right_arithmetic3A_6, %shift_right_arithmetic3A_258, %and3A_8, %and3A_261], %mul3A_262 {add = true} : memref<2x16x8x128xf32, #tpu.memory_space<vmem>>[vector<16xi32>, vector<16xi32>, vector<16xi32>, vector<16xi32>], vector<16xf32>,
        %add3A_263 = arith.addi %mul3A_4, %get3A_253 : vector<16xi32>
        tpu.vector_store_idx %arg7[%add3A_263], %broadcast_in_dim3A_1 : memref<32768xf32, #tpu.memory_space<vmem>>[vector<16xi32>], vector<16xf32>,
      }
      %scan3A_175 = arith.constant 8 : i32
      %mul3A_176 = arith.constant 2 : i32
      %mul3A_177 = arith.muli %add3A_29, %mul3A_176 : i32
      "tpu.region"() ({
        %run_scoped3A = tpu.sem_alloc : memref<!tpu.dma_semaphore, #tpu.memory_space<semaphore_mem>>
        %dma_start3A_184 = arith.constant 0 : i32
        %dma_start3A_185 = arith.constant 0 : i32
        %dma_start3A_186 = arith.constant 0 : i32
        %dma_start3A_187 = tpu.memref_slice %arg5[%mul3A_177, %dma_start3A_184, %dma_start3A_185, %dma_start3A_186] : memref<256x16x8x128xf32, #tpu.memory_space<hbm>> -> memref<2x16x8x128xf32, #tpu.memory_space<hbm>>
        %dma_start3A_188 = arith.constant 0 : i32
        %dma_start3A_189 = arith.constant 0 : i32
        %dma_start3A_190 = arith.constant 0 : i32
        %dma_start3A_191 = tpu.memref_slice %arg5[%mul3A_177, %dma_start3A_188, %dma_start3A_189, %dma_start3A_190] : memref<256x16x8x128xf32, #tpu.memory_space<hbm>> -> memref<2x16x8x128xf32, #tpu.memory_space<hbm>>
        tpu.enqueue_dma source(%arg8 : memref<2x16x8x128xf32, #tpu.memory_space<vmem>>) target(%dma_start3A_191 : memref<2x16x8x128xf32, #tpu.memory_space<hbm>>) target_semaphore(%run_scoped3A : memref<!tpu.dma_semaphore, #tpu.memory_space<semaphore_mem>>)
        %dma_wait3A_192 = arith.constant 0 : i32
        %dma_wait3A_193 = arith.constant 0 : i32
        %dma_wait3A_194 = arith.constant 0 : i32
        %dma_wait3A_195 = tpu.memref_slice %arg5[%mul3A_177, %dma_wait3A_192, %dma_wait3A_193, %dma_wait3A_194] : memref<256x16x8x128xf32, #tpu.memory_space<hbm>> -> memref<2x16x8x128xf32, #tpu.memory_space<hbm>>
        %dma_wait3A_196 = arith.constant 0 : i32
        %dma_wait3A_197 = arith.constant 0 : i32
        %dma_wait3A_198 = arith.constant 0 : i32
        %dma_wait3A_199 = tpu.memref_slice %arg5[%mul3A_177, %dma_wait3A_196, %dma_wait3A_197, %dma_wait3A_198] : memref<256x16x8x128xf32, #tpu.memory_space<hbm>> -> memref<2x16x8x128xf32, #tpu.memory_space<hbm>>
        tpu.wait_dma2 semaphore(%run_scoped3A : memref<!tpu.dma_semaphore, #tpu.memory_space<semaphore_mem>>) src(%arg8 : memref<2x16x8x128xf32, #tpu.memory_space<vmem>>) dst(%dma_wait3A_199 : memref<2x16x8x128xf32, #tpu.memory_space<hbm>>)
        tpu.yield
      }) : () -> ()
      %scan3A_178 = arith.constant 0 : i32
      %scan3A_179 = arith.constant 0 : i32
      %scan3A_180 = arith.constant 32 : i32
      %scan3A_181 = arith.addi %scan3A_179, %scan3A_180 : i32
      %scan3A_182 = arith.constant 1 : i32
      scf.for %scan3A_184 = %scan3A_179 to %scan3A_181 step %scan3A_182  : i32 {
        %mul3A_185 = arith.constant 4 : i32
        %mul3A_186 = arith.muli %scan3A_184, %mul3A_185 : i32
        %add3A_187 = arith.constant 0 : i32
        %add3A_188 = arith.addi %mul3A_186, %add3A_187 : i32
        %mul3A_189 = arith.constant 16 : i32
        %mul3A_190 = arith.muli %add3A_188, %mul3A_189 : i32
        %get3A = arith.index_cast %mul3A_190 : i32 to index
        %get3A_191 = tpu.vector_load %arg11[%get3A] {strides = array<i32>} : memref<2048xi32, #tpu.memory_space<vmem>>, vector<16xi32>,
        %shift_right_arithmetic3A_192 = arith.constant 7 : i32
        %shift_right_arithmetic3A_193 = vector.broadcast %shift_right_arithmetic3A_192 : i32 to vector<16xi32>
        %shift_right_arithmetic3A_194 = arith.shrsi %get3A_191, %shift_right_arithmetic3A_193 : vector<16xi32>
        %and3A_195 = arith.constant 127 : i32
        %and3A_196 = vector.broadcast %and3A_195 : i32 to vector<16xi32>
        %and3A_197 = arith.andi %get3A_191, %and3A_196 : vector<16xi32>
        tpu.vector_store_idx %arg8[%shift_right_arithmetic3A_6, %shift_right_arithmetic3A_194, %and3A_8, %and3A_197], %broadcast_in_dim3A_1 : memref<2x16x8x128xf32, #tpu.memory_space<vmem>>[vector<16xi32>, vector<16xi32>, vector<16xi32>, vector<16xi32>], vector<16xf32>,
        %mul3A_198 = arith.constant 4 : i32
        %mul3A_199 = arith.muli %scan3A_184, %mul3A_198 : i32
        %add3A_200 = arith.constant 1 : i32
        %add3A_201 = arith.addi %mul3A_199, %add3A_200 : i32
        %mul3A_202 = arith.constant 16 : i32
        %mul3A_203 = arith.muli %add3A_201, %mul3A_202 : i32
        %get3A_204 = arith.index_cast %mul3A_203 : i32 to index
        %get3A_205 = tpu.vector_load %arg11[%get3A_204] {strides = array<i32>} : memref<2048xi32, #tpu.memory_space<vmem>>, vector<16xi32>,
        %shift_right_arithmetic3A_206 = arith.constant 7 : i32
        %shift_right_arithmetic3A_207 = vector.broadcast %shift_right_arithmetic3A_206 : i32 to vector<16xi32>
        %shift_right_arithmetic3A_208 = arith.shrsi %get3A_205, %shift_right_arithmetic3A_207 : vector<16xi32>
        %and3A_209 = arith.constant 127 : i32
        %and3A_210 = vector.broadcast %and3A_209 : i32 to vector<16xi32>
        %and3A_211 = arith.andi %get3A_205, %and3A_210 : vector<16xi32>
        tpu.vector_store_idx %arg8[%shift_right_arithmetic3A_6, %shift_right_arithmetic3A_208, %and3A_8, %and3A_211], %broadcast_in_dim3A_1 : memref<2x16x8x128xf32, #tpu.memory_space<vmem>>[vector<16xi32>, vector<16xi32>, vector<16xi32>, vector<16xi32>], vector<16xf32>,
        %mul3A_212 = arith.constant 4 : i32
        %mul3A_213 = arith.muli %scan3A_184, %mul3A_212 : i32
        %add3A_214 = arith.constant 2 : i32
        %add3A_215 = arith.addi %mul3A_213, %add3A_214 : i32
        %mul3A_216 = arith.constant 16 : i32
        %mul3A_217 = arith.muli %add3A_215, %mul3A_216 : i32
        %get3A_218 = arith.index_cast %mul3A_217 : i32 to index
        %get3A_219 = tpu.vector_load %arg11[%get3A_218] {strides = array<i32>} : memref<2048xi32, #tpu.memory_space<vmem>>, vector<16xi32>,
        %shift_right_arithmetic3A_220 = arith.constant 7 : i32
        %shift_right_arithmetic3A_221 = vector.broadcast %shift_right_arithmetic3A_220 : i32 to vector<16xi32>
        %shift_right_arithmetic3A_222 = arith.shrsi %get3A_219, %shift_right_arithmetic3A_221 : vector<16xi32>
        %and3A_223 = arith.constant 127 : i32
        %and3A_224 = vector.broadcast %and3A_223 : i32 to vector<16xi32>
        %and3A_225 = arith.andi %get3A_219, %and3A_224 : vector<16xi32>
        tpu.vector_store_idx %arg8[%shift_right_arithmetic3A_6, %shift_right_arithmetic3A_222, %and3A_8, %and3A_225], %broadcast_in_dim3A_1 : memref<2x16x8x128xf32, #tpu.memory_space<vmem>>[vector<16xi32>, vector<16xi32>, vector<16xi32>, vector<16xi32>], vector<16xf32>,
        %mul3A_226 = arith.constant 4 : i32
        %mul3A_227 = arith.muli %scan3A_184, %mul3A_226 : i32
        %add3A_228 = arith.constant 3 : i32
        %add3A_229 = arith.addi %mul3A_227, %add3A_228 : i32
        %mul3A_230 = arith.constant 16 : i32
        %mul3A_231 = arith.muli %add3A_229, %mul3A_230 : i32
        %get3A_232 = arith.index_cast %mul3A_231 : i32 to index
        %get3A_233 = tpu.vector_load %arg11[%get3A_232] {strides = array<i32>} : memref<2048xi32, #tpu.memory_space<vmem>>, vector<16xi32>,
        %shift_right_arithmetic3A_234 = arith.constant 7 : i32
        %shift_right_arithmetic3A_235 = vector.broadcast %shift_right_arithmetic3A_234 : i32 to vector<16xi32>
        %shift_right_arithmetic3A_236 = arith.shrsi %get3A_233, %shift_right_arithmetic3A_235 : vector<16xi32>
        %and3A_237 = arith.constant 127 : i32
        %and3A_238 = vector.broadcast %and3A_237 : i32 to vector<16xi32>
        %and3A_239 = arith.andi %get3A_233, %and3A_238 : vector<16xi32>
        tpu.vector_store_idx %arg8[%shift_right_arithmetic3A_6, %shift_right_arithmetic3A_236, %and3A_8, %and3A_239], %broadcast_in_dim3A_1 : memref<2x16x8x128xf32, #tpu.memory_space<vmem>>[vector<16xi32>, vector<16xi32>, vector<16xi32>, vector<16xi32>], vector<16xf32>,
      }
      %scan3A_183 = arith.constant 32 : i32
    }
    %scan3A_25 = arith.constant 4 : i32
    return
  }
}

#map = affine_map<(d0, d1) -> (0, 0, 0, 0)>
#map1 = affine_map<(d0, d1) -> (0, 0)>
module attributes {stable_mosaic.version = 14 : i64} {
  func.func @_sc_body(%arg0: i32, %arg1: i32, %arg2: memref<256x16x8x128xf32, #tpu.memory_space<hbm>>, %arg3: memref<32x8192xi32, #tpu.memory_space<hbm>>, %arg4: memref<32x8192xf32, #tpu.memory_space<hbm>>, %arg5: memref<256x16x8x128xf32, #tpu.memory_space<hbm>>, %arg6: memref<2x16x8x128xf32, #tpu.memory_space<vmem>>, %arg7: memref<32768xf32, #tpu.memory_space<vmem>>, %arg8: memref<2x16x8x128xf32, #tpu.memory_space<vmem>>, %arg9: memref<32x128xi32, #tpu.memory_space<vmem>>, %arg10: memref<32x128xf32, #tpu.memory_space<vmem>>, %arg11: memref<2048xi32, #tpu.memory_space<vmem>>, %arg12: memref<2048xf32, #tpu.memory_space<vmem>>, %arg13: memref<!tpu.dma_semaphore, #tpu.memory_space<semaphore_mem>>) attributes {dimension_semantics = [#tpu.dimension_semantics<core_parallel>, #tpu.dimension_semantics<subcore_parallel>], iteration_bounds = array<i64: 2, 16>, scalar_prefetch = 0 : i64, scratch_operands = 8 : i64, tpu.core_type = #tpu.core_type<sc_vector_subcore>, window_params = [{transform_indices = #map}, {transform_indices = #map1}, {transform_indices = #map1}, {transform_indices = #map}]} {
    %mul3A = arith.constant 2 : i32
    %mul3A_0 = arith.muli %arg1, %mul3A : i32
    %add3A = arith.addi %mul3A_0, %arg0 : i32
    %broadcast_in_dim3A = arith.constant 0.000000e+00 : f32
    %broadcast_in_dim3A_1 = vector.broadcast %broadcast_in_dim3A : f32 to vector<16xf32>
    %iota3A = tpu.iota {dimensions = array<i32: 0>} : vector<16xi32>
    %mul3A_2 = arith.constant 2048 : i32
    %mul3A_3 = vector.broadcast %mul3A_2 : i32 to vector<16xi32>
    %mul3A_4 = arith.muli %iota3A, %mul3A_3 : vector<16xi32>
    %shift_right_arithmetic3A = arith.constant 3 : i32
    %shift_right_arithmetic3A_5 = vector.broadcast %shift_right_arithmetic3A : i32 to vector<16xi32>
    %shift_right_arithmetic3A_6 = arith.shrsi %iota3A, %shift_right_arithmetic3A_5 : vector<16xi32>
    %and3A = arith.constant 7 : i32
    %and3A_7 = vector.broadcast %and3A : i32 to vector<16xi32>
    %and3A_8 = arith.andi %iota3A, %and3A_7 : vector<16xi32>
    %scan3A = arith.constant 0 : i32
    %scan3A_9 = arith.constant 0 : i32
    %scan3A_10 = arith.constant 256 : i32
    %scan3A_11 = arith.addi %scan3A_9, %scan3A_10 : i32
    %scan3A_12 = arith.constant 1 : i32
    scf.for %scan3A_26 = %scan3A_9 to %scan3A_11 step %scan3A_12  : i32 {
      %mul3A_27 = arith.constant 8 : i32
      %mul3A_28 = arith.muli %scan3A_26, %mul3A_27 : i32
      %add3A_29 = arith.constant 0 : i32
      %add3A_30 = arith.addi %mul3A_28, %add3A_29 : i32
      %mul3A_31 = arith.constant 16 : i32
      %mul3A_32 = arith.muli %add3A_30, %mul3A_31 : i32
      %swap3A = arith.index_cast %mul3A_32 : i32 to index
      %swap3A_33 = tpu.vector_load %arg7[%swap3A] {strides = array<i32>} : memref<32768xf32, #tpu.memory_space<vmem>>, vector<16xf32>,
      tpu.vector_store %arg7[%swap3A], %broadcast_in_dim3A_1 {strides = array<i32>} : memref<32768xf32, #tpu.memory_space<vmem>>, vector<16xf32>,
      %mul3A_34 = arith.constant 8 : i32
      %mul3A_35 = arith.muli %scan3A_26, %mul3A_34 : i32
      %add3A_36 = arith.constant 1 : i32
      %add3A_37 = arith.addi %mul3A_35, %add3A_36 : i32
      %mul3A_38 = arith.constant 16 : i32
      %mul3A_39 = arith.muli %add3A_37, %mul3A_38 : i32
      %swap3A_40 = arith.index_cast %mul3A_39 : i32 to index
      %swap3A_41 = tpu.vector_load %arg7[%swap3A_40] {strides = array<i32>} : memref<32768xf32, #tpu.memory_space<vmem>>, vector<16xf32>,
      tpu.vector_store %arg7[%swap3A_40], %broadcast_in_dim3A_1 {strides = array<i32>} : memref<32768xf32, #tpu.memory_space<vmem>>, vector<16xf32>,
      %mul3A_42 = arith.constant 8 : i32
      %mul3A_43 = arith.muli %scan3A_26, %mul3A_42 : i32
      %add3A_44 = arith.constant 2 : i32
      %add3A_45 = arith.addi %mul3A_43, %add3A_44 : i32
      %mul3A_46 = arith.constant 16 : i32
      %mul3A_47 = arith.muli %add3A_45, %mul3A_46 : i32
      %swap3A_48 = arith.index_cast %mul3A_47 : i32 to index
      %swap3A_49 = tpu.vector_load %arg7[%swap3A_48] {strides = array<i32>} : memref<32768xf32, #tpu.memory_space<vmem>>, vector<16xf32>,
      tpu.vector_store %arg7[%swap3A_48], %broadcast_in_dim3A_1 {strides = array<i32>} : memref<32768xf32, #tpu.memory_space<vmem>>, vector<16xf32>,
      %mul3A_50 = arith.constant 8 : i32
      %mul3A_51 = arith.muli %scan3A_26, %mul3A_50 : i32
      %add3A_52 = arith.constant 3 : i32
      %add3A_53 = arith.addi %mul3A_51, %add3A_52 : i32
      %mul3A_54 = arith.constant 16 : i32
      %mul3A_55 = arith.muli %add3A_53, %mul3A_54 : i32
      %swap3A_56 = arith.index_cast %mul3A_55 : i32 to index
      %swap3A_57 = tpu.vector_load %arg7[%swap3A_56] {strides = array<i32>} : memref<32768xf32, #tpu.memory_space<vmem>>, vector<16xf32>,
      tpu.vector_store %arg7[%swap3A_56], %broadcast_in_dim3A_1 {strides = array<i32>} : memref<32768xf32, #tpu.memory_space<vmem>>, vector<16xf32>,
      %mul3A_58 = arith.constant 8 : i32
      %mul3A_59 = arith.muli %scan3A_26, %mul3A_58 : i32
      %add3A_60 = arith.constant 4 : i32
      %add3A_61 = arith.addi %mul3A_59, %add3A_60 : i32
      %mul3A_62 = arith.constant 16 : i32
      %mul3A_63 = arith.muli %add3A_61, %mul3A_62 : i32
      %swap3A_64 = arith.index_cast %mul3A_63 : i32 to index
      %swap3A_65 = tpu.vector_load %arg7[%swap3A_64] {strides = array<i32>} : memref<32768xf32, #tpu.memory_space<vmem>>, vector<16xf32>,
      tpu.vector_store %arg7[%swap3A_64], %broadcast_in_dim3A_1 {strides = array<i32>} : memref<32768xf32, #tpu.memory_space<vmem>>, vector<16xf32>,
      %mul3A_66 = arith.constant 8 : i32
      %mul3A_67 = arith.muli %scan3A_26, %mul3A_66 : i32
      %add3A_68 = arith.constant 5 : i32
      %add3A_69 = arith.addi %mul3A_67, %add3A_68 : i32
      %mul3A_70 = arith.constant 16 : i32
      %mul3A_71 = arith.muli %add3A_69, %mul3A_70 : i32
      %swap3A_72 = arith.index_cast %mul3A_71 : i32 to index
      %swap3A_73 = tpu.vector_load %arg7[%swap3A_72] {strides = array<i32>} : memref<32768xf32, #tpu.memory_space<vmem>>, vector<16xf32>,
      tpu.vector_store %arg7[%swap3A_72], %broadcast_in_dim3A_1 {strides = array<i32>} : memref<32768xf32, #tpu.memory_space<vmem>>, vector<16xf32>,
      %mul3A_74 = arith.constant 8 : i32
      %mul3A_75 = arith.muli %scan3A_26, %mul3A_74 : i32
      %add3A_76 = arith.constant 6 : i32
      %add3A_77 = arith.addi %mul3A_75, %add3A_76 : i32
      %mul3A_78 = arith.constant 16 : i32
      %mul3A_79 = arith.muli %add3A_77, %mul3A_78 : i32
      %swap3A_80 = arith.index_cast %mul3A_79 : i32 to index
      %swap3A_81 = tpu.vector_load %arg7[%swap3A_80] {strides = array<i32>} : memref<32768xf32, #tpu.memory_space<vmem>>, vector<16xf32>,
      tpu.vector_store %arg7[%swap3A_80], %broadcast_in_dim3A_1 {strides = array<i32>} : memref<32768xf32, #tpu.memory_space<vmem>>, vector<16xf32>,
      %mul3A_82 = arith.constant 8 : i32
      %mul3A_83 = arith.muli %scan3A_26, %mul3A_82 : i32
      %add3A_84 = arith.constant 7 : i32
      %add3A_85 = arith.addi %mul3A_83, %add3A_84 : i32
      %mul3A_86 = arith.constant 16 : i32
      %mul3A_87 = arith.muli %add3A_85, %mul3A_86 : i32
      %swap3A_88 = arith.index_cast %mul3A_87 : i32 to index
      %swap3A_89 = tpu.vector_load %arg7[%swap3A_88] {strides = array<i32>} : memref<32768xf32, #tpu.memory_space<vmem>>, vector<16xf32>,
      tpu.vector_store %arg7[%swap3A_88], %broadcast_in_dim3A_1 {strides = array<i32>} : memref<32768xf32, #tpu.memory_space<vmem>>, vector<16xf32>,
    }
    %scan3A_13 = arith.constant 256 : i32
    %scan3A_14 = arith.constant 0 : i32
    %scan3A_15 = arith.constant 0 : i32
    %scan3A_16 = arith.constant 256 : i32
    %scan3A_17 = arith.addi %scan3A_15, %scan3A_16 : i32
    %scan3A_18 = arith.constant 1 : i32
    scf.for %scan3A_26 = %scan3A_15 to %scan3A_17 step %scan3A_18  : i32 {
      %mul3A_27 = arith.constant 8 : i32
      %mul3A_28 = arith.muli %scan3A_26, %mul3A_27 : i32
      %add3A_29 = arith.constant 0 : i32
      %add3A_30 = arith.addi %mul3A_28, %add3A_29 : i32
      %shift_right_arithmetic3A_31 = arith.constant 10 : i32
      %shift_right_arithmetic3A_32 = arith.shrsi %add3A_30, %shift_right_arithmetic3A_31 : i32
      %shift_right_arithmetic3A_33 = arith.constant 6 : i32
      %shift_right_arithmetic3A_34 = arith.shrsi %add3A_30, %shift_right_arithmetic3A_33 : i32
      %and3A_35 = arith.constant 15 : i32
      %and3A_36 = arith.andi %shift_right_arithmetic3A_34, %and3A_35 : i32
      %shift_right_arithmetic3A_37 = arith.constant 3 : i32
      %shift_right_arithmetic3A_38 = arith.shrsi %add3A_30, %shift_right_arithmetic3A_37 : i32
      %and3A_39 = arith.constant 7 : i32
      %and3A_40 = arith.andi %shift_right_arithmetic3A_38, %and3A_39 : i32
      %and3A_41 = arith.constant 7 : i32
      %and3A_42 = arith.andi %add3A_30, %and3A_41 : i32
      %mul3A_43 = arith.constant 16 : i32
      %mul3A_44 = arith.muli %and3A_42, %mul3A_43 : i32
      %swap3A = arith.index_cast %shift_right_arithmetic3A_32 : i32 to index
      %swap3A_45 = arith.index_cast %and3A_36 : i32 to index
      %swap3A_46 = arith.index_cast %and3A_40 : i32 to index
      %swap3A_47 = arith.index_cast %mul3A_44 : i32 to index
      %swap3A_48 = tpu.vector_load %arg8[%swap3A, %swap3A_45, %swap3A_46, %swap3A_47] {strides = array<i32>} : memref<2x16x8x128xf32, #tpu.memory_space<vmem>>, vector<16xf32>,
      tpu.vector_store %arg8[%swap3A, %swap3A_45, %swap3A_46, %swap3A_47], %broadcast_in_dim3A_1 {strides = array<i32>} : memref<2x16x8x128xf32, #tpu.memory_space<vmem>>, vector<16xf32>,
      %mul3A_49 = arith.constant 8 : i32
      %mul3A_50 = arith.muli %scan3A_26, %mul3A_49 : i32
      %add3A_51 = arith.constant 1 : i32
      %add3A_52 = arith.addi %mul3A_50, %add3A_51 : i32
      %shift_right_arithmetic3A_53 = arith.constant 10 : i32
      %shift_right_arithmetic3A_54 = arith.shrsi %add3A_52, %shift_right_arithmetic3A_53 : i32
      %shift_right_arithmetic3A_55 = arith.constant 6 : i32
      %shift_right_arithmetic3A_56 = arith.shrsi %add3A_52, %shift_right_arithmetic3A_55 : i32
      %and3A_57 = arith.constant 15 : i32
      %and3A_58 = arith.andi %shift_right_arithmetic3A_56, %and3A_57 : i32
      %shift_right_arithmetic3A_59 = arith.constant 3 : i32
      %shift_right_arithmetic3A_60 = arith.shrsi %add3A_52, %shift_right_arithmetic3A_59 : i32
      %and3A_61 = arith.constant 7 : i32
      %and3A_62 = arith.andi %shift_right_arithmetic3A_60, %and3A_61 : i32
      %and3A_63 = arith.constant 7 : i32
      %and3A_64 = arith.andi %add3A_52, %and3A_63 : i32
      %mul3A_65 = arith.constant 16 : i32
      %mul3A_66 = arith.muli %and3A_64, %mul3A_65 : i32
      %swap3A_67 = arith.index_cast %shift_right_arithmetic3A_54 : i32 to index
      %swap3A_68 = arith.index_cast %and3A_58 : i32 to index
      %swap3A_69 = arith.index_cast %and3A_62 : i32 to index
      %swap3A_70 = arith.index_cast %mul3A_66 : i32 to index
      %swap3A_71 = tpu.vector_load %arg8[%swap3A_67, %swap3A_68, %swap3A_69, %swap3A_70] {strides = array<i32>} : memref<2x16x8x128xf32, #tpu.memory_space<vmem>>, vector<16xf32>,
      tpu.vector_store %arg8[%swap3A_67, %swap3A_68, %swap3A_69, %swap3A_70], %broadcast_in_dim3A_1 {strides = array<i32>} : memref<2x16x8x128xf32, #tpu.memory_space<vmem>>, vector<16xf32>,
      %mul3A_72 = arith.constant 8 : i32
      %mul3A_73 = arith.muli %scan3A_26, %mul3A_72 : i32
      %add3A_74 = arith.constant 2 : i32
      %add3A_75 = arith.addi %mul3A_73, %add3A_74 : i32
      %shift_right_arithmetic3A_76 = arith.constant 10 : i32
      %shift_right_arithmetic3A_77 = arith.shrsi %add3A_75, %shift_right_arithmetic3A_76 : i32
      %shift_right_arithmetic3A_78 = arith.constant 6 : i32
      %shift_right_arithmetic3A_79 = arith.shrsi %add3A_75, %shift_right_arithmetic3A_78 : i32
      %and3A_80 = arith.constant 15 : i32
      %and3A_81 = arith.andi %shift_right_arithmetic3A_79, %and3A_80 : i32
      %shift_right_arithmetic3A_82 = arith.constant 3 : i32
      %shift_right_arithmetic3A_83 = arith.shrsi %add3A_75, %shift_right_arithmetic3A_82 : i32
      %and3A_84 = arith.constant 7 : i32
      %and3A_85 = arith.andi %shift_right_arithmetic3A_83, %and3A_84 : i32
      %and3A_86 = arith.constant 7 : i32
      %and3A_87 = arith.andi %add3A_75, %and3A_86 : i32
      %mul3A_88 = arith.constant 16 : i32
      %mul3A_89 = arith.muli %and3A_87, %mul3A_88 : i32
      %swap3A_90 = arith.index_cast %shift_right_arithmetic3A_77 : i32 to index
      %swap3A_91 = arith.index_cast %and3A_81 : i32 to index
      %swap3A_92 = arith.index_cast %and3A_85 : i32 to index
      %swap3A_93 = arith.index_cast %mul3A_89 : i32 to index
      %swap3A_94 = tpu.vector_load %arg8[%swap3A_90, %swap3A_91, %swap3A_92, %swap3A_93] {strides = array<i32>} : memref<2x16x8x128xf32, #tpu.memory_space<vmem>>, vector<16xf32>,
      tpu.vector_store %arg8[%swap3A_90, %swap3A_91, %swap3A_92, %swap3A_93], %broadcast_in_dim3A_1 {strides = array<i32>} : memref<2x16x8x128xf32, #tpu.memory_space<vmem>>, vector<16xf32>,
      %mul3A_95 = arith.constant 8 : i32
      %mul3A_96 = arith.muli %scan3A_26, %mul3A_95 : i32
      %add3A_97 = arith.constant 3 : i32
      %add3A_98 = arith.addi %mul3A_96, %add3A_97 : i32
      %shift_right_arithmetic3A_99 = arith.constant 10 : i32
      %shift_right_arithmetic3A_100 = arith.shrsi %add3A_98, %shift_right_arithmetic3A_99 : i32
      %shift_right_arithmetic3A_101 = arith.constant 6 : i32
      %shift_right_arithmetic3A_102 = arith.shrsi %add3A_98, %shift_right_arithmetic3A_101 : i32
      %and3A_103 = arith.constant 15 : i32
      %and3A_104 = arith.andi %shift_right_arithmetic3A_102, %and3A_103 : i32
      %shift_right_arithmetic3A_105 = arith.constant 3 : i32
      %shift_right_arithmetic3A_106 = arith.shrsi %add3A_98, %shift_right_arithmetic3A_105 : i32
      %and3A_107 = arith.constant 7 : i32
      %and3A_108 = arith.andi %shift_right_arithmetic3A_106, %and3A_107 : i32
      %and3A_109 = arith.constant 7 : i32
      %and3A_110 = arith.andi %add3A_98, %and3A_109 : i32
      %mul3A_111 = arith.constant 16 : i32
      %mul3A_112 = arith.muli %and3A_110, %mul3A_111 : i32
      %swap3A_113 = arith.index_cast %shift_right_arithmetic3A_100 : i32 to index
      %swap3A_114 = arith.index_cast %and3A_104 : i32 to index
      %swap3A_115 = arith.index_cast %and3A_108 : i32 to index
      %swap3A_116 = arith.index_cast %mul3A_112 : i32 to index
      %swap3A_117 = tpu.vector_load %arg8[%swap3A_113, %swap3A_114, %swap3A_115, %swap3A_116] {strides = array<i32>} : memref<2x16x8x128xf32, #tpu.memory_space<vmem>>, vector<16xf32>,
      tpu.vector_store %arg8[%swap3A_113, %swap3A_114, %swap3A_115, %swap3A_116], %broadcast_in_dim3A_1 {strides = array<i32>} : memref<2x16x8x128xf32, #tpu.memory_space<vmem>>, vector<16xf32>,
      %mul3A_118 = arith.constant 8 : i32
      %mul3A_119 = arith.muli %scan3A_26, %mul3A_118 : i32
      %add3A_120 = arith.constant 4 : i32
      %add3A_121 = arith.addi %mul3A_119, %add3A_120 : i32
      %shift_right_arithmetic3A_122 = arith.constant 10 : i32
      %shift_right_arithmetic3A_123 = arith.shrsi %add3A_121, %shift_right_arithmetic3A_122 : i32
      %shift_right_arithmetic3A_124 = arith.constant 6 : i32
      %shift_right_arithmetic3A_125 = arith.shrsi %add3A_121, %shift_right_arithmetic3A_124 : i32
      %and3A_126 = arith.constant 15 : i32
      %and3A_127 = arith.andi %shift_right_arithmetic3A_125, %and3A_126 : i32
      %shift_right_arithmetic3A_128 = arith.constant 3 : i32
      %shift_right_arithmetic3A_129 = arith.shrsi %add3A_121, %shift_right_arithmetic3A_128 : i32
      %and3A_130 = arith.constant 7 : i32
      %and3A_131 = arith.andi %shift_right_arithmetic3A_129, %and3A_130 : i32
      %and3A_132 = arith.constant 7 : i32
      %and3A_133 = arith.andi %add3A_121, %and3A_132 : i32
      %mul3A_134 = arith.constant 16 : i32
      %mul3A_135 = arith.muli %and3A_133, %mul3A_134 : i32
      %swap3A_136 = arith.index_cast %shift_right_arithmetic3A_123 : i32 to index
      %swap3A_137 = arith.index_cast %and3A_127 : i32 to index
      %swap3A_138 = arith.index_cast %and3A_131 : i32 to index
      %swap3A_139 = arith.index_cast %mul3A_135 : i32 to index
      %swap3A_140 = tpu.vector_load %arg8[%swap3A_136, %swap3A_137, %swap3A_138, %swap3A_139] {strides = array<i32>} : memref<2x16x8x128xf32, #tpu.memory_space<vmem>>, vector<16xf32>,
      tpu.vector_store %arg8[%swap3A_136, %swap3A_137, %swap3A_138, %swap3A_139], %broadcast_in_dim3A_1 {strides = array<i32>} : memref<2x16x8x128xf32, #tpu.memory_space<vmem>>, vector<16xf32>,
      %mul3A_141 = arith.constant 8 : i32
      %mul3A_142 = arith.muli %scan3A_26, %mul3A_141 : i32
      %add3A_143 = arith.constant 5 : i32
      %add3A_144 = arith.addi %mul3A_142, %add3A_143 : i32
      %shift_right_arithmetic3A_145 = arith.constant 10 : i32
      %shift_right_arithmetic3A_146 = arith.shrsi %add3A_144, %shift_right_arithmetic3A_145 : i32
      %shift_right_arithmetic3A_147 = arith.constant 6 : i32
      %shift_right_arithmetic3A_148 = arith.shrsi %add3A_144, %shift_right_arithmetic3A_147 : i32
      %and3A_149 = arith.constant 15 : i32
      %and3A_150 = arith.andi %shift_right_arithmetic3A_148, %and3A_149 : i32
      %shift_right_arithmetic3A_151 = arith.constant 3 : i32
      %shift_right_arithmetic3A_152 = arith.shrsi %add3A_144, %shift_right_arithmetic3A_151 : i32
      %and3A_153 = arith.constant 7 : i32
      %and3A_154 = arith.andi %shift_right_arithmetic3A_152, %and3A_153 : i32
      %and3A_155 = arith.constant 7 : i32
      %and3A_156 = arith.andi %add3A_144, %and3A_155 : i32
      %mul3A_157 = arith.constant 16 : i32
      %mul3A_158 = arith.muli %and3A_156, %mul3A_157 : i32
      %swap3A_159 = arith.index_cast %shift_right_arithmetic3A_146 : i32 to index
      %swap3A_160 = arith.index_cast %and3A_150 : i32 to index
      %swap3A_161 = arith.index_cast %and3A_154 : i32 to index
      %swap3A_162 = arith.index_cast %mul3A_158 : i32 to index
      %swap3A_163 = tpu.vector_load %arg8[%swap3A_159, %swap3A_160, %swap3A_161, %swap3A_162] {strides = array<i32>} : memref<2x16x8x128xf32, #tpu.memory_space<vmem>>, vector<16xf32>,
      tpu.vector_store %arg8[%swap3A_159, %swap3A_160, %swap3A_161, %swap3A_162], %broadcast_in_dim3A_1 {strides = array<i32>} : memref<2x16x8x128xf32, #tpu.memory_space<vmem>>, vector<16xf32>,
      %mul3A_164 = arith.constant 8 : i32
      %mul3A_165 = arith.muli %scan3A_26, %mul3A_164 : i32
      %add3A_166 = arith.constant 6 : i32
      %add3A_167 = arith.addi %mul3A_165, %add3A_166 : i32
      %shift_right_arithmetic3A_168 = arith.constant 10 : i32
      %shift_right_arithmetic3A_169 = arith.shrsi %add3A_167, %shift_right_arithmetic3A_168 : i32
      %shift_right_arithmetic3A_170 = arith.constant 6 : i32
      %shift_right_arithmetic3A_171 = arith.shrsi %add3A_167, %shift_right_arithmetic3A_170 : i32
      %and3A_172 = arith.constant 15 : i32
      %and3A_173 = arith.andi %shift_right_arithmetic3A_171, %and3A_172 : i32
      %shift_right_arithmetic3A_174 = arith.constant 3 : i32
      %shift_right_arithmetic3A_175 = arith.shrsi %add3A_167, %shift_right_arithmetic3A_174 : i32
      %and3A_176 = arith.constant 7 : i32
      %and3A_177 = arith.andi %shift_right_arithmetic3A_175, %and3A_176 : i32
      %and3A_178 = arith.constant 7 : i32
      %and3A_179 = arith.andi %add3A_167, %and3A_178 : i32
      %mul3A_180 = arith.constant 16 : i32
      %mul3A_181 = arith.muli %and3A_179, %mul3A_180 : i32
      %swap3A_182 = arith.index_cast %shift_right_arithmetic3A_169 : i32 to index
      %swap3A_183 = arith.index_cast %and3A_173 : i32 to index
      %swap3A_184 = arith.index_cast %and3A_177 : i32 to index
      %swap3A_185 = arith.index_cast %mul3A_181 : i32 to index
      %swap3A_186 = tpu.vector_load %arg8[%swap3A_182, %swap3A_183, %swap3A_184, %swap3A_185] {strides = array<i32>} : memref<2x16x8x128xf32, #tpu.memory_space<vmem>>, vector<16xf32>,
      tpu.vector_store %arg8[%swap3A_182, %swap3A_183, %swap3A_184, %swap3A_185], %broadcast_in_dim3A_1 {strides = array<i32>} : memref<2x16x8x128xf32, #tpu.memory_space<vmem>>, vector<16xf32>,
      %mul3A_187 = arith.constant 8 : i32
      %mul3A_188 = arith.muli %scan3A_26, %mul3A_187 : i32
      %add3A_189 = arith.constant 7 : i32
      %add3A_190 = arith.addi %mul3A_188, %add3A_189 : i32
      %shift_right_arithmetic3A_191 = arith.constant 10 : i32
      %shift_right_arithmetic3A_192 = arith.shrsi %add3A_190, %shift_right_arithmetic3A_191 : i32
      %shift_right_arithmetic3A_193 = arith.constant 6 : i32
      %shift_right_arithmetic3A_194 = arith.shrsi %add3A_190, %shift_right_arithmetic3A_193 : i32
      %and3A_195 = arith.constant 15 : i32
      %and3A_196 = arith.andi %shift_right_arithmetic3A_194, %and3A_195 : i32
      %shift_right_arithmetic3A_197 = arith.constant 3 : i32
      %shift_right_arithmetic3A_198 = arith.shrsi %add3A_190, %shift_right_arithmetic3A_197 : i32
      %and3A_199 = arith.constant 7 : i32
      %and3A_200 = arith.andi %shift_right_arithmetic3A_198, %and3A_199 : i32
      %and3A_201 = arith.constant 7 : i32
      %and3A_202 = arith.andi %add3A_190, %and3A_201 : i32
      %mul3A_203 = arith.constant 16 : i32
      %mul3A_204 = arith.muli %and3A_202, %mul3A_203 : i32
      %swap3A_205 = arith.index_cast %shift_right_arithmetic3A_192 : i32 to index
      %swap3A_206 = arith.index_cast %and3A_196 : i32 to index
      %swap3A_207 = arith.index_cast %and3A_200 : i32 to index
      %swap3A_208 = arith.index_cast %mul3A_204 : i32 to index
      %swap3A_209 = tpu.vector_load %arg8[%swap3A_205, %swap3A_206, %swap3A_207, %swap3A_208] {strides = array<i32>} : memref<2x16x8x128xf32, #tpu.memory_space<vmem>>, vector<16xf32>,
      tpu.vector_store %arg8[%swap3A_205, %swap3A_206, %swap3A_207, %swap3A_208], %broadcast_in_dim3A_1 {strides = array<i32>} : memref<2x16x8x128xf32, #tpu.memory_space<vmem>>, vector<16xf32>,
    }
    %scan3A_19 = arith.constant 256 : i32
    %scan3A_20 = arith.constant 0 : i32
    %scan3A_21 = arith.constant 0 : i32
    %scan3A_22 = arith.constant 4 : i32
    %scan3A_23 = arith.addi %scan3A_21, %scan3A_22 : i32
    %scan3A_24 = arith.constant 1 : i32
    scf.for %scan3A_26 = %scan3A_21 to %scan3A_23 step %scan3A_24  : i32 {
      %mul3A_27 = arith.constant 4 : i32
      %mul3A_28 = arith.muli %add3A, %mul3A_27 : i32
      %add3A_29 = arith.addi %mul3A_28, %scan3A_26 : i32
      %mul3A_30 = arith.constant 2 : i32
      %mul3A_31 = arith.muli %add3A_29, %mul3A_30 : i32
      %dma_start3A = arith.constant 0 : i32
      %dma_start3A_32 = arith.constant 0 : i32
      %dma_start3A_33 = arith.constant 0 : i32
      %dma_start3A_34 = tpu.memref_slice %arg2[%mul3A_31, %dma_start3A, %dma_start3A_32, %dma_start3A_33] : memref<256x16x8x128xf32, #tpu.memory_space<hbm>> -> memref<2x16x8x128xf32, #tpu.memory_space<hbm>>
      %dma_start3A_35 = arith.constant 0 : i32
      %dma_start3A_36 = arith.constant 0 : i32
      %dma_start3A_37 = arith.constant 0 : i32
      %dma_start3A_38 = tpu.memref_slice %arg2[%mul3A_31, %dma_start3A_35, %dma_start3A_36, %dma_start3A_37] : memref<256x16x8x128xf32, #tpu.memory_space<hbm>> -> memref<2x16x8x128xf32, #tpu.memory_space<hbm>>
      tpu.enqueue_dma source(%dma_start3A_38 : memref<2x16x8x128xf32, #tpu.memory_space<hbm>>) target(%arg6 : memref<2x16x8x128xf32, #tpu.memory_space<vmem>>) target_semaphore(%arg13 : memref<!tpu.dma_semaphore, #tpu.memory_space<semaphore_mem>>)
      %shift_right_arithmetic3A_39 = arith.constant 1 : i32
      %shift_right_arithmetic3A_40 = arith.shrsi %add3A_29, %shift_right_arithmetic3A_39 : i32
      %mul3A_41 = arith.constant 128 : i32
      %mul3A_42 = arith.muli %shift_right_arithmetic3A_40, %mul3A_41 : i32
      %dma_start3A_43 = arith.constant 0 : i32
      %dma_start3A_44 = tpu.memref_slice %arg3[%dma_start3A_43, %mul3A_42] : memref<32x8192xi32, #tpu.memory_space<hbm>> -> memref<32x128xi32, #tpu.memory_space<hbm>>
      %dma_start3A_45 = arith.constant 0 : i32
      %dma_start3A_46 = tpu.memref_slice %arg3[%dma_start3A_45, %mul3A_42] : memref<32x8192xi32, #tpu.memory_space<hbm>> -> memref<32x128xi32, #tpu.memory_space<hbm>>
      tpu.enqueue_dma source(%dma_start3A_46 : memref<32x128xi32, #tpu.memory_space<hbm>>) target(%arg9 : memref<32x128xi32, #tpu.memory_space<vmem>>) target_semaphore(%arg13 : memref<!tpu.dma_semaphore, #tpu.memory_space<semaphore_mem>>)
      %shift_right_arithmetic3A_47 = arith.constant 1 : i32
      %shift_right_arithmetic3A_48 = arith.shrsi %add3A_29, %shift_right_arithmetic3A_47 : i32
      %mul3A_49 = arith.constant 128 : i32
      %mul3A_50 = arith.muli %shift_right_arithmetic3A_48, %mul3A_49 : i32
      %dma_start3A_51 = arith.constant 0 : i32
      %dma_start3A_52 = tpu.memref_slice %arg4[%dma_start3A_51, %mul3A_50] : memref<32x8192xf32, #tpu.memory_space<hbm>> -> memref<32x128xf32, #tpu.memory_space<hbm>>
      %dma_start3A_53 = arith.constant 0 : i32
      %dma_start3A_54 = tpu.memref_slice %arg4[%dma_start3A_53, %mul3A_50] : memref<32x8192xf32, #tpu.memory_space<hbm>> -> memref<32x128xf32, #tpu.memory_space<hbm>>
      tpu.enqueue_dma source(%dma_start3A_54 : memref<32x128xf32, #tpu.memory_space<hbm>>) target(%arg10 : memref<32x128xf32, #tpu.memory_space<vmem>>) target_semaphore(%arg13 : memref<!tpu.dma_semaphore, #tpu.memory_space<semaphore_mem>>)
      %dma_wait3A = arith.constant 0 : i32
      %dma_wait3A_55 = arith.constant 0 : i32
      %dma_wait3A_56 = arith.constant 0 : i32
      %dma_wait3A_57 = tpu.memref_slice %arg2[%mul3A_31, %dma_wait3A, %dma_wait3A_55, %dma_wait3A_56] : memref<256x16x8x128xf32, #tpu.memory_space<hbm>> -> memref<2x16x8x128xf32, #tpu.memory_space<hbm>>
      %dma_wait3A_58 = arith.constant 0 : i32
      %dma_wait3A_59 = arith.constant 0 : i32
      %dma_wait3A_60 = arith.constant 0 : i32
      %dma_wait3A_61 = tpu.memref_slice %arg2[%mul3A_31, %dma_wait3A_58, %dma_wait3A_59, %dma_wait3A_60] : memref<256x16x8x128xf32, #tpu.memory_space<hbm>> -> memref<2x16x8x128xf32, #tpu.memory_space<hbm>>
      tpu.wait_dma2 semaphore(%arg13 : memref<!tpu.dma_semaphore, #tpu.memory_space<semaphore_mem>>) src(%dma_wait3A_61 : memref<2x16x8x128xf32, #tpu.memory_space<hbm>>) dst(%arg6 : memref<2x16x8x128xf32, #tpu.memory_space<vmem>>)
      %dma_wait3A_62 = arith.constant 0 : i32
      %dma_wait3A_63 = tpu.memref_slice %arg3[%dma_wait3A_62, %mul3A_42] : memref<32x8192xi32, #tpu.memory_space<hbm>> -> memref<32x128xi32, #tpu.memory_space<hbm>>
      %dma_wait3A_64 = arith.constant 0 : i32
      %dma_wait3A_65 = tpu.memref_slice %arg3[%dma_wait3A_64, %mul3A_42] : memref<32x8192xi32, #tpu.memory_space<hbm>> -> memref<32x128xi32, #tpu.memory_space<hbm>>
      tpu.wait_dma2 semaphore(%arg13 : memref<!tpu.dma_semaphore, #tpu.memory_space<semaphore_mem>>) src(%dma_wait3A_65 : memref<32x128xi32, #tpu.memory_space<hbm>>) dst(%arg9 : memref<32x128xi32, #tpu.memory_space<vmem>>)
      %dma_wait3A_66 = arith.constant 0 : i32
      %dma_wait3A_67 = tpu.memref_slice %arg4[%dma_wait3A_66, %mul3A_50] : memref<32x8192xf32, #tpu.memory_space<hbm>> -> memref<32x128xf32, #tpu.memory_space<hbm>>
      %dma_wait3A_68 = arith.constant 0 : i32
      %dma_wait3A_69 = tpu.memref_slice %arg4[%dma_wait3A_68, %mul3A_50] : memref<32x8192xf32, #tpu.memory_space<hbm>> -> memref<32x128xf32, #tpu.memory_space<hbm>>
      tpu.wait_dma2 semaphore(%arg13 : memref<!tpu.dma_semaphore, #tpu.memory_space<semaphore_mem>>) src(%dma_wait3A_69 : memref<32x128xf32, #tpu.memory_space<hbm>>) dst(%arg10 : memref<32x128xf32, #tpu.memory_space<vmem>>)
      %and3A_70 = arith.constant 1 : i32
      %and3A_71 = arith.andi %add3A_29, %and3A_70 : i32
      %mul3A_72 = arith.constant 64 : i32
      %mul3A_73 = arith.muli %and3A_71, %mul3A_72 : i32
      %mul3A_74 = arith.constant 4 : i32
      %mul3A_75 = vector.broadcast %mul3A_74 : i32 to vector<16xi32>
      %mul3A_76 = arith.muli %iota3A, %mul3A_75 : vector<16xi32>
      %add3A_77 = arith.constant 0 : i32
      %add3A_78 = vector.broadcast %add3A_77 : i32 to vector<16xi32>
      %add3A_79 = arith.addi %mul3A_76, %add3A_78 : vector<16xi32>
      %add3A_80 = vector.broadcast %mul3A_73 : i32 to vector<16xi32>
      %add3A_81 = arith.addi %add3A_79, %add3A_80 : vector<16xi32>
      %scan3A_82 = arith.constant 0 : i32
      %scan3A_83 = arith.constant 8 : i32
      %scan3A_84 = arith.addi %scan3A_82, %scan3A_83 : i32
      %scan3A_85 = arith.constant 1 : i32
      %scan3A_86 = scf.for %scan3A_184 = %scan3A_82 to %scan3A_84 step %scan3A_85 iter_args(%scan3A_185 = %broadcast_in_dim3A_1) -> (vector<16xf32>)  : i32 {
        %mul3A_186 = arith.constant 4 : i32
        %mul3A_187 = arith.muli %scan3A_184, %mul3A_186 : i32
        %add3A_188 = arith.constant 0 : i32
        %add3A_189 = arith.addi %mul3A_187, %add3A_188 : i32
        %broadcast_in_dim3A_190 = vector.broadcast %add3A_189 : i32 to vector<16xi32>
        %gather3A = tpu.vector_load_idx %arg9[%broadcast_in_dim3A_190, %add3A_81] : memref<32x128xi32, #tpu.memory_space<vmem>>[vector<16xi32>, vector<16xi32>], vector<16xi32>,
        %gather3A_191 = tpu.vector_load_idx %arg10[%broadcast_in_dim3A_190, %add3A_81] : memref<32x128xf32, #tpu.memory_space<vmem>>[vector<16xi32>, vector<16xi32>], vector<16xf32>,
        %shift_right_arithmetic3A_192 = arith.constant 7 : i32
        %shift_right_arithmetic3A_193 = vector.broadcast %shift_right_arithmetic3A_192 : i32 to vector<16xi32>
        %shift_right_arithmetic3A_194 = arith.shrsi %gather3A, %shift_right_arithmetic3A_193 : vector<16xi32>
        %and3A_195 = arith.constant 127 : i32
        %and3A_196 = vector.broadcast %and3A_195 : i32 to vector<16xi32>
        %and3A_197 = arith.andi %gather3A, %and3A_196 : vector<16xi32>
        %gather3A_198 = tpu.vector_load_idx %arg6[%shift_right_arithmetic3A_6, %shift_right_arithmetic3A_194, %and3A_8, %and3A_197] : memref<2x16x8x128xf32, #tpu.memory_space<vmem>>[vector<16xi32>, vector<16xi32>, vector<16xi32>, vector<16xi32>], vector<16xf32>,
        %neg3A = arith.constant 0.000000e+00 : f32
        %neg3A_199 = vector.broadcast %neg3A : f32 to vector<16xf32>
        %neg3A_200 = arith.subf %neg3A_199, %gather3A_198 : vector<16xf32>
        %exp3A = math.exp %neg3A_200 : vector<16xf32>
        %add3A_201 = arith.constant 1.000000e+00 : f32
        %add3A_202 = vector.broadcast %add3A_201 : f32 to vector<16xf32>
        %add3A_203 = arith.addf %add3A_202, %exp3A : vector<16xf32>
        %div3A_204 = arith.constant 1.000000e+00 : f32
        %div3A_205 = vector.broadcast %div3A_204 : f32 to vector<16xf32>
        %div3A_206 = arith.divf %div3A_205, %add3A_203 : vector<16xf32>
        %le3A = arith.cmpf ole, %gather3A_191, %div3A_206 : vector<16xf32>
        %jit3A = arith.constant 1.000000e+00 : f32
        %jit3A_207 = arith.constant 0.000000e+00 : f32
        %broadcast_in_dim3A_208 = vector.broadcast %jit3A : f32 to vector<16xf32>
        %broadcast_in_dim3A_209 = vector.broadcast %jit3A_207 : f32 to vector<16xf32>
        %select_n3A = arith.select %le3A, %broadcast_in_dim3A_208, %broadcast_in_dim3A_209 : vector<16xi1>, vector<16xf32>
        %add3A_210 = arith.addi %mul3A_4, %gather3A : vector<16xi32>
        %gather3A_211 = tpu.vector_load_idx %arg7[%add3A_210] : memref<32768xf32, #tpu.memory_space<vmem>>[vector<16xi32>], vector<16xf32>,
        tpu.vector_store_idx %arg7[%add3A_210], %select_n3A : memref<32768xf32, #tpu.memory_space<vmem>>[vector<16xi32>], vector<16xf32>,
        %sub3A = arith.subf %select_n3A, %gather3A_211 : vector<16xf32>
        %add3A_212 = arith.constant 0 : i32
        %add3A_213 = arith.addi %add3A_212, %add3A_189 : i32
        %mul3A_214 = arith.constant 16 : i32
        %mul3A_215 = arith.muli %add3A_213, %mul3A_214 : i32
        %swap3A = arith.index_cast %mul3A_215 : i32 to index
        %swap3A_216 = tpu.vector_load %arg11[%swap3A] {strides = array<i32>} : memref<2048xi32, #tpu.memory_space<vmem>>, vector<16xi32>,
        tpu.vector_store %arg11[%swap3A], %gather3A {strides = array<i32>} : memref<2048xi32, #tpu.memory_space<vmem>>, vector<16xi32>,
        %swap3A_217 = arith.index_cast %mul3A_215 : i32 to index
        %swap3A_218 = tpu.vector_load %arg12[%swap3A_217] {strides = array<i32>} : memref<2048xf32, #tpu.memory_space<vmem>>, vector<16xf32>,
        tpu.vector_store %arg12[%swap3A_217], %sub3A {strides = array<i32>} : memref<2048xf32, #tpu.memory_space<vmem>>, vector<16xf32>,
        %add3A_219 = arith.addf %scan3A_185, %sub3A : vector<16xf32>
        %mul3A_220 = arith.constant 4 : i32
        %mul3A_221 = arith.muli %scan3A_184, %mul3A_220 : i32
        %add3A_222 = arith.constant 1 : i32
        %add3A_223 = arith.addi %mul3A_221, %add3A_222 : i32
        %broadcast_in_dim3A_224 = vector.broadcast %add3A_223 : i32 to vector<16xi32>
        %gather3A_225 = tpu.vector_load_idx %arg9[%broadcast_in_dim3A_224, %add3A_81] : memref<32x128xi32, #tpu.memory_space<vmem>>[vector<16xi32>, vector<16xi32>], vector<16xi32>,
        %gather3A_226 = tpu.vector_load_idx %arg10[%broadcast_in_dim3A_224, %add3A_81] : memref<32x128xf32, #tpu.memory_space<vmem>>[vector<16xi32>, vector<16xi32>], vector<16xf32>,
        %shift_right_arithmetic3A_227 = arith.constant 7 : i32
        %shift_right_arithmetic3A_228 = vector.broadcast %shift_right_arithmetic3A_227 : i32 to vector<16xi32>
        %shift_right_arithmetic3A_229 = arith.shrsi %gather3A_225, %shift_right_arithmetic3A_228 : vector<16xi32>
        %and3A_230 = arith.constant 127 : i32
        %and3A_231 = vector.broadcast %and3A_230 : i32 to vector<16xi32>
        %and3A_232 = arith.andi %gather3A_225, %and3A_231 : vector<16xi32>
        %gather3A_233 = tpu.vector_load_idx %arg6[%shift_right_arithmetic3A_6, %shift_right_arithmetic3A_229, %and3A_8, %and3A_232] : memref<2x16x8x128xf32, #tpu.memory_space<vmem>>[vector<16xi32>, vector<16xi32>, vector<16xi32>, vector<16xi32>], vector<16xf32>,
        %neg3A_234 = arith.constant 0.000000e+00 : f32
        %neg3A_235 = vector.broadcast %neg3A_234 : f32 to vector<16xf32>
        %neg3A_236 = arith.subf %neg3A_235, %gather3A_233 : vector<16xf32>
        %exp3A_237 = math.exp %neg3A_236 : vector<16xf32>
        %add3A_238 = arith.constant 1.000000e+00 : f32
        %add3A_239 = vector.broadcast %add3A_238 : f32 to vector<16xf32>
        %add3A_240 = arith.addf %add3A_239, %exp3A_237 : vector<16xf32>
        %div3A_241 = arith.constant 1.000000e+00 : f32
        %div3A_242 = vector.broadcast %div3A_241 : f32 to vector<16xf32>
        %div3A_243 = arith.divf %div3A_242, %add3A_240 : vector<16xf32>
        %le3A_244 = arith.cmpf ole, %gather3A_226, %div3A_243 : vector<16xf32>
        %jit3A_245 = arith.constant 1.000000e+00 : f32
        %jit3A_246 = arith.constant 0.000000e+00 : f32
        %broadcast_in_dim3A_247 = vector.broadcast %jit3A_245 : f32 to vector<16xf32>
        %broadcast_in_dim3A_248 = vector.broadcast %jit3A_246 : f32 to vector<16xf32>
        %select_n3A_249 = arith.select %le3A_244, %broadcast_in_dim3A_247, %broadcast_in_dim3A_248 : vector<16xi1>, vector<16xf32>
        %add3A_250 = arith.addi %mul3A_4, %gather3A_225 : vector<16xi32>
        %gather3A_251 = tpu.vector_load_idx %arg7[%add3A_250] : memref<32768xf32, #tpu.memory_space<vmem>>[vector<16xi32>], vector<16xf32>,
        tpu.vector_store_idx %arg7[%add3A_250], %select_n3A_249 : memref<32768xf32, #tpu.memory_space<vmem>>[vector<16xi32>], vector<16xf32>,
        %sub3A_252 = arith.subf %select_n3A_249, %gather3A_251 : vector<16xf32>
        %add3A_253 = arith.constant 0 : i32
        %add3A_254 = arith.addi %add3A_253, %add3A_223 : i32
        %mul3A_255 = arith.constant 16 : i32
        %mul3A_256 = arith.muli %add3A_254, %mul3A_255 : i32
        %swap3A_257 = arith.index_cast %mul3A_256 : i32 to index
        %swap3A_258 = tpu.vector_load %arg11[%swap3A_257] {strides = array<i32>} : memref<2048xi32, #tpu.memory_space<vmem>>, vector<16xi32>,
        tpu.vector_store %arg11[%swap3A_257], %gather3A_225 {strides = array<i32>} : memref<2048xi32, #tpu.memory_space<vmem>>, vector<16xi32>,
        %swap3A_259 = arith.index_cast %mul3A_256 : i32 to index
        %swap3A_260 = tpu.vector_load %arg12[%swap3A_259] {strides = array<i32>} : memref<2048xf32, #tpu.memory_space<vmem>>, vector<16xf32>,
        tpu.vector_store %arg12[%swap3A_259], %sub3A_252 {strides = array<i32>} : memref<2048xf32, #tpu.memory_space<vmem>>, vector<16xf32>,
        %add3A_261 = arith.addf %add3A_219, %sub3A_252 : vector<16xf32>
        %mul3A_262 = arith.constant 4 : i32
        %mul3A_263 = arith.muli %scan3A_184, %mul3A_262 : i32
        %add3A_264 = arith.constant 2 : i32
        %add3A_265 = arith.addi %mul3A_263, %add3A_264 : i32
        %broadcast_in_dim3A_266 = vector.broadcast %add3A_265 : i32 to vector<16xi32>
        %gather3A_267 = tpu.vector_load_idx %arg9[%broadcast_in_dim3A_266, %add3A_81] : memref<32x128xi32, #tpu.memory_space<vmem>>[vector<16xi32>, vector<16xi32>], vector<16xi32>,
        %gather3A_268 = tpu.vector_load_idx %arg10[%broadcast_in_dim3A_266, %add3A_81] : memref<32x128xf32, #tpu.memory_space<vmem>>[vector<16xi32>, vector<16xi32>], vector<16xf32>,
        %shift_right_arithmetic3A_269 = arith.constant 7 : i32
        %shift_right_arithmetic3A_270 = vector.broadcast %shift_right_arithmetic3A_269 : i32 to vector<16xi32>
        %shift_right_arithmetic3A_271 = arith.shrsi %gather3A_267, %shift_right_arithmetic3A_270 : vector<16xi32>
        %and3A_272 = arith.constant 127 : i32
        %and3A_273 = vector.broadcast %and3A_272 : i32 to vector<16xi32>
        %and3A_274 = arith.andi %gather3A_267, %and3A_273 : vector<16xi32>
        %gather3A_275 = tpu.vector_load_idx %arg6[%shift_right_arithmetic3A_6, %shift_right_arithmetic3A_271, %and3A_8, %and3A_274] : memref<2x16x8x128xf32, #tpu.memory_space<vmem>>[vector<16xi32>, vector<16xi32>, vector<16xi32>, vector<16xi32>], vector<16xf32>,
        %neg3A_276 = arith.constant 0.000000e+00 : f32
        %neg3A_277 = vector.broadcast %neg3A_276 : f32 to vector<16xf32>
        %neg3A_278 = arith.subf %neg3A_277, %gather3A_275 : vector<16xf32>
        %exp3A_279 = math.exp %neg3A_278 : vector<16xf32>
        %add3A_280 = arith.constant 1.000000e+00 : f32
        %add3A_281 = vector.broadcast %add3A_280 : f32 to vector<16xf32>
        %add3A_282 = arith.addf %add3A_281, %exp3A_279 : vector<16xf32>
        %div3A_283 = arith.constant 1.000000e+00 : f32
        %div3A_284 = vector.broadcast %div3A_283 : f32 to vector<16xf32>
        %div3A_285 = arith.divf %div3A_284, %add3A_282 : vector<16xf32>
        %le3A_286 = arith.cmpf ole, %gather3A_268, %div3A_285 : vector<16xf32>
        %jit3A_287 = arith.constant 1.000000e+00 : f32
        %jit3A_288 = arith.constant 0.000000e+00 : f32
        %broadcast_in_dim3A_289 = vector.broadcast %jit3A_287 : f32 to vector<16xf32>
        %broadcast_in_dim3A_290 = vector.broadcast %jit3A_288 : f32 to vector<16xf32>
        %select_n3A_291 = arith.select %le3A_286, %broadcast_in_dim3A_289, %broadcast_in_dim3A_290 : vector<16xi1>, vector<16xf32>
        %add3A_292 = arith.addi %mul3A_4, %gather3A_267 : vector<16xi32>
        %gather3A_293 = tpu.vector_load_idx %arg7[%add3A_292] : memref<32768xf32, #tpu.memory_space<vmem>>[vector<16xi32>], vector<16xf32>,
        tpu.vector_store_idx %arg7[%add3A_292], %select_n3A_291 : memref<32768xf32, #tpu.memory_space<vmem>>[vector<16xi32>], vector<16xf32>,
        %sub3A_294 = arith.subf %select_n3A_291, %gather3A_293 : vector<16xf32>
        %add3A_295 = arith.constant 0 : i32
        %add3A_296 = arith.addi %add3A_295, %add3A_265 : i32
        %mul3A_297 = arith.constant 16 : i32
        %mul3A_298 = arith.muli %add3A_296, %mul3A_297 : i32
        %swap3A_299 = arith.index_cast %mul3A_298 : i32 to index
        %swap3A_300 = tpu.vector_load %arg11[%swap3A_299] {strides = array<i32>} : memref<2048xi32, #tpu.memory_space<vmem>>, vector<16xi32>,
        tpu.vector_store %arg11[%swap3A_299], %gather3A_267 {strides = array<i32>} : memref<2048xi32, #tpu.memory_space<vmem>>, vector<16xi32>,
        %swap3A_301 = arith.index_cast %mul3A_298 : i32 to index
        %swap3A_302 = tpu.vector_load %arg12[%swap3A_301] {strides = array<i32>} : memref<2048xf32, #tpu.memory_space<vmem>>, vector<16xf32>,
        tpu.vector_store %arg12[%swap3A_301], %sub3A_294 {strides = array<i32>} : memref<2048xf32, #tpu.memory_space<vmem>>, vector<16xf32>,
        %add3A_303 = arith.addf %add3A_261, %sub3A_294 : vector<16xf32>
        %mul3A_304 = arith.constant 4 : i32
        %mul3A_305 = arith.muli %scan3A_184, %mul3A_304 : i32
        %add3A_306 = arith.constant 3 : i32
        %add3A_307 = arith.addi %mul3A_305, %add3A_306 : i32
        %broadcast_in_dim3A_308 = vector.broadcast %add3A_307 : i32 to vector<16xi32>
        %gather3A_309 = tpu.vector_load_idx %arg9[%broadcast_in_dim3A_308, %add3A_81] : memref<32x128xi32, #tpu.memory_space<vmem>>[vector<16xi32>, vector<16xi32>], vector<16xi32>,
        %gather3A_310 = tpu.vector_load_idx %arg10[%broadcast_in_dim3A_308, %add3A_81] : memref<32x128xf32, #tpu.memory_space<vmem>>[vector<16xi32>, vector<16xi32>], vector<16xf32>,
        %shift_right_arithmetic3A_311 = arith.constant 7 : i32
        %shift_right_arithmetic3A_312 = vector.broadcast %shift_right_arithmetic3A_311 : i32 to vector<16xi32>
        %shift_right_arithmetic3A_313 = arith.shrsi %gather3A_309, %shift_right_arithmetic3A_312 : vector<16xi32>
        %and3A_314 = arith.constant 127 : i32
        %and3A_315 = vector.broadcast %and3A_314 : i32 to vector<16xi32>
        %and3A_316 = arith.andi %gather3A_309, %and3A_315 : vector<16xi32>
        %gather3A_317 = tpu.vector_load_idx %arg6[%shift_right_arithmetic3A_6, %shift_right_arithmetic3A_313, %and3A_8, %and3A_316] : memref<2x16x8x128xf32, #tpu.memory_space<vmem>>[vector<16xi32>, vector<16xi32>, vector<16xi32>, vector<16xi32>], vector<16xf32>,
        %neg3A_318 = arith.constant 0.000000e+00 : f32
        %neg3A_319 = vector.broadcast %neg3A_318 : f32 to vector<16xf32>
        %neg3A_320 = arith.subf %neg3A_319, %gather3A_317 : vector<16xf32>
        %exp3A_321 = math.exp %neg3A_320 : vector<16xf32>
        %add3A_322 = arith.constant 1.000000e+00 : f32
        %add3A_323 = vector.broadcast %add3A_322 : f32 to vector<16xf32>
        %add3A_324 = arith.addf %add3A_323, %exp3A_321 : vector<16xf32>
        %div3A_325 = arith.constant 1.000000e+00 : f32
        %div3A_326 = vector.broadcast %div3A_325 : f32 to vector<16xf32>
        %div3A_327 = arith.divf %div3A_326, %add3A_324 : vector<16xf32>
        %le3A_328 = arith.cmpf ole, %gather3A_310, %div3A_327 : vector<16xf32>
        %jit3A_329 = arith.constant 1.000000e+00 : f32
        %jit3A_330 = arith.constant 0.000000e+00 : f32
        %broadcast_in_dim3A_331 = vector.broadcast %jit3A_329 : f32 to vector<16xf32>
        %broadcast_in_dim3A_332 = vector.broadcast %jit3A_330 : f32 to vector<16xf32>
        %select_n3A_333 = arith.select %le3A_328, %broadcast_in_dim3A_331, %broadcast_in_dim3A_332 : vector<16xi1>, vector<16xf32>
        %add3A_334 = arith.addi %mul3A_4, %gather3A_309 : vector<16xi32>
        %gather3A_335 = tpu.vector_load_idx %arg7[%add3A_334] : memref<32768xf32, #tpu.memory_space<vmem>>[vector<16xi32>], vector<16xf32>,
        tpu.vector_store_idx %arg7[%add3A_334], %select_n3A_333 : memref<32768xf32, #tpu.memory_space<vmem>>[vector<16xi32>], vector<16xf32>,
        %sub3A_336 = arith.subf %select_n3A_333, %gather3A_335 : vector<16xf32>
        %add3A_337 = arith.constant 0 : i32
        %add3A_338 = arith.addi %add3A_337, %add3A_307 : i32
        %mul3A_339 = arith.constant 16 : i32
        %mul3A_340 = arith.muli %add3A_338, %mul3A_339 : i32
        %swap3A_341 = arith.index_cast %mul3A_340 : i32 to index
        %swap3A_342 = tpu.vector_load %arg11[%swap3A_341] {strides = array<i32>} : memref<2048xi32, #tpu.memory_space<vmem>>, vector<16xi32>,
        tpu.vector_store %arg11[%swap3A_341], %gather3A_309 {strides = array<i32>} : memref<2048xi32, #tpu.memory_space<vmem>>, vector<16xi32>,
        %swap3A_343 = arith.index_cast %mul3A_340 : i32 to index
        %swap3A_344 = tpu.vector_load %arg12[%swap3A_343] {strides = array<i32>} : memref<2048xf32, #tpu.memory_space<vmem>>, vector<16xf32>,
        tpu.vector_store %arg12[%swap3A_343], %sub3A_336 {strides = array<i32>} : memref<2048xf32, #tpu.memory_space<vmem>>, vector<16xf32>,
        %add3A_345 = arith.addf %add3A_303, %sub3A_336 : vector<16xf32>
        scf.yield %add3A_345 : vector<16xf32>
      }
      %scan3A_87 = arith.constant 8 : i32
      %max3A = arith.constant 1.000000e+00 : f32
      %max3A_88 = vector.broadcast %max3A : f32 to vector<16xf32>
      %max3A_89 = arith.maximumf %scan3A_86, %max3A_88 : vector<16xf32>
      %div3A = arith.constant 2.500000e-01 : f32
      %div3A_90 = vector.broadcast %div3A : f32 to vector<16xf32>
      %div3A_91 = arith.divf %div3A_90, %max3A_89 : vector<16xf32>
      %scan3A_92 = arith.constant 0 : i32
      %scan3A_93 = arith.constant 0 : i32
      %scan3A_94 = arith.constant 8 : i32
      %scan3A_95 = arith.addi %scan3A_93, %scan3A_94 : i32
      %scan3A_96 = arith.constant 1 : i32
      scf.for %scan3A_184 = %scan3A_93 to %scan3A_95 step %scan3A_96  : i32 {
        %mul3A_185 = arith.constant 4 : i32
        %mul3A_186 = arith.muli %scan3A_184, %mul3A_185 : i32
        %add3A_187 = arith.constant 0 : i32
        %add3A_188 = arith.addi %add3A_187, %mul3A_186 : i32
        %add3A_189 = arith.constant 0 : i32
        %add3A_190 = arith.addi %add3A_188, %add3A_189 : i32
        %mul3A_191 = arith.constant 16 : i32
        %mul3A_192 = arith.muli %add3A_190, %mul3A_191 : i32
        %get3A = arith.index_cast %mul3A_192 : i32 to index
        %get3A_193 = tpu.vector_load %arg11[%get3A] {strides = array<i32>} : memref<2048xi32, #tpu.memory_space<vmem>>, vector<16xi32>,
        %get3A_194 = arith.index_cast %mul3A_192 : i32 to index
        %get3A_195 = tpu.vector_load %arg12[%get3A_194] {strides = array<i32>} : memref<2048xf32, #tpu.memory_space<vmem>>, vector<16xf32>,
        %shift_right_arithmetic3A_196 = arith.constant 7 : i32
        %shift_right_arithmetic3A_197 = vector.broadcast %shift_right_arithmetic3A_196 : i32 to vector<16xi32>
        %shift_right_arithmetic3A_198 = arith.shrsi %get3A_193, %shift_right_arithmetic3A_197 : vector<16xi32>
        %and3A_199 = arith.constant 127 : i32
        %and3A_200 = vector.broadcast %and3A_199 : i32 to vector<16xi32>
        %and3A_201 = arith.andi %get3A_193, %and3A_200 : vector<16xi32>
        %mul3A_202 = arith.mulf %get3A_195, %div3A_91 : vector<16xf32>
        tpu.vector_store_idx %arg8[%shift_right_arithmetic3A_6, %shift_right_arithmetic3A_198, %and3A_8, %and3A_201], %mul3A_202 {add = true} : memref<2x16x8x128xf32, #tpu.memory_space<vmem>>[vector<16xi32>, vector<16xi32>, vector<16xi32>, vector<16xi32>], vector<16xf32>,
        %add3A_203 = arith.addi %mul3A_4, %get3A_193 : vector<16xi32>
        tpu.vector_store_idx %arg7[%add3A_203], %broadcast_in_dim3A_1 : memref<32768xf32, #tpu.memory_space<vmem>>[vector<16xi32>], vector<16xf32>,
        %mul3A_204 = arith.constant 4 : i32
        %mul3A_205 = arith.muli %scan3A_184, %mul3A_204 : i32
        %add3A_206 = arith.constant 0 : i32
        %add3A_207 = arith.addi %add3A_206, %mul3A_205 : i32
        %add3A_208 = arith.constant 1 : i32
        %add3A_209 = arith.addi %add3A_207, %add3A_208 : i32
        %mul3A_210 = arith.constant 16 : i32
        %mul3A_211 = arith.muli %add3A_209, %mul3A_210 : i32
        %get3A_212 = arith.index_cast %mul3A_211 : i32 to index
        %get3A_213 = tpu.vector_load %arg11[%get3A_212] {strides = array<i32>} : memref<2048xi32, #tpu.memory_space<vmem>>, vector<16xi32>,
        %get3A_214 = arith.index_cast %mul3A_211 : i32 to index
        %get3A_215 = tpu.vector_load %arg12[%get3A_214] {strides = array<i32>} : memref<2048xf32, #tpu.memory_space<vmem>>, vector<16xf32>,
        %shift_right_arithmetic3A_216 = arith.constant 7 : i32
        %shift_right_arithmetic3A_217 = vector.broadcast %shift_right_arithmetic3A_216 : i32 to vector<16xi32>
        %shift_right_arithmetic3A_218 = arith.shrsi %get3A_213, %shift_right_arithmetic3A_217 : vector<16xi32>
        %and3A_219 = arith.constant 127 : i32
        %and3A_220 = vector.broadcast %and3A_219 : i32 to vector<16xi32>
        %and3A_221 = arith.andi %get3A_213, %and3A_220 : vector<16xi32>
        %mul3A_222 = arith.mulf %get3A_215, %div3A_91 : vector<16xf32>
        tpu.vector_store_idx %arg8[%shift_right_arithmetic3A_6, %shift_right_arithmetic3A_218, %and3A_8, %and3A_221], %mul3A_222 {add = true} : memref<2x16x8x128xf32, #tpu.memory_space<vmem>>[vector<16xi32>, vector<16xi32>, vector<16xi32>, vector<16xi32>], vector<16xf32>,
        %add3A_223 = arith.addi %mul3A_4, %get3A_213 : vector<16xi32>
        tpu.vector_store_idx %arg7[%add3A_223], %broadcast_in_dim3A_1 : memref<32768xf32, #tpu.memory_space<vmem>>[vector<16xi32>], vector<16xf32>,
        %mul3A_224 = arith.constant 4 : i32
        %mul3A_225 = arith.muli %scan3A_184, %mul3A_224 : i32
        %add3A_226 = arith.constant 0 : i32
        %add3A_227 = arith.addi %add3A_226, %mul3A_225 : i32
        %add3A_228 = arith.constant 2 : i32
        %add3A_229 = arith.addi %add3A_227, %add3A_228 : i32
        %mul3A_230 = arith.constant 16 : i32
        %mul3A_231 = arith.muli %add3A_229, %mul3A_230 : i32
        %get3A_232 = arith.index_cast %mul3A_231 : i32 to index
        %get3A_233 = tpu.vector_load %arg11[%get3A_232] {strides = array<i32>} : memref<2048xi32, #tpu.memory_space<vmem>>, vector<16xi32>,
        %get3A_234 = arith.index_cast %mul3A_231 : i32 to index
        %get3A_235 = tpu.vector_load %arg12[%get3A_234] {strides = array<i32>} : memref<2048xf32, #tpu.memory_space<vmem>>, vector<16xf32>,
        %shift_right_arithmetic3A_236 = arith.constant 7 : i32
        %shift_right_arithmetic3A_237 = vector.broadcast %shift_right_arithmetic3A_236 : i32 to vector<16xi32>
        %shift_right_arithmetic3A_238 = arith.shrsi %get3A_233, %shift_right_arithmetic3A_237 : vector<16xi32>
        %and3A_239 = arith.constant 127 : i32
        %and3A_240 = vector.broadcast %and3A_239 : i32 to vector<16xi32>
        %and3A_241 = arith.andi %get3A_233, %and3A_240 : vector<16xi32>
        %mul3A_242 = arith.mulf %get3A_235, %div3A_91 : vector<16xf32>
        tpu.vector_store_idx %arg8[%shift_right_arithmetic3A_6, %shift_right_arithmetic3A_238, %and3A_8, %and3A_241], %mul3A_242 {add = true} : memref<2x16x8x128xf32, #tpu.memory_space<vmem>>[vector<16xi32>, vector<16xi32>, vector<16xi32>, vector<16xi32>], vector<16xf32>,
        %add3A_243 = arith.addi %mul3A_4, %get3A_233 : vector<16xi32>
        tpu.vector_store_idx %arg7[%add3A_243], %broadcast_in_dim3A_1 : memref<32768xf32, #tpu.memory_space<vmem>>[vector<16xi32>], vector<16xf32>,
        %mul3A_244 = arith.constant 4 : i32
        %mul3A_245 = arith.muli %scan3A_184, %mul3A_244 : i32
        %add3A_246 = arith.constant 0 : i32
        %add3A_247 = arith.addi %add3A_246, %mul3A_245 : i32
        %add3A_248 = arith.constant 3 : i32
        %add3A_249 = arith.addi %add3A_247, %add3A_248 : i32
        %mul3A_250 = arith.constant 16 : i32
        %mul3A_251 = arith.muli %add3A_249, %mul3A_250 : i32
        %get3A_252 = arith.index_cast %mul3A_251 : i32 to index
        %get3A_253 = tpu.vector_load %arg11[%get3A_252] {strides = array<i32>} : memref<2048xi32, #tpu.memory_space<vmem>>, vector<16xi32>,
        %get3A_254 = arith.index_cast %mul3A_251 : i32 to index
        %get3A_255 = tpu.vector_load %arg12[%get3A_254] {strides = array<i32>} : memref<2048xf32, #tpu.memory_space<vmem>>, vector<16xf32>,
        %shift_right_arithmetic3A_256 = arith.constant 7 : i32
        %shift_right_arithmetic3A_257 = vector.broadcast %shift_right_arithmetic3A_256 : i32 to vector<16xi32>
        %shift_right_arithmetic3A_258 = arith.shrsi %get3A_253, %shift_right_arithmetic3A_257 : vector<16xi32>
        %and3A_259 = arith.constant 127 : i32
        %and3A_260 = vector.broadcast %and3A_259 : i32 to vector<16xi32>
        %and3A_261 = arith.andi %get3A_253, %and3A_260 : vector<16xi32>
        %mul3A_262 = arith.mulf %get3A_255, %div3A_91 : vector<16xf32>
        tpu.vector_store_idx %arg8[%shift_right_arithmetic3A_6, %shift_right_arithmetic3A_258, %and3A_8, %and3A_261], %mul3A_262 {add = true} : memref<2x16x8x128xf32, #tpu.memory_space<vmem>>[vector<16xi32>, vector<16xi32>, vector<16xi32>, vector<16xi32>], vector<16xf32>,
        %add3A_263 = arith.addi %mul3A_4, %get3A_253 : vector<16xi32>
        tpu.vector_store_idx %arg7[%add3A_263], %broadcast_in_dim3A_1 : memref<32768xf32, #tpu.memory_space<vmem>>[vector<16xi32>], vector<16xf32>,
      }
      %scan3A_97 = arith.constant 8 : i32
      %mul3A_98 = arith.constant 4 : i32
      %mul3A_99 = vector.broadcast %mul3A_98 : i32 to vector<16xi32>
      %mul3A_100 = arith.muli %iota3A, %mul3A_99 : vector<16xi32>
      %add3A_101 = arith.constant 1 : i32
      %add3A_102 = vector.broadcast %add3A_101 : i32 to vector<16xi32>
      %add3A_103 = arith.addi %mul3A_100, %add3A_102 : vector<16xi32>
      %add3A_104 = vector.broadcast %mul3A_73 : i32 to vector<16xi32>
      %add3A_105 = arith.addi %add3A_103, %add3A_104 : vector<16xi32>
      %scan3A_106 = arith.constant 0 : i32
      %scan3A_107 = arith.constant 8 : i32
      %scan3A_108 = arith.addi %scan3A_106, %scan3A_107 : i32
      %scan3A_109 = arith.constant 1 : i32
      %scan3A_110 = scf.for %scan3A_184 = %scan3A_106 to %scan3A_108 step %scan3A_109 iter_args(%scan3A_185 = %broadcast_in_dim3A_1) -> (vector<16xf32>)  : i32 {
        %mul3A_186 = arith.constant 4 : i32
        %mul3A_187 = arith.muli %scan3A_184, %mul3A_186 : i32
        %add3A_188 = arith.constant 0 : i32
        %add3A_189 = arith.addi %mul3A_187, %add3A_188 : i32
        %broadcast_in_dim3A_190 = vector.broadcast %add3A_189 : i32 to vector<16xi32>
        %gather3A = tpu.vector_load_idx %arg9[%broadcast_in_dim3A_190, %add3A_105] : memref<32x128xi32, #tpu.memory_space<vmem>>[vector<16xi32>, vector<16xi32>], vector<16xi32>,
        %gather3A_191 = tpu.vector_load_idx %arg10[%broadcast_in_dim3A_190, %add3A_105] : memref<32x128xf32, #tpu.memory_space<vmem>>[vector<16xi32>, vector<16xi32>], vector<16xf32>,
        %shift_right_arithmetic3A_192 = arith.constant 7 : i32
        %shift_right_arithmetic3A_193 = vector.broadcast %shift_right_arithmetic3A_192 : i32 to vector<16xi32>
        %shift_right_arithmetic3A_194 = arith.shrsi %gather3A, %shift_right_arithmetic3A_193 : vector<16xi32>
        %and3A_195 = arith.constant 127 : i32
        %and3A_196 = vector.broadcast %and3A_195 : i32 to vector<16xi32>
        %and3A_197 = arith.andi %gather3A, %and3A_196 : vector<16xi32>
        %gather3A_198 = tpu.vector_load_idx %arg6[%shift_right_arithmetic3A_6, %shift_right_arithmetic3A_194, %and3A_8, %and3A_197] : memref<2x16x8x128xf32, #tpu.memory_space<vmem>>[vector<16xi32>, vector<16xi32>, vector<16xi32>, vector<16xi32>], vector<16xf32>,
        %neg3A = arith.constant 0.000000e+00 : f32
        %neg3A_199 = vector.broadcast %neg3A : f32 to vector<16xf32>
        %neg3A_200 = arith.subf %neg3A_199, %gather3A_198 : vector<16xf32>
        %exp3A = math.exp %neg3A_200 : vector<16xf32>
        %add3A_201 = arith.constant 1.000000e+00 : f32
        %add3A_202 = vector.broadcast %add3A_201 : f32 to vector<16xf32>
        %add3A_203 = arith.addf %add3A_202, %exp3A : vector<16xf32>
        %div3A_204 = arith.constant 1.000000e+00 : f32
        %div3A_205 = vector.broadcast %div3A_204 : f32 to vector<16xf32>
        %div3A_206 = arith.divf %div3A_205, %add3A_203 : vector<16xf32>
        %le3A = arith.cmpf ole, %gather3A_191, %div3A_206 : vector<16xf32>
        %jit3A = arith.constant 1.000000e+00 : f32
        %jit3A_207 = arith.constant 0.000000e+00 : f32
        %broadcast_in_dim3A_208 = vector.broadcast %jit3A : f32 to vector<16xf32>
        %broadcast_in_dim3A_209 = vector.broadcast %jit3A_207 : f32 to vector<16xf32>
        %select_n3A = arith.select %le3A, %broadcast_in_dim3A_208, %broadcast_in_dim3A_209 : vector<16xi1>, vector<16xf32>
        %add3A_210 = arith.addi %mul3A_4, %gather3A : vector<16xi32>
        %gather3A_211 = tpu.vector_load_idx %arg7[%add3A_210] : memref<32768xf32, #tpu.memory_space<vmem>>[vector<16xi32>], vector<16xf32>,
        tpu.vector_store_idx %arg7[%add3A_210], %select_n3A : memref<32768xf32, #tpu.memory_space<vmem>>[vector<16xi32>], vector<16xf32>,
        %sub3A = arith.subf %select_n3A, %gather3A_211 : vector<16xf32>
        %add3A_212 = arith.constant 32 : i32
        %add3A_213 = arith.addi %add3A_212, %add3A_189 : i32
        %mul3A_214 = arith.constant 16 : i32
        %mul3A_215 = arith.muli %add3A_213, %mul3A_214 : i32
        %swap3A = arith.index_cast %mul3A_215 : i32 to index
        %swap3A_216 = tpu.vector_load %arg11[%swap3A] {strides = array<i32>} : memref<2048xi32, #tpu.memory_space<vmem>>, vector<16xi32>,
        tpu.vector_store %arg11[%swap3A], %gather3A {strides = array<i32>} : memref<2048xi32, #tpu.memory_space<vmem>>, vector<16xi32>,
        %swap3A_217 = arith.index_cast %mul3A_215 : i32 to index
        %swap3A_218 = tpu.vector_load %arg12[%swap3A_217] {strides = array<i32>} : memref<2048xf32, #tpu.memory_space<vmem>>, vector<16xf32>,
        tpu.vector_store %arg12[%swap3A_217], %sub3A {strides = array<i32>} : memref<2048xf32, #tpu.memory_space<vmem>>, vector<16xf32>,
        %add3A_219 = arith.addf %scan3A_185, %sub3A : vector<16xf32>
        %mul3A_220 = arith.constant 4 : i32
        %mul3A_221 = arith.muli %scan3A_184, %mul3A_220 : i32
        %add3A_222 = arith.constant 1 : i32
        %add3A_223 = arith.addi %mul3A_221, %add3A_222 : i32
        %broadcast_in_dim3A_224 = vector.broadcast %add3A_223 : i32 to vector<16xi32>
        %gather3A_225 = tpu.vector_load_idx %arg9[%broadcast_in_dim3A_224, %add3A_105] : memref<32x128xi32, #tpu.memory_space<vmem>>[vector<16xi32>, vector<16xi32>], vector<16xi32>,
        %gather3A_226 = tpu.vector_load_idx %arg10[%broadcast_in_dim3A_224, %add3A_105] : memref<32x128xf32, #tpu.memory_space<vmem>>[vector<16xi32>, vector<16xi32>], vector<16xf32>,
        %shift_right_arithmetic3A_227 = arith.constant 7 : i32
        %shift_right_arithmetic3A_228 = vector.broadcast %shift_right_arithmetic3A_227 : i32 to vector<16xi32>
        %shift_right_arithmetic3A_229 = arith.shrsi %gather3A_225, %shift_right_arithmetic3A_228 : vector<16xi32>
        %and3A_230 = arith.constant 127 : i32
        %and3A_231 = vector.broadcast %and3A_230 : i32 to vector<16xi32>
        %and3A_232 = arith.andi %gather3A_225, %and3A_231 : vector<16xi32>
        %gather3A_233 = tpu.vector_load_idx %arg6[%shift_right_arithmetic3A_6, %shift_right_arithmetic3A_229, %and3A_8, %and3A_232] : memref<2x16x8x128xf32, #tpu.memory_space<vmem>>[vector<16xi32>, vector<16xi32>, vector<16xi32>, vector<16xi32>], vector<16xf32>,
        %neg3A_234 = arith.constant 0.000000e+00 : f32
        %neg3A_235 = vector.broadcast %neg3A_234 : f32 to vector<16xf32>
        %neg3A_236 = arith.subf %neg3A_235, %gather3A_233 : vector<16xf32>
        %exp3A_237 = math.exp %neg3A_236 : vector<16xf32>
        %add3A_238 = arith.constant 1.000000e+00 : f32
        %add3A_239 = vector.broadcast %add3A_238 : f32 to vector<16xf32>
        %add3A_240 = arith.addf %add3A_239, %exp3A_237 : vector<16xf32>
        %div3A_241 = arith.constant 1.000000e+00 : f32
        %div3A_242 = vector.broadcast %div3A_241 : f32 to vector<16xf32>
        %div3A_243 = arith.divf %div3A_242, %add3A_240 : vector<16xf32>
        %le3A_244 = arith.cmpf ole, %gather3A_226, %div3A_243 : vector<16xf32>
        %jit3A_245 = arith.constant 1.000000e+00 : f32
        %jit3A_246 = arith.constant 0.000000e+00 : f32
        %broadcast_in_dim3A_247 = vector.broadcast %jit3A_245 : f32 to vector<16xf32>
        %broadcast_in_dim3A_248 = vector.broadcast %jit3A_246 : f32 to vector<16xf32>
        %select_n3A_249 = arith.select %le3A_244, %broadcast_in_dim3A_247, %broadcast_in_dim3A_248 : vector<16xi1>, vector<16xf32>
        %add3A_250 = arith.addi %mul3A_4, %gather3A_225 : vector<16xi32>
        %gather3A_251 = tpu.vector_load_idx %arg7[%add3A_250] : memref<32768xf32, #tpu.memory_space<vmem>>[vector<16xi32>], vector<16xf32>,
        tpu.vector_store_idx %arg7[%add3A_250], %select_n3A_249 : memref<32768xf32, #tpu.memory_space<vmem>>[vector<16xi32>], vector<16xf32>,
        %sub3A_252 = arith.subf %select_n3A_249, %gather3A_251 : vector<16xf32>
        %add3A_253 = arith.constant 32 : i32
        %add3A_254 = arith.addi %add3A_253, %add3A_223 : i32
        %mul3A_255 = arith.constant 16 : i32
        %mul3A_256 = arith.muli %add3A_254, %mul3A_255 : i32
        %swap3A_257 = arith.index_cast %mul3A_256 : i32 to index
        %swap3A_258 = tpu.vector_load %arg11[%swap3A_257] {strides = array<i32>} : memref<2048xi32, #tpu.memory_space<vmem>>, vector<16xi32>,
        tpu.vector_store %arg11[%swap3A_257], %gather3A_225 {strides = array<i32>} : memref<2048xi32, #tpu.memory_space<vmem>>, vector<16xi32>,
        %swap3A_259 = arith.index_cast %mul3A_256 : i32 to index
        %swap3A_260 = tpu.vector_load %arg12[%swap3A_259] {strides = array<i32>} : memref<2048xf32, #tpu.memory_space<vmem>>, vector<16xf32>,
        tpu.vector_store %arg12[%swap3A_259], %sub3A_252 {strides = array<i32>} : memref<2048xf32, #tpu.memory_space<vmem>>, vector<16xf32>,
        %add3A_261 = arith.addf %add3A_219, %sub3A_252 : vector<16xf32>
        %mul3A_262 = arith.constant 4 : i32
        %mul3A_263 = arith.muli %scan3A_184, %mul3A_262 : i32
        %add3A_264 = arith.constant 2 : i32
        %add3A_265 = arith.addi %mul3A_263, %add3A_264 : i32
        %broadcast_in_dim3A_266 = vector.broadcast %add3A_265 : i32 to vector<16xi32>
        %gather3A_267 = tpu.vector_load_idx %arg9[%broadcast_in_dim3A_266, %add3A_105] : memref<32x128xi32, #tpu.memory_space<vmem>>[vector<16xi32>, vector<16xi32>], vector<16xi32>,
        %gather3A_268 = tpu.vector_load_idx %arg10[%broadcast_in_dim3A_266, %add3A_105] : memref<32x128xf32, #tpu.memory_space<vmem>>[vector<16xi32>, vector<16xi32>], vector<16xf32>,
        %shift_right_arithmetic3A_269 = arith.constant 7 : i32
        %shift_right_arithmetic3A_270 = vector.broadcast %shift_right_arithmetic3A_269 : i32 to vector<16xi32>
        %shift_right_arithmetic3A_271 = arith.shrsi %gather3A_267, %shift_right_arithmetic3A_270 : vector<16xi32>
        %and3A_272 = arith.constant 127 : i32
        %and3A_273 = vector.broadcast %and3A_272 : i32 to vector<16xi32>
        %and3A_274 = arith.andi %gather3A_267, %and3A_273 : vector<16xi32>
        %gather3A_275 = tpu.vector_load_idx %arg6[%shift_right_arithmetic3A_6, %shift_right_arithmetic3A_271, %and3A_8, %and3A_274] : memref<2x16x8x128xf32, #tpu.memory_space<vmem>>[vector<16xi32>, vector<16xi32>, vector<16xi32>, vector<16xi32>], vector<16xf32>,
        %neg3A_276 = arith.constant 0.000000e+00 : f32
        %neg3A_277 = vector.broadcast %neg3A_276 : f32 to vector<16xf32>
        %neg3A_278 = arith.subf %neg3A_277, %gather3A_275 : vector<16xf32>
        %exp3A_279 = math.exp %neg3A_278 : vector<16xf32>
        %add3A_280 = arith.constant 1.000000e+00 : f32
        %add3A_281 = vector.broadcast %add3A_280 : f32 to vector<16xf32>
        %add3A_282 = arith.addf %add3A_281, %exp3A_279 : vector<16xf32>
        %div3A_283 = arith.constant 1.000000e+00 : f32
        %div3A_284 = vector.broadcast %div3A_283 : f32 to vector<16xf32>
        %div3A_285 = arith.divf %div3A_284, %add3A_282 : vector<16xf32>
        %le3A_286 = arith.cmpf ole, %gather3A_268, %div3A_285 : vector<16xf32>
        %jit3A_287 = arith.constant 1.000000e+00 : f32
        %jit3A_288 = arith.constant 0.000000e+00 : f32
        %broadcast_in_dim3A_289 = vector.broadcast %jit3A_287 : f32 to vector<16xf32>
        %broadcast_in_dim3A_290 = vector.broadcast %jit3A_288 : f32 to vector<16xf32>
        %select_n3A_291 = arith.select %le3A_286, %broadcast_in_dim3A_289, %broadcast_in_dim3A_290 : vector<16xi1>, vector<16xf32>
        %add3A_292 = arith.addi %mul3A_4, %gather3A_267 : vector<16xi32>
        %gather3A_293 = tpu.vector_load_idx %arg7[%add3A_292] : memref<32768xf32, #tpu.memory_space<vmem>>[vector<16xi32>], vector<16xf32>,
        tpu.vector_store_idx %arg7[%add3A_292], %select_n3A_291 : memref<32768xf32, #tpu.memory_space<vmem>>[vector<16xi32>], vector<16xf32>,
        %sub3A_294 = arith.subf %select_n3A_291, %gather3A_293 : vector<16xf32>
        %add3A_295 = arith.constant 32 : i32
        %add3A_296 = arith.addi %add3A_295, %add3A_265 : i32
        %mul3A_297 = arith.constant 16 : i32
        %mul3A_298 = arith.muli %add3A_296, %mul3A_297 : i32
        %swap3A_299 = arith.index_cast %mul3A_298 : i32 to index
        %swap3A_300 = tpu.vector_load %arg11[%swap3A_299] {strides = array<i32>} : memref<2048xi32, #tpu.memory_space<vmem>>, vector<16xi32>,
        tpu.vector_store %arg11[%swap3A_299], %gather3A_267 {strides = array<i32>} : memref<2048xi32, #tpu.memory_space<vmem>>, vector<16xi32>,
        %swap3A_301 = arith.index_cast %mul3A_298 : i32 to index
        %swap3A_302 = tpu.vector_load %arg12[%swap3A_301] {strides = array<i32>} : memref<2048xf32, #tpu.memory_space<vmem>>, vector<16xf32>,
        tpu.vector_store %arg12[%swap3A_301], %sub3A_294 {strides = array<i32>} : memref<2048xf32, #tpu.memory_space<vmem>>, vector<16xf32>,
        %add3A_303 = arith.addf %add3A_261, %sub3A_294 : vector<16xf32>
        %mul3A_304 = arith.constant 4 : i32
        %mul3A_305 = arith.muli %scan3A_184, %mul3A_304 : i32
        %add3A_306 = arith.constant 3 : i32
        %add3A_307 = arith.addi %mul3A_305, %add3A_306 : i32
        %broadcast_in_dim3A_308 = vector.broadcast %add3A_307 : i32 to vector<16xi32>
        %gather3A_309 = tpu.vector_load_idx %arg9[%broadcast_in_dim3A_308, %add3A_105] : memref<32x128xi32, #tpu.memory_space<vmem>>[vector<16xi32>, vector<16xi32>], vector<16xi32>,
        %gather3A_310 = tpu.vector_load_idx %arg10[%broadcast_in_dim3A_308, %add3A_105] : memref<32x128xf32, #tpu.memory_space<vmem>>[vector<16xi32>, vector<16xi32>], vector<16xf32>,
        %shift_right_arithmetic3A_311 = arith.constant 7 : i32
        %shift_right_arithmetic3A_312 = vector.broadcast %shift_right_arithmetic3A_311 : i32 to vector<16xi32>
        %shift_right_arithmetic3A_313 = arith.shrsi %gather3A_309, %shift_right_arithmetic3A_312 : vector<16xi32>
        %and3A_314 = arith.constant 127 : i32
        %and3A_315 = vector.broadcast %and3A_314 : i32 to vector<16xi32>
        %and3A_316 = arith.andi %gather3A_309, %and3A_315 : vector<16xi32>
        %gather3A_317 = tpu.vector_load_idx %arg6[%shift_right_arithmetic3A_6, %shift_right_arithmetic3A_313, %and3A_8, %and3A_316] : memref<2x16x8x128xf32, #tpu.memory_space<vmem>>[vector<16xi32>, vector<16xi32>, vector<16xi32>, vector<16xi32>], vector<16xf32>,
        %neg3A_318 = arith.constant 0.000000e+00 : f32
        %neg3A_319 = vector.broadcast %neg3A_318 : f32 to vector<16xf32>
        %neg3A_320 = arith.subf %neg3A_319, %gather3A_317 : vector<16xf32>
        %exp3A_321 = math.exp %neg3A_320 : vector<16xf32>
        %add3A_322 = arith.constant 1.000000e+00 : f32
        %add3A_323 = vector.broadcast %add3A_322 : f32 to vector<16xf32>
        %add3A_324 = arith.addf %add3A_323, %exp3A_321 : vector<16xf32>
        %div3A_325 = arith.constant 1.000000e+00 : f32
        %div3A_326 = vector.broadcast %div3A_325 : f32 to vector<16xf32>
        %div3A_327 = arith.divf %div3A_326, %add3A_324 : vector<16xf32>
        %le3A_328 = arith.cmpf ole, %gather3A_310, %div3A_327 : vector<16xf32>
        %jit3A_329 = arith.constant 1.000000e+00 : f32
        %jit3A_330 = arith.constant 0.000000e+00 : f32
        %broadcast_in_dim3A_331 = vector.broadcast %jit3A_329 : f32 to vector<16xf32>
        %broadcast_in_dim3A_332 = vector.broadcast %jit3A_330 : f32 to vector<16xf32>
        %select_n3A_333 = arith.select %le3A_328, %broadcast_in_dim3A_331, %broadcast_in_dim3A_332 : vector<16xi1>, vector<16xf32>
        %add3A_334 = arith.addi %mul3A_4, %gather3A_309 : vector<16xi32>
        %gather3A_335 = tpu.vector_load_idx %arg7[%add3A_334] : memref<32768xf32, #tpu.memory_space<vmem>>[vector<16xi32>], vector<16xf32>,
        tpu.vector_store_idx %arg7[%add3A_334], %select_n3A_333 : memref<32768xf32, #tpu.memory_space<vmem>>[vector<16xi32>], vector<16xf32>,
        %sub3A_336 = arith.subf %select_n3A_333, %gather3A_335 : vector<16xf32>
        %add3A_337 = arith.constant 32 : i32
        %add3A_338 = arith.addi %add3A_337, %add3A_307 : i32
        %mul3A_339 = arith.constant 16 : i32
        %mul3A_340 = arith.muli %add3A_338, %mul3A_339 : i32
        %swap3A_341 = arith.index_cast %mul3A_340 : i32 to index
        %swap3A_342 = tpu.vector_load %arg11[%swap3A_341] {strides = array<i32>} : memref<2048xi32, #tpu.memory_space<vmem>>, vector<16xi32>,
        tpu.vector_store %arg11[%swap3A_341], %gather3A_309 {strides = array<i32>} : memref<2048xi32, #tpu.memory_space<vmem>>, vector<16xi32>,
        %swap3A_343 = arith.index_cast %mul3A_340 : i32 to index
        %swap3A_344 = tpu.vector_load %arg12[%swap3A_343] {strides = array<i32>} : memref<2048xf32, #tpu.memory_space<vmem>>, vector<16xf32>,
        tpu.vector_store %arg12[%swap3A_343], %sub3A_336 {strides = array<i32>} : memref<2048xf32, #tpu.memory_space<vmem>>, vector<16xf32>,
        %add3A_345 = arith.addf %add3A_303, %sub3A_336 : vector<16xf32>
        scf.yield %add3A_345 : vector<16xf32>
      }
      %scan3A_111 = arith.constant 8 : i32
      %max3A_112 = arith.constant 1.000000e+00 : f32
      %max3A_113 = vector.broadcast %max3A_112 : f32 to vector<16xf32>
      %max3A_114 = arith.maximumf %scan3A_110, %max3A_113 : vector<16xf32>
      %div3A_115 = arith.constant 2.500000e-01 : f32
      %div3A_116 = vector.broadcast %div3A_115 : f32 to vector<16xf32>
      %div3A_117 = arith.divf %div3A_116, %max3A_114 : vector<16xf32>
      %scan3A_118 = arith.constant 0 : i32
      %scan3A_119 = arith.constant 0 : i32
      %scan3A_120 = arith.constant 8 : i32
      %scan3A_121 = arith.addi %scan3A_119, %scan3A_120 : i32
      %scan3A_122 = arith.constant 1 : i32
      scf.for %scan3A_184 = %scan3A_119 to %scan3A_121 step %scan3A_122  : i32 {
        %mul3A_185 = arith.constant 4 : i32
        %mul3A_186 = arith.muli %scan3A_184, %mul3A_185 : i32
        %add3A_187 = arith.constant 32 : i32
        %add3A_188 = arith.addi %add3A_187, %mul3A_186 : i32
        %add3A_189 = arith.constant 0 : i32
        %add3A_190 = arith.addi %add3A_188, %add3A_189 : i32
        %mul3A_191 = arith.constant 16 : i32
        %mul3A_192 = arith.muli %add3A_190, %mul3A_191 : i32
        %get3A = arith.index_cast %mul3A_192 : i32 to index
        %get3A_193 = tpu.vector_load %arg11[%get3A] {strides = array<i32>} : memref<2048xi32, #tpu.memory_space<vmem>>, vector<16xi32>,
        %get3A_194 = arith.index_cast %mul3A_192 : i32 to index
        %get3A_195 = tpu.vector_load %arg12[%get3A_194] {strides = array<i32>} : memref<2048xf32, #tpu.memory_space<vmem>>, vector<16xf32>,
        %shift_right_arithmetic3A_196 = arith.constant 7 : i32
        %shift_right_arithmetic3A_197 = vector.broadcast %shift_right_arithmetic3A_196 : i32 to vector<16xi32>
        %shift_right_arithmetic3A_198 = arith.shrsi %get3A_193, %shift_right_arithmetic3A_197 : vector<16xi32>
        %and3A_199 = arith.constant 127 : i32
        %and3A_200 = vector.broadcast %and3A_199 : i32 to vector<16xi32>
        %and3A_201 = arith.andi %get3A_193, %and3A_200 : vector<16xi32>
        %mul3A_202 = arith.mulf %get3A_195, %div3A_117 : vector<16xf32>
        tpu.vector_store_idx %arg8[%shift_right_arithmetic3A_6, %shift_right_arithmetic3A_198, %and3A_8, %and3A_201], %mul3A_202 {add = true} : memref<2x16x8x128xf32, #tpu.memory_space<vmem>>[vector<16xi32>, vector<16xi32>, vector<16xi32>, vector<16xi32>], vector<16xf32>,
        %add3A_203 = arith.addi %mul3A_4, %get3A_193 : vector<16xi32>
        tpu.vector_store_idx %arg7[%add3A_203], %broadcast_in_dim3A_1 : memref<32768xf32, #tpu.memory_space<vmem>>[vector<16xi32>], vector<16xf32>,
        %mul3A_204 = arith.constant 4 : i32
        %mul3A_205 = arith.muli %scan3A_184, %mul3A_204 : i32
        %add3A_206 = arith.constant 32 : i32
        %add3A_207 = arith.addi %add3A_206, %mul3A_205 : i32
        %add3A_208 = arith.constant 1 : i32
        %add3A_209 = arith.addi %add3A_207, %add3A_208 : i32
        %mul3A_210 = arith.constant 16 : i32
        %mul3A_211 = arith.muli %add3A_209, %mul3A_210 : i32
        %get3A_212 = arith.index_cast %mul3A_211 : i32 to index
        %get3A_213 = tpu.vector_load %arg11[%get3A_212] {strides = array<i32>} : memref<2048xi32, #tpu.memory_space<vmem>>, vector<16xi32>,
        %get3A_214 = arith.index_cast %mul3A_211 : i32 to index
        %get3A_215 = tpu.vector_load %arg12[%get3A_214] {strides = array<i32>} : memref<2048xf32, #tpu.memory_space<vmem>>, vector<16xf32>,
        %shift_right_arithmetic3A_216 = arith.constant 7 : i32
        %shift_right_arithmetic3A_217 = vector.broadcast %shift_right_arithmetic3A_216 : i32 to vector<16xi32>
        %shift_right_arithmetic3A_218 = arith.shrsi %get3A_213, %shift_right_arithmetic3A_217 : vector<16xi32>
        %and3A_219 = arith.constant 127 : i32
        %and3A_220 = vector.broadcast %and3A_219 : i32 to vector<16xi32>
        %and3A_221 = arith.andi %get3A_213, %and3A_220 : vector<16xi32>
        %mul3A_222 = arith.mulf %get3A_215, %div3A_117 : vector<16xf32>
        tpu.vector_store_idx %arg8[%shift_right_arithmetic3A_6, %shift_right_arithmetic3A_218, %and3A_8, %and3A_221], %mul3A_222 {add = true} : memref<2x16x8x128xf32, #tpu.memory_space<vmem>>[vector<16xi32>, vector<16xi32>, vector<16xi32>, vector<16xi32>], vector<16xf32>,
        %add3A_223 = arith.addi %mul3A_4, %get3A_213 : vector<16xi32>
        tpu.vector_store_idx %arg7[%add3A_223], %broadcast_in_dim3A_1 : memref<32768xf32, #tpu.memory_space<vmem>>[vector<16xi32>], vector<16xf32>,
        %mul3A_224 = arith.constant 4 : i32
        %mul3A_225 = arith.muli %scan3A_184, %mul3A_224 : i32
        %add3A_226 = arith.constant 32 : i32
        %add3A_227 = arith.addi %add3A_226, %mul3A_225 : i32
        %add3A_228 = arith.constant 2 : i32
        %add3A_229 = arith.addi %add3A_227, %add3A_228 : i32
        %mul3A_230 = arith.constant 16 : i32
        %mul3A_231 = arith.muli %add3A_229, %mul3A_230 : i32
        %get3A_232 = arith.index_cast %mul3A_231 : i32 to index
        %get3A_233 = tpu.vector_load %arg11[%get3A_232] {strides = array<i32>} : memref<2048xi32, #tpu.memory_space<vmem>>, vector<16xi32>,
        %get3A_234 = arith.index_cast %mul3A_231 : i32 to index
        %get3A_235 = tpu.vector_load %arg12[%get3A_234] {strides = array<i32>} : memref<2048xf32, #tpu.memory_space<vmem>>, vector<16xf32>,
        %shift_right_arithmetic3A_236 = arith.constant 7 : i32
        %shift_right_arithmetic3A_237 = vector.broadcast %shift_right_arithmetic3A_236 : i32 to vector<16xi32>
        %shift_right_arithmetic3A_238 = arith.shrsi %get3A_233, %shift_right_arithmetic3A_237 : vector<16xi32>
        %and3A_239 = arith.constant 127 : i32
        %and3A_240 = vector.broadcast %and3A_239 : i32 to vector<16xi32>
        %and3A_241 = arith.andi %get3A_233, %and3A_240 : vector<16xi32>
        %mul3A_242 = arith.mulf %get3A_235, %div3A_117 : vector<16xf32>
        tpu.vector_store_idx %arg8[%shift_right_arithmetic3A_6, %shift_right_arithmetic3A_238, %and3A_8, %and3A_241], %mul3A_242 {add = true} : memref<2x16x8x128xf32, #tpu.memory_space<vmem>>[vector<16xi32>, vector<16xi32>, vector<16xi32>, vector<16xi32>], vector<16xf32>,
        %add3A_243 = arith.addi %mul3A_4, %get3A_233 : vector<16xi32>
        tpu.vector_store_idx %arg7[%add3A_243], %broadcast_in_dim3A_1 : memref<32768xf32, #tpu.memory_space<vmem>>[vector<16xi32>], vector<16xf32>,
        %mul3A_244 = arith.constant 4 : i32
        %mul3A_245 = arith.muli %scan3A_184, %mul3A_244 : i32
        %add3A_246 = arith.constant 32 : i32
        %add3A_247 = arith.addi %add3A_246, %mul3A_245 : i32
        %add3A_248 = arith.constant 3 : i32
        %add3A_249 = arith.addi %add3A_247, %add3A_248 : i32
        %mul3A_250 = arith.constant 16 : i32
        %mul3A_251 = arith.muli %add3A_249, %mul3A_250 : i32
        %get3A_252 = arith.index_cast %mul3A_251 : i32 to index
        %get3A_253 = tpu.vector_load %arg11[%get3A_252] {strides = array<i32>} : memref<2048xi32, #tpu.memory_space<vmem>>, vector<16xi32>,
        %get3A_254 = arith.index_cast %mul3A_251 : i32 to index
        %get3A_255 = tpu.vector_load %arg12[%get3A_254] {strides = array<i32>} : memref<2048xf32, #tpu.memory_space<vmem>>, vector<16xf32>,
        %shift_right_arithmetic3A_256 = arith.constant 7 : i32
        %shift_right_arithmetic3A_257 = vector.broadcast %shift_right_arithmetic3A_256 : i32 to vector<16xi32>
        %shift_right_arithmetic3A_258 = arith.shrsi %get3A_253, %shift_right_arithmetic3A_257 : vector<16xi32>
        %and3A_259 = arith.constant 127 : i32
        %and3A_260 = vector.broadcast %and3A_259 : i32 to vector<16xi32>
        %and3A_261 = arith.andi %get3A_253, %and3A_260 : vector<16xi32>
        %mul3A_262 = arith.mulf %get3A_255, %div3A_117 : vector<16xf32>
        tpu.vector_store_idx %arg8[%shift_right_arithmetic3A_6, %shift_right_arithmetic3A_258, %and3A_8, %and3A_261], %mul3A_262 {add = true} : memref<2x16x8x128xf32, #tpu.memory_space<vmem>>[vector<16xi32>, vector<16xi32>, vector<16xi32>, vector<16xi32>], vector<16xf32>,
        %add3A_263 = arith.addi %mul3A_4, %get3A_253 : vector<16xi32>
        tpu.vector_store_idx %arg7[%add3A_263], %broadcast_in_dim3A_1 : memref<32768xf32, #tpu.memory_space<vmem>>[vector<16xi32>], vector<16xf32>,
      }
      %scan3A_123 = arith.constant 8 : i32
      %mul3A_124 = arith.constant 4 : i32
      %mul3A_125 = vector.broadcast %mul3A_124 : i32 to vector<16xi32>
      %mul3A_126 = arith.muli %iota3A, %mul3A_125 : vector<16xi32>
      %add3A_127 = arith.constant 2 : i32
      %add3A_128 = vector.broadcast %add3A_127 : i32 to vector<16xi32>
      %add3A_129 = arith.addi %mul3A_126, %add3A_128 : vector<16xi32>
      %add3A_130 = vector.broadcast %mul3A_73 : i32 to vector<16xi32>
      %add3A_131 = arith.addi %add3A_129, %add3A_130 : vector<16xi32>
      %scan3A_132 = arith.constant 0 : i32
      %scan3A_133 = arith.constant 8 : i32
      %scan3A_134 = arith.addi %scan3A_132, %scan3A_133 : i32
      %scan3A_135 = arith.constant 1 : i32
      %scan3A_136 = scf.for %scan3A_184 = %scan3A_132 to %scan3A_134 step %scan3A_135 iter_args(%scan3A_185 = %broadcast_in_dim3A_1) -> (vector<16xf32>)  : i32 {
        %mul3A_186 = arith.constant 4 : i32
        %mul3A_187 = arith.muli %scan3A_184, %mul3A_186 : i32
        %add3A_188 = arith.constant 0 : i32
        %add3A_189 = arith.addi %mul3A_187, %add3A_188 : i32
        %broadcast_in_dim3A_190 = vector.broadcast %add3A_189 : i32 to vector<16xi32>
        %gather3A = tpu.vector_load_idx %arg9[%broadcast_in_dim3A_190, %add3A_131] : memref<32x128xi32, #tpu.memory_space<vmem>>[vector<16xi32>, vector<16xi32>], vector<16xi32>,
        %gather3A_191 = tpu.vector_load_idx %arg10[%broadcast_in_dim3A_190, %add3A_131] : memref<32x128xf32, #tpu.memory_space<vmem>>[vector<16xi32>, vector<16xi32>], vector<16xf32>,
        %shift_right_arithmetic3A_192 = arith.constant 7 : i32
        %shift_right_arithmetic3A_193 = vector.broadcast %shift_right_arithmetic3A_192 : i32 to vector<16xi32>
        %shift_right_arithmetic3A_194 = arith.shrsi %gather3A, %shift_right_arithmetic3A_193 : vector<16xi32>
        %and3A_195 = arith.constant 127 : i32
        %and3A_196 = vector.broadcast %and3A_195 : i32 to vector<16xi32>
        %and3A_197 = arith.andi %gather3A, %and3A_196 : vector<16xi32>
        %gather3A_198 = tpu.vector_load_idx %arg6[%shift_right_arithmetic3A_6, %shift_right_arithmetic3A_194, %and3A_8, %and3A_197] : memref<2x16x8x128xf32, #tpu.memory_space<vmem>>[vector<16xi32>, vector<16xi32>, vector<16xi32>, vector<16xi32>], vector<16xf32>,
        %neg3A = arith.constant 0.000000e+00 : f32
        %neg3A_199 = vector.broadcast %neg3A : f32 to vector<16xf32>
        %neg3A_200 = arith.subf %neg3A_199, %gather3A_198 : vector<16xf32>
        %exp3A = math.exp %neg3A_200 : vector<16xf32>
        %add3A_201 = arith.constant 1.000000e+00 : f32
        %add3A_202 = vector.broadcast %add3A_201 : f32 to vector<16xf32>
        %add3A_203 = arith.addf %add3A_202, %exp3A : vector<16xf32>
        %div3A_204 = arith.constant 1.000000e+00 : f32
        %div3A_205 = vector.broadcast %div3A_204 : f32 to vector<16xf32>
        %div3A_206 = arith.divf %div3A_205, %add3A_203 : vector<16xf32>
        %le3A = arith.cmpf ole, %gather3A_191, %div3A_206 : vector<16xf32>
        %jit3A = arith.constant 1.000000e+00 : f32
        %jit3A_207 = arith.constant 0.000000e+00 : f32
        %broadcast_in_dim3A_208 = vector.broadcast %jit3A : f32 to vector<16xf32>
        %broadcast_in_dim3A_209 = vector.broadcast %jit3A_207 : f32 to vector<16xf32>
        %select_n3A = arith.select %le3A, %broadcast_in_dim3A_208, %broadcast_in_dim3A_209 : vector<16xi1>, vector<16xf32>
        %add3A_210 = arith.addi %mul3A_4, %gather3A : vector<16xi32>
        %gather3A_211 = tpu.vector_load_idx %arg7[%add3A_210] : memref<32768xf32, #tpu.memory_space<vmem>>[vector<16xi32>], vector<16xf32>,
        tpu.vector_store_idx %arg7[%add3A_210], %select_n3A : memref<32768xf32, #tpu.memory_space<vmem>>[vector<16xi32>], vector<16xf32>,
        %sub3A = arith.subf %select_n3A, %gather3A_211 : vector<16xf32>
        %add3A_212 = arith.constant 64 : i32
        %add3A_213 = arith.addi %add3A_212, %add3A_189 : i32
        %mul3A_214 = arith.constant 16 : i32
        %mul3A_215 = arith.muli %add3A_213, %mul3A_214 : i32
        %swap3A = arith.index_cast %mul3A_215 : i32 to index
        %swap3A_216 = tpu.vector_load %arg11[%swap3A] {strides = array<i32>} : memref<2048xi32, #tpu.memory_space<vmem>>, vector<16xi32>,
        tpu.vector_store %arg11[%swap3A], %gather3A {strides = array<i32>} : memref<2048xi32, #tpu.memory_space<vmem>>, vector<16xi32>,
        %swap3A_217 = arith.index_cast %mul3A_215 : i32 to index
        %swap3A_218 = tpu.vector_load %arg12[%swap3A_217] {strides = array<i32>} : memref<2048xf32, #tpu.memory_space<vmem>>, vector<16xf32>,
        tpu.vector_store %arg12[%swap3A_217], %sub3A {strides = array<i32>} : memref<2048xf32, #tpu.memory_space<vmem>>, vector<16xf32>,
        %add3A_219 = arith.addf %scan3A_185, %sub3A : vector<16xf32>
        %mul3A_220 = arith.constant 4 : i32
        %mul3A_221 = arith.muli %scan3A_184, %mul3A_220 : i32
        %add3A_222 = arith.constant 1 : i32
        %add3A_223 = arith.addi %mul3A_221, %add3A_222 : i32
        %broadcast_in_dim3A_224 = vector.broadcast %add3A_223 : i32 to vector<16xi32>
        %gather3A_225 = tpu.vector_load_idx %arg9[%broadcast_in_dim3A_224, %add3A_131] : memref<32x128xi32, #tpu.memory_space<vmem>>[vector<16xi32>, vector<16xi32>], vector<16xi32>,
        %gather3A_226 = tpu.vector_load_idx %arg10[%broadcast_in_dim3A_224, %add3A_131] : memref<32x128xf32, #tpu.memory_space<vmem>>[vector<16xi32>, vector<16xi32>], vector<16xf32>,
        %shift_right_arithmetic3A_227 = arith.constant 7 : i32
        %shift_right_arithmetic3A_228 = vector.broadcast %shift_right_arithmetic3A_227 : i32 to vector<16xi32>
        %shift_right_arithmetic3A_229 = arith.shrsi %gather3A_225, %shift_right_arithmetic3A_228 : vector<16xi32>
        %and3A_230 = arith.constant 127 : i32
        %and3A_231 = vector.broadcast %and3A_230 : i32 to vector<16xi32>
        %and3A_232 = arith.andi %gather3A_225, %and3A_231 : vector<16xi32>
        %gather3A_233 = tpu.vector_load_idx %arg6[%shift_right_arithmetic3A_6, %shift_right_arithmetic3A_229, %and3A_8, %and3A_232] : memref<2x16x8x128xf32, #tpu.memory_space<vmem>>[vector<16xi32>, vector<16xi32>, vector<16xi32>, vector<16xi32>], vector<16xf32>,
        %neg3A_234 = arith.constant 0.000000e+00 : f32
        %neg3A_235 = vector.broadcast %neg3A_234 : f32 to vector<16xf32>
        %neg3A_236 = arith.subf %neg3A_235, %gather3A_233 : vector<16xf32>
        %exp3A_237 = math.exp %neg3A_236 : vector<16xf32>
        %add3A_238 = arith.constant 1.000000e+00 : f32
        %add3A_239 = vector.broadcast %add3A_238 : f32 to vector<16xf32>
        %add3A_240 = arith.addf %add3A_239, %exp3A_237 : vector<16xf32>
        %div3A_241 = arith.constant 1.000000e+00 : f32
        %div3A_242 = vector.broadcast %div3A_241 : f32 to vector<16xf32>
        %div3A_243 = arith.divf %div3A_242, %add3A_240 : vector<16xf32>
        %le3A_244 = arith.cmpf ole, %gather3A_226, %div3A_243 : vector<16xf32>
        %jit3A_245 = arith.constant 1.000000e+00 : f32
        %jit3A_246 = arith.constant 0.000000e+00 : f32
        %broadcast_in_dim3A_247 = vector.broadcast %jit3A_245 : f32 to vector<16xf32>
        %broadcast_in_dim3A_248 = vector.broadcast %jit3A_246 : f32 to vector<16xf32>
        %select_n3A_249 = arith.select %le3A_244, %broadcast_in_dim3A_247, %broadcast_in_dim3A_248 : vector<16xi1>, vector<16xf32>
        %add3A_250 = arith.addi %mul3A_4, %gather3A_225 : vector<16xi32>
        %gather3A_251 = tpu.vector_load_idx %arg7[%add3A_250] : memref<32768xf32, #tpu.memory_space<vmem>>[vector<16xi32>], vector<16xf32>,
        tpu.vector_store_idx %arg7[%add3A_250], %select_n3A_249 : memref<32768xf32, #tpu.memory_space<vmem>>[vector<16xi32>], vector<16xf32>,
        %sub3A_252 = arith.subf %select_n3A_249, %gather3A_251 : vector<16xf32>
        %add3A_253 = arith.constant 64 : i32
        %add3A_254 = arith.addi %add3A_253, %add3A_223 : i32
        %mul3A_255 = arith.constant 16 : i32
        %mul3A_256 = arith.muli %add3A_254, %mul3A_255 : i32
        %swap3A_257 = arith.index_cast %mul3A_256 : i32 to index
        %swap3A_258 = tpu.vector_load %arg11[%swap3A_257] {strides = array<i32>} : memref<2048xi32, #tpu.memory_space<vmem>>, vector<16xi32>,
        tpu.vector_store %arg11[%swap3A_257], %gather3A_225 {strides = array<i32>} : memref<2048xi32, #tpu.memory_space<vmem>>, vector<16xi32>,
        %swap3A_259 = arith.index_cast %mul3A_256 : i32 to index
        %swap3A_260 = tpu.vector_load %arg12[%swap3A_259] {strides = array<i32>} : memref<2048xf32, #tpu.memory_space<vmem>>, vector<16xf32>,
        tpu.vector_store %arg12[%swap3A_259], %sub3A_252 {strides = array<i32>} : memref<2048xf32, #tpu.memory_space<vmem>>, vector<16xf32>,
        %add3A_261 = arith.addf %add3A_219, %sub3A_252 : vector<16xf32>
        %mul3A_262 = arith.constant 4 : i32
        %mul3A_263 = arith.muli %scan3A_184, %mul3A_262 : i32
        %add3A_264 = arith.constant 2 : i32
        %add3A_265 = arith.addi %mul3A_263, %add3A_264 : i32
        %broadcast_in_dim3A_266 = vector.broadcast %add3A_265 : i32 to vector<16xi32>
        %gather3A_267 = tpu.vector_load_idx %arg9[%broadcast_in_dim3A_266, %add3A_131] : memref<32x128xi32, #tpu.memory_space<vmem>>[vector<16xi32>, vector<16xi32>], vector<16xi32>,
        %gather3A_268 = tpu.vector_load_idx %arg10[%broadcast_in_dim3A_266, %add3A_131] : memref<32x128xf32, #tpu.memory_space<vmem>>[vector<16xi32>, vector<16xi32>], vector<16xf32>,
        %shift_right_arithmetic3A_269 = arith.constant 7 : i32
        %shift_right_arithmetic3A_270 = vector.broadcast %shift_right_arithmetic3A_269 : i32 to vector<16xi32>
        %shift_right_arithmetic3A_271 = arith.shrsi %gather3A_267, %shift_right_arithmetic3A_270 : vector<16xi32>
        %and3A_272 = arith.constant 127 : i32
        %and3A_273 = vector.broadcast %and3A_272 : i32 to vector<16xi32>
        %and3A_274 = arith.andi %gather3A_267, %and3A_273 : vector<16xi32>
        %gather3A_275 = tpu.vector_load_idx %arg6[%shift_right_arithmetic3A_6, %shift_right_arithmetic3A_271, %and3A_8, %and3A_274] : memref<2x16x8x128xf32, #tpu.memory_space<vmem>>[vector<16xi32>, vector<16xi32>, vector<16xi32>, vector<16xi32>], vector<16xf32>,
        %neg3A_276 = arith.constant 0.000000e+00 : f32
        %neg3A_277 = vector.broadcast %neg3A_276 : f32 to vector<16xf32>
        %neg3A_278 = arith.subf %neg3A_277, %gather3A_275 : vector<16xf32>
        %exp3A_279 = math.exp %neg3A_278 : vector<16xf32>
        %add3A_280 = arith.constant 1.000000e+00 : f32
        %add3A_281 = vector.broadcast %add3A_280 : f32 to vector<16xf32>
        %add3A_282 = arith.addf %add3A_281, %exp3A_279 : vector<16xf32>
        %div3A_283 = arith.constant 1.000000e+00 : f32
        %div3A_284 = vector.broadcast %div3A_283 : f32 to vector<16xf32>
        %div3A_285 = arith.divf %div3A_284, %add3A_282 : vector<16xf32>
        %le3A_286 = arith.cmpf ole, %gather3A_268, %div3A_285 : vector<16xf32>
        %jit3A_287 = arith.constant 1.000000e+00 : f32
        %jit3A_288 = arith.constant 0.000000e+00 : f32
        %broadcast_in_dim3A_289 = vector.broadcast %jit3A_287 : f32 to vector<16xf32>
        %broadcast_in_dim3A_290 = vector.broadcast %jit3A_288 : f32 to vector<16xf32>
        %select_n3A_291 = arith.select %le3A_286, %broadcast_in_dim3A_289, %broadcast_in_dim3A_290 : vector<16xi1>, vector<16xf32>
        %add3A_292 = arith.addi %mul3A_4, %gather3A_267 : vector<16xi32>
        %gather3A_293 = tpu.vector_load_idx %arg7[%add3A_292] : memref<32768xf32, #tpu.memory_space<vmem>>[vector<16xi32>], vector<16xf32>,
        tpu.vector_store_idx %arg7[%add3A_292], %select_n3A_291 : memref<32768xf32, #tpu.memory_space<vmem>>[vector<16xi32>], vector<16xf32>,
        %sub3A_294 = arith.subf %select_n3A_291, %gather3A_293 : vector<16xf32>
        %add3A_295 = arith.constant 64 : i32
        %add3A_296 = arith.addi %add3A_295, %add3A_265 : i32
        %mul3A_297 = arith.constant 16 : i32
        %mul3A_298 = arith.muli %add3A_296, %mul3A_297 : i32
        %swap3A_299 = arith.index_cast %mul3A_298 : i32 to index
        %swap3A_300 = tpu.vector_load %arg11[%swap3A_299] {strides = array<i32>} : memref<2048xi32, #tpu.memory_space<vmem>>, vector<16xi32>,
        tpu.vector_store %arg11[%swap3A_299], %gather3A_267 {strides = array<i32>} : memref<2048xi32, #tpu.memory_space<vmem>>, vector<16xi32>,
        %swap3A_301 = arith.index_cast %mul3A_298 : i32 to index
        %swap3A_302 = tpu.vector_load %arg12[%swap3A_301] {strides = array<i32>} : memref<2048xf32, #tpu.memory_space<vmem>>, vector<16xf32>,
        tpu.vector_store %arg12[%swap3A_301], %sub3A_294 {strides = array<i32>} : memref<2048xf32, #tpu.memory_space<vmem>>, vector<16xf32>,
        %add3A_303 = arith.addf %add3A_261, %sub3A_294 : vector<16xf32>
        %mul3A_304 = arith.constant 4 : i32
        %mul3A_305 = arith.muli %scan3A_184, %mul3A_304 : i32
        %add3A_306 = arith.constant 3 : i32
        %add3A_307 = arith.addi %mul3A_305, %add3A_306 : i32
        %broadcast_in_dim3A_308 = vector.broadcast %add3A_307 : i32 to vector<16xi32>
        %gather3A_309 = tpu.vector_load_idx %arg9[%broadcast_in_dim3A_308, %add3A_131] : memref<32x128xi32, #tpu.memory_space<vmem>>[vector<16xi32>, vector<16xi32>], vector<16xi32>,
        %gather3A_310 = tpu.vector_load_idx %arg10[%broadcast_in_dim3A_308, %add3A_131] : memref<32x128xf32, #tpu.memory_space<vmem>>[vector<16xi32>, vector<16xi32>], vector<16xf32>,
        %shift_right_arithmetic3A_311 = arith.constant 7 : i32
        %shift_right_arithmetic3A_312 = vector.broadcast %shift_right_arithmetic3A_311 : i32 to vector<16xi32>
        %shift_right_arithmetic3A_313 = arith.shrsi %gather3A_309, %shift_right_arithmetic3A_312 : vector<16xi32>
        %and3A_314 = arith.constant 127 : i32
        %and3A_315 = vector.broadcast %and3A_314 : i32 to vector<16xi32>
        %and3A_316 = arith.andi %gather3A_309, %and3A_315 : vector<16xi32>
        %gather3A_317 = tpu.vector_load_idx %arg6[%shift_right_arithmetic3A_6, %shift_right_arithmetic3A_313, %and3A_8, %and3A_316] : memref<2x16x8x128xf32, #tpu.memory_space<vmem>>[vector<16xi32>, vector<16xi32>, vector<16xi32>, vector<16xi32>], vector<16xf32>,
        %neg3A_318 = arith.constant 0.000000e+00 : f32
        %neg3A_319 = vector.broadcast %neg3A_318 : f32 to vector<16xf32>
        %neg3A_320 = arith.subf %neg3A_319, %gather3A_317 : vector<16xf32>
        %exp3A_321 = math.exp %neg3A_320 : vector<16xf32>
        %add3A_322 = arith.constant 1.000000e+00 : f32
        %add3A_323 = vector.broadcast %add3A_322 : f32 to vector<16xf32>
        %add3A_324 = arith.addf %add3A_323, %exp3A_321 : vector<16xf32>
        %div3A_325 = arith.constant 1.000000e+00 : f32
        %div3A_326 = vector.broadcast %div3A_325 : f32 to vector<16xf32>
        %div3A_327 = arith.divf %div3A_326, %add3A_324 : vector<16xf32>
        %le3A_328 = arith.cmpf ole, %gather3A_310, %div3A_327 : vector<16xf32>
        %jit3A_329 = arith.constant 1.000000e+00 : f32
        %jit3A_330 = arith.constant 0.000000e+00 : f32
        %broadcast_in_dim3A_331 = vector.broadcast %jit3A_329 : f32 to vector<16xf32>
        %broadcast_in_dim3A_332 = vector.broadcast %jit3A_330 : f32 to vector<16xf32>
        %select_n3A_333 = arith.select %le3A_328, %broadcast_in_dim3A_331, %broadcast_in_dim3A_332 : vector<16xi1>, vector<16xf32>
        %add3A_334 = arith.addi %mul3A_4, %gather3A_309 : vector<16xi32>
        %gather3A_335 = tpu.vector_load_idx %arg7[%add3A_334] : memref<32768xf32, #tpu.memory_space<vmem>>[vector<16xi32>], vector<16xf32>,
        tpu.vector_store_idx %arg7[%add3A_334], %select_n3A_333 : memref<32768xf32, #tpu.memory_space<vmem>>[vector<16xi32>], vector<16xf32>,
        %sub3A_336 = arith.subf %select_n3A_333, %gather3A_335 : vector<16xf32>
        %add3A_337 = arith.constant 64 : i32
        %add3A_338 = arith.addi %add3A_337, %add3A_307 : i32
        %mul3A_339 = arith.constant 16 : i32
        %mul3A_340 = arith.muli %add3A_338, %mul3A_339 : i32
        %swap3A_341 = arith.index_cast %mul3A_340 : i32 to index
        %swap3A_342 = tpu.vector_load %arg11[%swap3A_341] {strides = array<i32>} : memref<2048xi32, #tpu.memory_space<vmem>>, vector<16xi32>,
        tpu.vector_store %arg11[%swap3A_341], %gather3A_309 {strides = array<i32>} : memref<2048xi32, #tpu.memory_space<vmem>>, vector<16xi32>,
        %swap3A_343 = arith.index_cast %mul3A_340 : i32 to index
        %swap3A_344 = tpu.vector_load %arg12[%swap3A_343] {strides = array<i32>} : memref<2048xf32, #tpu.memory_space<vmem>>, vector<16xf32>,
        tpu.vector_store %arg12[%swap3A_343], %sub3A_336 {strides = array<i32>} : memref<2048xf32, #tpu.memory_space<vmem>>, vector<16xf32>,
        %add3A_345 = arith.addf %add3A_303, %sub3A_336 : vector<16xf32>
        scf.yield %add3A_345 : vector<16xf32>
      }
      %scan3A_137 = arith.constant 8 : i32
      %max3A_138 = arith.constant 1.000000e+00 : f32
      %max3A_139 = vector.broadcast %max3A_138 : f32 to vector<16xf32>
      %max3A_140 = arith.maximumf %scan3A_136, %max3A_139 : vector<16xf32>
      %div3A_141 = arith.constant 2.500000e-01 : f32
      %div3A_142 = vector.broadcast %div3A_141 : f32 to vector<16xf32>
      %div3A_143 = arith.divf %div3A_142, %max3A_140 : vector<16xf32>
      %scan3A_144 = arith.constant 0 : i32
      %scan3A_145 = arith.constant 0 : i32
      %scan3A_146 = arith.constant 8 : i32
      %scan3A_147 = arith.addi %scan3A_145, %scan3A_146 : i32
      %scan3A_148 = arith.constant 1 : i32
      scf.for %scan3A_184 = %scan3A_145 to %scan3A_147 step %scan3A_148  : i32 {
        %mul3A_185 = arith.constant 4 : i32
        %mul3A_186 = arith.muli %scan3A_184, %mul3A_185 : i32
        %add3A_187 = arith.constant 64 : i32
        %add3A_188 = arith.addi %add3A_187, %mul3A_186 : i32
        %add3A_189 = arith.constant 0 : i32
        %add3A_190 = arith.addi %add3A_188, %add3A_189 : i32
        %mul3A_191 = arith.constant 16 : i32
        %mul3A_192 = arith.muli %add3A_190, %mul3A_191 : i32
        %get3A = arith.index_cast %mul3A_192 : i32 to index
        %get3A_193 = tpu.vector_load %arg11[%get3A] {strides = array<i32>} : memref<2048xi32, #tpu.memory_space<vmem>>, vector<16xi32>,
        %get3A_194 = arith.index_cast %mul3A_192 : i32 to index
        %get3A_195 = tpu.vector_load %arg12[%get3A_194] {strides = array<i32>} : memref<2048xf32, #tpu.memory_space<vmem>>, vector<16xf32>,
        %shift_right_arithmetic3A_196 = arith.constant 7 : i32
        %shift_right_arithmetic3A_197 = vector.broadcast %shift_right_arithmetic3A_196 : i32 to vector<16xi32>
        %shift_right_arithmetic3A_198 = arith.shrsi %get3A_193, %shift_right_arithmetic3A_197 : vector<16xi32>
        %and3A_199 = arith.constant 127 : i32
        %and3A_200 = vector.broadcast %and3A_199 : i32 to vector<16xi32>
        %and3A_201 = arith.andi %get3A_193, %and3A_200 : vector<16xi32>
        %mul3A_202 = arith.mulf %get3A_195, %div3A_143 : vector<16xf32>
        tpu.vector_store_idx %arg8[%shift_right_arithmetic3A_6, %shift_right_arithmetic3A_198, %and3A_8, %and3A_201], %mul3A_202 {add = true} : memref<2x16x8x128xf32, #tpu.memory_space<vmem>>[vector<16xi32>, vector<16xi32>, vector<16xi32>, vector<16xi32>], vector<16xf32>,
        %add3A_203 = arith.addi %mul3A_4, %get3A_193 : vector<16xi32>
        tpu.vector_store_idx %arg7[%add3A_203], %broadcast_in_dim3A_1 : memref<32768xf32, #tpu.memory_space<vmem>>[vector<16xi32>], vector<16xf32>,
        %mul3A_204 = arith.constant 4 : i32
        %mul3A_205 = arith.muli %scan3A_184, %mul3A_204 : i32
        %add3A_206 = arith.constant 64 : i32
        %add3A_207 = arith.addi %add3A_206, %mul3A_205 : i32
        %add3A_208 = arith.constant 1 : i32
        %add3A_209 = arith.addi %add3A_207, %add3A_208 : i32
        %mul3A_210 = arith.constant 16 : i32
        %mul3A_211 = arith.muli %add3A_209, %mul3A_210 : i32
        %get3A_212 = arith.index_cast %mul3A_211 : i32 to index
        %get3A_213 = tpu.vector_load %arg11[%get3A_212] {strides = array<i32>} : memref<2048xi32, #tpu.memory_space<vmem>>, vector<16xi32>,
        %get3A_214 = arith.index_cast %mul3A_211 : i32 to index
        %get3A_215 = tpu.vector_load %arg12[%get3A_214] {strides = array<i32>} : memref<2048xf32, #tpu.memory_space<vmem>>, vector<16xf32>,
        %shift_right_arithmetic3A_216 = arith.constant 7 : i32
        %shift_right_arithmetic3A_217 = vector.broadcast %shift_right_arithmetic3A_216 : i32 to vector<16xi32>
        %shift_right_arithmetic3A_218 = arith.shrsi %get3A_213, %shift_right_arithmetic3A_217 : vector<16xi32>
        %and3A_219 = arith.constant 127 : i32
        %and3A_220 = vector.broadcast %and3A_219 : i32 to vector<16xi32>
        %and3A_221 = arith.andi %get3A_213, %and3A_220 : vector<16xi32>
        %mul3A_222 = arith.mulf %get3A_215, %div3A_143 : vector<16xf32>
        tpu.vector_store_idx %arg8[%shift_right_arithmetic3A_6, %shift_right_arithmetic3A_218, %and3A_8, %and3A_221], %mul3A_222 {add = true} : memref<2x16x8x128xf32, #tpu.memory_space<vmem>>[vector<16xi32>, vector<16xi32>, vector<16xi32>, vector<16xi32>], vector<16xf32>,
        %add3A_223 = arith.addi %mul3A_4, %get3A_213 : vector<16xi32>
        tpu.vector_store_idx %arg7[%add3A_223], %broadcast_in_dim3A_1 : memref<32768xf32, #tpu.memory_space<vmem>>[vector<16xi32>], vector<16xf32>,
        %mul3A_224 = arith.constant 4 : i32
        %mul3A_225 = arith.muli %scan3A_184, %mul3A_224 : i32
        %add3A_226 = arith.constant 64 : i32
        %add3A_227 = arith.addi %add3A_226, %mul3A_225 : i32
        %add3A_228 = arith.constant 2 : i32
        %add3A_229 = arith.addi %add3A_227, %add3A_228 : i32
        %mul3A_230 = arith.constant 16 : i32
        %mul3A_231 = arith.muli %add3A_229, %mul3A_230 : i32
        %get3A_232 = arith.index_cast %mul3A_231 : i32 to index
        %get3A_233 = tpu.vector_load %arg11[%get3A_232] {strides = array<i32>} : memref<2048xi32, #tpu.memory_space<vmem>>, vector<16xi32>,
        %get3A_234 = arith.index_cast %mul3A_231 : i32 to index
        %get3A_235 = tpu.vector_load %arg12[%get3A_234] {strides = array<i32>} : memref<2048xf32, #tpu.memory_space<vmem>>, vector<16xf32>,
        %shift_right_arithmetic3A_236 = arith.constant 7 : i32
        %shift_right_arithmetic3A_237 = vector.broadcast %shift_right_arithmetic3A_236 : i32 to vector<16xi32>
        %shift_right_arithmetic3A_238 = arith.shrsi %get3A_233, %shift_right_arithmetic3A_237 : vector<16xi32>
        %and3A_239 = arith.constant 127 : i32
        %and3A_240 = vector.broadcast %and3A_239 : i32 to vector<16xi32>
        %and3A_241 = arith.andi %get3A_233, %and3A_240 : vector<16xi32>
        %mul3A_242 = arith.mulf %get3A_235, %div3A_143 : vector<16xf32>
        tpu.vector_store_idx %arg8[%shift_right_arithmetic3A_6, %shift_right_arithmetic3A_238, %and3A_8, %and3A_241], %mul3A_242 {add = true} : memref<2x16x8x128xf32, #tpu.memory_space<vmem>>[vector<16xi32>, vector<16xi32>, vector<16xi32>, vector<16xi32>], vector<16xf32>,
        %add3A_243 = arith.addi %mul3A_4, %get3A_233 : vector<16xi32>
        tpu.vector_store_idx %arg7[%add3A_243], %broadcast_in_dim3A_1 : memref<32768xf32, #tpu.memory_space<vmem>>[vector<16xi32>], vector<16xf32>,
        %mul3A_244 = arith.constant 4 : i32
        %mul3A_245 = arith.muli %scan3A_184, %mul3A_244 : i32
        %add3A_246 = arith.constant 64 : i32
        %add3A_247 = arith.addi %add3A_246, %mul3A_245 : i32
        %add3A_248 = arith.constant 3 : i32
        %add3A_249 = arith.addi %add3A_247, %add3A_248 : i32
        %mul3A_250 = arith.constant 16 : i32
        %mul3A_251 = arith.muli %add3A_249, %mul3A_250 : i32
        %get3A_252 = arith.index_cast %mul3A_251 : i32 to index
        %get3A_253 = tpu.vector_load %arg11[%get3A_252] {strides = array<i32>} : memref<2048xi32, #tpu.memory_space<vmem>>, vector<16xi32>,
        %get3A_254 = arith.index_cast %mul3A_251 : i32 to index
        %get3A_255 = tpu.vector_load %arg12[%get3A_254] {strides = array<i32>} : memref<2048xf32, #tpu.memory_space<vmem>>, vector<16xf32>,
        %shift_right_arithmetic3A_256 = arith.constant 7 : i32
        %shift_right_arithmetic3A_257 = vector.broadcast %shift_right_arithmetic3A_256 : i32 to vector<16xi32>
        %shift_right_arithmetic3A_258 = arith.shrsi %get3A_253, %shift_right_arithmetic3A_257 : vector<16xi32>
        %and3A_259 = arith.constant 127 : i32
        %and3A_260 = vector.broadcast %and3A_259 : i32 to vector<16xi32>
        %and3A_261 = arith.andi %get3A_253, %and3A_260 : vector<16xi32>
        %mul3A_262 = arith.mulf %get3A_255, %div3A_143 : vector<16xf32>
        tpu.vector_store_idx %arg8[%shift_right_arithmetic3A_6, %shift_right_arithmetic3A_258, %and3A_8, %and3A_261], %mul3A_262 {add = true} : memref<2x16x8x128xf32, #tpu.memory_space<vmem>>[vector<16xi32>, vector<16xi32>, vector<16xi32>, vector<16xi32>], vector<16xf32>,
        %add3A_263 = arith.addi %mul3A_4, %get3A_253 : vector<16xi32>
        tpu.vector_store_idx %arg7[%add3A_263], %broadcast_in_dim3A_1 : memref<32768xf32, #tpu.memory_space<vmem>>[vector<16xi32>], vector<16xf32>,
      }
      %scan3A_149 = arith.constant 8 : i32
      %mul3A_150 = arith.constant 4 : i32
      %mul3A_151 = vector.broadcast %mul3A_150 : i32 to vector<16xi32>
      %mul3A_152 = arith.muli %iota3A, %mul3A_151 : vector<16xi32>
      %add3A_153 = arith.constant 3 : i32
      %add3A_154 = vector.broadcast %add3A_153 : i32 to vector<16xi32>
      %add3A_155 = arith.addi %mul3A_152, %add3A_154 : vector<16xi32>
      %add3A_156 = vector.broadcast %mul3A_73 : i32 to vector<16xi32>
      %add3A_157 = arith.addi %add3A_155, %add3A_156 : vector<16xi32>
      %scan3A_158 = arith.constant 0 : i32
      %scan3A_159 = arith.constant 8 : i32
      %scan3A_160 = arith.addi %scan3A_158, %scan3A_159 : i32
      %scan3A_161 = arith.constant 1 : i32
      %scan3A_162 = scf.for %scan3A_184 = %scan3A_158 to %scan3A_160 step %scan3A_161 iter_args(%scan3A_185 = %broadcast_in_dim3A_1) -> (vector<16xf32>)  : i32 {
        %mul3A_186 = arith.constant 4 : i32
        %mul3A_187 = arith.muli %scan3A_184, %mul3A_186 : i32
        %add3A_188 = arith.constant 0 : i32
        %add3A_189 = arith.addi %mul3A_187, %add3A_188 : i32
        %broadcast_in_dim3A_190 = vector.broadcast %add3A_189 : i32 to vector<16xi32>
        %gather3A = tpu.vector_load_idx %arg9[%broadcast_in_dim3A_190, %add3A_157] : memref<32x128xi32, #tpu.memory_space<vmem>>[vector<16xi32>, vector<16xi32>], vector<16xi32>,
        %gather3A_191 = tpu.vector_load_idx %arg10[%broadcast_in_dim3A_190, %add3A_157] : memref<32x128xf32, #tpu.memory_space<vmem>>[vector<16xi32>, vector<16xi32>], vector<16xf32>,
        %shift_right_arithmetic3A_192 = arith.constant 7 : i32
        %shift_right_arithmetic3A_193 = vector.broadcast %shift_right_arithmetic3A_192 : i32 to vector<16xi32>
        %shift_right_arithmetic3A_194 = arith.shrsi %gather3A, %shift_right_arithmetic3A_193 : vector<16xi32>
        %and3A_195 = arith.constant 127 : i32
        %and3A_196 = vector.broadcast %and3A_195 : i32 to vector<16xi32>
        %and3A_197 = arith.andi %gather3A, %and3A_196 : vector<16xi32>
        %gather3A_198 = tpu.vector_load_idx %arg6[%shift_right_arithmetic3A_6, %shift_right_arithmetic3A_194, %and3A_8, %and3A_197] : memref<2x16x8x128xf32, #tpu.memory_space<vmem>>[vector<16xi32>, vector<16xi32>, vector<16xi32>, vector<16xi32>], vector<16xf32>,
        %neg3A = arith.constant 0.000000e+00 : f32
        %neg3A_199 = vector.broadcast %neg3A : f32 to vector<16xf32>
        %neg3A_200 = arith.subf %neg3A_199, %gather3A_198 : vector<16xf32>
        %exp3A = math.exp %neg3A_200 : vector<16xf32>
        %add3A_201 = arith.constant 1.000000e+00 : f32
        %add3A_202 = vector.broadcast %add3A_201 : f32 to vector<16xf32>
        %add3A_203 = arith.addf %add3A_202, %exp3A : vector<16xf32>
        %div3A_204 = arith.constant 1.000000e+00 : f32
        %div3A_205 = vector.broadcast %div3A_204 : f32 to vector<16xf32>
        %div3A_206 = arith.divf %div3A_205, %add3A_203 : vector<16xf32>
        %le3A = arith.cmpf ole, %gather3A_191, %div3A_206 : vector<16xf32>
        %jit3A = arith.constant 1.000000e+00 : f32
        %jit3A_207 = arith.constant 0.000000e+00 : f32
        %broadcast_in_dim3A_208 = vector.broadcast %jit3A : f32 to vector<16xf32>
        %broadcast_in_dim3A_209 = vector.broadcast %jit3A_207 : f32 to vector<16xf32>
        %select_n3A = arith.select %le3A, %broadcast_in_dim3A_208, %broadcast_in_dim3A_209 : vector<16xi1>, vector<16xf32>
        %add3A_210 = arith.addi %mul3A_4, %gather3A : vector<16xi32>
        %gather3A_211 = tpu.vector_load_idx %arg7[%add3A_210] : memref<32768xf32, #tpu.memory_space<vmem>>[vector<16xi32>], vector<16xf32>,
        tpu.vector_store_idx %arg7[%add3A_210], %select_n3A : memref<32768xf32, #tpu.memory_space<vmem>>[vector<16xi32>], vector<16xf32>,
        %sub3A = arith.subf %select_n3A, %gather3A_211 : vector<16xf32>
        %add3A_212 = arith.constant 96 : i32
        %add3A_213 = arith.addi %add3A_212, %add3A_189 : i32
        %mul3A_214 = arith.constant 16 : i32
        %mul3A_215 = arith.muli %add3A_213, %mul3A_214 : i32
        %swap3A = arith.index_cast %mul3A_215 : i32 to index
        %swap3A_216 = tpu.vector_load %arg11[%swap3A] {strides = array<i32>} : memref<2048xi32, #tpu.memory_space<vmem>>, vector<16xi32>,
        tpu.vector_store %arg11[%swap3A], %gather3A {strides = array<i32>} : memref<2048xi32, #tpu.memory_space<vmem>>, vector<16xi32>,
        %swap3A_217 = arith.index_cast %mul3A_215 : i32 to index
        %swap3A_218 = tpu.vector_load %arg12[%swap3A_217] {strides = array<i32>} : memref<2048xf32, #tpu.memory_space<vmem>>, vector<16xf32>,
        tpu.vector_store %arg12[%swap3A_217], %sub3A {strides = array<i32>} : memref<2048xf32, #tpu.memory_space<vmem>>, vector<16xf32>,
        %add3A_219 = arith.addf %scan3A_185, %sub3A : vector<16xf32>
        %mul3A_220 = arith.constant 4 : i32
        %mul3A_221 = arith.muli %scan3A_184, %mul3A_220 : i32
        %add3A_222 = arith.constant 1 : i32
        %add3A_223 = arith.addi %mul3A_221, %add3A_222 : i32
        %broadcast_in_dim3A_224 = vector.broadcast %add3A_223 : i32 to vector<16xi32>
        %gather3A_225 = tpu.vector_load_idx %arg9[%broadcast_in_dim3A_224, %add3A_157] : memref<32x128xi32, #tpu.memory_space<vmem>>[vector<16xi32>, vector<16xi32>], vector<16xi32>,
        %gather3A_226 = tpu.vector_load_idx %arg10[%broadcast_in_dim3A_224, %add3A_157] : memref<32x128xf32, #tpu.memory_space<vmem>>[vector<16xi32>, vector<16xi32>], vector<16xf32>,
        %shift_right_arithmetic3A_227 = arith.constant 7 : i32
        %shift_right_arithmetic3A_228 = vector.broadcast %shift_right_arithmetic3A_227 : i32 to vector<16xi32>
        %shift_right_arithmetic3A_229 = arith.shrsi %gather3A_225, %shift_right_arithmetic3A_228 : vector<16xi32>
        %and3A_230 = arith.constant 127 : i32
        %and3A_231 = vector.broadcast %and3A_230 : i32 to vector<16xi32>
        %and3A_232 = arith.andi %gather3A_225, %and3A_231 : vector<16xi32>
        %gather3A_233 = tpu.vector_load_idx %arg6[%shift_right_arithmetic3A_6, %shift_right_arithmetic3A_229, %and3A_8, %and3A_232] : memref<2x16x8x128xf32, #tpu.memory_space<vmem>>[vector<16xi32>, vector<16xi32>, vector<16xi32>, vector<16xi32>], vector<16xf32>,
        %neg3A_234 = arith.constant 0.000000e+00 : f32
        %neg3A_235 = vector.broadcast %neg3A_234 : f32 to vector<16xf32>
        %neg3A_236 = arith.subf %neg3A_235, %gather3A_233 : vector<16xf32>
        %exp3A_237 = math.exp %neg3A_236 : vector<16xf32>
        %add3A_238 = arith.constant 1.000000e+00 : f32
        %add3A_239 = vector.broadcast %add3A_238 : f32 to vector<16xf32>
        %add3A_240 = arith.addf %add3A_239, %exp3A_237 : vector<16xf32>
        %div3A_241 = arith.constant 1.000000e+00 : f32
        %div3A_242 = vector.broadcast %div3A_241 : f32 to vector<16xf32>
        %div3A_243 = arith.divf %div3A_242, %add3A_240 : vector<16xf32>
        %le3A_244 = arith.cmpf ole, %gather3A_226, %div3A_243 : vector<16xf32>
        %jit3A_245 = arith.constant 1.000000e+00 : f32
        %jit3A_246 = arith.constant 0.000000e+00 : f32
        %broadcast_in_dim3A_247 = vector.broadcast %jit3A_245 : f32 to vector<16xf32>
        %broadcast_in_dim3A_248 = vector.broadcast %jit3A_246 : f32 to vector<16xf32>
        %select_n3A_249 = arith.select %le3A_244, %broadcast_in_dim3A_247, %broadcast_in_dim3A_248 : vector<16xi1>, vector<16xf32>
        %add3A_250 = arith.addi %mul3A_4, %gather3A_225 : vector<16xi32>
        %gather3A_251 = tpu.vector_load_idx %arg7[%add3A_250] : memref<32768xf32, #tpu.memory_space<vmem>>[vector<16xi32>], vector<16xf32>,
        tpu.vector_store_idx %arg7[%add3A_250], %select_n3A_249 : memref<32768xf32, #tpu.memory_space<vmem>>[vector<16xi32>], vector<16xf32>,
        %sub3A_252 = arith.subf %select_n3A_249, %gather3A_251 : vector<16xf32>
        %add3A_253 = arith.constant 96 : i32
        %add3A_254 = arith.addi %add3A_253, %add3A_223 : i32
        %mul3A_255 = arith.constant 16 : i32
        %mul3A_256 = arith.muli %add3A_254, %mul3A_255 : i32
        %swap3A_257 = arith.index_cast %mul3A_256 : i32 to index
        %swap3A_258 = tpu.vector_load %arg11[%swap3A_257] {strides = array<i32>} : memref<2048xi32, #tpu.memory_space<vmem>>, vector<16xi32>,
        tpu.vector_store %arg11[%swap3A_257], %gather3A_225 {strides = array<i32>} : memref<2048xi32, #tpu.memory_space<vmem>>, vector<16xi32>,
        %swap3A_259 = arith.index_cast %mul3A_256 : i32 to index
        %swap3A_260 = tpu.vector_load %arg12[%swap3A_259] {strides = array<i32>} : memref<2048xf32, #tpu.memory_space<vmem>>, vector<16xf32>,
        tpu.vector_store %arg12[%swap3A_259], %sub3A_252 {strides = array<i32>} : memref<2048xf32, #tpu.memory_space<vmem>>, vector<16xf32>,
        %add3A_261 = arith.addf %add3A_219, %sub3A_252 : vector<16xf32>
        %mul3A_262 = arith.constant 4 : i32
        %mul3A_263 = arith.muli %scan3A_184, %mul3A_262 : i32
        %add3A_264 = arith.constant 2 : i32
        %add3A_265 = arith.addi %mul3A_263, %add3A_264 : i32
        %broadcast_in_dim3A_266 = vector.broadcast %add3A_265 : i32 to vector<16xi32>
        %gather3A_267 = tpu.vector_load_idx %arg9[%broadcast_in_dim3A_266, %add3A_157] : memref<32x128xi32, #tpu.memory_space<vmem>>[vector<16xi32>, vector<16xi32>], vector<16xi32>,
        %gather3A_268 = tpu.vector_load_idx %arg10[%broadcast_in_dim3A_266, %add3A_157] : memref<32x128xf32, #tpu.memory_space<vmem>>[vector<16xi32>, vector<16xi32>], vector<16xf32>,
        %shift_right_arithmetic3A_269 = arith.constant 7 : i32
        %shift_right_arithmetic3A_270 = vector.broadcast %shift_right_arithmetic3A_269 : i32 to vector<16xi32>
        %shift_right_arithmetic3A_271 = arith.shrsi %gather3A_267, %shift_right_arithmetic3A_270 : vector<16xi32>
        %and3A_272 = arith.constant 127 : i32
        %and3A_273 = vector.broadcast %and3A_272 : i32 to vector<16xi32>
        %and3A_274 = arith.andi %gather3A_267, %and3A_273 : vector<16xi32>
        %gather3A_275 = tpu.vector_load_idx %arg6[%shift_right_arithmetic3A_6, %shift_right_arithmetic3A_271, %and3A_8, %and3A_274] : memref<2x16x8x128xf32, #tpu.memory_space<vmem>>[vector<16xi32>, vector<16xi32>, vector<16xi32>, vector<16xi32>], vector<16xf32>,
        %neg3A_276 = arith.constant 0.000000e+00 : f32
        %neg3A_277 = vector.broadcast %neg3A_276 : f32 to vector<16xf32>
        %neg3A_278 = arith.subf %neg3A_277, %gather3A_275 : vector<16xf32>
        %exp3A_279 = math.exp %neg3A_278 : vector<16xf32>
        %add3A_280 = arith.constant 1.000000e+00 : f32
        %add3A_281 = vector.broadcast %add3A_280 : f32 to vector<16xf32>
        %add3A_282 = arith.addf %add3A_281, %exp3A_279 : vector<16xf32>
        %div3A_283 = arith.constant 1.000000e+00 : f32
        %div3A_284 = vector.broadcast %div3A_283 : f32 to vector<16xf32>
        %div3A_285 = arith.divf %div3A_284, %add3A_282 : vector<16xf32>
        %le3A_286 = arith.cmpf ole, %gather3A_268, %div3A_285 : vector<16xf32>
        %jit3A_287 = arith.constant 1.000000e+00 : f32
        %jit3A_288 = arith.constant 0.000000e+00 : f32
        %broadcast_in_dim3A_289 = vector.broadcast %jit3A_287 : f32 to vector<16xf32>
        %broadcast_in_dim3A_290 = vector.broadcast %jit3A_288 : f32 to vector<16xf32>
        %select_n3A_291 = arith.select %le3A_286, %broadcast_in_dim3A_289, %broadcast_in_dim3A_290 : vector<16xi1>, vector<16xf32>
        %add3A_292 = arith.addi %mul3A_4, %gather3A_267 : vector<16xi32>
        %gather3A_293 = tpu.vector_load_idx %arg7[%add3A_292] : memref<32768xf32, #tpu.memory_space<vmem>>[vector<16xi32>], vector<16xf32>,
        tpu.vector_store_idx %arg7[%add3A_292], %select_n3A_291 : memref<32768xf32, #tpu.memory_space<vmem>>[vector<16xi32>], vector<16xf32>,
        %sub3A_294 = arith.subf %select_n3A_291, %gather3A_293 : vector<16xf32>
        %add3A_295 = arith.constant 96 : i32
        %add3A_296 = arith.addi %add3A_295, %add3A_265 : i32
        %mul3A_297 = arith.constant 16 : i32
        %mul3A_298 = arith.muli %add3A_296, %mul3A_297 : i32
        %swap3A_299 = arith.index_cast %mul3A_298 : i32 to index
        %swap3A_300 = tpu.vector_load %arg11[%swap3A_299] {strides = array<i32>} : memref<2048xi32, #tpu.memory_space<vmem>>, vector<16xi32>,
        tpu.vector_store %arg11[%swap3A_299], %gather3A_267 {strides = array<i32>} : memref<2048xi32, #tpu.memory_space<vmem>>, vector<16xi32>,
        %swap3A_301 = arith.index_cast %mul3A_298 : i32 to index
        %swap3A_302 = tpu.vector_load %arg12[%swap3A_301] {strides = array<i32>} : memref<2048xf32, #tpu.memory_space<vmem>>, vector<16xf32>,
        tpu.vector_store %arg12[%swap3A_301], %sub3A_294 {strides = array<i32>} : memref<2048xf32, #tpu.memory_space<vmem>>, vector<16xf32>,
        %add3A_303 = arith.addf %add3A_261, %sub3A_294 : vector<16xf32>
        %mul3A_304 = arith.constant 4 : i32
        %mul3A_305 = arith.muli %scan3A_184, %mul3A_304 : i32
        %add3A_306 = arith.constant 3 : i32
        %add3A_307 = arith.addi %mul3A_305, %add3A_306 : i32
        %broadcast_in_dim3A_308 = vector.broadcast %add3A_307 : i32 to vector<16xi32>
        %gather3A_309 = tpu.vector_load_idx %arg9[%broadcast_in_dim3A_308, %add3A_157] : memref<32x128xi32, #tpu.memory_space<vmem>>[vector<16xi32>, vector<16xi32>], vector<16xi32>,
        %gather3A_310 = tpu.vector_load_idx %arg10[%broadcast_in_dim3A_308, %add3A_157] : memref<32x128xf32, #tpu.memory_space<vmem>>[vector<16xi32>, vector<16xi32>], vector<16xf32>,
        %shift_right_arithmetic3A_311 = arith.constant 7 : i32
        %shift_right_arithmetic3A_312 = vector.broadcast %shift_right_arithmetic3A_311 : i32 to vector<16xi32>
        %shift_right_arithmetic3A_313 = arith.shrsi %gather3A_309, %shift_right_arithmetic3A_312 : vector<16xi32>
        %and3A_314 = arith.constant 127 : i32
        %and3A_315 = vector.broadcast %and3A_314 : i32 to vector<16xi32>
        %and3A_316 = arith.andi %gather3A_309, %and3A_315 : vector<16xi32>
        %gather3A_317 = tpu.vector_load_idx %arg6[%shift_right_arithmetic3A_6, %shift_right_arithmetic3A_313, %and3A_8, %and3A_316] : memref<2x16x8x128xf32, #tpu.memory_space<vmem>>[vector<16xi32>, vector<16xi32>, vector<16xi32>, vector<16xi32>], vector<16xf32>,
        %neg3A_318 = arith.constant 0.000000e+00 : f32
        %neg3A_319 = vector.broadcast %neg3A_318 : f32 to vector<16xf32>
        %neg3A_320 = arith.subf %neg3A_319, %gather3A_317 : vector<16xf32>
        %exp3A_321 = math.exp %neg3A_320 : vector<16xf32>
        %add3A_322 = arith.constant 1.000000e+00 : f32
        %add3A_323 = vector.broadcast %add3A_322 : f32 to vector<16xf32>
        %add3A_324 = arith.addf %add3A_323, %exp3A_321 : vector<16xf32>
        %div3A_325 = arith.constant 1.000000e+00 : f32
        %div3A_326 = vector.broadcast %div3A_325 : f32 to vector<16xf32>
        %div3A_327 = arith.divf %div3A_326, %add3A_324 : vector<16xf32>
        %le3A_328 = arith.cmpf ole, %gather3A_310, %div3A_327 : vector<16xf32>
        %jit3A_329 = arith.constant 1.000000e+00 : f32
        %jit3A_330 = arith.constant 0.000000e+00 : f32
        %broadcast_in_dim3A_331 = vector.broadcast %jit3A_329 : f32 to vector<16xf32>
        %broadcast_in_dim3A_332 = vector.broadcast %jit3A_330 : f32 to vector<16xf32>
        %select_n3A_333 = arith.select %le3A_328, %broadcast_in_dim3A_331, %broadcast_in_dim3A_332 : vector<16xi1>, vector<16xf32>
        %add3A_334 = arith.addi %mul3A_4, %gather3A_309 : vector<16xi32>
        %gather3A_335 = tpu.vector_load_idx %arg7[%add3A_334] : memref<32768xf32, #tpu.memory_space<vmem>>[vector<16xi32>], vector<16xf32>,
        tpu.vector_store_idx %arg7[%add3A_334], %select_n3A_333 : memref<32768xf32, #tpu.memory_space<vmem>>[vector<16xi32>], vector<16xf32>,
        %sub3A_336 = arith.subf %select_n3A_333, %gather3A_335 : vector<16xf32>
        %add3A_337 = arith.constant 96 : i32
        %add3A_338 = arith.addi %add3A_337, %add3A_307 : i32
        %mul3A_339 = arith.constant 16 : i32
        %mul3A_340 = arith.muli %add3A_338, %mul3A_339 : i32
        %swap3A_341 = arith.index_cast %mul3A_340 : i32 to index
        %swap3A_342 = tpu.vector_load %arg11[%swap3A_341] {strides = array<i32>} : memref<2048xi32, #tpu.memory_space<vmem>>, vector<16xi32>,
        tpu.vector_store %arg11[%swap3A_341], %gather3A_309 {strides = array<i32>} : memref<2048xi32, #tpu.memory_space<vmem>>, vector<16xi32>,
        %swap3A_343 = arith.index_cast %mul3A_340 : i32 to index
        %swap3A_344 = tpu.vector_load %arg12[%swap3A_343] {strides = array<i32>} : memref<2048xf32, #tpu.memory_space<vmem>>, vector<16xf32>,
        tpu.vector_store %arg12[%swap3A_343], %sub3A_336 {strides = array<i32>} : memref<2048xf32, #tpu.memory_space<vmem>>, vector<16xf32>,
        %add3A_345 = arith.addf %add3A_303, %sub3A_336 : vector<16xf32>
        scf.yield %add3A_345 : vector<16xf32>
      }
      %scan3A_163 = arith.constant 8 : i32
      %max3A_164 = arith.constant 1.000000e+00 : f32
      %max3A_165 = vector.broadcast %max3A_164 : f32 to vector<16xf32>
      %max3A_166 = arith.maximumf %scan3A_162, %max3A_165 : vector<16xf32>
      %div3A_167 = arith.constant 2.500000e-01 : f32
      %div3A_168 = vector.broadcast %div3A_167 : f32 to vector<16xf32>
      %div3A_169 = arith.divf %div3A_168, %max3A_166 : vector<16xf32>
      %scan3A_170 = arith.constant 0 : i32
      %scan3A_171 = arith.constant 0 : i32
      %scan3A_172 = arith.constant 8 : i32
      %scan3A_173 = arith.addi %scan3A_171, %scan3A_172 : i32
      %scan3A_174 = arith.constant 1 : i32
      scf.for %scan3A_184 = %scan3A_171 to %scan3A_173 step %scan3A_174  : i32 {
        %mul3A_185 = arith.constant 4 : i32
        %mul3A_186 = arith.muli %scan3A_184, %mul3A_185 : i32
        %add3A_187 = arith.constant 96 : i32
        %add3A_188 = arith.addi %add3A_187, %mul3A_186 : i32
        %add3A_189 = arith.constant 0 : i32
        %add3A_190 = arith.addi %add3A_188, %add3A_189 : i32
        %mul3A_191 = arith.constant 16 : i32
        %mul3A_192 = arith.muli %add3A_190, %mul3A_191 : i32
        %get3A = arith.index_cast %mul3A_192 : i32 to index
        %get3A_193 = tpu.vector_load %arg11[%get3A] {strides = array<i32>} : memref<2048xi32, #tpu.memory_space<vmem>>, vector<16xi32>,
        %get3A_194 = arith.index_cast %mul3A_192 : i32 to index
        %get3A_195 = tpu.vector_load %arg12[%get3A_194] {strides = array<i32>} : memref<2048xf32, #tpu.memory_space<vmem>>, vector<16xf32>,
        %shift_right_arithmetic3A_196 = arith.constant 7 : i32
        %shift_right_arithmetic3A_197 = vector.broadcast %shift_right_arithmetic3A_196 : i32 to vector<16xi32>
        %shift_right_arithmetic3A_198 = arith.shrsi %get3A_193, %shift_right_arithmetic3A_197 : vector<16xi32>
        %and3A_199 = arith.constant 127 : i32
        %and3A_200 = vector.broadcast %and3A_199 : i32 to vector<16xi32>
        %and3A_201 = arith.andi %get3A_193, %and3A_200 : vector<16xi32>
        %mul3A_202 = arith.mulf %get3A_195, %div3A_169 : vector<16xf32>
        tpu.vector_store_idx %arg8[%shift_right_arithmetic3A_6, %shift_right_arithmetic3A_198, %and3A_8, %and3A_201], %mul3A_202 {add = true} : memref<2x16x8x128xf32, #tpu.memory_space<vmem>>[vector<16xi32>, vector<16xi32>, vector<16xi32>, vector<16xi32>], vector<16xf32>,
        %add3A_203 = arith.addi %mul3A_4, %get3A_193 : vector<16xi32>
        tpu.vector_store_idx %arg7[%add3A_203], %broadcast_in_dim3A_1 : memref<32768xf32, #tpu.memory_space<vmem>>[vector<16xi32>], vector<16xf32>,
        %mul3A_204 = arith.constant 4 : i32
        %mul3A_205 = arith.muli %scan3A_184, %mul3A_204 : i32
        %add3A_206 = arith.constant 96 : i32
        %add3A_207 = arith.addi %add3A_206, %mul3A_205 : i32
        %add3A_208 = arith.constant 1 : i32
        %add3A_209 = arith.addi %add3A_207, %add3A_208 : i32
        %mul3A_210 = arith.constant 16 : i32
        %mul3A_211 = arith.muli %add3A_209, %mul3A_210 : i32
        %get3A_212 = arith.index_cast %mul3A_211 : i32 to index
        %get3A_213 = tpu.vector_load %arg11[%get3A_212] {strides = array<i32>} : memref<2048xi32, #tpu.memory_space<vmem>>, vector<16xi32>,
        %get3A_214 = arith.index_cast %mul3A_211 : i32 to index
        %get3A_215 = tpu.vector_load %arg12[%get3A_214] {strides = array<i32>} : memref<2048xf32, #tpu.memory_space<vmem>>, vector<16xf32>,
        %shift_right_arithmetic3A_216 = arith.constant 7 : i32
        %shift_right_arithmetic3A_217 = vector.broadcast %shift_right_arithmetic3A_216 : i32 to vector<16xi32>
        %shift_right_arithmetic3A_218 = arith.shrsi %get3A_213, %shift_right_arithmetic3A_217 : vector<16xi32>
        %and3A_219 = arith.constant 127 : i32
        %and3A_220 = vector.broadcast %and3A_219 : i32 to vector<16xi32>
        %and3A_221 = arith.andi %get3A_213, %and3A_220 : vector<16xi32>
        %mul3A_222 = arith.mulf %get3A_215, %div3A_169 : vector<16xf32>
        tpu.vector_store_idx %arg8[%shift_right_arithmetic3A_6, %shift_right_arithmetic3A_218, %and3A_8, %and3A_221], %mul3A_222 {add = true} : memref<2x16x8x128xf32, #tpu.memory_space<vmem>>[vector<16xi32>, vector<16xi32>, vector<16xi32>, vector<16xi32>], vector<16xf32>,
        %add3A_223 = arith.addi %mul3A_4, %get3A_213 : vector<16xi32>
        tpu.vector_store_idx %arg7[%add3A_223], %broadcast_in_dim3A_1 : memref<32768xf32, #tpu.memory_space<vmem>>[vector<16xi32>], vector<16xf32>,
        %mul3A_224 = arith.constant 4 : i32
        %mul3A_225 = arith.muli %scan3A_184, %mul3A_224 : i32
        %add3A_226 = arith.constant 96 : i32
        %add3A_227 = arith.addi %add3A_226, %mul3A_225 : i32
        %add3A_228 = arith.constant 2 : i32
        %add3A_229 = arith.addi %add3A_227, %add3A_228 : i32
        %mul3A_230 = arith.constant 16 : i32
        %mul3A_231 = arith.muli %add3A_229, %mul3A_230 : i32
        %get3A_232 = arith.index_cast %mul3A_231 : i32 to index
        %get3A_233 = tpu.vector_load %arg11[%get3A_232] {strides = array<i32>} : memref<2048xi32, #tpu.memory_space<vmem>>, vector<16xi32>,
        %get3A_234 = arith.index_cast %mul3A_231 : i32 to index
        %get3A_235 = tpu.vector_load %arg12[%get3A_234] {strides = array<i32>} : memref<2048xf32, #tpu.memory_space<vmem>>, vector<16xf32>,
        %shift_right_arithmetic3A_236 = arith.constant 7 : i32
        %shift_right_arithmetic3A_237 = vector.broadcast %shift_right_arithmetic3A_236 : i32 to vector<16xi32>
        %shift_right_arithmetic3A_238 = arith.shrsi %get3A_233, %shift_right_arithmetic3A_237 : vector<16xi32>
        %and3A_239 = arith.constant 127 : i32
        %and3A_240 = vector.broadcast %and3A_239 : i32 to vector<16xi32>
        %and3A_241 = arith.andi %get3A_233, %and3A_240 : vector<16xi32>
        %mul3A_242 = arith.mulf %get3A_235, %div3A_169 : vector<16xf32>
        tpu.vector_store_idx %arg8[%shift_right_arithmetic3A_6, %shift_right_arithmetic3A_238, %and3A_8, %and3A_241], %mul3A_242 {add = true} : memref<2x16x8x128xf32, #tpu.memory_space<vmem>>[vector<16xi32>, vector<16xi32>, vector<16xi32>, vector<16xi32>], vector<16xf32>,
        %add3A_243 = arith.addi %mul3A_4, %get3A_233 : vector<16xi32>
        tpu.vector_store_idx %arg7[%add3A_243], %broadcast_in_dim3A_1 : memref<32768xf32, #tpu.memory_space<vmem>>[vector<16xi32>], vector<16xf32>,
        %mul3A_244 = arith.constant 4 : i32
        %mul3A_245 = arith.muli %scan3A_184, %mul3A_244 : i32
        %add3A_246 = arith.constant 96 : i32
        %add3A_247 = arith.addi %add3A_246, %mul3A_245 : i32
        %add3A_248 = arith.constant 3 : i32
        %add3A_249 = arith.addi %add3A_247, %add3A_248 : i32
        %mul3A_250 = arith.constant 16 : i32
        %mul3A_251 = arith.muli %add3A_249, %mul3A_250 : i32
        %get3A_252 = arith.index_cast %mul3A_251 : i32 to index
        %get3A_253 = tpu.vector_load %arg11[%get3A_252] {strides = array<i32>} : memref<2048xi32, #tpu.memory_space<vmem>>, vector<16xi32>,
        %get3A_254 = arith.index_cast %mul3A_251 : i32 to index
        %get3A_255 = tpu.vector_load %arg12[%get3A_254] {strides = array<i32>} : memref<2048xf32, #tpu.memory_space<vmem>>, vector<16xf32>,
        %shift_right_arithmetic3A_256 = arith.constant 7 : i32
        %shift_right_arithmetic3A_257 = vector.broadcast %shift_right_arithmetic3A_256 : i32 to vector<16xi32>
        %shift_right_arithmetic3A_258 = arith.shrsi %get3A_253, %shift_right_arithmetic3A_257 : vector<16xi32>
        %and3A_259 = arith.constant 127 : i32
        %and3A_260 = vector.broadcast %and3A_259 : i32 to vector<16xi32>
        %and3A_261 = arith.andi %get3A_253, %and3A_260 : vector<16xi32>
        %mul3A_262 = arith.mulf %get3A_255, %div3A_169 : vector<16xf32>
        tpu.vector_store_idx %arg8[%shift_right_arithmetic3A_6, %shift_right_arithmetic3A_258, %and3A_8, %and3A_261], %mul3A_262 {add = true} : memref<2x16x8x128xf32, #tpu.memory_space<vmem>>[vector<16xi32>, vector<16xi32>, vector<16xi32>, vector<16xi32>], vector<16xf32>,
        %add3A_263 = arith.addi %mul3A_4, %get3A_253 : vector<16xi32>
        tpu.vector_store_idx %arg7[%add3A_263], %broadcast_in_dim3A_1 : memref<32768xf32, #tpu.memory_space<vmem>>[vector<16xi32>], vector<16xf32>,
      }
      %scan3A_175 = arith.constant 8 : i32
      %mul3A_176 = arith.constant 2 : i32
      %mul3A_177 = arith.muli %add3A_29, %mul3A_176 : i32
      "tpu.region"() ({
        %run_scoped3A = tpu.sem_alloc : memref<!tpu.dma_semaphore, #tpu.memory_space<semaphore_mem>>
        %dma_start3A_184 = arith.constant 0 : i32
        %dma_start3A_185 = arith.constant 0 : i32
        %dma_start3A_186 = arith.constant 0 : i32
        %dma_start3A_187 = tpu.memref_slice %arg5[%mul3A_177, %dma_start3A_184, %dma_start3A_185, %dma_start3A_186] : memref<256x16x8x128xf32, #tpu.memory_space<hbm>> -> memref<2x16x8x128xf32, #tpu.memory_space<hbm>>
        %dma_start3A_188 = arith.constant 0 : i32
        %dma_start3A_189 = arith.constant 0 : i32
        %dma_start3A_190 = arith.constant 0 : i32
        %dma_start3A_191 = tpu.memref_slice %arg5[%mul3A_177, %dma_start3A_188, %dma_start3A_189, %dma_start3A_190] : memref<256x16x8x128xf32, #tpu.memory_space<hbm>> -> memref<2x16x8x128xf32, #tpu.memory_space<hbm>>
        tpu.enqueue_dma source(%arg8 : memref<2x16x8x128xf32, #tpu.memory_space<vmem>>) target(%dma_start3A_191 : memref<2x16x8x128xf32, #tpu.memory_space<hbm>>) target_semaphore(%run_scoped3A : memref<!tpu.dma_semaphore, #tpu.memory_space<semaphore_mem>>)
        %dma_wait3A_192 = arith.constant 0 : i32
        %dma_wait3A_193 = arith.constant 0 : i32
        %dma_wait3A_194 = arith.constant 0 : i32
        %dma_wait3A_195 = tpu.memref_slice %arg5[%mul3A_177, %dma_wait3A_192, %dma_wait3A_193, %dma_wait3A_194] : memref<256x16x8x128xf32, #tpu.memory_space<hbm>> -> memref<2x16x8x128xf32, #tpu.memory_space<hbm>>
        %dma_wait3A_196 = arith.constant 0 : i32
        %dma_wait3A_197 = arith.constant 0 : i32
        %dma_wait3A_198 = arith.constant 0 : i32
        %dma_wait3A_199 = tpu.memref_slice %arg5[%mul3A_177, %dma_wait3A_196, %dma_wait3A_197, %dma_wait3A_198] : memref<256x16x8x128xf32, #tpu.memory_space<hbm>> -> memref<2x16x8x128xf32, #tpu.memory_space<hbm>>
        tpu.wait_dma2 semaphore(%run_scoped3A : memref<!tpu.dma_semaphore, #tpu.memory_space<semaphore_mem>>) src(%arg8 : memref<2x16x8x128xf32, #tpu.memory_space<vmem>>) dst(%dma_wait3A_199 : memref<2x16x8x128xf32, #tpu.memory_space<hbm>>)
        tpu.yield
      }) : () -> ()
      %scan3A_178 = arith.constant 0 : i32
      %scan3A_179 = arith.constant 0 : i32
      %scan3A_180 = arith.constant 32 : i32
      %scan3A_181 = arith.addi %scan3A_179, %scan3A_180 : i32
      %scan3A_182 = arith.constant 1 : i32
      scf.for %scan3A_184 = %scan3A_179 to %scan3A_181 step %scan3A_182  : i32 {
        %mul3A_185 = arith.constant 4 : i32
        %mul3A_186 = arith.muli %scan3A_184, %mul3A_185 : i32
        %add3A_187 = arith.constant 0 : i32
        %add3A_188 = arith.addi %mul3A_186, %add3A_187 : i32
        %mul3A_189 = arith.constant 16 : i32
        %mul3A_190 = arith.muli %add3A_188, %mul3A_189 : i32
        %get3A = arith.index_cast %mul3A_190 : i32 to index
        %get3A_191 = tpu.vector_load %arg11[%get3A] {strides = array<i32>} : memref<2048xi32, #tpu.memory_space<vmem>>, vector<16xi32>,
        %shift_right_arithmetic3A_192 = arith.constant 7 : i32
        %shift_right_arithmetic3A_193 = vector.broadcast %shift_right_arithmetic3A_192 : i32 to vector<16xi32>
        %shift_right_arithmetic3A_194 = arith.shrsi %get3A_191, %shift_right_arithmetic3A_193 : vector<16xi32>
        %and3A_195 = arith.constant 127 : i32
        %and3A_196 = vector.broadcast %and3A_195 : i32 to vector<16xi32>
        %and3A_197 = arith.andi %get3A_191, %and3A_196 : vector<16xi32>
        tpu.vector_store_idx %arg8[%shift_right_arithmetic3A_6, %shift_right_arithmetic3A_194, %and3A_8, %and3A_197], %broadcast_in_dim3A_1 : memref<2x16x8x128xf32, #tpu.memory_space<vmem>>[vector<16xi32>, vector<16xi32>, vector<16xi32>, vector<16xi32>], vector<16xf32>,
        %mul3A_198 = arith.constant 4 : i32
        %mul3A_199 = arith.muli %scan3A_184, %mul3A_198 : i32
        %add3A_200 = arith.constant 1 : i32
        %add3A_201 = arith.addi %mul3A_199, %add3A_200 : i32
        %mul3A_202 = arith.constant 16 : i32
        %mul3A_203 = arith.muli %add3A_201, %mul3A_202 : i32
        %get3A_204 = arith.index_cast %mul3A_203 : i32 to index
        %get3A_205 = tpu.vector_load %arg11[%get3A_204] {strides = array<i32>} : memref<2048xi32, #tpu.memory_space<vmem>>, vector<16xi32>,
        %shift_right_arithmetic3A_206 = arith.constant 7 : i32
        %shift_right_arithmetic3A_207 = vector.broadcast %shift_right_arithmetic3A_206 : i32 to vector<16xi32>
        %shift_right_arithmetic3A_208 = arith.shrsi %get3A_205, %shift_right_arithmetic3A_207 : vector<16xi32>
        %and3A_209 = arith.constant 127 : i32
        %and3A_210 = vector.broadcast %and3A_209 : i32 to vector<16xi32>
        %and3A_211 = arith.andi %get3A_205, %and3A_210 : vector<16xi32>
        tpu.vector_store_idx %arg8[%shift_right_arithmetic3A_6, %shift_right_arithmetic3A_208, %and3A_8, %and3A_211], %broadcast_in_dim3A_1 : memref<2x16x8x128xf32, #tpu.memory_space<vmem>>[vector<16xi32>, vector<16xi32>, vector<16xi32>, vector<16xi32>], vector<16xf32>,
        %mul3A_212 = arith.constant 4 : i32
        %mul3A_213 = arith.muli %scan3A_184, %mul3A_212 : i32
        %add3A_214 = arith.constant 2 : i32
        %add3A_215 = arith.addi %mul3A_213, %add3A_214 : i32
        %mul3A_216 = arith.constant 16 : i32
        %mul3A_217 = arith.muli %add3A_215, %mul3A_216 : i32
        %get3A_218 = arith.index_cast %mul3A_217 : i32 to index
        %get3A_219 = tpu.vector_load %arg11[%get3A_218] {strides = array<i32>} : memref<2048xi32, #tpu.memory_space<vmem>>, vector<16xi32>,
        %shift_right_arithmetic3A_220 = arith.constant 7 : i32
        %shift_right_arithmetic3A_221 = vector.broadcast %shift_right_arithmetic3A_220 : i32 to vector<16xi32>
        %shift_right_arithmetic3A_222 = arith.shrsi %get3A_219, %shift_right_arithmetic3A_221 : vector<16xi32>
        %and3A_223 = arith.constant 127 : i32
        %and3A_224 = vector.broadcast %and3A_223 : i32 to vector<16xi32>
        %and3A_225 = arith.andi %get3A_219, %and3A_224 : vector<16xi32>
        tpu.vector_store_idx %arg8[%shift_right_arithmetic3A_6, %shift_right_arithmetic3A_222, %and3A_8, %and3A_225], %broadcast_in_dim3A_1 : memref<2x16x8x128xf32, #tpu.memory_space<vmem>>[vector<16xi32>, vector<16xi32>, vector<16xi32>, vector<16xi32>], vector<16xf32>,
        %mul3A_226 = arith.constant 4 : i32
        %mul3A_227 = arith.muli %scan3A_184, %mul3A_226 : i32
        %add3A_228 = arith.constant 3 : i32
        %add3A_229 = arith.addi %mul3A_227, %add3A_228 : i32
        %mul3A_230 = arith.constant 16 : i32
        %mul3A_231 = arith.muli %add3A_229, %mul3A_230 : i32
        %get3A_232 = arith.index_cast %mul3A_231 : i32 to index
        %get3A_233 = tpu.vector_load %arg11[%get3A_232] {strides = array<i32>} : memref<2048xi32, #tpu.memory_space<vmem>>, vector<16xi32>,
        %shift_right_arithmetic3A_234 = arith.constant 7 : i32
        %shift_right_arithmetic3A_235 = vector.broadcast %shift_right_arithmetic3A_234 : i32 to vector<16xi32>
        %shift_right_arithmetic3A_236 = arith.shrsi %get3A_233, %shift_right_arithmetic3A_235 : vector<16xi32>
        %and3A_237 = arith.constant 127 : i32
        %and3A_238 = vector.broadcast %and3A_237 : i32 to vector<16xi32>
        %and3A_239 = arith.andi %get3A_233, %and3A_238 : vector<16xi32>
        tpu.vector_store_idx %arg8[%shift_right_arithmetic3A_6, %shift_right_arithmetic3A_236, %and3A_8, %and3A_239], %broadcast_in_dim3A_1 : memref<2x16x8x128xf32, #tpu.memory_space<vmem>>[vector<16xi32>, vector<16xi32>, vector<16xi32>, vector<16xi32>], vector<16xf32>,
      }
      %scan3A_183 = arith.constant 32 : i32
    }
    %scan3A_25 = arith.constant 4 : i32
    return
  }
}

module attributes {stable_mosaic.version = 14 : i64} {
  func.func @_qk_body(%arg0: i32, %arg1: i32, %arg2: memref<1x2048x64xf32, #tpu.memory_space<vmem>>, %arg3: memref<1x64x128xf32, #tpu.memory_space<vmem>>, %arg4: memref<256x1x8x128xf32, #tpu.memory_space<vmem>>, %arg5: memref<2048x64xbf16, #tpu.memory_space<vmem>>, %arg6: memref<2048x64xbf16, #tpu.memory_space<vmem>>) attributes {dimension_semantics = [#tpu.dimension_semantics<arbitrary>, #tpu.dimension_semantics<arbitrary>], iteration_bounds = array<i64: 1, 16>, scalar_prefetch = 0 : i64, scratch_operands = 2 : i64, tpu.core_type = #tpu.core_type<tc>, window_params = [{pipeline_mode = #tpu.pipeline_mode<synchronous>, transform_indices = @transform_0, window_bounds = array<i64: 1, 2048, 64>}, {transform_indices = @transform_1, window_bounds = array<i64: 1, 64, 128>}, {transform_indices = @transform_2, window_bounds = array<i64: 256, 1, 8, 128>}]} {
    %eq3A = arith.constant 0 : i32
    %eq3A_0 = arith.cmpi eq, %arg1, %eq3A : i32
    %convert_element_type3A = arith.extui %eq3A_0 : i1 to i32
    %cond3A = arith.constant 0 : i32
    %cond3A_1 = arith.cmpi ne, %convert_element_type3A, %cond3A : i32
    scf.if %cond3A_1 {
      %get3A_29 = arith.constant 0 : index
      %get3A_30 = arith.constant 0 : index
      %get3A_31 = arith.constant 0 : index
      %get3A_32 = vector.load %arg2[%get3A_29, %get3A_30, %get3A_31] : memref<1x2048x64xf32, #tpu.memory_space<vmem>>, vector<1x2048x64xf32>
      %get3A_33 = vector.shape_cast %get3A_32 : vector<1x2048x64xf32> to vector<2048x64xf32>
      %convert_element_type3A_34 = arith.truncf %get3A_33 : vector<2048x64xf32> to vector<2048x64xbf16>
      %swap3A_35 = arith.constant 0 : index
      %swap3A_36 = arith.constant 0 : index
      %swap3A_37 = vector.load %arg5[%swap3A_35, %swap3A_36] : memref<2048x64xbf16, #tpu.memory_space<vmem>>, vector<2048x64xbf16>
      tpu.vector_store %arg5[%swap3A_35, %swap3A_36], %convert_element_type3A_34 {strides = array<i32>} : memref<2048x64xbf16, #tpu.memory_space<vmem>>, vector<2048x64xbf16>,
      %convert_element_type3A_38 = arith.extf %convert_element_type3A_34 : vector<2048x64xbf16> to vector<2048x64xf32>
      %sub3A_39 = arith.subf %get3A_33, %convert_element_type3A_38 : vector<2048x64xf32>
      %convert_element_type3A_40 = arith.truncf %sub3A_39 : vector<2048x64xf32> to vector<2048x64xbf16>
      %swap3A_41 = arith.constant 0 : index
      %swap3A_42 = arith.constant 0 : index
      %swap3A_43 = vector.load %arg6[%swap3A_41, %swap3A_42] : memref<2048x64xbf16, #tpu.memory_space<vmem>>, vector<2048x64xbf16>
      tpu.vector_store %arg6[%swap3A_41, %swap3A_42], %convert_element_type3A_40 {strides = array<i32>} : memref<2048x64xbf16, #tpu.memory_space<vmem>>, vector<2048x64xbf16>,
    } else {
    }
    %get3A = arith.constant 0 : index
    %get3A_2 = arith.constant 0 : index
    %get3A_3 = arith.constant 0 : index
    %get3A_4 = vector.load %arg3[%get3A, %get3A_2, %get3A_3] : memref<1x64x128xf32, #tpu.memory_space<vmem>>, vector<1x64x128xf32>
    %get3A_5 = vector.shape_cast %get3A_4 : vector<1x64x128xf32> to vector<64x128xf32>
    %convert_element_type3A_6 = arith.truncf %get3A_5 : vector<64x128xf32> to vector<64x128xbf16>
    %convert_element_type3A_7 = arith.extf %convert_element_type3A_6 : vector<64x128xbf16> to vector<64x128xf32>
    %sub3A = arith.subf %get3A_5, %convert_element_type3A_7 : vector<64x128xf32>
    %convert_element_type3A_8 = arith.truncf %sub3A : vector<64x128xf32> to vector<64x128xbf16>
    %get3A_9 = arith.constant 0 : index
    %get3A_10 = arith.constant 0 : index
    %get3A_11 = vector.load %arg5[%get3A_9, %get3A_10] : memref<2048x64xbf16, #tpu.memory_space<vmem>>, vector<2048x64xbf16>
    %dot_general3A = arith.constant dense<0.000000e+00> : vector<2048x128xf32>
    %dot_general3A_12 = tpu.matmul %get3A_11, %convert_element_type3A_6, %dot_general3A {dimension_numbers = #tpu.dot_dimension_numbers<[1], [0], [0], [1], [0, 0, 1, 1], [], []>, transpose_lhs_hint = false} : vector<2048x64xbf16>, vector<64x128xbf16>, vector<2048x128xf32> -> vector<2048x128xf32>
    %dot_general3A_13 = arith.constant dense<0.000000e+00> : vector<2048x128xf32>
    %dot_general3A_14 = tpu.matmul %get3A_11, %convert_element_type3A_8, %dot_general3A_13 {dimension_numbers = #tpu.dot_dimension_numbers<[1], [0], [0], [1], [0, 0, 1, 1], [], []>, transpose_lhs_hint = false} : vector<2048x64xbf16>, vector<64x128xbf16>, vector<2048x128xf32> -> vector<2048x128xf32>
    %add3A = arith.addf %dot_general3A_12, %dot_general3A_14 : vector<2048x128xf32>
    %get3A_15 = arith.constant 0 : index
    %get3A_16 = arith.constant 0 : index
    %get3A_17 = vector.load %arg6[%get3A_15, %get3A_16] : memref<2048x64xbf16, #tpu.memory_space<vmem>>, vector<2048x64xbf16>
    %dot_general3A_18 = arith.constant dense<0.000000e+00> : vector<2048x128xf32>
    %dot_general3A_19 = tpu.matmul %get3A_17, %convert_element_type3A_6, %dot_general3A_18 {dimension_numbers = #tpu.dot_dimension_numbers<[1], [0], [0], [1], [0, 0, 1, 1], [], []>, transpose_lhs_hint = false} : vector<2048x64xbf16>, vector<64x128xbf16>, vector<2048x128xf32> -> vector<2048x128xf32>
    %add3A_20 = arith.addf %add3A, %dot_general3A_19 : vector<2048x128xf32>
    %mul3A = arith.constant 1.250000e-01 : f32
    %mul3A_21 = vector.broadcast %mul3A : f32 to vector<2048x128xf32>
    %mul3A_22 = arith.mulf %add3A_20, %mul3A_21 : vector<2048x128xf32>
    %reshape3A = vector.shape_cast %mul3A_22 : vector<2048x128xf32> to vector<256x8x128xf32>
    %swap3A = arith.constant 0 : index
    %swap3A_23 = arith.constant 0 : index
    %swap3A_24 = arith.constant 0 : index
    %swap3A_25 = arith.constant 0 : index
    %swap3A_26 = vector.load %arg4[%swap3A, %swap3A_23, %swap3A_24, %swap3A_25] : memref<256x1x8x128xf32, #tpu.memory_space<vmem>>, vector<256x1x8x128xf32>
    %swap3A_27 = vector.shape_cast %swap3A_26 : vector<256x1x8x128xf32> to vector<256x8x128xf32>
    %swap3A_28 = vector.shape_cast %reshape3A : vector<256x8x128xf32> to vector<256x1x8x128xf32>
    tpu.vector_store %arg4[%swap3A, %swap3A_23, %swap3A_24, %swap3A_25], %swap3A_28 {strides = array<i32>} : memref<256x1x8x128xf32, #tpu.memory_space<vmem>>, vector<256x1x8x128xf32>,
    return
  }
  func.func @transform_0(%arg0: i32, %arg1: i32) -> (i32, i32, i32) {
    %c0_i32 = arith.constant 0 : i32
    %c0_i32_0 = arith.constant 0 : i32
    %c0_i32_1 = arith.constant 0 : i32
    %c0_i32_2 = arith.constant 0 : i32
    return %c0_i32, %c0_i32_0, %c0_i32_1 : i32, i32, i32
  }
  func.func @transform_1(%arg0: i32, %arg1: i32) -> (i32, i32, i32) {
    %c0_i32 = arith.constant 0 : i32
    %c0_i32_0 = arith.constant 0 : i32
    %c0_i32_1 = arith.constant 0 : i32
    return %c0_i32, %c0_i32_0, %arg1 : i32, i32, i32
  }
  func.func @transform_2(%arg0: i32, %arg1: i32) -> (i32, i32, i32, i32) {
    %c0_i32 = arith.constant 0 : i32
    %c0_i32_0 = arith.constant 0 : i32
    %c0_i32_1 = arith.constant 0 : i32
    %c0_i32_2 = arith.constant 0 : i32
    return %c0_i32, %arg1, %c0_i32_0, %c0_i32_1 : i32, i32, i32, i32
  }
}

module attributes {stable_mosaic.version = 14 : i64} {
  func.func @_wv_body(%arg0: i32, %arg1: i32, %arg2: memref<64x16x8x128xf32, #tpu.memory_space<vmem>>, %arg3: memref<1x16x128x64xf32, #tpu.memory_space<vmem>>, %arg4: memref<1x512x64xf32, #tpu.memory_space<vmem>>) attributes {dimension_semantics = [#tpu.dimension_semantics<arbitrary>, #tpu.dimension_semantics<arbitrary>], iteration_bounds = array<i64: 1, 4>, scalar_prefetch = 0 : i64, scratch_operands = 0 : i64, tpu.core_type = #tpu.core_type<tc>, window_params = [{transform_indices = @transform_0, window_bounds = array<i64: 64, 16, 8, 128>}, {pipeline_mode = #tpu.pipeline_mode<synchronous>, transform_indices = @transform_1, window_bounds = array<i64: 1, 16, 128, 64>}, {transform_indices = @transform_2, window_bounds = array<i64: 1, 512, 64>}]} {
    %broadcast_in_dim3A = arith.constant 0.000000e+00 : f32
    %broadcast_in_dim3A_0 = vector.broadcast %broadcast_in_dim3A : f32 to vector<512x64xf32>
    %get3A = arith.constant 0 : index
    %get3A_1 = arith.constant 0 : index
    %get3A_2 = arith.constant 0 : index
    %get3A_3 = arith.constant 0 : index
    %get3A_4 = vector.load %arg2[%get3A, %get3A_1, %get3A_2, %get3A_3] : memref<64x16x8x128xf32, #tpu.memory_space<vmem>>, vector<64x1x8x128xf32>
    %get3A_5 = vector.shape_cast %get3A_4 : vector<64x1x8x128xf32> to vector<64x8x128xf32>
    %reshape3A = vector.shape_cast %get3A_5 : vector<64x8x128xf32> to vector<512x128xf32>
    %convert_element_type3A = arith.truncf %reshape3A : vector<512x128xf32> to vector<512x128xbf16>
    %convert_element_type3A_6 = arith.extf %convert_element_type3A : vector<512x128xbf16> to vector<512x128xf32>
    %sub3A = arith.subf %reshape3A, %convert_element_type3A_6 : vector<512x128xf32>
    %convert_element_type3A_7 = arith.truncf %sub3A : vector<512x128xf32> to vector<512x128xbf16>
    %get3A_8 = arith.constant 0 : index
    %get3A_9 = arith.constant 0 : index
    %get3A_10 = arith.constant 0 : index
    %get3A_11 = arith.constant 0 : index
    %get3A_12 = vector.load %arg3[%get3A_8, %get3A_9, %get3A_10, %get3A_11] : memref<1x16x128x64xf32, #tpu.memory_space<vmem>>, vector<1x1x128x64xf32>
    %get3A_13 = vector.shape_cast %get3A_12 : vector<1x1x128x64xf32> to vector<128x64xf32>
    %convert_element_type3A_14 = arith.truncf %get3A_13 : vector<128x64xf32> to vector<128x64xbf16>
    %convert_element_type3A_15 = arith.extf %convert_element_type3A_14 : vector<128x64xbf16> to vector<128x64xf32>
    %sub3A_16 = arith.subf %get3A_13, %convert_element_type3A_15 : vector<128x64xf32>
    %convert_element_type3A_17 = arith.truncf %sub3A_16 : vector<128x64xf32> to vector<128x64xbf16>
    %dot_general3A = arith.constant dense<0.000000e+00> : vector<512x64xf32>
    %dot_general3A_18 = tpu.matmul %convert_element_type3A, %convert_element_type3A_14, %dot_general3A {dimension_numbers = #tpu.dot_dimension_numbers<[1], [0], [0], [1], [0, 0, 1, 1], [], []>, transpose_lhs_hint = false} : vector<512x128xbf16>, vector<128x64xbf16>, vector<512x64xf32> -> vector<512x64xf32>
    %add3A = arith.addf %broadcast_in_dim3A_0, %dot_general3A_18 : vector<512x64xf32>
    %dot_general3A_19 = arith.constant dense<0.000000e+00> : vector<512x64xf32>
    %dot_general3A_20 = tpu.matmul %convert_element_type3A, %convert_element_type3A_17, %dot_general3A_19 {dimension_numbers = #tpu.dot_dimension_numbers<[1], [0], [0], [1], [0, 0, 1, 1], [], []>, transpose_lhs_hint = false} : vector<512x128xbf16>, vector<128x64xbf16>, vector<512x64xf32> -> vector<512x64xf32>
    %add3A_21 = arith.addf %add3A, %dot_general3A_20 : vector<512x64xf32>
    %dot_general3A_22 = arith.constant dense<0.000000e+00> : vector<512x64xf32>
    %dot_general3A_23 = tpu.matmul %convert_element_type3A_7, %convert_element_type3A_14, %dot_general3A_22 {dimension_numbers = #tpu.dot_dimension_numbers<[1], [0], [0], [1], [0, 0, 1, 1], [], []>, transpose_lhs_hint = false} : vector<512x128xbf16>, vector<128x64xbf16>, vector<512x64xf32> -> vector<512x64xf32>
    %add3A_24 = arith.addf %add3A_21, %dot_general3A_23 : vector<512x64xf32>
    %get3A_25 = arith.constant 0 : index
    %get3A_26 = arith.constant 1 : index
    %get3A_27 = arith.constant 0 : index
    %get3A_28 = arith.constant 0 : index
    %get3A_29 = vector.load %arg2[%get3A_25, %get3A_26, %get3A_27, %get3A_28] : memref<64x16x8x128xf32, #tpu.memory_space<vmem>>, vector<64x1x8x128xf32>
    %get3A_30 = vector.shape_cast %get3A_29 : vector<64x1x8x128xf32> to vector<64x8x128xf32>
    %reshape3A_31 = vector.shape_cast %get3A_30 : vector<64x8x128xf32> to vector<512x128xf32>
    %convert_element_type3A_32 = arith.truncf %reshape3A_31 : vector<512x128xf32> to vector<512x128xbf16>
    %convert_element_type3A_33 = arith.extf %convert_element_type3A_32 : vector<512x128xbf16> to vector<512x128xf32>
    %sub3A_34 = arith.subf %reshape3A_31, %convert_element_type3A_33 : vector<512x128xf32>
    %convert_element_type3A_35 = arith.truncf %sub3A_34 : vector<512x128xf32> to vector<512x128xbf16>
    %get3A_36 = arith.constant 0 : index
    %get3A_37 = arith.constant 1 : index
    %get3A_38 = arith.constant 0 : index
    %get3A_39 = arith.constant 0 : index
    %get3A_40 = vector.load %arg3[%get3A_36, %get3A_37, %get3A_38, %get3A_39] : memref<1x16x128x64xf32, #tpu.memory_space<vmem>>, vector<1x1x128x64xf32>
    %get3A_41 = vector.shape_cast %get3A_40 : vector<1x1x128x64xf32> to vector<128x64xf32>
    %convert_element_type3A_42 = arith.truncf %get3A_41 : vector<128x64xf32> to vector<128x64xbf16>
    %convert_element_type3A_43 = arith.extf %convert_element_type3A_42 : vector<128x64xbf16> to vector<128x64xf32>
    %sub3A_44 = arith.subf %get3A_41, %convert_element_type3A_43 : vector<128x64xf32>
    %convert_element_type3A_45 = arith.truncf %sub3A_44 : vector<128x64xf32> to vector<128x64xbf16>
    %dot_general3A_46 = arith.constant dense<0.000000e+00> : vector<512x64xf32>
    %dot_general3A_47 = tpu.matmul %convert_element_type3A_32, %convert_element_type3A_42, %dot_general3A_46 {dimension_numbers = #tpu.dot_dimension_numbers<[1], [0], [0], [1], [0, 0, 1, 1], [], []>, transpose_lhs_hint = false} : vector<512x128xbf16>, vector<128x64xbf16>, vector<512x64xf32> -> vector<512x64xf32>
    %add3A_48 = arith.addf %add3A_24, %dot_general3A_47 : vector<512x64xf32>
    %dot_general3A_49 = arith.constant dense<0.000000e+00> : vector<512x64xf32>
    %dot_general3A_50 = tpu.matmul %convert_element_type3A_32, %convert_element_type3A_45, %dot_general3A_49 {dimension_numbers = #tpu.dot_dimension_numbers<[1], [0], [0], [1], [0, 0, 1, 1], [], []>, transpose_lhs_hint = false} : vector<512x128xbf16>, vector<128x64xbf16>, vector<512x64xf32> -> vector<512x64xf32>
    %add3A_51 = arith.addf %add3A_48, %dot_general3A_50 : vector<512x64xf32>
    %dot_general3A_52 = arith.constant dense<0.000000e+00> : vector<512x64xf32>
    %dot_general3A_53 = tpu.matmul %convert_element_type3A_35, %convert_element_type3A_42, %dot_general3A_52 {dimension_numbers = #tpu.dot_dimension_numbers<[1], [0], [0], [1], [0, 0, 1, 1], [], []>, transpose_lhs_hint = false} : vector<512x128xbf16>, vector<128x64xbf16>, vector<512x64xf32> -> vector<512x64xf32>
    %add3A_54 = arith.addf %add3A_51, %dot_general3A_53 : vector<512x64xf32>
    %get3A_55 = arith.constant 0 : index
    %get3A_56 = arith.constant 2 : index
    %get3A_57 = arith.constant 0 : index
    %get3A_58 = arith.constant 0 : index
    %get3A_59 = vector.load %arg2[%get3A_55, %get3A_56, %get3A_57, %get3A_58] : memref<64x16x8x128xf32, #tpu.memory_space<vmem>>, vector<64x1x8x128xf32>
    %get3A_60 = vector.shape_cast %get3A_59 : vector<64x1x8x128xf32> to vector<64x8x128xf32>
    %reshape3A_61 = vector.shape_cast %get3A_60 : vector<64x8x128xf32> to vector<512x128xf32>
    %convert_element_type3A_62 = arith.truncf %reshape3A_61 : vector<512x128xf32> to vector<512x128xbf16>
    %convert_element_type3A_63 = arith.extf %convert_element_type3A_62 : vector<512x128xbf16> to vector<512x128xf32>
    %sub3A_64 = arith.subf %reshape3A_61, %convert_element_type3A_63 : vector<512x128xf32>
    %convert_element_type3A_65 = arith.truncf %sub3A_64 : vector<512x128xf32> to vector<512x128xbf16>
    %get3A_66 = arith.constant 0 : index
    %get3A_67 = arith.constant 2 : index
    %get3A_68 = arith.constant 0 : index
    %get3A_69 = arith.constant 0 : index
    %get3A_70 = vector.load %arg3[%get3A_66, %get3A_67, %get3A_68, %get3A_69] : memref<1x16x128x64xf32, #tpu.memory_space<vmem>>, vector<1x1x128x64xf32>
    %get3A_71 = vector.shape_cast %get3A_70 : vector<1x1x128x64xf32> to vector<128x64xf32>
    %convert_element_type3A_72 = arith.truncf %get3A_71 : vector<128x64xf32> to vector<128x64xbf16>
    %convert_element_type3A_73 = arith.extf %convert_element_type3A_72 : vector<128x64xbf16> to vector<128x64xf32>
    %sub3A_74 = arith.subf %get3A_71, %convert_element_type3A_73 : vector<128x64xf32>
    %convert_element_type3A_75 = arith.truncf %sub3A_74 : vector<128x64xf32> to vector<128x64xbf16>
    %dot_general3A_76 = arith.constant dense<0.000000e+00> : vector<512x64xf32>
    %dot_general3A_77 = tpu.matmul %convert_element_type3A_62, %convert_element_type3A_72, %dot_general3A_76 {dimension_numbers = #tpu.dot_dimension_numbers<[1], [0], [0], [1], [0, 0, 1, 1], [], []>, transpose_lhs_hint = false} : vector<512x128xbf16>, vector<128x64xbf16>, vector<512x64xf32> -> vector<512x64xf32>
    %add3A_78 = arith.addf %add3A_54, %dot_general3A_77 : vector<512x64xf32>
    %dot_general3A_79 = arith.constant dense<0.000000e+00> : vector<512x64xf32>
    %dot_general3A_80 = tpu.matmul %convert_element_type3A_62, %convert_element_type3A_75, %dot_general3A_79 {dimension_numbers = #tpu.dot_dimension_numbers<[1], [0], [0], [1], [0, 0, 1, 1], [], []>, transpose_lhs_hint = false} : vector<512x128xbf16>, vector<128x64xbf16>, vector<512x64xf32> -> vector<512x64xf32>
    %add3A_81 = arith.addf %add3A_78, %dot_general3A_80 : vector<512x64xf32>
    %dot_general3A_82 = arith.constant dense<0.000000e+00> : vector<512x64xf32>
    %dot_general3A_83 = tpu.matmul %convert_element_type3A_65, %convert_element_type3A_72, %dot_general3A_82 {dimension_numbers = #tpu.dot_dimension_numbers<[1], [0], [0], [1], [0, 0, 1, 1], [], []>, transpose_lhs_hint = false} : vector<512x128xbf16>, vector<128x64xbf16>, vector<512x64xf32> -> vector<512x64xf32>
    %add3A_84 = arith.addf %add3A_81, %dot_general3A_83 : vector<512x64xf32>
    %get3A_85 = arith.constant 0 : index
    %get3A_86 = arith.constant 3 : index
    %get3A_87 = arith.constant 0 : index
    %get3A_88 = arith.constant 0 : index
    %get3A_89 = vector.load %arg2[%get3A_85, %get3A_86, %get3A_87, %get3A_88] : memref<64x16x8x128xf32, #tpu.memory_space<vmem>>, vector<64x1x8x128xf32>
    %get3A_90 = vector.shape_cast %get3A_89 : vector<64x1x8x128xf32> to vector<64x8x128xf32>
    %reshape3A_91 = vector.shape_cast %get3A_90 : vector<64x8x128xf32> to vector<512x128xf32>
    %convert_element_type3A_92 = arith.truncf %reshape3A_91 : vector<512x128xf32> to vector<512x128xbf16>
    %convert_element_type3A_93 = arith.extf %convert_element_type3A_92 : vector<512x128xbf16> to vector<512x128xf32>
    %sub3A_94 = arith.subf %reshape3A_91, %convert_element_type3A_93 : vector<512x128xf32>
    %convert_element_type3A_95 = arith.truncf %sub3A_94 : vector<512x128xf32> to vector<512x128xbf16>
    %get3A_96 = arith.constant 0 : index
    %get3A_97 = arith.constant 3 : index
    %get3A_98 = arith.constant 0 : index
    %get3A_99 = arith.constant 0 : index
    %get3A_100 = vector.load %arg3[%get3A_96, %get3A_97, %get3A_98, %get3A_99] : memref<1x16x128x64xf32, #tpu.memory_space<vmem>>, vector<1x1x128x64xf32>
    %get3A_101 = vector.shape_cast %get3A_100 : vector<1x1x128x64xf32> to vector<128x64xf32>
    %convert_element_type3A_102 = arith.truncf %get3A_101 : vector<128x64xf32> to vector<128x64xbf16>
    %convert_element_type3A_103 = arith.extf %convert_element_type3A_102 : vector<128x64xbf16> to vector<128x64xf32>
    %sub3A_104 = arith.subf %get3A_101, %convert_element_type3A_103 : vector<128x64xf32>
    %convert_element_type3A_105 = arith.truncf %sub3A_104 : vector<128x64xf32> to vector<128x64xbf16>
    %dot_general3A_106 = arith.constant dense<0.000000e+00> : vector<512x64xf32>
    %dot_general3A_107 = tpu.matmul %convert_element_type3A_92, %convert_element_type3A_102, %dot_general3A_106 {dimension_numbers = #tpu.dot_dimension_numbers<[1], [0], [0], [1], [0, 0, 1, 1], [], []>, transpose_lhs_hint = false} : vector<512x128xbf16>, vector<128x64xbf16>, vector<512x64xf32> -> vector<512x64xf32>
    %add3A_108 = arith.addf %add3A_84, %dot_general3A_107 : vector<512x64xf32>
    %dot_general3A_109 = arith.constant dense<0.000000e+00> : vector<512x64xf32>
    %dot_general3A_110 = tpu.matmul %convert_element_type3A_92, %convert_element_type3A_105, %dot_general3A_109 {dimension_numbers = #tpu.dot_dimension_numbers<[1], [0], [0], [1], [0, 0, 1, 1], [], []>, transpose_lhs_hint = false} : vector<512x128xbf16>, vector<128x64xbf16>, vector<512x64xf32> -> vector<512x64xf32>
    %add3A_111 = arith.addf %add3A_108, %dot_general3A_110 : vector<512x64xf32>
    %dot_general3A_112 = arith.constant dense<0.000000e+00> : vector<512x64xf32>
    %dot_general3A_113 = tpu.matmul %convert_element_type3A_95, %convert_element_type3A_102, %dot_general3A_112 {dimension_numbers = #tpu.dot_dimension_numbers<[1], [0], [0], [1], [0, 0, 1, 1], [], []>, transpose_lhs_hint = false} : vector<512x128xbf16>, vector<128x64xbf16>, vector<512x64xf32> -> vector<512x64xf32>
    %add3A_114 = arith.addf %add3A_111, %dot_general3A_113 : vector<512x64xf32>
    %get3A_115 = arith.constant 0 : index
    %get3A_116 = arith.constant 4 : index
    %get3A_117 = arith.constant 0 : index
    %get3A_118 = arith.constant 0 : index
    %get3A_119 = vector.load %arg2[%get3A_115, %get3A_116, %get3A_117, %get3A_118] : memref<64x16x8x128xf32, #tpu.memory_space<vmem>>, vector<64x1x8x128xf32>
    %get3A_120 = vector.shape_cast %get3A_119 : vector<64x1x8x128xf32> to vector<64x8x128xf32>
    %reshape3A_121 = vector.shape_cast %get3A_120 : vector<64x8x128xf32> to vector<512x128xf32>
    %convert_element_type3A_122 = arith.truncf %reshape3A_121 : vector<512x128xf32> to vector<512x128xbf16>
    %convert_element_type3A_123 = arith.extf %convert_element_type3A_122 : vector<512x128xbf16> to vector<512x128xf32>
    %sub3A_124 = arith.subf %reshape3A_121, %convert_element_type3A_123 : vector<512x128xf32>
    %convert_element_type3A_125 = arith.truncf %sub3A_124 : vector<512x128xf32> to vector<512x128xbf16>
    %get3A_126 = arith.constant 0 : index
    %get3A_127 = arith.constant 4 : index
    %get3A_128 = arith.constant 0 : index
    %get3A_129 = arith.constant 0 : index
    %get3A_130 = vector.load %arg3[%get3A_126, %get3A_127, %get3A_128, %get3A_129] : memref<1x16x128x64xf32, #tpu.memory_space<vmem>>, vector<1x1x128x64xf32>
    %get3A_131 = vector.shape_cast %get3A_130 : vector<1x1x128x64xf32> to vector<128x64xf32>
    %convert_element_type3A_132 = arith.truncf %get3A_131 : vector<128x64xf32> to vector<128x64xbf16>
    %convert_element_type3A_133 = arith.extf %convert_element_type3A_132 : vector<128x64xbf16> to vector<128x64xf32>
    %sub3A_134 = arith.subf %get3A_131, %convert_element_type3A_133 : vector<128x64xf32>
    %convert_element_type3A_135 = arith.truncf %sub3A_134 : vector<128x64xf32> to vector<128x64xbf16>
    %dot_general3A_136 = arith.constant dense<0.000000e+00> : vector<512x64xf32>
    %dot_general3A_137 = tpu.matmul %convert_element_type3A_122, %convert_element_type3A_132, %dot_general3A_136 {dimension_numbers = #tpu.dot_dimension_numbers<[1], [0], [0], [1], [0, 0, 1, 1], [], []>, transpose_lhs_hint = false} : vector<512x128xbf16>, vector<128x64xbf16>, vector<512x64xf32> -> vector<512x64xf32>
    %add3A_138 = arith.addf %add3A_114, %dot_general3A_137 : vector<512x64xf32>
    %dot_general3A_139 = arith.constant dense<0.000000e+00> : vector<512x64xf32>
    %dot_general3A_140 = tpu.matmul %convert_element_type3A_122, %convert_element_type3A_135, %dot_general3A_139 {dimension_numbers = #tpu.dot_dimension_numbers<[1], [0], [0], [1], [0, 0, 1, 1], [], []>, transpose_lhs_hint = false} : vector<512x128xbf16>, vector<128x64xbf16>, vector<512x64xf32> -> vector<512x64xf32>
    %add3A_141 = arith.addf %add3A_138, %dot_general3A_140 : vector<512x64xf32>
    %dot_general3A_142 = arith.constant dense<0.000000e+00> : vector<512x64xf32>
    %dot_general3A_143 = tpu.matmul %convert_element_type3A_125, %convert_element_type3A_132, %dot_general3A_142 {dimension_numbers = #tpu.dot_dimension_numbers<[1], [0], [0], [1], [0, 0, 1, 1], [], []>, transpose_lhs_hint = false} : vector<512x128xbf16>, vector<128x64xbf16>, vector<512x64xf32> -> vector<512x64xf32>
    %add3A_144 = arith.addf %add3A_141, %dot_general3A_143 : vector<512x64xf32>
    %get3A_145 = arith.constant 0 : index
    %get3A_146 = arith.constant 5 : index
    %get3A_147 = arith.constant 0 : index
    %get3A_148 = arith.constant 0 : index
    %get3A_149 = vector.load %arg2[%get3A_145, %get3A_146, %get3A_147, %get3A_148] : memref<64x16x8x128xf32, #tpu.memory_space<vmem>>, vector<64x1x8x128xf32>
    %get3A_150 = vector.shape_cast %get3A_149 : vector<64x1x8x128xf32> to vector<64x8x128xf32>
    %reshape3A_151 = vector.shape_cast %get3A_150 : vector<64x8x128xf32> to vector<512x128xf32>
    %convert_element_type3A_152 = arith.truncf %reshape3A_151 : vector<512x128xf32> to vector<512x128xbf16>
    %convert_element_type3A_153 = arith.extf %convert_element_type3A_152 : vector<512x128xbf16> to vector<512x128xf32>
    %sub3A_154 = arith.subf %reshape3A_151, %convert_element_type3A_153 : vector<512x128xf32>
    %convert_element_type3A_155 = arith.truncf %sub3A_154 : vector<512x128xf32> to vector<512x128xbf16>
    %get3A_156 = arith.constant 0 : index
    %get3A_157 = arith.constant 5 : index
    %get3A_158 = arith.constant 0 : index
    %get3A_159 = arith.constant 0 : index
    %get3A_160 = vector.load %arg3[%get3A_156, %get3A_157, %get3A_158, %get3A_159] : memref<1x16x128x64xf32, #tpu.memory_space<vmem>>, vector<1x1x128x64xf32>
    %get3A_161 = vector.shape_cast %get3A_160 : vector<1x1x128x64xf32> to vector<128x64xf32>
    %convert_element_type3A_162 = arith.truncf %get3A_161 : vector<128x64xf32> to vector<128x64xbf16>
    %convert_element_type3A_163 = arith.extf %convert_element_type3A_162 : vector<128x64xbf16> to vector<128x64xf32>
    %sub3A_164 = arith.subf %get3A_161, %convert_element_type3A_163 : vector<128x64xf32>
    %convert_element_type3A_165 = arith.truncf %sub3A_164 : vector<128x64xf32> to vector<128x64xbf16>
    %dot_general3A_166 = arith.constant dense<0.000000e+00> : vector<512x64xf32>
    %dot_general3A_167 = tpu.matmul %convert_element_type3A_152, %convert_element_type3A_162, %dot_general3A_166 {dimension_numbers = #tpu.dot_dimension_numbers<[1], [0], [0], [1], [0, 0, 1, 1], [], []>, transpose_lhs_hint = false} : vector<512x128xbf16>, vector<128x64xbf16>, vector<512x64xf32> -> vector<512x64xf32>
    %add3A_168 = arith.addf %add3A_144, %dot_general3A_167 : vector<512x64xf32>
    %dot_general3A_169 = arith.constant dense<0.000000e+00> : vector<512x64xf32>
    %dot_general3A_170 = tpu.matmul %convert_element_type3A_152, %convert_element_type3A_165, %dot_general3A_169 {dimension_numbers = #tpu.dot_dimension_numbers<[1], [0], [0], [1], [0, 0, 1, 1], [], []>, transpose_lhs_hint = false} : vector<512x128xbf16>, vector<128x64xbf16>, vector<512x64xf32> -> vector<512x64xf32>
    %add3A_171 = arith.addf %add3A_168, %dot_general3A_170 : vector<512x64xf32>
    %dot_general3A_172 = arith.constant dense<0.000000e+00> : vector<512x64xf32>
    %dot_general3A_173 = tpu.matmul %convert_element_type3A_155, %convert_element_type3A_162, %dot_general3A_172 {dimension_numbers = #tpu.dot_dimension_numbers<[1], [0], [0], [1], [0, 0, 1, 1], [], []>, transpose_lhs_hint = false} : vector<512x128xbf16>, vector<128x64xbf16>, vector<512x64xf32> -> vector<512x64xf32>
    %add3A_174 = arith.addf %add3A_171, %dot_general3A_173 : vector<512x64xf32>
    %get3A_175 = arith.constant 0 : index
    %get3A_176 = arith.constant 6 : index
    %get3A_177 = arith.constant 0 : index
    %get3A_178 = arith.constant 0 : index
    %get3A_179 = vector.load %arg2[%get3A_175, %get3A_176, %get3A_177, %get3A_178] : memref<64x16x8x128xf32, #tpu.memory_space<vmem>>, vector<64x1x8x128xf32>
    %get3A_180 = vector.shape_cast %get3A_179 : vector<64x1x8x128xf32> to vector<64x8x128xf32>
    %reshape3A_181 = vector.shape_cast %get3A_180 : vector<64x8x128xf32> to vector<512x128xf32>
    %convert_element_type3A_182 = arith.truncf %reshape3A_181 : vector<512x128xf32> to vector<512x128xbf16>
    %convert_element_type3A_183 = arith.extf %convert_element_type3A_182 : vector<512x128xbf16> to vector<512x128xf32>
    %sub3A_184 = arith.subf %reshape3A_181, %convert_element_type3A_183 : vector<512x128xf32>
    %convert_element_type3A_185 = arith.truncf %sub3A_184 : vector<512x128xf32> to vector<512x128xbf16>
    %get3A_186 = arith.constant 0 : index
    %get3A_187 = arith.constant 6 : index
    %get3A_188 = arith.constant 0 : index
    %get3A_189 = arith.constant 0 : index
    %get3A_190 = vector.load %arg3[%get3A_186, %get3A_187, %get3A_188, %get3A_189] : memref<1x16x128x64xf32, #tpu.memory_space<vmem>>, vector<1x1x128x64xf32>
    %get3A_191 = vector.shape_cast %get3A_190 : vector<1x1x128x64xf32> to vector<128x64xf32>
    %convert_element_type3A_192 = arith.truncf %get3A_191 : vector<128x64xf32> to vector<128x64xbf16>
    %convert_element_type3A_193 = arith.extf %convert_element_type3A_192 : vector<128x64xbf16> to vector<128x64xf32>
    %sub3A_194 = arith.subf %get3A_191, %convert_element_type3A_193 : vector<128x64xf32>
    %convert_element_type3A_195 = arith.truncf %sub3A_194 : vector<128x64xf32> to vector<128x64xbf16>
    %dot_general3A_196 = arith.constant dense<0.000000e+00> : vector<512x64xf32>
    %dot_general3A_197 = tpu.matmul %convert_element_type3A_182, %convert_element_type3A_192, %dot_general3A_196 {dimension_numbers = #tpu.dot_dimension_numbers<[1], [0], [0], [1], [0, 0, 1, 1], [], []>, transpose_lhs_hint = false} : vector<512x128xbf16>, vector<128x64xbf16>, vector<512x64xf32> -> vector<512x64xf32>
    %add3A_198 = arith.addf %add3A_174, %dot_general3A_197 : vector<512x64xf32>
    %dot_general3A_199 = arith.constant dense<0.000000e+00> : vector<512x64xf32>
    %dot_general3A_200 = tpu.matmul %convert_element_type3A_182, %convert_element_type3A_195, %dot_general3A_199 {dimension_numbers = #tpu.dot_dimension_numbers<[1], [0], [0], [1], [0, 0, 1, 1], [], []>, transpose_lhs_hint = false} : vector<512x128xbf16>, vector<128x64xbf16>, vector<512x64xf32> -> vector<512x64xf32>
    %add3A_201 = arith.addf %add3A_198, %dot_general3A_200 : vector<512x64xf32>
    %dot_general3A_202 = arith.constant dense<0.000000e+00> : vector<512x64xf32>
    %dot_general3A_203 = tpu.matmul %convert_element_type3A_185, %convert_element_type3A_192, %dot_general3A_202 {dimension_numbers = #tpu.dot_dimension_numbers<[1], [0], [0], [1], [0, 0, 1, 1], [], []>, transpose_lhs_hint = false} : vector<512x128xbf16>, vector<128x64xbf16>, vector<512x64xf32> -> vector<512x64xf32>
    %add3A_204 = arith.addf %add3A_201, %dot_general3A_203 : vector<512x64xf32>
    %get3A_205 = arith.constant 0 : index
    %get3A_206 = arith.constant 7 : index
    %get3A_207 = arith.constant 0 : index
    %get3A_208 = arith.constant 0 : index
    %get3A_209 = vector.load %arg2[%get3A_205, %get3A_206, %get3A_207, %get3A_208] : memref<64x16x8x128xf32, #tpu.memory_space<vmem>>, vector<64x1x8x128xf32>
    %get3A_210 = vector.shape_cast %get3A_209 : vector<64x1x8x128xf32> to vector<64x8x128xf32>
    %reshape3A_211 = vector.shape_cast %get3A_210 : vector<64x8x128xf32> to vector<512x128xf32>
    %convert_element_type3A_212 = arith.truncf %reshape3A_211 : vector<512x128xf32> to vector<512x128xbf16>
    %convert_element_type3A_213 = arith.extf %convert_element_type3A_212 : vector<512x128xbf16> to vector<512x128xf32>
    %sub3A_214 = arith.subf %reshape3A_211, %convert_element_type3A_213 : vector<512x128xf32>
    %convert_element_type3A_215 = arith.truncf %sub3A_214 : vector<512x128xf32> to vector<512x128xbf16>
    %get3A_216 = arith.constant 0 : index
    %get3A_217 = arith.constant 7 : index
    %get3A_218 = arith.constant 0 : index
    %get3A_219 = arith.constant 0 : index
    %get3A_220 = vector.load %arg3[%get3A_216, %get3A_217, %get3A_218, %get3A_219] : memref<1x16x128x64xf32, #tpu.memory_space<vmem>>, vector<1x1x128x64xf32>
    %get3A_221 = vector.shape_cast %get3A_220 : vector<1x1x128x64xf32> to vector<128x64xf32>
    %convert_element_type3A_222 = arith.truncf %get3A_221 : vector<128x64xf32> to vector<128x64xbf16>
    %convert_element_type3A_223 = arith.extf %convert_element_type3A_222 : vector<128x64xbf16> to vector<128x64xf32>
    %sub3A_224 = arith.subf %get3A_221, %convert_element_type3A_223 : vector<128x64xf32>
    %convert_element_type3A_225 = arith.truncf %sub3A_224 : vector<128x64xf32> to vector<128x64xbf16>
    %dot_general3A_226 = arith.constant dense<0.000000e+00> : vector<512x64xf32>
    %dot_general3A_227 = tpu.matmul %convert_element_type3A_212, %convert_element_type3A_222, %dot_general3A_226 {dimension_numbers = #tpu.dot_dimension_numbers<[1], [0], [0], [1], [0, 0, 1, 1], [], []>, transpose_lhs_hint = false} : vector<512x128xbf16>, vector<128x64xbf16>, vector<512x64xf32> -> vector<512x64xf32>
    %add3A_228 = arith.addf %add3A_204, %dot_general3A_227 : vector<512x64xf32>
    %dot_general3A_229 = arith.constant dense<0.000000e+00> : vector<512x64xf32>
    %dot_general3A_230 = tpu.matmul %convert_element_type3A_212, %convert_element_type3A_225, %dot_general3A_229 {dimension_numbers = #tpu.dot_dimension_numbers<[1], [0], [0], [1], [0, 0, 1, 1], [], []>, transpose_lhs_hint = false} : vector<512x128xbf16>, vector<128x64xbf16>, vector<512x64xf32> -> vector<512x64xf32>
    %add3A_231 = arith.addf %add3A_228, %dot_general3A_230 : vector<512x64xf32>
    %dot_general3A_232 = arith.constant dense<0.000000e+00> : vector<512x64xf32>
    %dot_general3A_233 = tpu.matmul %convert_element_type3A_215, %convert_element_type3A_222, %dot_general3A_232 {dimension_numbers = #tpu.dot_dimension_numbers<[1], [0], [0], [1], [0, 0, 1, 1], [], []>, transpose_lhs_hint = false} : vector<512x128xbf16>, vector<128x64xbf16>, vector<512x64xf32> -> vector<512x64xf32>
    %add3A_234 = arith.addf %add3A_231, %dot_general3A_233 : vector<512x64xf32>
    %get3A_235 = arith.constant 0 : index
    %get3A_236 = arith.constant 8 : index
    %get3A_237 = arith.constant 0 : index
    %get3A_238 = arith.constant 0 : index
    %get3A_239 = vector.load %arg2[%get3A_235, %get3A_236, %get3A_237, %get3A_238] : memref<64x16x8x128xf32, #tpu.memory_space<vmem>>, vector<64x1x8x128xf32>
    %get3A_240 = vector.shape_cast %get3A_239 : vector<64x1x8x128xf32> to vector<64x8x128xf32>
    %reshape3A_241 = vector.shape_cast %get3A_240 : vector<64x8x128xf32> to vector<512x128xf32>
    %convert_element_type3A_242 = arith.truncf %reshape3A_241 : vector<512x128xf32> to vector<512x128xbf16>
    %convert_element_type3A_243 = arith.extf %convert_element_type3A_242 : vector<512x128xbf16> to vector<512x128xf32>
    %sub3A_244 = arith.subf %reshape3A_241, %convert_element_type3A_243 : vector<512x128xf32>
    %convert_element_type3A_245 = arith.truncf %sub3A_244 : vector<512x128xf32> to vector<512x128xbf16>
    %get3A_246 = arith.constant 0 : index
    %get3A_247 = arith.constant 8 : index
    %get3A_248 = arith.constant 0 : index
    %get3A_249 = arith.constant 0 : index
    %get3A_250 = vector.load %arg3[%get3A_246, %get3A_247, %get3A_248, %get3A_249] : memref<1x16x128x64xf32, #tpu.memory_space<vmem>>, vector<1x1x128x64xf32>
    %get3A_251 = vector.shape_cast %get3A_250 : vector<1x1x128x64xf32> to vector<128x64xf32>
    %convert_element_type3A_252 = arith.truncf %get3A_251 : vector<128x64xf32> to vector<128x64xbf16>
    %convert_element_type3A_253 = arith.extf %convert_element_type3A_252 : vector<128x64xbf16> to vector<128x64xf32>
    %sub3A_254 = arith.subf %get3A_251, %convert_element_type3A_253 : vector<128x64xf32>
    %convert_element_type3A_255 = arith.truncf %sub3A_254 : vector<128x64xf32> to vector<128x64xbf16>
    %dot_general3A_256 = arith.constant dense<0.000000e+00> : vector<512x64xf32>
    %dot_general3A_257 = tpu.matmul %convert_element_type3A_242, %convert_element_type3A_252, %dot_general3A_256 {dimension_numbers = #tpu.dot_dimension_numbers<[1], [0], [0], [1], [0, 0, 1, 1], [], []>, transpose_lhs_hint = false} : vector<512x128xbf16>, vector<128x64xbf16>, vector<512x64xf32> -> vector<512x64xf32>
    %add3A_258 = arith.addf %add3A_234, %dot_general3A_257 : vector<512x64xf32>
    %dot_general3A_259 = arith.constant dense<0.000000e+00> : vector<512x64xf32>
    %dot_general3A_260 = tpu.matmul %convert_element_type3A_242, %convert_element_type3A_255, %dot_general3A_259 {dimension_numbers = #tpu.dot_dimension_numbers<[1], [0], [0], [1], [0, 0, 1, 1], [], []>, transpose_lhs_hint = false} : vector<512x128xbf16>, vector<128x64xbf16>, vector<512x64xf32> -> vector<512x64xf32>
    %add3A_261 = arith.addf %add3A_258, %dot_general3A_260 : vector<512x64xf32>
    %dot_general3A_262 = arith.constant dense<0.000000e+00> : vector<512x64xf32>
    %dot_general3A_263 = tpu.matmul %convert_element_type3A_245, %convert_element_type3A_252, %dot_general3A_262 {dimension_numbers = #tpu.dot_dimension_numbers<[1], [0], [0], [1], [0, 0, 1, 1], [], []>, transpose_lhs_hint = false} : vector<512x128xbf16>, vector<128x64xbf16>, vector<512x64xf32> -> vector<512x64xf32>
    %add3A_264 = arith.addf %add3A_261, %dot_general3A_263 : vector<512x64xf32>
    %get3A_265 = arith.constant 0 : index
    %get3A_266 = arith.constant 9 : index
    %get3A_267 = arith.constant 0 : index
    %get3A_268 = arith.constant 0 : index
    %get3A_269 = vector.load %arg2[%get3A_265, %get3A_266, %get3A_267, %get3A_268] : memref<64x16x8x128xf32, #tpu.memory_space<vmem>>, vector<64x1x8x128xf32>
    %get3A_270 = vector.shape_cast %get3A_269 : vector<64x1x8x128xf32> to vector<64x8x128xf32>
    %reshape3A_271 = vector.shape_cast %get3A_270 : vector<64x8x128xf32> to vector<512x128xf32>
    %convert_element_type3A_272 = arith.truncf %reshape3A_271 : vector<512x128xf32> to vector<512x128xbf16>
    %convert_element_type3A_273 = arith.extf %convert_element_type3A_272 : vector<512x128xbf16> to vector<512x128xf32>
    %sub3A_274 = arith.subf %reshape3A_271, %convert_element_type3A_273 : vector<512x128xf32>
    %convert_element_type3A_275 = arith.truncf %sub3A_274 : vector<512x128xf32> to vector<512x128xbf16>
    %get3A_276 = arith.constant 0 : index
    %get3A_277 = arith.constant 9 : index
    %get3A_278 = arith.constant 0 : index
    %get3A_279 = arith.constant 0 : index
    %get3A_280 = vector.load %arg3[%get3A_276, %get3A_277, %get3A_278, %get3A_279] : memref<1x16x128x64xf32, #tpu.memory_space<vmem>>, vector<1x1x128x64xf32>
    %get3A_281 = vector.shape_cast %get3A_280 : vector<1x1x128x64xf32> to vector<128x64xf32>
    %convert_element_type3A_282 = arith.truncf %get3A_281 : vector<128x64xf32> to vector<128x64xbf16>
    %convert_element_type3A_283 = arith.extf %convert_element_type3A_282 : vector<128x64xbf16> to vector<128x64xf32>
    %sub3A_284 = arith.subf %get3A_281, %convert_element_type3A_283 : vector<128x64xf32>
    %convert_element_type3A_285 = arith.truncf %sub3A_284 : vector<128x64xf32> to vector<128x64xbf16>
    %dot_general3A_286 = arith.constant dense<0.000000e+00> : vector<512x64xf32>
    %dot_general3A_287 = tpu.matmul %convert_element_type3A_272, %convert_element_type3A_282, %dot_general3A_286 {dimension_numbers = #tpu.dot_dimension_numbers<[1], [0], [0], [1], [0, 0, 1, 1], [], []>, transpose_lhs_hint = false} : vector<512x128xbf16>, vector<128x64xbf16>, vector<512x64xf32> -> vector<512x64xf32>
    %add3A_288 = arith.addf %add3A_264, %dot_general3A_287 : vector<512x64xf32>
    %dot_general3A_289 = arith.constant dense<0.000000e+00> : vector<512x64xf32>
    %dot_general3A_290 = tpu.matmul %convert_element_type3A_272, %convert_element_type3A_285, %dot_general3A_289 {dimension_numbers = #tpu.dot_dimension_numbers<[1], [0], [0], [1], [0, 0, 1, 1], [], []>, transpose_lhs_hint = false} : vector<512x128xbf16>, vector<128x64xbf16>, vector<512x64xf32> -> vector<512x64xf32>
    %add3A_291 = arith.addf %add3A_288, %dot_general3A_290 : vector<512x64xf32>
    %dot_general3A_292 = arith.constant dense<0.000000e+00> : vector<512x64xf32>
    %dot_general3A_293 = tpu.matmul %convert_element_type3A_275, %convert_element_type3A_282, %dot_general3A_292 {dimension_numbers = #tpu.dot_dimension_numbers<[1], [0], [0], [1], [0, 0, 1, 1], [], []>, transpose_lhs_hint = false} : vector<512x128xbf16>, vector<128x64xbf16>, vector<512x64xf32> -> vector<512x64xf32>
    %add3A_294 = arith.addf %add3A_291, %dot_general3A_293 : vector<512x64xf32>
    %get3A_295 = arith.constant 0 : index
    %get3A_296 = arith.constant 10 : index
    %get3A_297 = arith.constant 0 : index
    %get3A_298 = arith.constant 0 : index
    %get3A_299 = vector.load %arg2[%get3A_295, %get3A_296, %get3A_297, %get3A_298] : memref<64x16x8x128xf32, #tpu.memory_space<vmem>>, vector<64x1x8x128xf32>
    %get3A_300 = vector.shape_cast %get3A_299 : vector<64x1x8x128xf32> to vector<64x8x128xf32>
    %reshape3A_301 = vector.shape_cast %get3A_300 : vector<64x8x128xf32> to vector<512x128xf32>
    %convert_element_type3A_302 = arith.truncf %reshape3A_301 : vector<512x128xf32> to vector<512x128xbf16>
    %convert_element_type3A_303 = arith.extf %convert_element_type3A_302 : vector<512x128xbf16> to vector<512x128xf32>
    %sub3A_304 = arith.subf %reshape3A_301, %convert_element_type3A_303 : vector<512x128xf32>
    %convert_element_type3A_305 = arith.truncf %sub3A_304 : vector<512x128xf32> to vector<512x128xbf16>
    %get3A_306 = arith.constant 0 : index
    %get3A_307 = arith.constant 10 : index
    %get3A_308 = arith.constant 0 : index
    %get3A_309 = arith.constant 0 : index
    %get3A_310 = vector.load %arg3[%get3A_306, %get3A_307, %get3A_308, %get3A_309] : memref<1x16x128x64xf32, #tpu.memory_space<vmem>>, vector<1x1x128x64xf32>
    %get3A_311 = vector.shape_cast %get3A_310 : vector<1x1x128x64xf32> to vector<128x64xf32>
    %convert_element_type3A_312 = arith.truncf %get3A_311 : vector<128x64xf32> to vector<128x64xbf16>
    %convert_element_type3A_313 = arith.extf %convert_element_type3A_312 : vector<128x64xbf16> to vector<128x64xf32>
    %sub3A_314 = arith.subf %get3A_311, %convert_element_type3A_313 : vector<128x64xf32>
    %convert_element_type3A_315 = arith.truncf %sub3A_314 : vector<128x64xf32> to vector<128x64xbf16>
    %dot_general3A_316 = arith.constant dense<0.000000e+00> : vector<512x64xf32>
    %dot_general3A_317 = tpu.matmul %convert_element_type3A_302, %convert_element_type3A_312, %dot_general3A_316 {dimension_numbers = #tpu.dot_dimension_numbers<[1], [0], [0], [1], [0, 0, 1, 1], [], []>, transpose_lhs_hint = false} : vector<512x128xbf16>, vector<128x64xbf16>, vector<512x64xf32> -> vector<512x64xf32>
    %add3A_318 = arith.addf %add3A_294, %dot_general3A_317 : vector<512x64xf32>
    %dot_general3A_319 = arith.constant dense<0.000000e+00> : vector<512x64xf32>
    %dot_general3A_320 = tpu.matmul %convert_element_type3A_302, %convert_element_type3A_315, %dot_general3A_319 {dimension_numbers = #tpu.dot_dimension_numbers<[1], [0], [0], [1], [0, 0, 1, 1], [], []>, transpose_lhs_hint = false} : vector<512x128xbf16>, vector<128x64xbf16>, vector<512x64xf32> -> vector<512x64xf32>
    %add3A_321 = arith.addf %add3A_318, %dot_general3A_320 : vector<512x64xf32>
    %dot_general3A_322 = arith.constant dense<0.000000e+00> : vector<512x64xf32>
    %dot_general3A_323 = tpu.matmul %convert_element_type3A_305, %convert_element_type3A_312, %dot_general3A_322 {dimension_numbers = #tpu.dot_dimension_numbers<[1], [0], [0], [1], [0, 0, 1, 1], [], []>, transpose_lhs_hint = false} : vector<512x128xbf16>, vector<128x64xbf16>, vector<512x64xf32> -> vector<512x64xf32>
    %add3A_324 = arith.addf %add3A_321, %dot_general3A_323 : vector<512x64xf32>
    %get3A_325 = arith.constant 0 : index
    %get3A_326 = arith.constant 11 : index
    %get3A_327 = arith.constant 0 : index
    %get3A_328 = arith.constant 0 : index
    %get3A_329 = vector.load %arg2[%get3A_325, %get3A_326, %get3A_327, %get3A_328] : memref<64x16x8x128xf32, #tpu.memory_space<vmem>>, vector<64x1x8x128xf32>
    %get3A_330 = vector.shape_cast %get3A_329 : vector<64x1x8x128xf32> to vector<64x8x128xf32>
    %reshape3A_331 = vector.shape_cast %get3A_330 : vector<64x8x128xf32> to vector<512x128xf32>
    %convert_element_type3A_332 = arith.truncf %reshape3A_331 : vector<512x128xf32> to vector<512x128xbf16>
    %convert_element_type3A_333 = arith.extf %convert_element_type3A_332 : vector<512x128xbf16> to vector<512x128xf32>
    %sub3A_334 = arith.subf %reshape3A_331, %convert_element_type3A_333 : vector<512x128xf32>
    %convert_element_type3A_335 = arith.truncf %sub3A_334 : vector<512x128xf32> to vector<512x128xbf16>
    %get3A_336 = arith.constant 0 : index
    %get3A_337 = arith.constant 11 : index
    %get3A_338 = arith.constant 0 : index
    %get3A_339 = arith.constant 0 : index
    %get3A_340 = vector.load %arg3[%get3A_336, %get3A_337, %get3A_338, %get3A_339] : memref<1x16x128x64xf32, #tpu.memory_space<vmem>>, vector<1x1x128x64xf32>
    %get3A_341 = vector.shape_cast %get3A_340 : vector<1x1x128x64xf32> to vector<128x64xf32>
    %convert_element_type3A_342 = arith.truncf %get3A_341 : vector<128x64xf32> to vector<128x64xbf16>
    %convert_element_type3A_343 = arith.extf %convert_element_type3A_342 : vector<128x64xbf16> to vector<128x64xf32>
    %sub3A_344 = arith.subf %get3A_341, %convert_element_type3A_343 : vector<128x64xf32>
    %convert_element_type3A_345 = arith.truncf %sub3A_344 : vector<128x64xf32> to vector<128x64xbf16>
    %dot_general3A_346 = arith.constant dense<0.000000e+00> : vector<512x64xf32>
    %dot_general3A_347 = tpu.matmul %convert_element_type3A_332, %convert_element_type3A_342, %dot_general3A_346 {dimension_numbers = #tpu.dot_dimension_numbers<[1], [0], [0], [1], [0, 0, 1, 1], [], []>, transpose_lhs_hint = false} : vector<512x128xbf16>, vector<128x64xbf16>, vector<512x64xf32> -> vector<512x64xf32>
    %add3A_348 = arith.addf %add3A_324, %dot_general3A_347 : vector<512x64xf32>
    %dot_general3A_349 = arith.constant dense<0.000000e+00> : vector<512x64xf32>
    %dot_general3A_350 = tpu.matmul %convert_element_type3A_332, %convert_element_type3A_345, %dot_general3A_349 {dimension_numbers = #tpu.dot_dimension_numbers<[1], [0], [0], [1], [0, 0, 1, 1], [], []>, transpose_lhs_hint = false} : vector<512x128xbf16>, vector<128x64xbf16>, vector<512x64xf32> -> vector<512x64xf32>
    %add3A_351 = arith.addf %add3A_348, %dot_general3A_350 : vector<512x64xf32>
    %dot_general3A_352 = arith.constant dense<0.000000e+00> : vector<512x64xf32>
    %dot_general3A_353 = tpu.matmul %convert_element_type3A_335, %convert_element_type3A_342, %dot_general3A_352 {dimension_numbers = #tpu.dot_dimension_numbers<[1], [0], [0], [1], [0, 0, 1, 1], [], []>, transpose_lhs_hint = false} : vector<512x128xbf16>, vector<128x64xbf16>, vector<512x64xf32> -> vector<512x64xf32>
    %add3A_354 = arith.addf %add3A_351, %dot_general3A_353 : vector<512x64xf32>
    %get3A_355 = arith.constant 0 : index
    %get3A_356 = arith.constant 12 : index
    %get3A_357 = arith.constant 0 : index
    %get3A_358 = arith.constant 0 : index
    %get3A_359 = vector.load %arg2[%get3A_355, %get3A_356, %get3A_357, %get3A_358] : memref<64x16x8x128xf32, #tpu.memory_space<vmem>>, vector<64x1x8x128xf32>
    %get3A_360 = vector.shape_cast %get3A_359 : vector<64x1x8x128xf32> to vector<64x8x128xf32>
    %reshape3A_361 = vector.shape_cast %get3A_360 : vector<64x8x128xf32> to vector<512x128xf32>
    %convert_element_type3A_362 = arith.truncf %reshape3A_361 : vector<512x128xf32> to vector<512x128xbf16>
    %convert_element_type3A_363 = arith.extf %convert_element_type3A_362 : vector<512x128xbf16> to vector<512x128xf32>
    %sub3A_364 = arith.subf %reshape3A_361, %convert_element_type3A_363 : vector<512x128xf32>
    %convert_element_type3A_365 = arith.truncf %sub3A_364 : vector<512x128xf32> to vector<512x128xbf16>
    %get3A_366 = arith.constant 0 : index
    %get3A_367 = arith.constant 12 : index
    %get3A_368 = arith.constant 0 : index
    %get3A_369 = arith.constant 0 : index
    %get3A_370 = vector.load %arg3[%get3A_366, %get3A_367, %get3A_368, %get3A_369] : memref<1x16x128x64xf32, #tpu.memory_space<vmem>>, vector<1x1x128x64xf32>
    %get3A_371 = vector.shape_cast %get3A_370 : vector<1x1x128x64xf32> to vector<128x64xf32>
    %convert_element_type3A_372 = arith.truncf %get3A_371 : vector<128x64xf32> to vector<128x64xbf16>
    %convert_element_type3A_373 = arith.extf %convert_element_type3A_372 : vector<128x64xbf16> to vector<128x64xf32>
    %sub3A_374 = arith.subf %get3A_371, %convert_element_type3A_373 : vector<128x64xf32>
    %convert_element_type3A_375 = arith.truncf %sub3A_374 : vector<128x64xf32> to vector<128x64xbf16>
    %dot_general3A_376 = arith.constant dense<0.000000e+00> : vector<512x64xf32>
    %dot_general3A_377 = tpu.matmul %convert_element_type3A_362, %convert_element_type3A_372, %dot_general3A_376 {dimension_numbers = #tpu.dot_dimension_numbers<[1], [0], [0], [1], [0, 0, 1, 1], [], []>, transpose_lhs_hint = false} : vector<512x128xbf16>, vector<128x64xbf16>, vector<512x64xf32> -> vector<512x64xf32>
    %add3A_378 = arith.addf %add3A_354, %dot_general3A_377 : vector<512x64xf32>
    %dot_general3A_379 = arith.constant dense<0.000000e+00> : vector<512x64xf32>
    %dot_general3A_380 = tpu.matmul %convert_element_type3A_362, %convert_element_type3A_375, %dot_general3A_379 {dimension_numbers = #tpu.dot_dimension_numbers<[1], [0], [0], [1], [0, 0, 1, 1], [], []>, transpose_lhs_hint = false} : vector<512x128xbf16>, vector<128x64xbf16>, vector<512x64xf32> -> vector<512x64xf32>
    %add3A_381 = arith.addf %add3A_378, %dot_general3A_380 : vector<512x64xf32>
    %dot_general3A_382 = arith.constant dense<0.000000e+00> : vector<512x64xf32>
    %dot_general3A_383 = tpu.matmul %convert_element_type3A_365, %convert_element_type3A_372, %dot_general3A_382 {dimension_numbers = #tpu.dot_dimension_numbers<[1], [0], [0], [1], [0, 0, 1, 1], [], []>, transpose_lhs_hint = false} : vector<512x128xbf16>, vector<128x64xbf16>, vector<512x64xf32> -> vector<512x64xf32>
    %add3A_384 = arith.addf %add3A_381, %dot_general3A_383 : vector<512x64xf32>
    %get3A_385 = arith.constant 0 : index
    %get3A_386 = arith.constant 13 : index
    %get3A_387 = arith.constant 0 : index
    %get3A_388 = arith.constant 0 : index
    %get3A_389 = vector.load %arg2[%get3A_385, %get3A_386, %get3A_387, %get3A_388] : memref<64x16x8x128xf32, #tpu.memory_space<vmem>>, vector<64x1x8x128xf32>
    %get3A_390 = vector.shape_cast %get3A_389 : vector<64x1x8x128xf32> to vector<64x8x128xf32>
    %reshape3A_391 = vector.shape_cast %get3A_390 : vector<64x8x128xf32> to vector<512x128xf32>
    %convert_element_type3A_392 = arith.truncf %reshape3A_391 : vector<512x128xf32> to vector<512x128xbf16>
    %convert_element_type3A_393 = arith.extf %convert_element_type3A_392 : vector<512x128xbf16> to vector<512x128xf32>
    %sub3A_394 = arith.subf %reshape3A_391, %convert_element_type3A_393 : vector<512x128xf32>
    %convert_element_type3A_395 = arith.truncf %sub3A_394 : vector<512x128xf32> to vector<512x128xbf16>
    %get3A_396 = arith.constant 0 : index
    %get3A_397 = arith.constant 13 : index
    %get3A_398 = arith.constant 0 : index
    %get3A_399 = arith.constant 0 : index
    %get3A_400 = vector.load %arg3[%get3A_396, %get3A_397, %get3A_398, %get3A_399] : memref<1x16x128x64xf32, #tpu.memory_space<vmem>>, vector<1x1x128x64xf32>
    %get3A_401 = vector.shape_cast %get3A_400 : vector<1x1x128x64xf32> to vector<128x64xf32>
    %convert_element_type3A_402 = arith.truncf %get3A_401 : vector<128x64xf32> to vector<128x64xbf16>
    %convert_element_type3A_403 = arith.extf %convert_element_type3A_402 : vector<128x64xbf16> to vector<128x64xf32>
    %sub3A_404 = arith.subf %get3A_401, %convert_element_type3A_403 : vector<128x64xf32>
    %convert_element_type3A_405 = arith.truncf %sub3A_404 : vector<128x64xf32> to vector<128x64xbf16>
    %dot_general3A_406 = arith.constant dense<0.000000e+00> : vector<512x64xf32>
    %dot_general3A_407 = tpu.matmul %convert_element_type3A_392, %convert_element_type3A_402, %dot_general3A_406 {dimension_numbers = #tpu.dot_dimension_numbers<[1], [0], [0], [1], [0, 0, 1, 1], [], []>, transpose_lhs_hint = false} : vector<512x128xbf16>, vector<128x64xbf16>, vector<512x64xf32> -> vector<512x64xf32>
    %add3A_408 = arith.addf %add3A_384, %dot_general3A_407 : vector<512x64xf32>
    %dot_general3A_409 = arith.constant dense<0.000000e+00> : vector<512x64xf32>
    %dot_general3A_410 = tpu.matmul %convert_element_type3A_392, %convert_element_type3A_405, %dot_general3A_409 {dimension_numbers = #tpu.dot_dimension_numbers<[1], [0], [0], [1], [0, 0, 1, 1], [], []>, transpose_lhs_hint = false} : vector<512x128xbf16>, vector<128x64xbf16>, vector<512x64xf32> -> vector<512x64xf32>
    %add3A_411 = arith.addf %add3A_408, %dot_general3A_410 : vector<512x64xf32>
    %dot_general3A_412 = arith.constant dense<0.000000e+00> : vector<512x64xf32>
    %dot_general3A_413 = tpu.matmul %convert_element_type3A_395, %convert_element_type3A_402, %dot_general3A_412 {dimension_numbers = #tpu.dot_dimension_numbers<[1], [0], [0], [1], [0, 0, 1, 1], [], []>, transpose_lhs_hint = false} : vector<512x128xbf16>, vector<128x64xbf16>, vector<512x64xf32> -> vector<512x64xf32>
    %add3A_414 = arith.addf %add3A_411, %dot_general3A_413 : vector<512x64xf32>
    %get3A_415 = arith.constant 0 : index
    %get3A_416 = arith.constant 14 : index
    %get3A_417 = arith.constant 0 : index
    %get3A_418 = arith.constant 0 : index
    %get3A_419 = vector.load %arg2[%get3A_415, %get3A_416, %get3A_417, %get3A_418] : memref<64x16x8x128xf32, #tpu.memory_space<vmem>>, vector<64x1x8x128xf32>
    %get3A_420 = vector.shape_cast %get3A_419 : vector<64x1x8x128xf32> to vector<64x8x128xf32>
    %reshape3A_421 = vector.shape_cast %get3A_420 : vector<64x8x128xf32> to vector<512x128xf32>
    %convert_element_type3A_422 = arith.truncf %reshape3A_421 : vector<512x128xf32> to vector<512x128xbf16>
    %convert_element_type3A_423 = arith.extf %convert_element_type3A_422 : vector<512x128xbf16> to vector<512x128xf32>
    %sub3A_424 = arith.subf %reshape3A_421, %convert_element_type3A_423 : vector<512x128xf32>
    %convert_element_type3A_425 = arith.truncf %sub3A_424 : vector<512x128xf32> to vector<512x128xbf16>
    %get3A_426 = arith.constant 0 : index
    %get3A_427 = arith.constant 14 : index
    %get3A_428 = arith.constant 0 : index
    %get3A_429 = arith.constant 0 : index
    %get3A_430 = vector.load %arg3[%get3A_426, %get3A_427, %get3A_428, %get3A_429] : memref<1x16x128x64xf32, #tpu.memory_space<vmem>>, vector<1x1x128x64xf32>
    %get3A_431 = vector.shape_cast %get3A_430 : vector<1x1x128x64xf32> to vector<128x64xf32>
    %convert_element_type3A_432 = arith.truncf %get3A_431 : vector<128x64xf32> to vector<128x64xbf16>
    %convert_element_type3A_433 = arith.extf %convert_element_type3A_432 : vector<128x64xbf16> to vector<128x64xf32>
    %sub3A_434 = arith.subf %get3A_431, %convert_element_type3A_433 : vector<128x64xf32>
    %convert_element_type3A_435 = arith.truncf %sub3A_434 : vector<128x64xf32> to vector<128x64xbf16>
    %dot_general3A_436 = arith.constant dense<0.000000e+00> : vector<512x64xf32>
    %dot_general3A_437 = tpu.matmul %convert_element_type3A_422, %convert_element_type3A_432, %dot_general3A_436 {dimension_numbers = #tpu.dot_dimension_numbers<[1], [0], [0], [1], [0, 0, 1, 1], [], []>, transpose_lhs_hint = false} : vector<512x128xbf16>, vector<128x64xbf16>, vector<512x64xf32> -> vector<512x64xf32>
    %add3A_438 = arith.addf %add3A_414, %dot_general3A_437 : vector<512x64xf32>
    %dot_general3A_439 = arith.constant dense<0.000000e+00> : vector<512x64xf32>
    %dot_general3A_440 = tpu.matmul %convert_element_type3A_422, %convert_element_type3A_435, %dot_general3A_439 {dimension_numbers = #tpu.dot_dimension_numbers<[1], [0], [0], [1], [0, 0, 1, 1], [], []>, transpose_lhs_hint = false} : vector<512x128xbf16>, vector<128x64xbf16>, vector<512x64xf32> -> vector<512x64xf32>
    %add3A_441 = arith.addf %add3A_438, %dot_general3A_440 : vector<512x64xf32>
    %dot_general3A_442 = arith.constant dense<0.000000e+00> : vector<512x64xf32>
    %dot_general3A_443 = tpu.matmul %convert_element_type3A_425, %convert_element_type3A_432, %dot_general3A_442 {dimension_numbers = #tpu.dot_dimension_numbers<[1], [0], [0], [1], [0, 0, 1, 1], [], []>, transpose_lhs_hint = false} : vector<512x128xbf16>, vector<128x64xbf16>, vector<512x64xf32> -> vector<512x64xf32>
    %add3A_444 = arith.addf %add3A_441, %dot_general3A_443 : vector<512x64xf32>
    %get3A_445 = arith.constant 0 : index
    %get3A_446 = arith.constant 15 : index
    %get3A_447 = arith.constant 0 : index
    %get3A_448 = arith.constant 0 : index
    %get3A_449 = vector.load %arg2[%get3A_445, %get3A_446, %get3A_447, %get3A_448] : memref<64x16x8x128xf32, #tpu.memory_space<vmem>>, vector<64x1x8x128xf32>
    %get3A_450 = vector.shape_cast %get3A_449 : vector<64x1x8x128xf32> to vector<64x8x128xf32>
    %reshape3A_451 = vector.shape_cast %get3A_450 : vector<64x8x128xf32> to vector<512x128xf32>
    %convert_element_type3A_452 = arith.truncf %reshape3A_451 : vector<512x128xf32> to vector<512x128xbf16>
    %convert_element_type3A_453 = arith.extf %convert_element_type3A_452 : vector<512x128xbf16> to vector<512x128xf32>
    %sub3A_454 = arith.subf %reshape3A_451, %convert_element_type3A_453 : vector<512x128xf32>
    %convert_element_type3A_455 = arith.truncf %sub3A_454 : vector<512x128xf32> to vector<512x128xbf16>
    %get3A_456 = arith.constant 0 : index
    %get3A_457 = arith.constant 15 : index
    %get3A_458 = arith.constant 0 : index
    %get3A_459 = arith.constant 0 : index
    %get3A_460 = vector.load %arg3[%get3A_456, %get3A_457, %get3A_458, %get3A_459] : memref<1x16x128x64xf32, #tpu.memory_space<vmem>>, vector<1x1x128x64xf32>
    %get3A_461 = vector.shape_cast %get3A_460 : vector<1x1x128x64xf32> to vector<128x64xf32>
    %convert_element_type3A_462 = arith.truncf %get3A_461 : vector<128x64xf32> to vector<128x64xbf16>
    %convert_element_type3A_463 = arith.extf %convert_element_type3A_462 : vector<128x64xbf16> to vector<128x64xf32>
    %sub3A_464 = arith.subf %get3A_461, %convert_element_type3A_463 : vector<128x64xf32>
    %convert_element_type3A_465 = arith.truncf %sub3A_464 : vector<128x64xf32> to vector<128x64xbf16>
    %dot_general3A_466 = arith.constant dense<0.000000e+00> : vector<512x64xf32>
    %dot_general3A_467 = tpu.matmul %convert_element_type3A_452, %convert_element_type3A_462, %dot_general3A_466 {dimension_numbers = #tpu.dot_dimension_numbers<[1], [0], [0], [1], [0, 0, 1, 1], [], []>, transpose_lhs_hint = false} : vector<512x128xbf16>, vector<128x64xbf16>, vector<512x64xf32> -> vector<512x64xf32>
    %add3A_468 = arith.addf %add3A_444, %dot_general3A_467 : vector<512x64xf32>
    %dot_general3A_469 = arith.constant dense<0.000000e+00> : vector<512x64xf32>
    %dot_general3A_470 = tpu.matmul %convert_element_type3A_452, %convert_element_type3A_465, %dot_general3A_469 {dimension_numbers = #tpu.dot_dimension_numbers<[1], [0], [0], [1], [0, 0, 1, 1], [], []>, transpose_lhs_hint = false} : vector<512x128xbf16>, vector<128x64xbf16>, vector<512x64xf32> -> vector<512x64xf32>
    %add3A_471 = arith.addf %add3A_468, %dot_general3A_470 : vector<512x64xf32>
    %dot_general3A_472 = arith.constant dense<0.000000e+00> : vector<512x64xf32>
    %dot_general3A_473 = tpu.matmul %convert_element_type3A_455, %convert_element_type3A_462, %dot_general3A_472 {dimension_numbers = #tpu.dot_dimension_numbers<[1], [0], [0], [1], [0, 0, 1, 1], [], []>, transpose_lhs_hint = false} : vector<512x128xbf16>, vector<128x64xbf16>, vector<512x64xf32> -> vector<512x64xf32>
    %add3A_474 = arith.addf %add3A_471, %dot_general3A_473 : vector<512x64xf32>
    %swap3A = arith.constant 0 : index
    %swap3A_475 = arith.constant 0 : index
    %swap3A_476 = arith.constant 0 : index
    %swap3A_477 = vector.load %arg4[%swap3A, %swap3A_475, %swap3A_476] : memref<1x512x64xf32, #tpu.memory_space<vmem>>, vector<1x512x64xf32>
    %swap3A_478 = vector.shape_cast %swap3A_477 : vector<1x512x64xf32> to vector<512x64xf32>
    %swap3A_479 = vector.shape_cast %add3A_474 : vector<512x64xf32> to vector<1x512x64xf32>
    tpu.vector_store %arg4[%swap3A, %swap3A_475, %swap3A_476], %swap3A_479 {strides = array<i32>} : memref<1x512x64xf32, #tpu.memory_space<vmem>>, vector<1x512x64xf32>,
    return
  }
  func.func @transform_0(%arg0: i32, %arg1: i32) -> (i32, i32, i32, i32) {
    %c0_i32 = arith.constant 0 : i32
    %c0_i32_0 = arith.constant 0 : i32
    %c0_i32_1 = arith.constant 0 : i32
    %c0_i32_2 = arith.constant 0 : i32
    return %arg1, %c0_i32, %c0_i32_0, %c0_i32_1 : i32, i32, i32, i32
  }
  func.func @transform_1(%arg0: i32, %arg1: i32) -> (i32, i32, i32, i32) {
    %c0_i32 = arith.constant 0 : i32
    %c0_i32_0 = arith.constant 0 : i32
    %c0_i32_1 = arith.constant 0 : i32
    %c0_i32_2 = arith.constant 0 : i32
    %c0_i32_3 = arith.constant 0 : i32
    return %c0_i32, %c0_i32_0, %c0_i32_1, %c0_i32_2 : i32, i32, i32, i32
  }
  func.func @transform_2(%arg0: i32, %arg1: i32) -> (i32, i32, i32) {
    %c0_i32 = arith.constant 0 : i32
    %c0_i32_0 = arith.constant 0 : i32
    %c0_i32_1 = arith.constant 0 : i32
    return %c0_i32, %arg1, %c0_i32_0 : i32, i32, i32
  }
}

</mosaic_0001>

<sc_bundles>
// kernel: kernel.11.cloned.1.call-start
scs
__scs_entry_jumppad:
0x0: {  	(pc) =	sbr.rel $0x88, $3  }
0x1: {  	(tag) =	ssettag $0x0;
	lr =	simm.s32 $0x1  }
0x2: {  	[smem:$0x3F9E] =	sst lr;
	_ =	strace $0xD0000000  }
0x3: {  	_ = 	snop  }
0x4: {  	_ = 	snop  }
0x5: {  	_ = 	snop  }
0x6: {  	_ = 	snop  }
0x7: {  	_ = 	snop  }
__scs_overlays_trampoline_lowered:
0x8: {  	[smem:$0x3FAD] =	sst s0  }
0x9: {  	[smem:$0x3FAE] =	sst s1  }
0xa: {  	[smem:$0x3FAF] =	sst s2  }
0xb: {  	[smem:$0x3FB0] =	sst s3  }
0xc: {  	[smem:$0x3FB1] =	sst s4  }
0xd: {  	[smem:$0x3FB2] =	sst s5  }
0xe: {  	[smem:$0x3FB3] =	sst s6  }
0xf: {  	[smem:$0x3FB4] =	sst s7  }
0x10: {  	[smem:$0x3FB5] =	sst s8  }
0x11: {  	[smem:$0x3FB6] =	sst s9;
	s0 =	simm.s32 @!p0 $0x0  }
0x12: {  	s1 =	sld [smem:$0x3F9C];
	s0 =	simm.s32 @p0 $0x1  }
0x13: {  	[smem:$0x3FB7] =	sst s0;
	s0 =	simm.s32 @!p1 $0x0  }
0x14: {  	s2 =	sld [smem:$0x3F9B];
	s0 =	simm.s32 @p1 $0x1  }
0x15: {  	[smem:$0x3FB8] =	sst s0;
	s0 =	simm.s32 @!p2 $0x0  }
0x16: {  	s3 =	sld [smem:$0x3FDB];
	s0 =	simm.s32 @p2 $0x1  }
0x17: {  	s4 =	simm.s32 $0x1BF5;
	[smem:$0x3FBA] =	sst s0  }
0x18: {  	s0 =	sld [smem:$0x3F9D];
	_ =	swait.ge [sflag:s4], $0x0  }
0x19: {  	s7 =	sld [smem:$0x3F9E]  }
0x1a: {  	s8 =	sadd.s32 $0xFFFFE003, lr  }
0x1b: {  	s9 =	sadd.s32 $0xFFFFFEF7, lr;
	s5 =	simm.s32 $0xFFFFFFFF;
	p2 =	slt.u32 s8, $0xFFFFF086  }
0x1c: {  	p1 =	slt.u32 s9, $0xF7A;
	s5 =	simm.s32 @!p2 $0x0  }
0x1d: {  	s5 =	simm.s32 @p1 $0x1;
	p0 =	seq.s32 s7, s2  }
0x1e: {  	s7 =	smul.u32 @!p0 $0xF7A, s2;
	p2 =	seq.s32 @!p0 s5, $0x0  }
0x1f: {  	s9 =	smul.u32 $0xF7A, s1;
	s8 =	simm.s32 @!p0 $0x1BF5;
	p2 =	por !p2, p0  }
0x20: {  	[sflag:s8] =	ssyncset.s32 @!p0 $0xFFFFF086;
	s6 =	sadd.s32 @!p0 s3, s7;
	s7 =	simm.s32 @!p0 $0x108  }
0x21: {  	s3 =	sadd.s32 s3, s9;
	s6 =	sadd.s32 @!p0 $0x88, s6;
	s7 =	simm.s32 @p2 $0x1082  }
0x22: {  	[simem:s7], [sflag:s8] =	dma.local @!p0 [hbm:s6], $0xF7A  }
0x23: {  	s9 =	sor.u32 $0xD0000000, s2;
	s6 =	simm.s32 $0x108;
	_ =	swait.ge @!p0 [sflag:s8], $0x0  }
0x24: {  	s3 =	sadd.s32 $0x88, s3;
	s6 =	simm.s32 @!p1 $0x1082;
	[sflag:s4] =	ssyncset.s32 $0xFFFFF086  }
0x25: {  	[simem:s6], [sflag:s4] =	dma.local [hbm:s3], $0xF7A  }
0x26: {  	[smem:$0x3F9E] =	sst s1;
	(tag) =	ssettag s2;
	_ =	strace s9  }
0x27: {  	s1 =	sld [smem:$0x3FAE]  }
0x28: {  	s2 =	sld [smem:$0x3FAF]  }
0x29: {  	s4 =	sld [smem:$0x3FB1]  }
0x2a: {  	p0 =	seq.s32 s5, $0x0;
	s5 =	sld [smem:$0x3FB2]  }
0x2b: {  	s6 =	sld [smem:$0x3FB3]  }
0x2c: {  	s7 =	sld [smem:$0x3FB4]  }
0x2d: {  	s3 =	simm.s32 $0x108;
	s8 =	sld [smem:$0x3FB5]  }
0x2e: {  	s3 =	simm.s32 @!p0 $0x1082;
	s9 =	sld [smem:$0x3FB6]  }
0x2f: {  	lr =	sadd.s32 s0, s3;
	s0 =	sld [smem:$0x3FAD]  }
0x30: {  	s3 =	sld [smem:$0x3FB0]  }
0x31: {  	[smem:$0x3FB9] =	sst s10  }
0x32: {  	s10 =	sld [smem:$0x3FB7];
	_ =	sdelay $0x3  }
0x33: {  	p0 =	seq.s32 s10, $0x1;
	s10 =	sld [smem:$0x3FB9];
	_ =	sdelay $0x3  }
0x34: {  	[smem:$0x3FB9] =	sst s10  }
0x35: {  	s10 =	sld [smem:$0x3FB8];
	_ =	sdelay $0x3  }
0x36: {  	p1 =	seq.s32 s10, $0x1;
	s10 =	sld [smem:$0x3FB9];
	_ =	sdelay $0x3  }
0x37: {  	[smem:$0x3FB9] =	sst s10  }
0x38: {  	s10 =	sld [smem:$0x3FBA]  }
0x39: {  	_ = 	snop;
	(pc) =	sbr.ind lr, $3  }
0x3a: {  	_ = 	snop  }
0x3b: {  	_ = 	snop  }
0x3c: {  	p2 =	seq.s32 s10, $0x1;
	s10 =	sld [smem:$0x3FB9]  }
0x3d: {  	_ =	shalt  }
0x3e: {  	_ =	shalt  }
0x3f: {  	_ =	shalt  }
0x40: {  	_ =	shalt  }
0x41: {  	_ =	shalt  }
0x42: {  	_ =	shalt  }
0x43: {  	_ =	shalt  }
0x44: {  	_ =	shalt  }
0x45: {  	_ =	shalt  }
0x46: {  	_ =	shalt  }
0x47: {  	_ =	shalt  }
0x48: {  	_ =	shalt  }
0x49: {  	_ =	shalt  }
0x4a: {  	_ =	shalt  }
0x4b: {  	_ =	shalt  }
0x4c: {  	_ =	shalt  }
0x4d: {  	_ =	shalt  }
0x4e: {  	_ =	shalt  }
0x4f: {  	_ =	shalt  }
0x50: {  	_ =	shalt  }
0x51: {  	_ =	shalt  }
0x52: {  	_ =	shalt  }
0x53: {  	_ =	shalt  }
0x54: {  	_ =	shalt  }
0x55: {  	_ =	shalt  }
0x56: {  	_ =	shalt  }
0x57: {  	_ =	shalt  }
0x58: {  	_ =	shalt  }
0x59: {  	_ =	shalt  }
0x5a: {  	_ =	shalt  }
0x5b: {  	_ =	shalt  }
0x5c: {  	_ =	shalt  }
0x5d: {  	_ =	shalt  }
0x5e: {  	_ =	shalt  }
0x5f: {  	_ =	shalt  }
0x60: {  	_ =	shalt  }
0x61: {  	_ =	shalt  }
0x62: {  	_ =	shalt  }
0x63: {  	_ =	shalt  }
0x64: {  	_ =	shalt  }
0x65: {  	_ =	shalt  }
0x66: {  	_ =	shalt  }
0x67: {  	_ =	shalt  }
0x68: {  	_ =	shalt  }
0x69: {  	_ =	shalt  }
0x6a: {  	_ =	shalt  }
0x6b: {  	_ =	shalt  }
0x6c: {  	_ =	shalt  }
0x6d: {  	_ =	shalt  }
0x6e: {  	_ =	shalt  }
0x6f: {  	_ =	shalt  }
0x70: {  	_ =	shalt  }
0x71: {  	_ =	shalt  }
0x72: {  	_ =	shalt  }
0x73: {  	_ =	shalt  }
0x74: {  	_ =	shalt  }
0x75: {  	_ =	shalt  }
0x76: {  	_ =	shalt  }
0x77: {  	_ =	shalt  }
0x78: {  	_ =	shalt  }
0x79: {  	_ =	shalt  }
0x7a: {  	_ =	shalt  }
0x7b: {  	_ =	shalt  }
0x7c: {  	_ =	shalt  }
0x7d: {  	_ =	shalt  }
0x7e: {  	_ =	shalt  }
0x7f: {  	_ =	shalt  }
0x80: {  	_ =	shalt  }
0x81: {  	_ =	shalt  }
0x82: {  	_ =	shalt  }
0x83: {  	_ =	shalt  }
0x84: {  	_ =	shalt  }
0x85: {  	_ =	shalt  }
0x86: {  	_ =	shalt  }
0x87: {  	_ =	shalt  }
.Lfunc_end0:
.L_simem_size_0:
called_computation.1_lowered:
.L_overlay_start_0:
0x88: {  	s2 =	sld [smem:$0x3FD9]  }
0x89: {  	s3 =	sld [smem:$0x3FFE];
	_ =	sdelay $0x1  }
0x8a: {  	s1 =	srdreg.scid  }
0x8b: {  	s0 =	sand.u32 $0x1, s1  }
0x8c: {  	s16 =	sshll.u32 s0, $0xA;
	s2 =	sadd.s32 s3, s2  }
0x8d: {  	s2 =	sadd.s32 s2, s16  }
0x8e: {  	[smem:$0x3FC5] =	sst s2  }
0x8f: {  	_ = 	snop  }
0x90: {  	(tm) =	ssettm $0x1  }
0x91: {  	s17 =	sld [smem:$0x3FFB];
	_ =	sdelay $0x3  }
0x92: {  	_ =	strace s17  }
0x93: {  	s2 =	sld [smem:$0x3FFC];
	_ =	sdelay $0x3  }
0x94: {  	_ =	strace s2  }
0x95: {  	s2 =	sld [smem:$0x3FFD];
	_ =	sdelay $0x3  }
0x96: {  	_ =	strace s2  }
0x97: {  	_ =	strace $0x8FFFFFFF  }
0x98: {  	s18 =	sld [smem:$0x3FDB];
	_ =	sdelay $0x1  }
0x99: {  	s19 =	simm.s32 $_scs_section_size  }
0x9a: {  	s4 =	simm.s32 $_size__tile_overlayer_lowered;
	s5 =	simm.s32 $_tile_overlayer_lowered  }
0x9b: {  	s22 =	simm.s32 $0x1BFF;
	s21 =	sshll.u32 s5, $0x1;
	s2 =	sadd.s32 s19, s18  }
0x9c: {  	s6 =	simm.s32 $0x0;
	s20 =	sshll.u32 s4, $0x1;
	s4 =	sadd.s32 s21, s2  }
0x9d: {  	[timem:s6], [sflag:s22] =	dma.local [hbm:s4], s20  }
0x9e: {  	_ =	swait.ge [sflag:s22], s20  }
0x9f: {  	s3 =	ssub.s32 $0x0, s20;
	[sflag:s22] =	ssyncset.done $0x0  }
0xa0: {  	[sflag:s22] =	ssyncadd.s32 s3;
	_ =	sdelay $0x1  }
0xa1: {  	s23 =	simm.s32 $0x1B8B  }
0xa2: {  	_ =	swait.ge [sflag:s23], $0x1  }
0xa3: {  	[sflag:s23] =	ssyncset.done $0x0  }
0xa4: {  	s25 =	simm.s32 $0x1B8E;
	s24 =	sld [smem:$0x3FFE];
	[sflag:s23] =	ssyncadd.s32 $0xFFFFFFFF  }
0xa5: {  	s26 =	simm.s32 $execute0_lowered;
	[smem:$0x3FD2] =	sst s25  }
0xa6: {  	s4 =	sshll.u32 s26, $0x1;
	_ =	strace $0x80000046;
	[dreg:$0x1] =	wrdreg $0xFFFFFFFF  }
0xa7: {  	s28 =	simm.s32 $_size_execute0_lowered;
	s2 =	sadd.s32 s2, s4;
	[dreg:$0x0] =	wrdreg $0x0  }
0xa8: {  	s4 =	sshll.u32 s28, $0x1;
	[dreg:$0x2] =	wrdreg s2  }
0xa9: {  	[dreg:$0x3] =	wrdreg s4  }
0xaa: {  	[dreg:$0x4] =	wrdreg $0xC0  }
0xab: {  	_ =	task [dreg:s6], $0x5FFFF  }
0xac: {  	[dreg:$0x1] =	wrdreg $0xFFFFFFFF  }
0xad: {  	[dreg:$0x0] =	wrdreg $0x60  }
0xae: {  	[dreg:$0x2] =	wrdreg s24  }
0xaf: {  	[dreg:$0x3] =	wrdreg $0xA  }
0xb0: {  	_ =	task.clear_ibuf [dreg:s6], $0x4FFFF;
	_ =	strace $0x90000046  }
0xb1: {  	s29 =	simm.s32 $0xA;
	_ =	strace $0x80000048  }
0xb2: {  	_ =	swait.ge [sflag:s29], $0x1  }
0xb3: {  	[sflag:s29] =	ssyncadd.s32 $0xFFFFFFFF  }
0xb4: {  	_ =	strace $0x90000048  }
0xb5: {  	_ =	sfence  }
0xb6: {  	s30 =	sld [smem:$0x0];
	_ =	sdelay $0x2  }
0xb7: {  	s31 =	sshll.u32 s1, $0xD;
	s1 =	sshrl.u32 s1, $0x2  }
0xb8: {  	s3 =	sand.u32 $0x4000, s31;
	s1 =	sadd.s32 s1, s30  }
0xb9: {  	s0 =	sor.u32 s3, s0;
	s1 =	sshll.u32 s1, $0x11  }
0xba: {  	s0 =	sor.u32 s1, s0  }
0xbb: {  	s0 =	sadd.s32 $0x8F2B, s0  }
0xbc: {  	[sflag:s0] =	ssyncadd.remote.s32 $0x1  }
0xbd: {  	_ =	sfence.sel $0xFFFF  }
0xbe: {  	[dreg:$0x0] =	wrdreg $0xFFFFFFFF;
	(pc) =	sbr.abs _section_cstart, $3  }
0xbf: {  	[dreg:$0x1] =	wrdreg $0xFFFFFFFF  }
0xc0: {  	_ =	task.clear_ibuf [dreg:s6], $0x2FFFF;
	_ =	strace $0x9FFFFFFF  }
0xc1: {  	(tm) =	ssettm $0x7FFFFFFF  }
tec
execute0_lowered:
.L_overlay_start_1:
0x0: {  	(tag) =	ssettag $0x1  }
0x1: {  	v0 =	vimm.s32 $0x4380;
	vm0 =	vcmask $0x300  }
0x2: {  	vm14 =	vcmask $0x704;
	v0 =	vsel vm0, $0x0, v0  }
0x3: {  	vm15 =	vcmask $0xB08;
	v0 =	vsel vm14, $0x80, v0  }
0x4: {  	vm4 =	vcmask $0xF0C;
	v0 =	vsel vm15, $0x100, v0  }
0x5: {  	vm5 =	vcmask $0x1310;
	v0 =	vsel vm4, $0x180, v0  }
0x6: {  	vm6 =	vcmask $0x1714;
	v0 =	vsel vm5, $0x200, v0  }
0x7: {  	s6 =	rddreg [dreg:$0x0];
	vm7 =	vcmask $0x1B18;
	v0 =	vsel vm6, $0x280, v0  }
0x8: {  	s0 =	rddreg [dreg:$0x1];
	s1 =	simm.s32 $0x0;
	vm8 =	vcmask $0x1F1C;
	v0 =	vsel vm7, $0x300, v0  }
0x9: {  	vm9 =	vcmask $0x2320;
	s4 =	srdreg.scid;
	s11 =	simm.s32 $0x18000;
	s12 =	simm.s32 $0x19000;
	v0 =	vsel vm8, $0x380, v0  }
0xa: {  	vm10 =	vcmask $0x2724;
	s13 =	simm.s32 $0x1;
	s14 =	simm.s32 $0x8000;
	s15 =	simm.s32 $0x2;
	v0 =	vsel vm9, $0x4000, v0  }
0xb: {  	vm11 =	vcmask $0x2B28;
	s16 =	simm.s32 $0x0;
	[smem:$0x7FF] =	sst s1;
	s2 =	sadd.s32 $0x1AE00, s6;
	v0 =	vsel vm10, $0x4080, v0  }
0xc: {  	vm12 =	vcmask $0x2F2C;
	vm13 =	vcmask $0x3330;
	s3 =	sadd.s32 $0x2E00, s6;
	s7 =	sand.u32 $0x1, s4;
	s5 =	sadd.s32 $0xAE00, s6;
	v0 =	vsel vm11, $0x4100, v0  }
0xd: {  	v3 =	vlaneseq.u32;
	s4 =	stileid.u32;
	s6 =	sadd.s32 $0x9AE00, s6;
	s8 =	ssub.s32 $0x2, s7;
	vm14 =	vcmask $0x3734;
	v0 =	vsel vm12, $0x4180, v0  }
0xe: {  	s10 =	sshll.u32 s4, $0x3;
	s7 =	sshll.u32 s7, $0x2;
	s9 =	sshrl.u32 s8, $0x1;
	vm15 =	vcmask $0x3B38;
	v1 =	vsel vm13, $0x4200, v0;
	v0 =	vmul.u32 $0x4, v3  }
0xf: {  	_ =	strace $0x80000047;
	s7 =	sor.u32 s7, s10;
	s8 =	ssub.s32 s8, s9;
	v3 =	vmul.u32 $0x800, v3;
	v2 =	vsel vm14, $0x4280, v1;
	v1 =	vimm.f32 $0.0e+00  }
0x10: {  	s10 =	simm.s32 $0x10000;
	s9 =	simm.s32 $0x400;
	s8 =	smax.u32 s8, $0x1;
	v2 =	vsel vm15, $0x4300, v2;
	v4 =	vor.u32 $0x1, v0;
	v5 =	vor.u32 $0x2, v0  }
.LBB2_1:
0x11: {  	s18 =	simm.s32 $0x0;
	s17 =	simm.s32 $0x200  }
.LBB2_2:
0x12: {  	p0 =	sne.s32 s17, $0x1FE00;
	[tilespmem:s18+$0x8070] =	vst v1  }
0x13: {  	[tilespmem:s18+$0x8000] =	vst v1  }
0x14: {  	[tilespmem:s18+$0x8010] =	vst v1  }
.Ltmp0:
0x15: {  	[tilespmem:s18+$0x8020] =	vst v1;
	(pc) =	sbr.rel @p0 .LBB2_2-.Ltmp0, $4  }
0x16: {  	[tilespmem:s18+$0x8030] =	vst v1  }
0x17: {  	[tilespmem:s18+$0x8040] =	vst v1  }
0x18: {  	[tilespmem:s18+$0x8050] =	vst v1  }
0x19: {  	[tilespmem:s18+$0x8060] =	vst v1;
	s18 =	sshra.s32 s17, $0x2;
	s17 =	sadd.s32 $0x200, s17  }
0x1a: {  	[tilespmem:s18+$0x8070] =	vst v1  }
0x1b: {  	[tilespmem:s18+$0x8000] =	vst v1  }
0x1c: {  	[tilespmem:s18+$0x8010] =	vst v1  }
0x1d: {  	[tilespmem:s18+$0x8020] =	vst v1  }
0x1e: {  	[tilespmem:s18+$0x8030] =	vst v1  }
0x1f: {  	[tilespmem:s18+$0x8040] =	vst v1  }
0x20: {  	s17 =	simm.s32 $0x0;
	[tilespmem:s18+$0x8050] =	vst v1  }
0x21: {  	[tilespmem:s18+$0x8060] =	vst v1;
	s19 =	simm.s32 $0x80;
	s18 =	sand.u32 $0x7F80, s17  }
.LBB2_4:
0x22: {  	p0 =	sne.s32 s19, $0x7F80;
	[tilespmem:s18+$0x10070] =	vst v1  }
0x23: {  	[tilespmem:s18+$0x10000] =	vst v1  }
0x24: {  	[tilespmem:s18+$0x10010] =	vst v1  }
.Ltmp1:
0x25: {  	[tilespmem:s18+$0x10020] =	vst v1;
	(pc) =	sbr.rel @p0 .LBB2_4-.Ltmp1, $4  }
0x26: {  	[tilespmem:s18+$0x10030] =	vst v1  }
0x27: {  	[tilespmem:s18+$0x10040] =	vst v1  }
0x28: {  	[tilespmem:s18+$0x10050] =	vst v1  }
0x29: {  	[tilespmem:s18+$0x10060] =	vst v1;
	s18 =	sand.u32 $0x7F80, s19;
	s19 =	sadd.s32 $0x80, s19  }
0x2a: {  	[tilespmem:s18+$0x10070] =	vst v1  }
0x2b: {  	[tilespmem:s18+$0x10000] =	vst v1  }
0x2c: {  	[tilespmem:s18+$0x10010] =	vst v1  }
0x2d: {  	[tilespmem:s18+$0x10020] =	vst v1  }
0x2e: {  	[tilespmem:s18+$0x10030] =	vst v1  }
0x2f: {  	[tilespmem:s18+$0x10040] =	vst v1  }
0x30: {  	[tilespmem:s18+$0x10050] =	vst v1  }
0x31: {  	[tilespmem:s18+$0x10060] =	vst v1  }
.LBB2_6:
0x32: {  	s20 =	sadd.s32 s7, s17  }
0x33: {  	s18 =	sshll.u32 s20, $0xC;
	s20 =	sshll.u32 s20, $0x6  }
0x34: {  	s19 =	simm.s32 $0x0;
	s21 =	sadd.s32 s2, s18;
	s20 =	sand.u32 $0x1F80, s20  }
0x35: {  	[tilespmem:s19], [sflag:$0x1] =	stream.linear.gather [hbm4b:s21+s19], $0x8000, $0x38;
	[tilespmem:$0x1B000] =	vst v63  }
0x36: {  	s30 =	sadd.s32 s3, s20  }
0x37: {  	[tilespmem:s11], [sflag:$0x1] =	stream.strided.gather [hbm4b:s30+s9], $0x1000, s10, s9, $0x38;
	[tilespmem:$0x1B000] =	vst v63  }
0x38: {  	s20 =	sadd.s32 s5, s20  }
0x39: {  	[tilespmem:s12], [sflag:$0x1] =	stream.strided.gather [hbm4b:s20+s9], $0x1000, s10, s9, $0x38;
	[tilespmem:$0x1B000] =	vst v63  }
0x3a: {  	_ =	swait.ge [sflag:s13], $0x8000  }
0x3b: {  	[sflag:s13] =	ssyncset.done $0x0  }
0x3c: {  	[sflag:s13] =	ssyncadd.s32 $0xFFFF8000  }
0x3d: {  	_ =	swait.ge [sflag:s13], $0x1000  }
0x3e: {  	[sflag:s13] =	ssyncset.done $0x0  }
0x3f: {  	[sflag:s13] =	ssyncadd.s32 $0xFFFFF000  }
0x40: {  	s31 =	sshll.u32 s17, $0x6;
	_ =	swait.ge [sflag:s13], $0x1000  }
0x41: {  	s20 =	sand.u32 $0x40, s31;
	[sflag:s13] =	ssyncset.done $0x0  }
0x42: {  	v8 =	vimm.f32 $0.0e+00;
	s21 =	simm.s32 $0x1A020;
	v6 =	vmov s20;
	v7 =	vor.u32 s20, v0;
	s20 =	simm.s32 $0x1A820;
	[sflag:s13] =	ssyncadd.s32 $0xFFFFF000  }
.LBB2_7:
0x43: {  	s22 =	sshll.u32 s19, $0x7  }
0x44: {  	v9 =	vor.u32 s22, v7;
	_ =	sdelay $0x4  }
0x45: {  	v10 =	vld.idx.msk [tilespmem:v9+s11+$0x0], $0xffff;
	_ =	sdelay $0x4  }
0x46: {  	v11 =	vshll.u32 v10, $0x3  }
0x47: {  	v12 =	vand.u32 $0x7F, v10;
	v11 =	vand.u32 $0xFFFFFC00, v11  }
0x48: {  	v11 =	vor.u32 v12, v11  }
0x49: {  	v11 =	vadd.s32 v2, v11;
	_ =	sdelay $0x4  }
0x4a: {  	v11 =	vld.idx.msk [tilespmem:v11+s1+$0x0], $0xffff;
	_ =	sdelay $0x4  }
0x4b: {  	v11 =	vsub.f32 $0.0e+00, v11;
	_ =	sdelay $0x1  }
0x4c: {  	v11 =	vmul.f32 $1.442695020e+00, v11;
	_ =	sdelay $0x1  }
0x4d: {  	(erf) = vpow2.f32 v11;
	_ =	sdelay $0x8  }
0x4e: {  	v11 =	vpop (erf)  }
0x4f: {  	v11 =	vadd.f32 $1.000000000e+00, v11;
	_ =	sdelay $0x1  }
0x50: {  	(erf) = vrcp.f32 v11;
	_ =	sdelay $0x1  }
0x51: {  	v11 =	vadd.s32 v3, v10;
	_ =	sdelay $0x2  }
0x52: {  	v9 =	vld.idx.msk [tilespmem:v9+s12+$0x0], $0xffff;
	_ =	sdelay $0x1  }
0x53: {  	v49 =	vld.idx.msk [tilespmem:v11+s14+$0x0], $0xffff;
	_ =	sdelay $0x1  }
0x54: {  	s23 =	sadd.s32 $0x80, s22;
	v13 =	vpop (erf)  }
0x55: {  	vm0 =	vle.f32 v9, v13;
	v9 =	vor.u32 s23, v7  }
0x56: {  	v13 =	vsel vm0, $0x3F800000, v1  }
0x57: {  	[tilespmem:v11+s14+$0x0] =	vst.idx.msk $0xffff, v13;
	v11 =	vsub.f32 v13, v49  }
0x58: {  	[tilespmem:s21+$0xFFFFFFE0] =	vst v10  }
0x59: {  	[tilespmem:s20+$0xFFFFFFE0] =	vst v11  }
0x5a: {  	v10 =	vld.idx.msk [tilespmem:v9+s11+$0x0], $0xffff;
	_ =	sdelay $0x4  }
0x5b: {  	v50 =	vshll.u32 v10, $0x3  }
0x5c: {  	v51 =	vand.u32 $0x7F, v10;
	v12 =	vand.u32 $0xFFFFFC00, v50  }
0x5d: {  	v12 =	vor.u32 v51, v12  }
0x5e: {  	v12 =	vadd.s32 v2, v12;
	_ =	sdelay $0x4  }
0x5f: {  	v12 =	vld.idx.msk [tilespmem:v12+s1+$0x0], $0xffff;
	_ =	sdelay $0x4  }
0x60: {  	v12 =	vsub.f32 $0.0e+00, v12;
	_ =	sdelay $0x1  }
0x61: {  	v12 =	vmul.f32 $1.442695020e+00, v12;
	_ =	sdelay $0x1  }
0x62: {  	(erf) = vpow2.f32 v12;
	_ =	sdelay $0x8  }
0x63: {  	v12 =	vpop (erf)  }
0x64: {  	v12 =	vadd.f32 $1.000000000e+00, v12;
	_ =	sdelay $0x1  }
0x65: {  	(erf) = vrcp.f32 v12;
	_ =	sdelay $0x1  }
0x66: {  	v52 =	vadd.s32 v3, v10;
	_ =	sdelay $0x2  }
0x67: {  	v9 =	vld.idx.msk [tilespmem:v9+s12+$0x0], $0xffff;
	_ =	sdelay $0x1  }
0x68: {  	v53 =	vld.idx.msk [tilespmem:v52+s14+$0x0], $0xffff;
	_ =	sdelay $0x1  }
0x69: {  	s31 =	sadd.s32 $0x100, s22;
	v14 =	vpop (erf)  }
0x6a: {  	vm13 =	vle.f32 v9, v14;
	v9 =	vor.u32 s31, v7  }
0x6b: {  	v14 =	vsel vm13, $0x3F800000, v1  }
0x6c: {  	[tilespmem:v52+s14+$0x0] =	vst.idx.msk $0xffff, v14;
	v54 =	vsub.f32 v14, v53  }
0x6d: {  	[tilespmem:s21+$0xFFFFFFF0] =	vst v10  }
0x6e: {  	[tilespmem:s20+$0xFFFFFFF0] =	vst v54  }
0x6f: {  	v10 =	vld.idx.msk [tilespmem:v9+s11+$0x0], $0xffff;
	_ =	sdelay $0x4  }
0x70: {  	v55 =	vshll.u32 v10, $0x3  }
0x71: {  	v56 =	vand.u32 $0x7F, v10;
	v13 =	vand.u32 $0xFFFFFC00, v55  }
0x72: {  	v13 =	vor.u32 v56, v13  }
0x73: {  	v13 =	vadd.s32 v2, v13;
	_ =	sdelay $0x4  }
0x74: {  	v13 =	vld.idx.msk [tilespmem:v13+s1+$0x0], $0xffff;
	_ =	sdelay $0x4  }
0x75: {  	v13 =	vsub.f32 $0.0e+00, v13;
	_ =	sdelay $0x1  }
0x76: {  	v13 =	vmul.f32 $1.442695020e+00, v13;
	_ =	sdelay $0x1  }
0x77: {  	(erf) = vpow2.f32 v13;
	_ =	sdelay $0x8  }
0x78: {  	v13 =	vpop (erf)  }
0x79: {  	v13 =	vadd.f32 $1.000000000e+00, v13;
	_ =	sdelay $0x1  }
0x7a: {  	(erf) = vrcp.f32 v13;
	_ =	sdelay $0x1  }
0x7b: {  	v57 =	vadd.s32 v3, v10;
	_ =	sdelay $0x2  }
0x7c: {  	v9 =	vld.idx.msk [tilespmem:v9+s12+$0x0], $0xffff;
	_ =	sdelay $0x1  }
0x7d: {  	v58 =	vld.idx.msk [tilespmem:v57+s14+$0x0], $0xffff;
	_ =	sdelay $0x1  }
0x7e: {  	s22 =	sadd.s32 $0x180, s22;
	v15 =	vpop (erf)  }
0x7f: {  	vm14 =	vle.f32 v9, v15;
	v9 =	vor.u32 s22, v7  }
0x80: {  	v15 =	vsel vm14, $0x3F800000, v1  }
0x81: {  	[tilespmem:v57+s14+$0x0] =	vst.idx.msk $0xffff, v15;
	v59 =	vsub.f32 v15, v58  }
0x82: {  	[tilespmem:s21+$0x0] =	vst v10  }
0x83: {  	[tilespmem:s20+$0x0] =	vst v59  }
0x84: {  	v10 =	vld.idx.msk [tilespmem:v9+s11+$0x0], $0xffff;
	_ =	sdelay $0x4  }
0x85: {  	v60 =	vshll.u32 v10, $0x3  }
0x86: {  	v61 =	vand.u32 $0x7F, v10;
	v14 =	vand.u32 $0xFFFFFC00, v60  }
0x87: {  	v14 =	vor.u32 v61, v14  }
0x88: {  	v14 =	vadd.s32 v2, v14;
	_ =	sdelay $0x4  }
0x89: {  	v14 =	vld.idx.msk [tilespmem:v14+s1+$0x0], $0xffff;
	_ =	sdelay $0x4  }
0x8a: {  	v14 =	vsub.f32 $0.0e+00, v14;
	_ =	sdelay $0x1  }
0x8b: {  	v14 =	vmul.f32 $1.442695020e+00, v14;
	_ =	sdelay $0x1  }
0x8c: {  	(erf) = vpow2.f32 v14;
	_ =	sdelay $0x8  }
0x8d: {  	v14 =	vpop (erf)  }
0x8e: {  	v14 =	vadd.f32 $1.000000000e+00, v14;
	_ =	sdelay $0x1  }
0x8f: {  	(erf) = vrcp.f32 v14;
	_ =	sdelay $0x1  }
0x90: {  	v62 =	vadd.s32 v3, v10;
	_ =	sdelay $0x2  }
0x91: {  	v9 =	vld.idx.msk [tilespmem:v9+s12+$0x0], $0xffff;
	_ =	sdelay $0x1  }
0x92: {  	v63 =	vld.idx.msk [tilespmem:v62+s14+$0x0], $0xffff  }
0x93: {  	v8 =	vadd.f32 v11, v8  }
0x94: {  	p0 =	sne.s32 s19, $0x1C;
	v11 =	vpop (erf)  }
.Ltmp2:
0x95: {  	v8 =	vadd.f32 v54, v8;
	vm15 =	vle.f32 v9, v11;
	(pc) =	sbr.rel @p0 .LBB2_7-.Ltmp2, $4  }
0x96: {  	v9 =	vsel vm15, $0x3F800000, v1  }
0x97: {  	v8 =	vadd.f32 v59, v8;
	[tilespmem:v62+s14+$0x0] =	vst.idx.msk $0xffff, v9;
	v9 =	vsub.f32 v9, v63  }
0x98: {  	[tilespmem:s21+$0x10] =	vst v10  }
0x99: {  	s19 =	sadd.s32 $0x4, s19;
	s21 =	sadd.s32 $0x40, s21;
	[tilespmem:s20+$0x10] =	vst v9;
	v8 =	vadd.f32 v9, v8;
	s20 =	sadd.s32 $0x40, s20  }
0x9a: {  	_ = 	snop  }
0x9b: {  	v7 =	vmax.f32 v8, $1.000000000e+00  }
0x9c: {  	(erf) = vrcp.f32 v7;
	_ =	sdelay $0x8  }
0x9d: {  	v7 =	vpop (erf)  }
0x9e: {  	s19 =	simm.s32 $0x0;
	v7 =	vmul.f32 $2.500000000e-01, v7  }
.LBB2_9:
0x9f: {  	s20 =	sshra.s32 s19, $0x2  }
0xa0: {  	v8 =	vld [tilespmem:s20+$0x1A000];
	_ =	sdelay $0x4  }
0xa1: {  	v9 =	vshll.u32 v8, $0x3  }
0xa2: {  	v10 =	vld [tilespmem:s20+$0x1A800];
	v11 =	vand.u32 $0x7F, v8;
	v9 =	vand.u32 $0xFFFFFC00, v9  }
0xa3: {  	v9 =	vor.u32 v11, v9  }
0xa4: {  	v9 =	vadd.s32 v2, v9  }
0xa5: {  	v8 =	vadd.s32 v3, v8;
	_ =	sdelay $0x1  }
0xa6: {  	v10 =	vmul.f32 v10, v7;
	_ =	sdelay $0x1  }
0xa7: {  	[tilespmem:v9+s10+$0x0] =	vst.idx.add.f32.msk $0xffff, v10  }
0xa8: {  	[tilespmem:v8+s14+$0x0] =	vst.idx.msk $0xffff, v1  }
0xa9: {  	v8 =	vld [tilespmem:s20+$0x1A010];
	_ =	sdelay $0x4  }
0xaa: {  	v58 =	vshll.u32 v8, $0x3  }
0xab: {  	v10 =	vld [tilespmem:s20+$0x1A810];
	v59 =	vand.u32 $0x7F, v8;
	v9 =	vand.u32 $0xFFFFFC00, v58  }
0xac: {  	v9 =	vor.u32 v59, v9  }
0xad: {  	v9 =	vadd.s32 v2, v9  }
0xae: {  	v8 =	vadd.s32 v3, v8;
	_ =	sdelay $0x1  }
0xaf: {  	v10 =	vmul.f32 v10, v7;
	_ =	sdelay $0x1  }
0xb0: {  	[tilespmem:v9+s10+$0x0] =	vst.idx.add.f32.msk $0xffff, v10  }
0xb1: {  	[tilespmem:v8+s14+$0x0] =	vst.idx.msk $0xffff, v1  }
0xb2: {  	v8 =	vld [tilespmem:s20+$0x1A020];
	_ =	sdelay $0x4  }
0xb3: {  	v60 =	vshll.u32 v8, $0x3  }
0xb4: {  	v10 =	vld [tilespmem:s20+$0x1A820];
	v61 =	vand.u32 $0x7F, v8;
	v9 =	vand.u32 $0xFFFFFC00, v60  }
0xb5: {  	v9 =	vor.u32 v61, v9  }
0xb6: {  	v9 =	vadd.s32 v2, v9  }
0xb7: {  	v8 =	vadd.s32 v3, v8;
	_ =	sdelay $0x1  }
0xb8: {  	v10 =	vmul.f32 v10, v7;
	_ =	sdelay $0x1  }
0xb9: {  	[tilespmem:v9+s10+$0x0] =	vst.idx.add.f32.msk $0xffff, v10  }
0xba: {  	[tilespmem:v8+s14+$0x0] =	vst.idx.msk $0xffff, v1  }
0xbb: {  	v8 =	vld [tilespmem:s20+$0x1A030];
	_ =	sdelay $0x4  }
0xbc: {  	v62 =	vshll.u32 v8, $0x3  }
0xbd: {  	v10 =	vld [tilespmem:s20+$0x1A830];
	v63 =	vand.u32 $0x7F, v8;
	v9 =	vand.u32 $0xFFFFFC00, v62  }
0xbe: {  	v9 =	vor.u32 v63, v9  }
0xbf: {  	v9 =	vadd.s32 v2, v9  }
0xc0: {  	p0 =	sne.s32 s19, $0x700;
	v8 =	vadd.s32 v3, v8  }
.Ltmp3:
0xc1: {  	_ = 	snop;
	(pc) =	sbr.rel @p0 .LBB2_9-.Ltmp3, $3  }
0xc2: {  	v10 =	vmul.f32 v10, v7;
	_ =	sdelay $0x1  }
0xc3: {  	[tilespmem:v9+s10+$0x0] =	vst.idx.add.f32.msk $0xffff, v10  }
0xc4: {  	s19 =	sadd.s32 $0x100, s19;
	[tilespmem:v8+s14+$0x0] =	vst.idx.msk $0xffff, v1  }
0xc5: {  	v7 =	vor.u32 v4, v6;
	v8 =	vimm.f32 $0.0e+00;
	s19 =	simm.s32 $0x0;
	s20 =	simm.s32 $0x1A230;
	s21 =	simm.s32 $0x1AA30  }
.LBB2_11:
0xc6: {  	s22 =	sshll.u32 s19, $0x7  }
0xc7: {  	v9 =	vor.u32 s22, v7;
	_ =	sdelay $0x4  }
0xc8: {  	v10 =	vld.idx.msk [tilespmem:v9+s11+$0x0], $0xffff;
	_ =	sdelay $0x4  }
0xc9: {  	v11 =	vshll.u32 v10, $0x3  }
0xca: {  	v12 =	vand.u32 $0x7F, v10;
	v11 =	vand.u32 $0xFFFFFC00, v11  }
0xcb: {  	v11 =	vor.u32 v12, v11  }
0xcc: {  	v11 =	vadd.s32 v2, v11;
	_ =	sdelay $0x4  }
0xcd: {  	v11 =	vld.idx.msk [tilespmem:v11+s1+$0x0], $0xffff;
	_ =	sdelay $0x4  }
0xce: {  	v11 =	vsub.f32 $0.0e+00, v11;
	_ =	sdelay $0x1  }
0xcf: {  	v11 =	vmul.f32 $1.442695020e+00, v11;
	_ =	sdelay $0x1  }
0xd0: {  	(erf) = vpow2.f32 v11;
	_ =	sdelay $0x8  }
0xd1: {  	v11 =	vpop (erf)  }
0xd2: {  	v11 =	vadd.f32 $1.000000000e+00, v11;
	_ =	sdelay $0x1  }
0xd3: {  	(erf) = vrcp.f32 v11;
	_ =	sdelay $0x1  }
0xd4: {  	v11 =	vadd.s32 v3, v10;
	_ =	sdelay $0x2  }
0xd5: {  	v9 =	vld.idx.msk [tilespmem:v9+s12+$0x0], $0xffff;
	_ =	sdelay $0x1  }
0xd6: {  	v49 =	vld.idx.msk [tilespmem:v11+s14+$0x0], $0xffff;
	_ =	sdelay $0x1  }
0xd7: {  	s23 =	sadd.s32 $0x80, s22;
	v13 =	vpop (erf)  }
0xd8: {  	vm0 =	vle.f32 v9, v13;
	v9 =	vor.u32 s23, v7  }
0xd9: {  	v13 =	vsel vm0, $0x3F800000, v1  }
0xda: {  	[tilespmem:v11+s14+$0x0] =	vst.idx.msk $0xffff, v13;
	v11 =	vsub.f32 v13, v49  }
0xdb: {  	[tilespmem:s20+$0xFFFFFFD0] =	vst v10  }
0xdc: {  	[tilespmem:s21+$0xFFFFFFD0] =	vst v11  }
0xdd: {  	v10 =	vld.idx.msk [tilespmem:v9+s11+$0x0], $0xffff;
	_ =	sdelay $0x4  }
0xde: {  	v50 =	vshll.u32 v10, $0x3  }
0xdf: {  	v51 =	vand.u32 $0x7F, v10;
	v12 =	vand.u32 $0xFFFFFC00, v50  }
0xe0: {  	v12 =	vor.u32 v51, v12  }
0xe1: {  	v12 =	vadd.s32 v2, v12;
	_ =	sdelay $0x4  }
0xe2: {  	v12 =	vld.idx.msk [tilespmem:v12+s1+$0x0], $0xffff;
	_ =	sdelay $0x4  }
0xe3: {  	v12 =	vsub.f32 $0.0e+00, v12;
	_ =	sdelay $0x1  }
0xe4: {  	v12 =	vmul.f32 $1.442695020e+00, v12;
	_ =	sdelay $0x1  }
0xe5: {  	(erf) = vpow2.f32 v12;
	_ =	sdelay $0x8  }
0xe6: {  	v12 =	vpop (erf)  }
0xe7: {  	v12 =	vadd.f32 $1.000000000e+00, v12;
	_ =	sdelay $0x1  }
0xe8: {  	(erf) = vrcp.f32 v12;
	_ =	sdelay $0x1  }
0xe9: {  	v52 =	vadd.s32 v3, v10;
	_ =	sdelay $0x2  }
0xea: {  	v9 =	vld.idx.msk [tilespmem:v9+s12+$0x0], $0xffff;
	_ =	sdelay $0x1  }
0xeb: {  	v53 =	vld.idx.msk [tilespmem:v52+s14+$0x0], $0xffff;
	_ =	sdelay $0x1  }
0xec: {  	s31 =	sadd.s32 $0x100, s22;
	v14 =	vpop (erf)  }
0xed: {  	vm13 =	vle.f32 v9, v14;
	v9 =	vor.u32 s31, v7  }
0xee: {  	v14 =	vsel vm13, $0x3F800000, v1  }
0xef: {  	[tilespmem:v52+s14+$0x0] =	vst.idx.msk $0xffff, v14;
	v54 =	vsub.f32 v14, v53  }
0xf0: {  	[tilespmem:s20+$0xFFFFFFE0] =	vst v10  }
0xf1: {  	[tilespmem:s21+$0xFFFFFFE0] =	vst v54  }
0xf2: {  	v10 =	vld.idx.msk [tilespmem:v9+s11+$0x0], $0xffff;
	_ =	sdelay $0x4  }
0xf3: {  	v55 =	vshll.u32 v10, $0x3  }
0xf4: {  	v56 =	vand.u32 $0x7F, v10;
	v13 =	vand.u32 $0xFFFFFC00, v55  }
0xf5: {  	v13 =	vor.u32 v56, v13  }
0xf6: {  	v13 =	vadd.s32 v2, v13;
	_ =	sdelay $0x4  }
0xf7: {  	v13 =	vld.idx.msk [tilespmem:v13+s1+$0x0], $0xffff;
	_ =	sdelay $0x4  }
0xf8: {  	v13 =	vsub.f32 $0.0e+00, v13;
	_ =	sdelay $0x1  }
0xf9: {  	v13 =	vmul.f32 $1.442695020e+00, v13;
	_ =	sdelay $0x1  }
0xfa: {  	(erf) = vpow2.f32 v13;
	_ =	sdelay $0x8  }
0xfb: {  	v13 =	vpop (erf)  }
0xfc: {  	v13 =	vadd.f32 $1.000000000e+00, v13;
	_ =	sdelay $0x1  }
0xfd: {  	(erf) = vrcp.f32 v13;
	_ =	sdelay $0x1  }
0xfe: {  	v57 =	vadd.s32 v3, v10;
	_ =	sdelay $0x2  }
0xff: {  	v9 =	vld.idx.msk [tilespmem:v9+s12+$0x0], $0xffff;
	_ =	sdelay $0x1  }
0x100: {  	v58 =	vld.idx.msk [tilespmem:v57+s14+$0x0], $0xffff;
	_ =	sdelay $0x1  }
0x101: {  	s22 =	sadd.s32 $0x180, s22;
	v15 =	vpop (erf)  }
0x102: {  	vm14 =	vle.f32 v9, v15;
	v9 =	vor.u32 s22, v7  }
0x103: {  	v15 =	vsel vm14, $0x3F800000, v1  }
0x104: {  	[tilespmem:v57+s14+$0x0] =	vst.idx.msk $0xffff, v15;
	v59 =	vsub.f32 v15, v58  }
0x105: {  	[tilespmem:s20+$0xFFFFFFF0] =	vst v10  }
0x106: {  	[tilespmem:s21+$0xFFFFFFF0] =	vst v59  }
0x107: {  	v10 =	vld.idx.msk [tilespmem:v9+s11+$0x0], $0xffff;
	_ =	sdelay $0x4  }
0x108: {  	v60 =	vshll.u32 v10, $0x3  }
0x109: {  	v61 =	vand.u32 $0x7F, v10;
	v14 =	vand.u32 $0xFFFFFC00, v60  }
0x10a: {  	v14 =	vor.u32 v61, v14  }
0x10b: {  	v14 =	vadd.s32 v2, v14;
	_ =	sdelay $0x4  }
0x10c: {  	v14 =	vld.idx.msk [tilespmem:v14+s1+$0x0], $0xffff;
	_ =	sdelay $0x4  }
0x10d: {  	v14 =	vsub.f32 $0.0e+00, v14;
	_ =	sdelay $0x1  }
0x10e: {  	v14 =	vmul.f32 $1.442695020e+00, v14;
	_ =	sdelay $0x1  }
0x10f: {  	(erf) = vpow2.f32 v14;
	_ =	sdelay $0x8  }
0x110: {  	v14 =	vpop (erf)  }
0x111: {  	v14 =	vadd.f32 $1.000000000e+00, v14;
	_ =	sdelay $0x1  }
0x112: {  	(erf) = vrcp.f32 v14;
	_ =	sdelay $0x1  }
0x113: {  	v62 =	vadd.s32 v3, v10;
	_ =	sdelay $0x2  }
0x114: {  	v9 =	vld.idx.msk [tilespmem:v9+s12+$0x0], $0xffff;
	_ =	sdelay $0x1  }
0x115: {  	v63 =	vld.idx.msk [tilespmem:v62+s14+$0x0], $0xffff  }
0x116: {  	v8 =	vadd.f32 v11, v8  }
0x117: {  	p0 =	sne.s32 s19, $0x1C;
	v11 =	vpop (erf)  }
.Ltmp4:
0x118: {  	v8 =	vadd.f32 v54, v8;
	vm15 =	vle.f32 v9, v11;
	(pc) =	sbr.rel @p0 .LBB2_11-.Ltmp4, $4  }
0x119: {  	v9 =	vsel vm15, $0x3F800000, v1  }
0x11a: {  	v8 =	vadd.f32 v59, v8;
	[tilespmem:v62+s14+$0x0] =	vst.idx.msk $0xffff, v9;
	v9 =	vsub.f32 v9, v63  }
0x11b: {  	[tilespmem:s20+$0x0] =	vst v10  }
0x11c: {  	s19 =	sadd.s32 $0x4, s19;
	s20 =	sadd.s32 $0x40, s20;
	[tilespmem:s21+$0x0] =	vst v9;
	v8 =	vadd.f32 v9, v8;
	s21 =	sadd.s32 $0x40, s21  }
0x11d: {  	_ = 	snop  }
0x11e: {  	v7 =	vmax.f32 v8, $1.000000000e+00  }
0x11f: {  	(erf) = vrcp.f32 v7;
	_ =	sdelay $0x8  }
0x120: {  	v7 =	vpop (erf)  }
0x121: {  	s19 =	simm.s32 $0x0;
	v7 =	vmul.f32 $2.500000000e-01, v7  }
.LBB2_13:
0x122: {  	s20 =	sshra.s32 s19, $0x2  }
0x123: {  	v8 =	vld [tilespmem:s20+$0x1A200];
	_ =	sdelay $0x4  }
0x124: {  	v9 =	vshll.u32 v8, $0x3  }
0x125: {  	v10 =	vld [tilespmem:s20+$0x1AA00];
	v11 =	vand.u32 $0x7F, v8;
	v9 =	vand.u32 $0xFFFFFC00, v9  }
0x126: {  	v9 =	vor.u32 v11, v9  }
0x127: {  	v9 =	vadd.s32 v2, v9  }
0x128: {  	v8 =	vadd.s32 v3, v8;
	_ =	sdelay $0x1  }
0x129: {  	v10 =	vmul.f32 v10, v7;
	_ =	sdelay $0x1  }
0x12a: {  	[tilespmem:v9+s10+$0x0] =	vst.idx.add.f32.msk $0xffff, v10  }
0x12b: {  	[tilespmem:v8+s14+$0x0] =	vst.idx.msk $0xffff, v1  }
0x12c: {  	v8 =	vld [tilespmem:s20+$0x1A210];
	_ =	sdelay $0x4  }
0x12d: {  	v58 =	vshll.u32 v8, $0x3  }
0x12e: {  	v10 =	vld [tilespmem:s20+$0x1AA10];
	v59 =	vand.u32 $0x7F, v8;
	v9 =	vand.u32 $0xFFFFFC00, v58  }
0x12f: {  	v9 =	vor.u32 v59, v9  }
0x130: {  	v9 =	vadd.s32 v2, v9  }
0x131: {  	v8 =	vadd.s32 v3, v8;
	_ =	sdelay $0x1  }
0x132: {  	v10 =	vmul.f32 v10, v7;
	_ =	sdelay $0x1  }
0x133: {  	[tilespmem:v9+s10+$0x0] =	vst.idx.add.f32.msk $0xffff, v10  }
0x134: {  	[tilespmem:v8+s14+$0x0] =	vst.idx.msk $0xffff, v1  }
0x135: {  	v8 =	vld [tilespmem:s20+$0x1A220];
	_ =	sdelay $0x4  }
0x136: {  	v60 =	vshll.u32 v8, $0x3  }
0x137: {  	v10 =	vld [tilespmem:s20+$0x1AA20];
	v61 =	vand.u32 $0x7F, v8;
	v9 =	vand.u32 $0xFFFFFC00, v60  }
0x138: {  	v9 =	vor.u32 v61, v9  }
0x139: {  	v9 =	vadd.s32 v2, v9  }
0x13a: {  	v8 =	vadd.s32 v3, v8;
	_ =	sdelay $0x1  }
0x13b: {  	v10 =	vmul.f32 v10, v7;
	_ =	sdelay $0x1  }
0x13c: {  	[tilespmem:v9+s10+$0x0] =	vst.idx.add.f32.msk $0xffff, v10  }
0x13d: {  	[tilespmem:v8+s14+$0x0] =	vst.idx.msk $0xffff, v1  }
0x13e: {  	v8 =	vld [tilespmem:s20+$0x1A230];
	_ =	sdelay $0x4  }
0x13f: {  	v62 =	vshll.u32 v8, $0x3  }
0x140: {  	v10 =	vld [tilespmem:s20+$0x1AA30];
	v63 =	vand.u32 $0x7F, v8;
	v9 =	vand.u32 $0xFFFFFC00, v62  }
0x141: {  	v9 =	vor.u32 v63, v9  }
0x142: {  	v9 =	vadd.s32 v2, v9  }
0x143: {  	p0 =	sne.s32 s19, $0x700;
	v8 =	vadd.s32 v3, v8  }
.Ltmp5:
0x144: {  	_ = 	snop;
	(pc) =	sbr.rel @p0 .LBB2_13-.Ltmp5, $3  }
0x145: {  	v10 =	vmul.f32 v10, v7;
	_ =	sdelay $0x1  }
0x146: {  	[tilespmem:v9+s10+$0x0] =	vst.idx.add.f32.msk $0xffff, v10  }
0x147: {  	s19 =	sadd.s32 $0x100, s19;
	[tilespmem:v8+s14+$0x0] =	vst.idx.msk $0xffff, v1  }
0x148: {  	v7 =	vor.u32 v5, v6;
	v8 =	vimm.f32 $0.0e+00;
	s19 =	simm.s32 $0x0;
	s20 =	simm.s32 $0x1A430;
	s21 =	simm.s32 $0x1AC30  }
.LBB2_15:
0x149: {  	s22 =	sshll.u32 s19, $0x7  }
0x14a: {  	v9 =	vor.u32 s22, v7;
	_ =	sdelay $0x4  }
0x14b: {  	v10 =	vld.idx.msk [tilespmem:v9+s11+$0x0], $0xffff;
	_ =	sdelay $0x4  }
0x14c: {  	v11 =	vshll.u32 v10, $0x3  }
0x14d: {  	v12 =	vand.u32 $0x7F, v10;
	v11 =	vand.u32 $0xFFFFFC00, v11  }
0x14e: {  	v11 =	vor.u32 v12, v11  }
0x14f: {  	v11 =	vadd.s32 v2, v11;
	_ =	sdelay $0x4  }
0x150: {  	v11 =	vld.idx.msk [tilespmem:v11+s1+$0x0], $0xffff;
	_ =	sdelay $0x4  }
0x151: {  	v11 =	vsub.f32 $0.0e+00, v11;
	_ =	sdelay $0x1  }
0x152: {  	v11 =	vmul.f32 $1.442695020e+00, v11;
	_ =	sdelay $0x1  }
0x153: {  	(erf) = vpow2.f32 v11;
	_ =	sdelay $0x8  }
0x154: {  	v11 =	vpop (erf)  }
0x155: {  	v11 =	vadd.f32 $1.000000000e+00, v11;
	_ =	sdelay $0x1  }
0x156: {  	(erf) = vrcp.f32 v11;
	_ =	sdelay $0x1  }
0x157: {  	v11 =	vadd.s32 v3, v10;
	_ =	sdelay $0x2  }
0x158: {  	v9 =	vld.idx.msk [tilespmem:v9+s12+$0x0], $0xffff;
	_ =	sdelay $0x1  }
0x159: {  	v49 =	vld.idx.msk [tilespmem:v11+s14+$0x0], $0xffff;
	_ =	sdelay $0x1  }
0x15a: {  	s23 =	sadd.s32 $0x80, s22;
	v13 =	vpop (erf)  }
0x15b: {  	vm0 =	vle.f32 v9, v13;
	v9 =	vor.u32 s23, v7  }
0x15c: {  	v13 =	vsel vm0, $0x3F800000, v1  }
0x15d: {  	[tilespmem:v11+s14+$0x0] =	vst.idx.msk $0xffff, v13;
	v11 =	vsub.f32 v13, v49  }
0x15e: {  	[tilespmem:s20+$0xFFFFFFD0] =	vst v10  }
0x15f: {  	[tilespmem:s21+$0xFFFFFFD0] =	vst v11  }
0x160: {  	v10 =	vld.idx.msk [tilespmem:v9+s11+$0x0], $0xffff;
	_ =	sdelay $0x4  }
0x161: {  	v50 =	vshll.u32 v10, $0x3  }
0x162: {  	v51 =	vand.u32 $0x7F, v10;
	v12 =	vand.u32 $0xFFFFFC00, v50  }
0x163: {  	v12 =	vor.u32 v51, v12  }
0x164: {  	v12 =	vadd.s32 v2, v12;
	_ =	sdelay $0x4  }
0x165: {  	v12 =	vld.idx.msk [tilespmem:v12+s1+$0x0], $0xffff;
	_ =	sdelay $0x4  }
0x166: {  	v12 =	vsub.f32 $0.0e+00, v12;
	_ =	sdelay $0x1  }
0x167: {  	v12 =	vmul.f32 $1.442695020e+00, v12;
	_ =	sdelay $0x1  }
0x168: {  	(erf) = vpow2.f32 v12;
	_ =	sdelay $0x8  }
0x169: {  	v12 =	vpop (erf)  }
0x16a: {  	v12 =	vadd.f32 $1.000000000e+00, v12;
	_ =	sdelay $0x1  }
0x16b: {  	(erf) = vrcp.f32 v12;
	_ =	sdelay $0x1  }
0x16c: {  	v52 =	vadd.s32 v3, v10;
	_ =	sdelay $0x2  }
0x16d: {  	v9 =	vld.idx.msk [tilespmem:v9+s12+$0x0], $0xffff;
	_ =	sdelay $0x1  }
0x16e: {  	v53 =	vld.idx.msk [tilespmem:v52+s14+$0x0], $0xffff;
	_ =	sdelay $0x1  }
0x16f: {  	s31 =	sadd.s32 $0x100, s22;
	v14 =	vpop (erf)  }
0x170: {  	vm13 =	vle.f32 v9, v14;
	v9 =	vor.u32 s31, v7  }
0x171: {  	v14 =	vsel vm13, $0x3F800000, v1  }
0x172: {  	[tilespmem:v52+s14+$0x0] =	vst.idx.msk $0xffff, v14;
	v54 =	vsub.f32 v14, v53  }
0x173: {  	[tilespmem:s20+$0xFFFFFFE0] =	vst v10  }
0x174: {  	[tilespmem:s21+$0xFFFFFFE0] =	vst v54  }
0x175: {  	v10 =	vld.idx.msk [tilespmem:v9+s11+$0x0], $0xffff;
	_ =	sdelay $0x4  }
0x176: {  	v55 =	vshll.u32 v10, $0x3  }
0x177: {  	v56 =	vand.u32 $0x7F, v10;
	v13 =	vand.u32 $0xFFFFFC00, v55  }
0x178: {  	v13 =	vor.u32 v56, v13  }
0x179: {  	v13 =	vadd.s32 v2, v13;
	_ =	sdelay $0x4  }
0x17a: {  	v13 =	vld.idx.msk [tilespmem:v13+s1+$0x0], $0xffff;
	_ =	sdelay $0x4  }
0x17b: {  	v13 =	vsub.f32 $0.0e+00, v13;
	_ =	sdelay $0x1  }
0x17c: {  	v13 =	vmul.f32 $1.442695020e+00, v13;
	_ =	sdelay $0x1  }
0x17d: {  	(erf) = vpow2.f32 v13;
	_ =	sdelay $0x8  }
0x17e: {  	v13 =	vpop (erf)  }
0x17f: {  	v13 =	vadd.f32 $1.000000000e+00, v13;
	_ =	sdelay $0x1  }
0x180: {  	(erf) = vrcp.f32 v13;
	_ =	sdelay $0x1  }
0x181: {  	v57 =	vadd.s32 v3, v10;
	_ =	sdelay $0x2  }
0x182: {  	v9 =	vld.idx.msk [tilespmem:v9+s12+$0x0], $0xffff;
	_ =	sdelay $0x1  }
0x183: {  	v58 =	vld.idx.msk [tilespmem:v57+s14+$0x0], $0xffff;
	_ =	sdelay $0x1  }
0x184: {  	s22 =	sadd.s32 $0x180, s22;
	v15 =	vpop (erf)  }
0x185: {  	vm14 =	vle.f32 v9, v15;
	v9 =	vor.u32 s22, v7  }
0x186: {  	v15 =	vsel vm14, $0x3F800000, v1  }
0x187: {  	[tilespmem:v57+s14+$0x0] =	vst.idx.msk $0xffff, v15;
	v59 =	vsub.f32 v15, v58  }
0x188: {  	[tilespmem:s20+$0xFFFFFFF0] =	vst v10  }
0x189: {  	[tilespmem:s21+$0xFFFFFFF0] =	vst v59  }
0x18a: {  	v10 =	vld.idx.msk [tilespmem:v9+s11+$0x0], $0xffff;
	_ =	sdelay $0x4  }
0x18b: {  	v60 =	vshll.u32 v10, $0x3  }
0x18c: {  	v61 =	vand.u32 $0x7F, v10;
	v14 =	vand.u32 $0xFFFFFC00, v60  }
0x18d: {  	v14 =	vor.u32 v61, v14  }
0x18e: {  	v14 =	vadd.s32 v2, v14;
	_ =	sdelay $0x4  }
0x18f: {  	v14 =	vld.idx.msk [tilespmem:v14+s1+$0x0], $0xffff;
	_ =	sdelay $0x4  }
0x190: {  	v14 =	vsub.f32 $0.0e+00, v14;
	_ =	sdelay $0x1  }
0x191: {  	v14 =	vmul.f32 $1.442695020e+00, v14;
	_ =	sdelay $0x1  }
0x192: {  	(erf) = vpow2.f32 v14;
	_ =	sdelay $0x8  }
0x193: {  	v14 =	vpop (erf)  }
0x194: {  	v14 =	vadd.f32 $1.000000000e+00, v14;
	_ =	sdelay $0x1  }
0x195: {  	(erf) = vrcp.f32 v14;
	_ =	sdelay $0x1  }
0x196: {  	v62 =	vadd.s32 v3, v10;
	_ =	sdelay $0x2  }
0x197: {  	v9 =	vld.idx.msk [tilespmem:v9+s12+$0x0], $0xffff;
	_ =	sdelay $0x1  }
0x198: {  	v63 =	vld.idx.msk [tilespmem:v62+s14+$0x0], $0xffff  }
0x199: {  	v8 =	vadd.f32 v11, v8  }
0x19a: {  	p0 =	sne.s32 s19, $0x1C;
	v11 =	vpop (erf)  }
.Ltmp6:
0x19b: {  	v8 =	vadd.f32 v54, v8;
	vm15 =	vle.f32 v9, v11;
	(pc) =	sbr.rel @p0 .LBB2_15-.Ltmp6, $4  }
0x19c: {  	v9 =	vsel vm15, $0x3F800000, v1  }
0x19d: {  	v8 =	vadd.f32 v59, v8;
	[tilespmem:v62+s14+$0x0] =	vst.idx.msk $0xffff, v9;
	v9 =	vsub.f32 v9, v63  }
0x19e: {  	[tilespmem:s20+$0x0] =	vst v10  }
0x19f: {  	s19 =	sadd.s32 $0x4, s19;
	s20 =	sadd.s32 $0x40, s20;
	[tilespmem:s21+$0x0] =	vst v9;
	v8 =	vadd.f32 v9, v8;
	s21 =	sadd.s32 $0x40, s21  }
0x1a0: {  	_ = 	snop  }
0x1a1: {  	v7 =	vmax.f32 v8, $1.000000000e+00  }
0x1a2: {  	(erf) = vrcp.f32 v7;
	_ =	sdelay $0x8  }
0x1a3: {  	v7 =	vpop (erf)  }
0x1a4: {  	s19 =	simm.s32 $0x0;
	v7 =	vmul.f32 $2.500000000e-01, v7  }
.LBB2_17:
0x1a5: {  	s20 =	sshra.s32 s19, $0x2  }
0x1a6: {  	v8 =	vld [tilespmem:s20+$0x1A400];
	_ =	sdelay $0x4  }
0x1a7: {  	v9 =	vshll.u32 v8, $0x3  }
0x1a8: {  	v10 =	vld [tilespmem:s20+$0x1AC00];
	v11 =	vand.u32 $0x7F, v8;
	v9 =	vand.u32 $0xFFFFFC00, v9  }
0x1a9: {  	v9 =	vor.u32 v11, v9  }
0x1aa: {  	v9 =	vadd.s32 v2, v9  }
0x1ab: {  	v8 =	vadd.s32 v3, v8;
	_ =	sdelay $0x1  }
0x1ac: {  	v10 =	vmul.f32 v10, v7;
	_ =	sdelay $0x1  }
0x1ad: {  	[tilespmem:v9+s10+$0x0] =	vst.idx.add.f32.msk $0xffff, v10  }
0x1ae: {  	[tilespmem:v8+s14+$0x0] =	vst.idx.msk $0xffff, v1  }
0x1af: {  	v8 =	vld [tilespmem:s20+$0x1A410];
	_ =	sdelay $0x4  }
0x1b0: {  	v58 =	vshll.u32 v8, $0x3  }
0x1b1: {  	v10 =	vld [tilespmem:s20+$0x1AC10];
	v59 =	vand.u32 $0x7F, v8;
	v9 =	vand.u32 $0xFFFFFC00, v58  }
0x1b2: {  	v9 =	vor.u32 v59, v9  }
0x1b3: {  	v9 =	vadd.s32 v2, v9  }
0x1b4: {  	v8 =	vadd.s32 v3, v8;
	_ =	sdelay $0x1  }
0x1b5: {  	v10 =	vmul.f32 v10, v7;
	_ =	sdelay $0x1  }
0x1b6: {  	[tilespmem:v9+s10+$0x0] =	vst.idx.add.f32.msk $0xffff, v10  }
0x1b7: {  	[tilespmem:v8+s14+$0x0] =	vst.idx.msk $0xffff, v1  }
0x1b8: {  	v8 =	vld [tilespmem:s20+$0x1A420];
	_ =	sdelay $0x4  }
0x1b9: {  	v60 =	vshll.u32 v8, $0x3  }
0x1ba: {  	v10 =	vld [tilespmem:s20+$0x1AC20];
	v61 =	vand.u32 $0x7F, v8;
	v9 =	vand.u32 $0xFFFFFC00, v60  }
0x1bb: {  	v9 =	vor.u32 v61, v9  }
0x1bc: {  	v9 =	vadd.s32 v2, v9  }
0x1bd: {  	v8 =	vadd.s32 v3, v8;
	_ =	sdelay $0x1  }
0x1be: {  	v10 =	vmul.f32 v10, v7;
	_ =	sdelay $0x1  }
0x1bf: {  	[tilespmem:v9+s10+$0x0] =	vst.idx.add.f32.msk $0xffff, v10  }
0x1c0: {  	[tilespmem:v8+s14+$0x0] =	vst.idx.msk $0xffff, v1  }
0x1c1: {  	v8 =	vld [tilespmem:s20+$0x1A430];
	_ =	sdelay $0x4  }
0x1c2: {  	v62 =	vshll.u32 v8, $0x3  }
0x1c3: {  	v10 =	vld [tilespmem:s20+$0x1AC30];
	v63 =	vand.u32 $0x7F, v8;
	v9 =	vand.u32 $0xFFFFFC00, v62  }
0x1c4: {  	v9 =	vor.u32 v63, v9  }
0x1c5: {  	v9 =	vadd.s32 v2, v9  }
0x1c6: {  	p0 =	sne.s32 s19, $0x700;
	v8 =	vadd.s32 v3, v8  }
.Ltmp7:
0x1c7: {  	_ = 	snop;
	(pc) =	sbr.rel @p0 .LBB2_17-.Ltmp7, $3  }
0x1c8: {  	v10 =	vmul.f32 v10, v7;
	_ =	sdelay $0x1  }
0x1c9: {  	[tilespmem:v9+s10+$0x0] =	vst.idx.add.f32.msk $0xffff, v10  }
0x1ca: {  	s19 =	sadd.s32 $0x100, s19;
	[tilespmem:v8+s14+$0x0] =	vst.idx.msk $0xffff, v1  }
0x1cb: {  	v7 =	vor.u32 $0x3, v0  }
0x1cc: {  	s19 =	simm.s32 $0x0;
	s20 =	simm.s32 $0x1A630;
	s21 =	simm.s32 $0x1AE30;
	v6 =	vor.u32 v7, v6;
	v7 =	vimm.f32 $0.0e+00  }
.LBB2_19:
0x1cd: {  	s22 =	sshll.u32 s19, $0x7  }
0x1ce: {  	v8 =	vor.u32 s22, v6;
	_ =	sdelay $0x4  }
0x1cf: {  	v9 =	vld.idx.msk [tilespmem:v8+s11+$0x0], $0xffff;
	_ =	sdelay $0x4  }
0x1d0: {  	v10 =	vshll.u32 v9, $0x3  }
0x1d1: {  	v11 =	vand.u32 $0x7F, v9;
	v10 =	vand.u32 $0xFFFFFC00, v10  }
0x1d2: {  	v10 =	vor.u32 v11, v10  }
0x1d3: {  	v10 =	vadd.s32 v2, v10;
	_ =	sdelay $0x4  }
0x1d4: {  	v10 =	vld.idx.msk [tilespmem:v10+s1+$0x0], $0xffff;
	_ =	sdelay $0x4  }
0x1d5: {  	v10 =	vsub.f32 $0.0e+00, v10;
	_ =	sdelay $0x1  }
0x1d6: {  	v10 =	vmul.f32 $1.442695020e+00, v10;
	_ =	sdelay $0x1  }
0x1d7: {  	(erf) = vpow2.f32 v10;
	_ =	sdelay $0x8  }
0x1d8: {  	v10 =	vpop (erf)  }
0x1d9: {  	v10 =	vadd.f32 $1.000000000e+00, v10;
	_ =	sdelay $0x1  }
0x1da: {  	(erf) = vrcp.f32 v10;
	_ =	sdelay $0x1  }
0x1db: {  	v46 =	vadd.s32 v3, v9;
	_ =	sdelay $0x2  }
0x1dc: {  	v8 =	vld.idx.msk [tilespmem:v8+s12+$0x0], $0xffff;
	_ =	sdelay $0x1  }
0x1dd: {  	v47 =	vld.idx.msk [tilespmem:v46+s14+$0x0], $0xffff;
	_ =	sdelay $0x1  }
0x1de: {  	s23 =	sadd.s32 $0x80, s22;
	v12 =	vpop (erf)  }
0x1df: {  	vm0 =	vle.f32 v8, v12;
	v8 =	vor.u32 s23, v6  }
0x1e0: {  	v12 =	vsel vm0, $0x3F800000, v1  }
0x1e1: {  	[tilespmem:v46+s14+$0x0] =	vst.idx.msk $0xffff, v12;
	v48 =	vsub.f32 v12, v47  }
0x1e2: {  	[tilespmem:s20+$0xFFFFFFD0] =	vst v9  }
0x1e3: {  	[tilespmem:s21+$0xFFFFFFD0] =	vst v48  }
0x1e4: {  	v9 =	vld.idx.msk [tilespmem:v8+s11+$0x0], $0xffff;
	_ =	sdelay $0x4  }
0x1e5: {  	v49 =	vshll.u32 v9, $0x3  }
0x1e6: {  	v50 =	vand.u32 $0x7F, v9;
	v11 =	vand.u32 $0xFFFFFC00, v49  }
0x1e7: {  	v11 =	vor.u32 v50, v11  }
0x1e8: {  	v11 =	vadd.s32 v2, v11;
	_ =	sdelay $0x4  }
0x1e9: {  	v11 =	vld.idx.msk [tilespmem:v11+s1+$0x0], $0xffff;
	_ =	sdelay $0x4  }
0x1ea: {  	v11 =	vsub.f32 $0.0e+00, v11;
	_ =	sdelay $0x1  }
0x1eb: {  	v11 =	vmul.f32 $1.442695020e+00, v11;
	_ =	sdelay $0x1  }
0x1ec: {  	(erf) = vpow2.f32 v11;
	_ =	sdelay $0x8  }
0x1ed: {  	v11 =	vpop (erf)  }
0x1ee: {  	v11 =	vadd.f32 $1.000000000e+00, v11;
	_ =	sdelay $0x1  }
0x1ef: {  	(erf) = vrcp.f32 v11;
	_ =	sdelay $0x1  }
0x1f0: {  	v51 =	vadd.s32 v3, v9;
	_ =	sdelay $0x2  }
0x1f1: {  	v8 =	vld.idx.msk [tilespmem:v8+s12+$0x0], $0xffff;
	_ =	sdelay $0x1  }
0x1f2: {  	v52 =	vld.idx.msk [tilespmem:v51+s14+$0x0], $0xffff;
	_ =	sdelay $0x1  }
0x1f3: {  	s31 =	sadd.s32 $0x100, s22;
	v13 =	vpop (erf)  }
0x1f4: {  	vm13 =	vle.f32 v8, v13;
	v8 =	vor.u32 s31, v6  }
0x1f5: {  	v13 =	vsel vm13, $0x3F800000, v1  }
0x1f6: {  	[tilespmem:v51+s14+$0x0] =	vst.idx.msk $0xffff, v13;
	v53 =	vsub.f32 v13, v52  }
0x1f7: {  	[tilespmem:s20+$0xFFFFFFE0] =	vst v9  }
0x1f8: {  	[tilespmem:s21+$0xFFFFFFE0] =	vst v53  }
0x1f9: {  	v9 =	vld.idx.msk [tilespmem:v8+s11+$0x0], $0xffff;
	_ =	sdelay $0x4  }
0x1fa: {  	v54 =	vshll.u32 v9, $0x3  }
0x1fb: {  	v55 =	vand.u32 $0x7F, v9;
	v12 =	vand.u32 $0xFFFFFC00, v54  }
0x1fc: {  	v12 =	vor.u32 v55, v12  }
0x1fd: {  	v12 =	vadd.s32 v2, v12;
	_ =	sdelay $0x4  }
0x1fe: {  	v12 =	vld.idx.msk [tilespmem:v12+s1+$0x0], $0xffff;
	_ =	sdelay $0x4  }
0x1ff: {  	v12 =	vsub.f32 $0.0e+00, v12;
	_ =	sdelay $0x1  }
0x200: {  	v12 =	vmul.f32 $1.442695020e+00, v12;
	_ =	sdelay $0x1  }
0x201: {  	(erf) = vpow2.f32 v12;
	_ =	sdelay $0x8  }
0x202: {  	v12 =	vpop (erf)  }
0x203: {  	v12 =	vadd.f32 $1.000000000e+00, v12;
	_ =	sdelay $0x1  }
0x204: {  	(erf) = vrcp.f32 v12;
	_ =	sdelay $0x1  }
0x205: {  	v56 =	vadd.s32 v3, v9;
	_ =	sdelay $0x2  }
0x206: {  	v8 =	vld.idx.msk [tilespmem:v8+s12+$0x0], $0xffff;
	_ =	sdelay $0x1  }
0x207: {  	v57 =	vld.idx.msk [tilespmem:v56+s14+$0x0], $0xffff;
	_ =	sdelay $0x1  }
0x208: {  	s22 =	sadd.s32 $0x180, s22;
	v14 =	vpop (erf)  }
0x209: {  	vm14 =	vle.f32 v8, v14;
	v8 =	vor.u32 s22, v6  }
0x20a: {  	v14 =	vsel vm14, $0x3F800000, v1  }
0x20b: {  	[tilespmem:v56+s14+$0x0] =	vst.idx.msk $0xffff, v14;
	v58 =	vsub.f32 v14, v57  }
0x20c: {  	[tilespmem:s20+$0xFFFFFFF0] =	vst v9  }
0x20d: {  	[tilespmem:s21+$0xFFFFFFF0] =	vst v58  }
0x20e: {  	v9 =	vld.idx.msk [tilespmem:v8+s11+$0x0], $0xffff;
	_ =	sdelay $0x4  }
0x20f: {  	v59 =	vshll.u32 v9, $0x3  }
0x210: {  	v60 =	vand.u32 $0x7F, v9;
	v13 =	vand.u32 $0xFFFFFC00, v59  }
0x211: {  	v13 =	vor.u32 v60, v13  }
0x212: {  	v13 =	vadd.s32 v2, v13;
	_ =	sdelay $0x4  }
0x213: {  	v13 =	vld.idx.msk [tilespmem:v13+s1+$0x0], $0xffff;
	_ =	sdelay $0x4  }
0x214: {  	v13 =	vsub.f32 $0.0e+00, v13;
	_ =	sdelay $0x1  }
0x215: {  	v13 =	vmul.f32 $1.442695020e+00, v13;
	_ =	sdelay $0x1  }
0x216: {  	(erf) = vpow2.f32 v13;
	_ =	sdelay $0x8  }
0x217: {  	v13 =	vpop (erf)  }
0x218: {  	v13 =	vadd.f32 $1.000000000e+00, v13;
	_ =	sdelay $0x1  }
0x219: {  	(erf) = vrcp.f32 v13;
	_ =	sdelay $0x1  }
0x21a: {  	v61 =	vadd.s32 v3, v9;
	_ =	sdelay $0x2  }
0x21b: {  	v8 =	vld.idx.msk [tilespmem:v8+s12+$0x0], $0xffff;
	_ =	sdelay $0x1  }
0x21c: {  	v62 =	vld.idx.msk [tilespmem:v61+s14+$0x0], $0xffff  }
0x21d: {  	v7 =	vadd.f32 v48, v7  }
0x21e: {  	p0 =	sne.s32 s19, $0x1C;
	v63 =	vpop (erf)  }
.Ltmp8:
0x21f: {  	v7 =	vadd.f32 v53, v7;
	vm15 =	vle.f32 v8, v63;
	(pc) =	sbr.rel @p0 .LBB2_19-.Ltmp8, $4  }
0x220: {  	v8 =	vsel vm15, $0x3F800000, v1  }
0x221: {  	v7 =	vadd.f32 v58, v7;
	[tilespmem:v61+s14+$0x0] =	vst.idx.msk $0xffff, v8;
	v8 =	vsub.f32 v8, v62  }
0x222: {  	[tilespmem:s20+$0x0] =	vst v9  }
0x223: {  	s19 =	sadd.s32 $0x4, s19;
	s20 =	sadd.s32 $0x40, s20;
	[tilespmem:s21+$0x0] =	vst v8;
	v7 =	vadd.f32 v8, v7;
	s21 =	sadd.s32 $0x40, s21  }
0x224: {  	_ = 	snop  }
0x225: {  	v6 =	vmax.f32 v7, $1.000000000e+00  }
0x226: {  	(erf) = vrcp.f32 v6;
	_ =	sdelay $0x8  }
0x227: {  	v6 =	vpop (erf)  }
0x228: {  	s19 =	simm.s32 $0x0;
	v6 =	vmul.f32 $2.500000000e-01, v6  }
.LBB2_21:
0x229: {  	s20 =	sshra.s32 s19, $0x2  }
0x22a: {  	v7 =	vld [tilespmem:s20+$0x1A600];
	_ =	sdelay $0x4  }
0x22b: {  	v8 =	vshll.u32 v7, $0x3  }
0x22c: {  	v9 =	vld [tilespmem:s20+$0x1AE00];
	v10 =	vand.u32 $0x7F, v7;
	v8 =	vand.u32 $0xFFFFFC00, v8  }
0x22d: {  	v8 =	vor.u32 v10, v8  }
0x22e: {  	v8 =	vadd.s32 v2, v8  }
0x22f: {  	v7 =	vadd.s32 v3, v7;
	_ =	sdelay $0x1  }
0x230: {  	v9 =	vmul.f32 v9, v6;
	_ =	sdelay $0x1  }
0x231: {  	[tilespmem:v8+s10+$0x0] =	vst.idx.add.f32.msk $0xffff, v9  }
0x232: {  	[tilespmem:v7+s14+$0x0] =	vst.idx.msk $0xffff, v1  }
0x233: {  	v7 =	vld [tilespmem:s20+$0x1A610];
	_ =	sdelay $0x4  }
0x234: {  	v8 =	vshll.u32 v7, $0x3  }
0x235: {  	v9 =	vld [tilespmem:s20+$0x1AE10];
	v61 =	vand.u32 $0x7F, v7;
	v8 =	vand.u32 $0xFFFFFC00, v8  }
0x236: {  	v8 =	vor.u32 v61, v8  }
0x237: {  	v8 =	vadd.s32 v2, v8  }
0x238: {  	v7 =	vadd.s32 v3, v7;
	_ =	sdelay $0x1  }
0x239: {  	v9 =	vmul.f32 v9, v6;
	_ =	sdelay $0x1  }
0x23a: {  	[tilespmem:v8+s10+$0x0] =	vst.idx.add.f32.msk $0xffff, v9  }
0x23b: {  	[tilespmem:v7+s14+$0x0] =	vst.idx.msk $0xffff, v1  }
0x23c: {  	v7 =	vld [tilespmem:s20+$0x1A620];
	_ =	sdelay $0x4  }
0x23d: {  	v8 =	vshll.u32 v7, $0x3  }
0x23e: {  	v9 =	vld [tilespmem:s20+$0x1AE20];
	v62 =	vand.u32 $0x7F, v7;
	v8 =	vand.u32 $0xFFFFFC00, v8  }
0x23f: {  	v8 =	vor.u32 v62, v8  }
0x240: {  	v8 =	vadd.s32 v2, v8  }
0x241: {  	v7 =	vadd.s32 v3, v7;
	_ =	sdelay $0x1  }
0x242: {  	v9 =	vmul.f32 v9, v6;
	_ =	sdelay $0x1  }
0x243: {  	[tilespmem:v8+s10+$0x0] =	vst.idx.add.f32.msk $0xffff, v9  }
0x244: {  	[tilespmem:v7+s14+$0x0] =	vst.idx.msk $0xffff, v1  }
0x245: {  	v7 =	vld [tilespmem:s20+$0x1A630];
	_ =	sdelay $0x4  }
0x246: {  	v8 =	vshll.u32 v7, $0x3  }
0x247: {  	v9 =	vld [tilespmem:s20+$0x1AE30];
	v63 =	vand.u32 $0x7F, v7;
	v8 =	vand.u32 $0xFFFFFC00, v8  }
0x248: {  	v8 =	vor.u32 v63, v8  }
0x249: {  	v8 =	vadd.s32 v2, v8  }
0x24a: {  	p0 =	sne.s32 s19, $0x700;
	v7 =	vadd.s32 v3, v7  }
.Ltmp9:
0x24b: {  	_ = 	snop;
	(pc) =	sbr.rel @p0 .LBB2_21-.Ltmp9, $3  }
0x24c: {  	v9 =	vmul.f32 v9, v6;
	_ =	sdelay $0x1  }
0x24d: {  	[tilespmem:v8+s10+$0x0] =	vst.idx.add.f32.msk $0xffff, v9  }
0x24e: {  	s19 =	sadd.s32 $0x100, s19;
	[tilespmem:v7+s14+$0x0] =	vst.idx.msk $0xffff, v1  }
0x24f: {  	s19 =	sadd.s32 s6, s18;
	s18 =	simm.s32 $0x0  }
0x250: {  	[hbm4b:s19+s18] =	stream.linear.scatter [tilespmem:s10], [sflag:$0x2], $0x8000, $0x38;
	[tilespmem:$0x1B000] =	vst v63  }
0x251: {  	_ =	swait.ge [sflag:s15], $0x8000  }
0x252: {  	[sflag:s15] =	ssyncset.done $0x0  }
0x253: {  	[sflag:s15] =	ssyncadd.s32 $0xFFFF8000  }
.LBB2_23:
0x254: {  	s19 =	sshra.s32 s18, $0x2  }
0x255: {  	v6 =	vld [tilespmem:s19+$0x1A000];
	_ =	sdelay $0x4  }
0x256: {  	v7 =	vshll.u32 v6, $0x3  }
0x257: {  	v6 =	vand.u32 $0x7F, v6;
	v7 =	vand.u32 $0xFFFFFC00, v7  }
0x258: {  	v6 =	vor.u32 v6, v7  }
0x259: {  	v6 =	vadd.s32 v2, v6;
	_ =	sdelay $0x4  }
0x25a: {  	[tilespmem:v6+s10+$0x0] =	vst.idx.msk $0xffff, v1  }
0x25b: {  	v6 =	vld [tilespmem:s19+$0x1A010];
	_ =	sdelay $0x4  }
0x25c: {  	v7 =	vshll.u32 v6, $0x3  }
0x25d: {  	v6 =	vand.u32 $0x7F, v6;
	v7 =	vand.u32 $0xFFFFFC00, v7  }
0x25e: {  	v6 =	vor.u32 v6, v7  }
0x25f: {  	v6 =	vadd.s32 v2, v6;
	_ =	sdelay $0x4  }
0x260: {  	[tilespmem:v6+s10+$0x0] =	vst.idx.msk $0xffff, v1  }
0x261: {  	v6 =	vld [tilespmem:s19+$0x1A020];
	_ =	sdelay $0x4  }
0x262: {  	v7 =	vshll.u32 v6, $0x3  }
0x263: {  	v6 =	vand.u32 $0x7F, v6;
	v7 =	vand.u32 $0xFFFFFC00, v7  }
0x264: {  	v6 =	vor.u32 v6, v7  }
0x265: {  	v6 =	vadd.s32 v2, v6;
	_ =	sdelay $0x4  }
0x266: {  	[tilespmem:v6+s10+$0x0] =	vst.idx.msk $0xffff, v1  }
0x267: {  	v6 =	vld [tilespmem:s19+$0x1A030];
	_ =	sdelay $0x4  }
0x268: {  	v7 =	vshll.u32 v6, $0x3  }
0x269: {  	v6 =	vand.u32 $0x7F, v6;
	v7 =	vand.u32 $0xFFFFFC00, v7  }
0x26a: {  	v6 =	vor.u32 v6, v7  }
0x26b: {  	p0 =	sne.s32 s18, $0x1F00;
	v6 =	vadd.s32 v2, v6  }
.Ltmp10:
0x26c: {  	_ = 	snop;
	(pc) =	sbr.rel @p0 .LBB2_23-.Ltmp10, $2  }
0x26d: {  	_ =	sdelay $0x2  }
0x26e: {  	s18 =	sadd.s32 $0x100, s18;
	[tilespmem:v6+s10+$0x0] =	vst.idx.msk $0xffff, v1  }
0x26f: {  	s17 =	sadd.s32 $0x1, s17  }
0x270: {  	p0 =	sne.s32 s17, $0x4  }
.Ltmp11:
0x271: {  	_ = 	snop;
	(pc) =	sbr.rel @p0 .LBB2_6-.Ltmp11, $1  }
0x272: {  	_ =	sdelay $0x3  }
0x273: {  	s16 =	sadd.s32 $0x1, s16  }
0x274: {  	p0 =	sne.s32 s16, s8  }
.Ltmp12:
0x275: {  	_ = 	snop;
	(pc) =	sbr.rel @p0 .LBB2_1-.Ltmp12, $1  }
0x276: {  	_ =	sdelay $0x3  }
0x277: {  	_ =	sfence.sel $0x180000  }
0x278: {  	[bflag:$0x0] =	sbarrier.arrive $0xFFFF  }
0x279: {  	p0 =	sne.s32 s4, $0x0;
	_ =	strace $0x90000047  }
0x27a: {  	s0 =	sadd.s32 @!p0 $0x100000, s0;
	[bflag:$0x2] =	sbarrier.arrive $0xFFFF  }
0x27b: {  	[sflag:s0] =	ssyncadd.tile.s32 @!p0 $0x1;
	_ =	shalt  }
.Lfunc_end2:
_tile_overlayer_lowered:
.L_overlay_start_2:
0x27c: {  	(tag) =	ssettag $0x2  }
0x27d: {  	s0 =	rddreg [dreg:$0x0];
	s2 =	stileid.u32  }
0x27e: {  	s1 =	rddreg [dreg:$0x1];
	p0 =	sne.s32 s2, $0x0  }
0x27f: {  	s3 =	rddreg [dreg:$0x2];
	[bflag:$0x3] =	sbarrier.arrive $0xFFFF;
	s2 =	simm.s32 @!p0 $0x1C02  }
0x280: {  	[timem:s3], [sflag:s2] =	dma.local @!p0 [hbm:s0], s1  }
0x281: {  	s0 =	simm.s32 @!p0 $0x2  }
0x282: {  	_ =	swait.ge @!p0 [sflag:s0], s1  }
0x283: {  	s1 =	ssub.s32 @!p0 $0x0, s1;
	[sflag:s0] =	ssyncset.done @!p0 $0x0  }
0x284: {  	[sflag:s0] =	ssyncadd.s32 @!p0 s1  }
0x285: {  	[bflag:$0x3] =	sbarrier.arrive $0xFFFF  }
0x286: {  	_ =	shalt  }

// kernel: kernel.8.cloned.1.call-start
scs
__scs_entry_jumppad:
0x0: {  	(pc) =	sbr.rel $0x88, $3  }
0x1: {  	(tag) =	ssettag $0x0;
	lr =	simm.s32 $0x1  }
0x2: {  	[smem:$0x3F9E] =	sst lr;
	_ =	strace $0xD0000000  }
0x3: {  	_ = 	snop  }
0x4: {  	_ = 	snop  }
0x5: {  	_ = 	snop  }
0x6: {  	_ = 	snop  }
0x7: {  	_ = 	snop  }
__scs_overlays_trampoline_lowered:
0x8: {  	[smem:$0x3FAD] =	sst s0  }
0x9: {  	[smem:$0x3FAE] =	sst s1  }
0xa: {  	[smem:$0x3FAF] =	sst s2  }
0xb: {  	[smem:$0x3FB0] =	sst s3  }
0xc: {  	[smem:$0x3FB1] =	sst s4  }
0xd: {  	[smem:$0x3FB2] =	sst s5  }
0xe: {  	[smem:$0x3FB3] =	sst s6  }
0xf: {  	[smem:$0x3FB4] =	sst s7  }
0x10: {  	[smem:$0x3FB5] =	sst s8  }
0x11: {  	[smem:$0x3FB6] =	sst s9;
	s0 =	simm.s32 @!p0 $0x0  }
0x12: {  	s1 =	sld [smem:$0x3F9C];
	s0 =	simm.s32 @p0 $0x1  }
0x13: {  	[smem:$0x3FB7] =	sst s0;
	s0 =	simm.s32 @!p1 $0x0  }
0x14: {  	s2 =	sld [smem:$0x3F9B];
	s0 =	simm.s32 @p1 $0x1  }
0x15: {  	[smem:$0x3FB8] =	sst s0;
	s0 =	simm.s32 @!p2 $0x0  }
0x16: {  	s3 =	sld [smem:$0x3FDB];
	s0 =	simm.s32 @p2 $0x1  }
0x17: {  	s4 =	simm.s32 $0x1BF5;
	[smem:$0x3FBA] =	sst s0  }
0x18: {  	s0 =	sld [smem:$0x3F9D];
	_ =	swait.ge [sflag:s4], $0x0  }
0x19: {  	s7 =	sld [smem:$0x3F9E]  }
0x1a: {  	s8 =	sadd.s32 $0xFFFFE003, lr  }
0x1b: {  	s9 =	sadd.s32 $0xFFFFFEF7, lr;
	s5 =	simm.s32 $0xFFFFFFFF;
	p2 =	slt.u32 s8, $0xFFFFF086  }
0x1c: {  	p1 =	slt.u32 s9, $0xF7A;
	s5 =	simm.s32 @!p2 $0x0  }
0x1d: {  	s5 =	simm.s32 @p1 $0x1;
	p0 =	seq.s32 s7, s2  }
0x1e: {  	s7 =	smul.u32 @!p0 $0xF7A, s2;
	p2 =	seq.s32 @!p0 s5, $0x0  }
0x1f: {  	s9 =	smul.u32 $0xF7A, s1;
	s8 =	simm.s32 @!p0 $0x1BF5;
	p2 =	por !p2, p0  }
0x20: {  	[sflag:s8] =	ssyncset.s32 @!p0 $0xFFFFF086;
	s6 =	sadd.s32 @!p0 s3, s7;
	s7 =	simm.s32 @!p0 $0x108  }
0x21: {  	s3 =	sadd.s32 s3, s9;
	s6 =	sadd.s32 @!p0 $0x88, s6;
	s7 =	simm.s32 @p2 $0x1082  }
0x22: {  	[simem:s7], [sflag:s8] =	dma.local @!p0 [hbm:s6], $0xF7A  }
0x23: {  	s9 =	sor.u32 $0xD0000000, s2;
	s6 =	simm.s32 $0x108;
	_ =	swait.ge @!p0 [sflag:s8], $0x0  }
0x24: {  	s3 =	sadd.s32 $0x88, s3;
	s6 =	simm.s32 @!p1 $0x1082;
	[sflag:s4] =	ssyncset.s32 $0xFFFFF086  }
0x25: {  	[simem:s6], [sflag:s4] =	dma.local [hbm:s3], $0xF7A  }
0x26: {  	[smem:$0x3F9E] =	sst s1;
	(tag) =	ssettag s2;
	_ =	strace s9  }
0x27: {  	s1 =	sld [smem:$0x3FAE]  }
0x28: {  	s2 =	sld [smem:$0x3FAF]  }
0x29: {  	s4 =	sld [smem:$0x3FB1]  }
0x2a: {  	p0 =	seq.s32 s5, $0x0;
	s5 =	sld [smem:$0x3FB2]  }
0x2b: {  	s6 =	sld [smem:$0x3FB3]  }
0x2c: {  	s7 =	sld [smem:$0x3FB4]  }
0x2d: {  	s3 =	simm.s32 $0x108;
	s8 =	sld [smem:$0x3FB5]  }
0x2e: {  	s3 =	simm.s32 @!p0 $0x1082;
	s9 =	sld [smem:$0x3FB6]  }
0x2f: {  	lr =	sadd.s32 s0, s3;
	s0 =	sld [smem:$0x3FAD]  }
0x30: {  	s3 =	sld [smem:$0x3FB0]  }
0x31: {  	[smem:$0x3FB9] =	sst s10  }
0x32: {  	s10 =	sld [smem:$0x3FB7];
	_ =	sdelay $0x3  }
0x33: {  	p0 =	seq.s32 s10, $0x1;
	s10 =	sld [smem:$0x3FB9];
	_ =	sdelay $0x3  }
0x34: {  	[smem:$0x3FB9] =	sst s10  }
0x35: {  	s10 =	sld [smem:$0x3FB8];
	_ =	sdelay $0x3  }
0x36: {  	p1 =	seq.s32 s10, $0x1;
	s10 =	sld [smem:$0x3FB9];
	_ =	sdelay $0x3  }
0x37: {  	[smem:$0x3FB9] =	sst s10  }
0x38: {  	s10 =	sld [smem:$0x3FBA]  }
0x39: {  	_ = 	snop;
	(pc) =	sbr.ind lr, $3  }
0x3a: {  	_ = 	snop  }
0x3b: {  	_ = 	snop  }
0x3c: {  	p2 =	seq.s32 s10, $0x1;
	s10 =	sld [smem:$0x3FB9]  }
0x3d: {  	_ =	shalt  }
0x3e: {  	_ =	shalt  }
0x3f: {  	_ =	shalt  }
0x40: {  	_ =	shalt  }
0x41: {  	_ =	shalt  }
0x42: {  	_ =	shalt  }
0x43: {  	_ =	shalt  }
0x44: {  	_ =	shalt  }
0x45: {  	_ =	shalt  }
0x46: {  	_ =	shalt  }
0x47: {  	_ =	shalt  }
0x48: {  	_ =	shalt  }
0x49: {  	_ =	shalt  }
0x4a: {  	_ =	shalt  }
0x4b: {  	_ =	shalt  }
0x4c: {  	_ =	shalt  }
0x4d: {  	_ =	shalt  }
0x4e: {  	_ =	shalt  }
0x4f: {  	_ =	shalt  }
0x50: {  	_ =	shalt  }
0x51: {  	_ =	shalt  }
0x52: {  	_ =	shalt  }
0x53: {  	_ =	shalt  }
0x54: {  	_ =	shalt  }
0x55: {  	_ =	shalt  }
0x56: {  	_ =	shalt  }
0x57: {  	_ =	shalt  }
0x58: {  	_ =	shalt  }
0x59: {  	_ =	shalt  }
0x5a: {  	_ =	shalt  }
0x5b: {  	_ =	shalt  }
0x5c: {  	_ =	shalt  }
0x5d: {  	_ =	shalt  }
0x5e: {  	_ =	shalt  }
0x5f: {  	_ =	shalt  }
0x60: {  	_ =	shalt  }
0x61: {  	_ =	shalt  }
0x62: {  	_ =	shalt  }
0x63: {  	_ =	shalt  }
0x64: {  	_ =	shalt  }
0x65: {  	_ =	shalt  }
0x66: {  	_ =	shalt  }
0x67: {  	_ =	shalt  }
0x68: {  	_ =	shalt  }
0x69: {  	_ =	shalt  }
0x6a: {  	_ =	shalt  }
0x6b: {  	_ =	shalt  }
0x6c: {  	_ =	shalt  }
0x6d: {  	_ =	shalt  }
0x6e: {  	_ =	shalt  }
0x6f: {  	_ =	shalt  }
0x70: {  	_ =	shalt  }
0x71: {  	_ =	shalt  }
0x72: {  	_ =	shalt  }
0x73: {  	_ =	shalt  }
0x74: {  	_ =	shalt  }
0x75: {  	_ =	shalt  }
0x76: {  	_ =	shalt  }
0x77: {  	_ =	shalt  }
0x78: {  	_ =	shalt  }
0x79: {  	_ =	shalt  }
0x7a: {  	_ =	shalt  }
0x7b: {  	_ =	shalt  }
0x7c: {  	_ =	shalt  }
0x7d: {  	_ =	shalt  }
0x7e: {  	_ =	shalt  }
0x7f: {  	_ =	shalt  }
0x80: {  	_ =	shalt  }
0x81: {  	_ =	shalt  }
0x82: {  	_ =	shalt  }
0x83: {  	_ =	shalt  }
0x84: {  	_ =	shalt  }
0x85: {  	_ =	shalt  }
0x86: {  	_ =	shalt  }
0x87: {  	_ =	shalt  }
.Lfunc_end0:
.L_simem_size_0:
called_computation_lowered:
.L_overlay_start_0:
0x88: {  	s2 =	sld [smem:$0x3FD9]  }
0x89: {  	s3 =	sld [smem:$0x3FFE];
	_ =	sdelay $0x1  }
0x8a: {  	s1 =	srdreg.scid  }
0x8b: {  	s0 =	sand.u32 $0x1, s1  }
0x8c: {  	s17 =	sshll.u32 s0, $0xA;
	s2 =	sadd.s32 s3, s2  }
0x8d: {  	s2 =	sadd.s32 s2, s17  }
0x8e: {  	[smem:$0x3FC5] =	sst s2  }
0x8f: {  	_ = 	snop  }
0x90: {  	s18 =	sld [smem:$0x3FD0];
	(tm) =	ssettm $0x1  }
0x91: {  	s19 =	sld [smem:$0x3FFB];
	_ =	sdelay $0x3  }
0x92: {  	_ =	strace s19  }
0x93: {  	s2 =	sld [smem:$0x3FFC];
	_ =	sdelay $0x3  }
0x94: {  	_ =	strace s2  }
0x95: {  	s2 =	sld [smem:$0x3FFD];
	_ =	sdelay $0x3  }
0x96: {  	_ =	strace s2  }
0x97: {  	_ =	strace $0x8FFFFFFF  }
0x98: {  	s20 =	sld [smem:$0x3FDB];
	_ =	sdelay $0x1  }
0x99: {  	s4 =	simm.s32 $_scs_section_size  }
0x9a: {  	s5 =	simm.s32 $_size__tile_overlayer_lowered;
	s6 =	simm.s32 $_tile_overlayer_lowered  }
0x9b: {  	s7 =	simm.s32 $0x1BFF;
	s21 =	sshll.u32 s6, $0x1;
	s4 =	sadd.s32 s4, s20  }
0x9c: {  	s22 =	simm.s32 $0x0;
	s5 =	sshll.u32 s5, $0x1;
	s6 =	sadd.s32 s21, s4  }
0x9d: {  	[timem:s22], [sflag:s7] =	dma.local [hbm:s6], s5  }
0x9e: {  	_ =	swait.ge [sflag:s7], s5  }
0x9f: {  	s5 =	ssub.s32 $0x0, s5;
	[sflag:s7] =	ssyncset.done $0x0  }
0xa0: {  	[sflag:s7] =	ssyncadd.s32 s5;
	_ =	sdelay $0x1  }
0xa1: {  	s23 =	simm.s32 $0x1B8B  }
0xa2: {  	_ =	swait.ge [sflag:s23], $0x1  }
0xa3: {  	[sflag:s23] =	ssyncset.done $0x0  }
0xa4: {  	[sflag:s23] =	ssyncadd.s32 $0xFFFFFFFF  }
0xa5: {  	s5 =	sld [smem:$0x0]  }
0xa6: {  	s6 =	sand.u32 $0xFFFFFFFE, s1  }
0xa7: {  	p0 =	sne.s32 s1, s6  }
0xa8: {  	s6 =	sshll.u32 @p0 s6, $0xE  }
0xa9: {  	s6 =	sadd.s32 @p0 $0x11B8D, s6;
	s7 =	sshll.u32 @p0 s5, $0x11  }
0xaa: {  	s6 =	sor.u32 @p0 s7, s6  }
0xab: {  	[sflag:s6] =	ssyncadd.remote.s32 @p0 $0x1;
	_ =	sdelay $0x1  }
0xac: {  	s6 =	simm.s32 @p0 $0x1B8D  }
0xad: {  	_ =	swait.eq @p0 [sflag:s6], $0x1  }
0xae: {  	[sflag:s6] =	ssyncadd.s32 @p0 $0xFFFFFFFF  }
0xaf: {  	s7 =	sshll.u32 @!p0 s1, $0xE  }
0xb0: {  	s7 =	sor.u32 @!p0 $0x4000, s7;
	s6 =	simm.s32 @!p0 $0x1B8D  }
0xb1: {  	s5 =	sshll.u32 @!p0 s5, $0x11;
	s7 =	sadd.s32 @!p0 $0x11B8D, s7;
	_ =	swait.eq @!p0 [sflag:s6], $0x1  }
0xb2: {  	s5 =	sor.u32 @!p0 s5, s7;
	[sflag:s6] =	ssyncadd.s32 @!p0 $0xFFFFFFFF  }
0xb3: {  	s25 =	simm.s32 $0x1B8E;
	s24 =	sld [smem:$0x3FFE];
	[sflag:s5] =	ssyncadd.remote.s32 @!p0 $0x1  }
0xb4: {  	s26 =	simm.s32 $execute0_lowered;
	[smem:$0x3FD2] =	sst s25  }
0xb5: {  	s6 =	sshll.u32 s26, $0x1;
	_ =	strace $0x80000049;
	[dreg:$0x1] =	wrdreg $0xFFFFFFFF  }
0xb6: {  	s28 =	simm.s32 $_size_execute0_lowered;
	s4 =	sadd.s32 s4, s6;
	[dreg:$0x0] =	wrdreg $0x0  }
0xb7: {  	s6 =	sshll.u32 s28, $0x1;
	[dreg:$0x2] =	wrdreg s4  }
0xb8: {  	[dreg:$0x3] =	wrdreg s6  }
0xb9: {  	[dreg:$0x4] =	wrdreg $0xC0  }
0xba: {  	_ =	task [dreg:s22], $0x5FFFF  }
0xbb: {  	[dreg:$0x1] =	wrdreg $0xFFFFFFFF  }
0xbc: {  	[dreg:$0x0] =	wrdreg $0x60  }
0xbd: {  	[dreg:$0x2] =	wrdreg s24  }
0xbe: {  	[dreg:$0x3] =	wrdreg s18  }
0xbf: {  	[dreg:$0x4] =	wrdreg $0x9  }
0xc0: {  	_ =	task.clear_ibuf [dreg:s22], $0x5FFFF;
	_ =	strace $0x90000049  }
0xc1: {  	s29 =	simm.s32 $0x9;
	_ =	strace $0x8000004B  }
0xc2: {  	_ =	swait.ge [sflag:s29], $0x1  }
0xc3: {  	[sflag:s29] =	ssyncadd.s32 $0xFFFFFFFF  }
0xc4: {  	_ =	strace $0x9000004B  }
0xc5: {  	_ =	sfence  }
0xc6: {  	s30 =	sld [smem:$0x0];
	_ =	sdelay $0x2  }
0xc7: {  	s31 =	sshll.u32 s1, $0xD;
	s1 =	sshrl.u32 s1, $0x2  }
0xc8: {  	s4 =	sand.u32 $0x4000, s31;
	s1 =	sadd.s32 s1, s30  }
0xc9: {  	s0 =	sor.u32 s4, s0;
	s1 =	sshll.u32 s1, $0x11  }
0xca: {  	s0 =	sor.u32 s1, s0  }
0xcb: {  	s0 =	sadd.s32 $0x8F2B, s0  }
0xcc: {  	[sflag:s0] =	ssyncadd.remote.s32 $0x1  }
0xcd: {  	_ =	sfence.sel $0xFFFF  }
0xce: {  	[dreg:$0x0] =	wrdreg $0xFFFFFFFF;
	(pc) =	sbr.abs _section_cstart, $3  }
0xcf: {  	[dreg:$0x1] =	wrdreg $0xFFFFFFFF  }
0xd0: {  	_ =	task.clear_ibuf [dreg:s22], $0x2FFFF;
	_ =	strace $0x9FFFFFFF  }
0xd1: {  	(tm) =	ssettm $0x7FFFFFFF  }
tec
execute0_lowered:
.L_overlay_start_1:
0x0: {  	(tag) =	ssettag $0x1  }
0x1: {  	v0 =	vimm.s32 $0x4380;
	vm0 =	vcmask $0x300  }
0x2: {  	vm14 =	vcmask $0x704;
	v0 =	vsel vm0, $0x0, v0  }
0x3: {  	vm15 =	vcmask $0xB08;
	v0 =	vsel vm14, $0x80, v0  }
0x4: {  	vm4 =	vcmask $0xF0C;
	v0 =	vsel vm15, $0x100, v0  }
0x5: {  	vm5 =	vcmask $0x1310;
	v0 =	vsel vm4, $0x180, v0  }
0x6: {  	vm6 =	vcmask $0x1714;
	s6 =	rddreg [dreg:$0x0];
	v0 =	vsel vm5, $0x200, v0  }
0x7: {  	vm7 =	vcmask $0x1B18;
	s1 =	rddreg [dreg:$0x1];
	v0 =	vsel vm6, $0x280, v0  }
0x8: {  	vm8 =	vcmask $0x1F1C;
	s0 =	rddreg [dreg:$0x2];
	v0 =	vsel vm7, $0x300, v0  }
0x9: {  	s2 =	simm.s32 $0x0;
	vm9 =	vcmask $0x2320;
	s4 =	srdreg.scid;
	s11 =	simm.s32 $0x18000;
	v0 =	vsel vm8, $0x380, v0  }
0xa: {  	vm10 =	vcmask $0x2724;
	s12 =	simm.s32 $0x19000;
	s13 =	simm.s32 $0x1;
	s14 =	simm.s32 $0x8000;
	v0 =	vsel vm9, $0x4000, v0  }
0xb: {  	vm11 =	vcmask $0x2B28;
	s15 =	simm.s32 $0x2;
	s16 =	simm.s32 $0x0;
	[smem:$0x7FF] =	sst s2;
	v0 =	vsel vm10, $0x4080, v0  }
0xc: {  	vm12 =	vcmask $0x2F2C;
	vm13 =	vcmask $0x3330;
	s3 =	sadd.s32 $0x11AE00, s6;
	s7 =	sand.u32 $0x1, s4;
	s5 =	sadd.s32 $0x12E00, s6;
	v0 =	vsel vm11, $0x4100, v0  }
0xd: {  	v3 =	vlaneseq.u32;
	s4 =	stileid.u32;
	s6 =	sadd.s32 $0x19AE00, s6;
	s8 =	ssub.s32 $0x2, s7;
	vm14 =	vcmask $0x3734;
	v0 =	vsel vm12, $0x4180, v0  }
0xe: {  	s10 =	sshll.u32 s4, $0x3;
	s7 =	sshll.u32 s7, $0x2;
	s9 =	sshrl.u32 s8, $0x1;
	vm15 =	vcmask $0x3B38;
	v1 =	vsel vm13, $0x4200, v0;
	v0 =	vmul.u32 $0x4, v3  }
0xf: {  	_ =	strace $0x8000004A;
	s7 =	sor.u32 s7, s10;
	s8 =	ssub.s32 s8, s9;
	v3 =	vmul.u32 $0x800, v3;
	v2 =	vsel vm14, $0x4280, v1;
	v1 =	vimm.f32 $0.0e+00  }
0x10: {  	s10 =	simm.s32 $0x10000;
	s9 =	simm.s32 $0x400;
	s8 =	smax.u32 s8, $0x1;
	v2 =	vsel vm15, $0x4300, v2;
	v4 =	vor.u32 $0x1, v0;
	v5 =	vor.u32 $0x2, v0  }
.LBB2_1:
0x11: {  	s18 =	simm.s32 $0x0;
	s17 =	simm.s32 $0x200  }
.LBB2_2:
0x12: {  	p0 =	sne.s32 s17, $0x1FE00;
	[tilespmem:s18+$0x8070] =	vst v1  }
0x13: {  	[tilespmem:s18+$0x8000] =	vst v1  }
0x14: {  	[tilespmem:s18+$0x8010] =	vst v1  }
.Ltmp0:
0x15: {  	[tilespmem:s18+$0x8020] =	vst v1;
	(pc) =	sbr.rel @p0 .LBB2_2-.Ltmp0, $4  }
0x16: {  	[tilespmem:s18+$0x8030] =	vst v1  }
0x17: {  	[tilespmem:s18+$0x8040] =	vst v1  }
0x18: {  	[tilespmem:s18+$0x8050] =	vst v1  }
0x19: {  	[tilespmem:s18+$0x8060] =	vst v1;
	s18 =	sshra.s32 s17, $0x2;
	s17 =	sadd.s32 $0x200, s17  }
0x1a: {  	[tilespmem:s18+$0x8070] =	vst v1  }
0x1b: {  	[tilespmem:s18+$0x8000] =	vst v1  }
0x1c: {  	[tilespmem:s18+$0x8010] =	vst v1  }
0x1d: {  	[tilespmem:s18+$0x8020] =	vst v1  }
0x1e: {  	[tilespmem:s18+$0x8030] =	vst v1  }
0x1f: {  	[tilespmem:s18+$0x8040] =	vst v1  }
0x20: {  	s17 =	simm.s32 $0x0;
	[tilespmem:s18+$0x8050] =	vst v1  }
0x21: {  	[tilespmem:s18+$0x8060] =	vst v1;
	s19 =	simm.s32 $0x80;
	s18 =	sand.u32 $0x7F80, s17  }
.LBB2_4:
0x22: {  	p0 =	sne.s32 s19, $0x7F80;
	[tilespmem:s18+$0x10070] =	vst v1  }
0x23: {  	[tilespmem:s18+$0x10000] =	vst v1  }
0x24: {  	[tilespmem:s18+$0x10010] =	vst v1  }
.Ltmp1:
0x25: {  	[tilespmem:s18+$0x10020] =	vst v1;
	(pc) =	sbr.rel @p0 .LBB2_4-.Ltmp1, $4  }
0x26: {  	[tilespmem:s18+$0x10030] =	vst v1  }
0x27: {  	[tilespmem:s18+$0x10040] =	vst v1  }
0x28: {  	[tilespmem:s18+$0x10050] =	vst v1  }
0x29: {  	[tilespmem:s18+$0x10060] =	vst v1;
	s18 =	sand.u32 $0x7F80, s19;
	s19 =	sadd.s32 $0x80, s19  }
0x2a: {  	[tilespmem:s18+$0x10070] =	vst v1  }
0x2b: {  	[tilespmem:s18+$0x10000] =	vst v1  }
0x2c: {  	[tilespmem:s18+$0x10010] =	vst v1  }
0x2d: {  	[tilespmem:s18+$0x10020] =	vst v1  }
0x2e: {  	[tilespmem:s18+$0x10030] =	vst v1  }
0x2f: {  	[tilespmem:s18+$0x10040] =	vst v1  }
0x30: {  	[tilespmem:s18+$0x10050] =	vst v1  }
0x31: {  	[tilespmem:s18+$0x10060] =	vst v1  }
.LBB2_6:
0x32: {  	s20 =	sadd.s32 s7, s17  }
0x33: {  	s18 =	sshll.u32 s20, $0xC;
	s20 =	sshll.u32 s20, $0x6  }
0x34: {  	s19 =	simm.s32 $0x0;
	s21 =	sadd.s32 s3, s18;
	s20 =	sand.u32 $0x1F80, s20  }
0x35: {  	[tilespmem:s19], [sflag:$0x1] =	stream.linear.gather [hbm4b:s21+s19], $0x8000, $0x38;
	[tilespmem:$0x1B000] =	vst v63  }
0x36: {  	s30 =	sadd.s32 s1, s20  }
0x37: {  	[tilespmem:s11], [sflag:$0x1] =	stream.strided.gather [hbm4b:s30+s9], $0x1000, s10, s9, $0x38;
	[tilespmem:$0x1B000] =	vst v63  }
0x38: {  	s20 =	sadd.s32 s5, s20  }
0x39: {  	[tilespmem:s12], [sflag:$0x1] =	stream.strided.gather [hbm4b:s20+s9], $0x1000, s10, s9, $0x38;
	[tilespmem:$0x1B000] =	vst v63  }
0x3a: {  	_ =	swait.ge [sflag:s13], $0x8000  }
0x3b: {  	[sflag:s13] =	ssyncset.done $0x0  }
0x3c: {  	[sflag:s13] =	ssyncadd.s32 $0xFFFF8000  }
0x3d: {  	_ =	swait.ge [sflag:s13], $0x1000  }
0x3e: {  	[sflag:s13] =	ssyncset.done $0x0  }
0x3f: {  	[sflag:s13] =	ssyncadd.s32 $0xFFFFF000  }
0x40: {  	s31 =	sshll.u32 s17, $0x6;
	_ =	swait.ge [sflag:s13], $0x1000  }
0x41: {  	s20 =	sand.u32 $0x40, s31;
	[sflag:s13] =	ssyncset.done $0x0  }
0x42: {  	v8 =	vimm.f32 $0.0e+00;
	s21 =	simm.s32 $0x1A020;
	v6 =	vmov s20;
	v7 =	vor.u32 s20, v0;
	s20 =	simm.s32 $0x1A820;
	[sflag:s13] =	ssyncadd.s32 $0xFFFFF000  }
.LBB2_7:
0x43: {  	s22 =	sshll.u32 s19, $0x7  }
0x44: {  	v9 =	vor.u32 s22, v7;
	_ =	sdelay $0x4  }
0x45: {  	v10 =	vld.idx.msk [tilespmem:v9+s11+$0x0], $0xffff;
	_ =	sdelay $0x4  }
0x46: {  	v11 =	vshll.u32 v10, $0x3  }
0x47: {  	v12 =	vand.u32 $0x7F, v10;
	v11 =	vand.u32 $0xFFFFFC00, v11  }
0x48: {  	v11 =	vor.u32 v12, v11  }
0x49: {  	v11 =	vadd.s32 v2, v11;
	_ =	sdelay $0x4  }
0x4a: {  	v11 =	vld.idx.msk [tilespmem:v11+s2+$0x0], $0xffff;
	_ =	sdelay $0x4  }
0x4b: {  	v11 =	vsub.f32 $0.0e+00, v11;
	_ =	sdelay $0x1  }
0x4c: {  	v11 =	vmul.f32 $1.442695020e+00, v11;
	_ =	sdelay $0x1  }
0x4d: {  	(erf) = vpow2.f32 v11;
	_ =	sdelay $0x8  }
0x4e: {  	v11 =	vpop (erf)  }
0x4f: {  	v11 =	vadd.f32 $1.000000000e+00, v11;
	_ =	sdelay $0x1  }
0x50: {  	(erf) = vrcp.f32 v11;
	_ =	sdelay $0x1  }
0x51: {  	v11 =	vadd.s32 v3, v10;
	_ =	sdelay $0x2  }
0x52: {  	v9 =	vld.idx.msk [tilespmem:v9+s12+$0x0], $0xffff;
	_ =	sdelay $0x1  }
0x53: {  	v49 =	vld.idx.msk [tilespmem:v11+s14+$0x0], $0xffff;
	_ =	sdelay $0x1  }
0x54: {  	s23 =	sadd.s32 $0x80, s22;
	v13 =	vpop (erf)  }
0x55: {  	vm0 =	vle.f32 v9, v13;
	v9 =	vor.u32 s23, v7  }
0x56: {  	v13 =	vsel vm0, $0x3F800000, v1  }
0x57: {  	[tilespmem:v11+s14+$0x0] =	vst.idx.msk $0xffff, v13;
	v11 =	vsub.f32 v13, v49  }
0x58: {  	[tilespmem:s21+$0xFFFFFFE0] =	vst v10  }
0x59: {  	[tilespmem:s20+$0xFFFFFFE0] =	vst v11  }
0x5a: {  	v10 =	vld.idx.msk [tilespmem:v9+s11+$0x0], $0xffff;
	_ =	sdelay $0x4  }
0x5b: {  	v50 =	vshll.u32 v10, $0x3  }
0x5c: {  	v51 =	vand.u32 $0x7F, v10;
	v12 =	vand.u32 $0xFFFFFC00, v50  }
0x5d: {  	v12 =	vor.u32 v51, v12  }
0x5e: {  	v12 =	vadd.s32 v2, v12;
	_ =	sdelay $0x4  }
0x5f: {  	v12 =	vld.idx.msk [tilespmem:v12+s2+$0x0], $0xffff;
	_ =	sdelay $0x4  }
0x60: {  	v12 =	vsub.f32 $0.0e+00, v12;
	_ =	sdelay $0x1  }
0x61: {  	v12 =	vmul.f32 $1.442695020e+00, v12;
	_ =	sdelay $0x1  }
0x62: {  	(erf) = vpow2.f32 v12;
	_ =	sdelay $0x8  }
0x63: {  	v12 =	vpop (erf)  }
0x64: {  	v12 =	vadd.f32 $1.000000000e+00, v12;
	_ =	sdelay $0x1  }
0x65: {  	(erf) = vrcp.f32 v12;
	_ =	sdelay $0x1  }
0x66: {  	v52 =	vadd.s32 v3, v10;
	_ =	sdelay $0x2  }
0x67: {  	v9 =	vld.idx.msk [tilespmem:v9+s12+$0x0], $0xffff;
	_ =	sdelay $0x1  }
0x68: {  	v53 =	vld.idx.msk [tilespmem:v52+s14+$0x0], $0xffff;
	_ =	sdelay $0x1  }
0x69: {  	s31 =	sadd.s32 $0x100, s22;
	v14 =	vpop (erf)  }
0x6a: {  	vm13 =	vle.f32 v9, v14;
	v9 =	vor.u32 s31, v7  }
0x6b: {  	v14 =	vsel vm13, $0x3F800000, v1  }
0x6c: {  	[tilespmem:v52+s14+$0x0] =	vst.idx.msk $0xffff, v14;
	v54 =	vsub.f32 v14, v53  }
0x6d: {  	[tilespmem:s21+$0xFFFFFFF0] =	vst v10  }
0x6e: {  	[tilespmem:s20+$0xFFFFFFF0] =	vst v54  }
0x6f: {  	v10 =	vld.idx.msk [tilespmem:v9+s11+$0x0], $0xffff;
	_ =	sdelay $0x4  }
0x70: {  	v55 =	vshll.u32 v10, $0x3  }
0x71: {  	v56 =	vand.u32 $0x7F, v10;
	v13 =	vand.u32 $0xFFFFFC00, v55  }
0x72: {  	v13 =	vor.u32 v56, v13  }
0x73: {  	v13 =	vadd.s32 v2, v13;
	_ =	sdelay $0x4  }
0x74: {  	v13 =	vld.idx.msk [tilespmem:v13+s2+$0x0], $0xffff;
	_ =	sdelay $0x4  }
0x75: {  	v13 =	vsub.f32 $0.0e+00, v13;
	_ =	sdelay $0x1  }
0x76: {  	v13 =	vmul.f32 $1.442695020e+00, v13;
	_ =	sdelay $0x1  }
0x77: {  	(erf) = vpow2.f32 v13;
	_ =	sdelay $0x8  }
0x78: {  	v13 =	vpop (erf)  }
0x79: {  	v13 =	vadd.f32 $1.000000000e+00, v13;
	_ =	sdelay $0x1  }
0x7a: {  	(erf) = vrcp.f32 v13;
	_ =	sdelay $0x1  }
0x7b: {  	v57 =	vadd.s32 v3, v10;
	_ =	sdelay $0x2  }
0x7c: {  	v9 =	vld.idx.msk [tilespmem:v9+s12+$0x0], $0xffff;
	_ =	sdelay $0x1  }
0x7d: {  	v58 =	vld.idx.msk [tilespmem:v57+s14+$0x0], $0xffff;
	_ =	sdelay $0x1  }
0x7e: {  	s22 =	sadd.s32 $0x180, s22;
	v15 =	vpop (erf)  }
0x7f: {  	vm14 =	vle.f32 v9, v15;
	v9 =	vor.u32 s22, v7  }
0x80: {  	v15 =	vsel vm14, $0x3F800000, v1  }
0x81: {  	[tilespmem:v57+s14+$0x0] =	vst.idx.msk $0xffff, v15;
	v59 =	vsub.f32 v15, v58  }
0x82: {  	[tilespmem:s21+$0x0] =	vst v10  }
0x83: {  	[tilespmem:s20+$0x0] =	vst v59  }
0x84: {  	v10 =	vld.idx.msk [tilespmem:v9+s11+$0x0], $0xffff;
	_ =	sdelay $0x4  }
0x85: {  	v60 =	vshll.u32 v10, $0x3  }
0x86: {  	v61 =	vand.u32 $0x7F, v10;
	v14 =	vand.u32 $0xFFFFFC00, v60  }
0x87: {  	v14 =	vor.u32 v61, v14  }
0x88: {  	v14 =	vadd.s32 v2, v14;
	_ =	sdelay $0x4  }
0x89: {  	v14 =	vld.idx.msk [tilespmem:v14+s2+$0x0], $0xffff;
	_ =	sdelay $0x4  }
0x8a: {  	v14 =	vsub.f32 $0.0e+00, v14;
	_ =	sdelay $0x1  }
0x8b: {  	v14 =	vmul.f32 $1.442695020e+00, v14;
	_ =	sdelay $0x1  }
0x8c: {  	(erf) = vpow2.f32 v14;
	_ =	sdelay $0x8  }
0x8d: {  	v14 =	vpop (erf)  }
0x8e: {  	v14 =	vadd.f32 $1.000000000e+00, v14;
	_ =	sdelay $0x1  }
0x8f: {  	(erf) = vrcp.f32 v14;
	_ =	sdelay $0x1  }
0x90: {  	v62 =	vadd.s32 v3, v10;
	_ =	sdelay $0x2  }
0x91: {  	v9 =	vld.idx.msk [tilespmem:v9+s12+$0x0], $0xffff;
	_ =	sdelay $0x1  }
0x92: {  	v63 =	vld.idx.msk [tilespmem:v62+s14+$0x0], $0xffff  }
0x93: {  	v8 =	vadd.f32 v11, v8  }
0x94: {  	p0 =	sne.s32 s19, $0x1C;
	v11 =	vpop (erf)  }
.Ltmp2:
0x95: {  	v8 =	vadd.f32 v54, v8;
	vm15 =	vle.f32 v9, v11;
	(pc) =	sbr.rel @p0 .LBB2_7-.Ltmp2, $4  }
0x96: {  	v9 =	vsel vm15, $0x3F800000, v1  }
0x97: {  	v8 =	vadd.f32 v59, v8;
	[tilespmem:v62+s14+$0x0] =	vst.idx.msk $0xffff, v9;
	v9 =	vsub.f32 v9, v63  }
0x98: {  	[tilespmem:s21+$0x10] =	vst v10  }
0x99: {  	s19 =	sadd.s32 $0x4, s19;
	s21 =	sadd.s32 $0x40, s21;
	[tilespmem:s20+$0x10] =	vst v9;
	v8 =	vadd.f32 v9, v8;
	s20 =	sadd.s32 $0x40, s20  }
0x9a: {  	_ = 	snop  }
0x9b: {  	v7 =	vmax.f32 v8, $1.000000000e+00  }
0x9c: {  	(erf) = vrcp.f32 v7;
	_ =	sdelay $0x8  }
0x9d: {  	v7 =	vpop (erf)  }
0x9e: {  	s19 =	simm.s32 $0x0;
	v7 =	vmul.f32 $2.500000000e-01, v7  }
.LBB2_9:
0x9f: {  	s20 =	sshra.s32 s19, $0x2  }
0xa0: {  	v8 =	vld [tilespmem:s20+$0x1A000];
	_ =	sdelay $0x4  }
0xa1: {  	v9 =	vshll.u32 v8, $0x3  }
0xa2: {  	v10 =	vld [tilespmem:s20+$0x1A800];
	v11 =	vand.u32 $0x7F, v8;
	v9 =	vand.u32 $0xFFFFFC00, v9  }
0xa3: {  	v9 =	vor.u32 v11, v9  }
0xa4: {  	v9 =	vadd.s32 v2, v9  }
0xa5: {  	v8 =	vadd.s32 v3, v8;
	_ =	sdelay $0x1  }
0xa6: {  	v10 =	vmul.f32 v10, v7;
	_ =	sdelay $0x1  }
0xa7: {  	[tilespmem:v9+s10+$0x0] =	vst.idx.add.f32.msk $0xffff, v10  }
0xa8: {  	[tilespmem:v8+s14+$0x0] =	vst.idx.msk $0xffff, v1  }
0xa9: {  	v8 =	vld [tilespmem:s20+$0x1A010];
	_ =	sdelay $0x4  }
0xaa: {  	v58 =	vshll.u32 v8, $0x3  }
0xab: {  	v10 =	vld [tilespmem:s20+$0x1A810];
	v59 =	vand.u32 $0x7F, v8;
	v9 =	vand.u32 $0xFFFFFC00, v58  }
0xac: {  	v9 =	vor.u32 v59, v9  }
0xad: {  	v9 =	vadd.s32 v2, v9  }
0xae: {  	v8 =	vadd.s32 v3, v8;
	_ =	sdelay $0x1  }
0xaf: {  	v10 =	vmul.f32 v10, v7;
	_ =	sdelay $0x1  }
0xb0: {  	[tilespmem:v9+s10+$0x0] =	vst.idx.add.f32.msk $0xffff, v10  }
0xb1: {  	[tilespmem:v8+s14+$0x0] =	vst.idx.msk $0xffff, v1  }
0xb2: {  	v8 =	vld [tilespmem:s20+$0x1A020];
	_ =	sdelay $0x4  }
0xb3: {  	v60 =	vshll.u32 v8, $0x3  }
0xb4: {  	v10 =	vld [tilespmem:s20+$0x1A820];
	v61 =	vand.u32 $0x7F, v8;
	v9 =	vand.u32 $0xFFFFFC00, v60  }
0xb5: {  	v9 =	vor.u32 v61, v9  }
0xb6: {  	v9 =	vadd.s32 v2, v9  }
0xb7: {  	v8 =	vadd.s32 v3, v8;
	_ =	sdelay $0x1  }
0xb8: {  	v10 =	vmul.f32 v10, v7;
	_ =	sdelay $0x1  }
0xb9: {  	[tilespmem:v9+s10+$0x0] =	vst.idx.add.f32.msk $0xffff, v10  }
0xba: {  	[tilespmem:v8+s14+$0x0] =	vst.idx.msk $0xffff, v1  }
0xbb: {  	v8 =	vld [tilespmem:s20+$0x1A030];
	_ =	sdelay $0x4  }
0xbc: {  	v62 =	vshll.u32 v8, $0x3  }
0xbd: {  	v10 =	vld [tilespmem:s20+$0x1A830];
	v63 =	vand.u32 $0x7F, v8;
	v9 =	vand.u32 $0xFFFFFC00, v62  }
0xbe: {  	v9 =	vor.u32 v63, v9  }
0xbf: {  	v9 =	vadd.s32 v2, v9  }
0xc0: {  	p0 =	sne.s32 s19, $0x700;
	v8 =	vadd.s32 v3, v8  }
.Ltmp3:
0xc1: {  	_ = 	snop;
	(pc) =	sbr.rel @p0 .LBB2_9-.Ltmp3, $3  }
0xc2: {  	v10 =	vmul.f32 v10, v7;
	_ =	sdelay $0x1  }
0xc3: {  	[tilespmem:v9+s10+$0x0] =	vst.idx.add.f32.msk $0xffff, v10  }
0xc4: {  	s19 =	sadd.s32 $0x100, s19;
	[tilespmem:v8+s14+$0x0] =	vst.idx.msk $0xffff, v1  }
0xc5: {  	v7 =	vor.u32 v4, v6;
	v8 =	vimm.f32 $0.0e+00;
	s19 =	simm.s32 $0x0;
	s20 =	simm.s32 $0x1A230;
	s21 =	simm.s32 $0x1AA30  }
.LBB2_11:
0xc6: {  	s22 =	sshll.u32 s19, $0x7  }
0xc7: {  	v9 =	vor.u32 s22, v7;
	_ =	sdelay $0x4  }
0xc8: {  	v10 =	vld.idx.msk [tilespmem:v9+s11+$0x0], $0xffff;
	_ =	sdelay $0x4  }
0xc9: {  	v11 =	vshll.u32 v10, $0x3  }
0xca: {  	v12 =	vand.u32 $0x7F, v10;
	v11 =	vand.u32 $0xFFFFFC00, v11  }
0xcb: {  	v11 =	vor.u32 v12, v11  }
0xcc: {  	v11 =	vadd.s32 v2, v11;
	_ =	sdelay $0x4  }
0xcd: {  	v11 =	vld.idx.msk [tilespmem:v11+s2+$0x0], $0xffff;
	_ =	sdelay $0x4  }
0xce: {  	v11 =	vsub.f32 $0.0e+00, v11;
	_ =	sdelay $0x1  }
0xcf: {  	v11 =	vmul.f32 $1.442695020e+00, v11;
	_ =	sdelay $0x1  }
0xd0: {  	(erf) = vpow2.f32 v11;
	_ =	sdelay $0x8  }
0xd1: {  	v11 =	vpop (erf)  }
0xd2: {  	v11 =	vadd.f32 $1.000000000e+00, v11;
	_ =	sdelay $0x1  }
0xd3: {  	(erf) = vrcp.f32 v11;
	_ =	sdelay $0x1  }
0xd4: {  	v11 =	vadd.s32 v3, v10;
	_ =	sdelay $0x2  }
0xd5: {  	v9 =	vld.idx.msk [tilespmem:v9+s12+$0x0], $0xffff;
	_ =	sdelay $0x1  }
0xd6: {  	v49 =	vld.idx.msk [tilespmem:v11+s14+$0x0], $0xffff;
	_ =	sdelay $0x1  }
0xd7: {  	s23 =	sadd.s32 $0x80, s22;
	v13 =	vpop (erf)  }
0xd8: {  	vm0 =	vle.f32 v9, v13;
	v9 =	vor.u32 s23, v7  }
0xd9: {  	v13 =	vsel vm0, $0x3F800000, v1  }
0xda: {  	[tilespmem:v11+s14+$0x0] =	vst.idx.msk $0xffff, v13;
	v11 =	vsub.f32 v13, v49  }
0xdb: {  	[tilespmem:s20+$0xFFFFFFD0] =	vst v10  }
0xdc: {  	[tilespmem:s21+$0xFFFFFFD0] =	vst v11  }
0xdd: {  	v10 =	vld.idx.msk [tilespmem:v9+s11+$0x0], $0xffff;
	_ =	sdelay $0x4  }
0xde: {  	v50 =	vshll.u32 v10, $0x3  }
0xdf: {  	v51 =	vand.u32 $0x7F, v10;
	v12 =	vand.u32 $0xFFFFFC00, v50  }
0xe0: {  	v12 =	vor.u32 v51, v12  }
0xe1: {  	v12 =	vadd.s32 v2, v12;
	_ =	sdelay $0x4  }
0xe2: {  	v12 =	vld.idx.msk [tilespmem:v12+s2+$0x0], $0xffff;
	_ =	sdelay $0x4  }
0xe3: {  	v12 =	vsub.f32 $0.0e+00, v12;
	_ =	sdelay $0x1  }
0xe4: {  	v12 =	vmul.f32 $1.442695020e+00, v12;
	_ =	sdelay $0x1  }
0xe5: {  	(erf) = vpow2.f32 v12;
	_ =	sdelay $0x8  }
0xe6: {  	v12 =	vpop (erf)  }
0xe7: {  	v12 =	vadd.f32 $1.000000000e+00, v12;
	_ =	sdelay $0x1  }
0xe8: {  	(erf) = vrcp.f32 v12;
	_ =	sdelay $0x1  }
0xe9: {  	v52 =	vadd.s32 v3, v10;
	_ =	sdelay $0x2  }
0xea: {  	v9 =	vld.idx.msk [tilespmem:v9+s12+$0x0], $0xffff;
	_ =	sdelay $0x1  }
0xeb: {  	v53 =	vld.idx.msk [tilespmem:v52+s14+$0x0], $0xffff;
	_ =	sdelay $0x1  }
0xec: {  	s31 =	sadd.s32 $0x100, s22;
	v14 =	vpop (erf)  }
0xed: {  	vm13 =	vle.f32 v9, v14;
	v9 =	vor.u32 s31, v7  }
0xee: {  	v14 =	vsel vm13, $0x3F800000, v1  }
0xef: {  	[tilespmem:v52+s14+$0x0] =	vst.idx.msk $0xffff, v14;
	v54 =	vsub.f32 v14, v53  }
0xf0: {  	[tilespmem:s20+$0xFFFFFFE0] =	vst v10  }
0xf1: {  	[tilespmem:s21+$0xFFFFFFE0] =	vst v54  }
0xf2: {  	v10 =	vld.idx.msk [tilespmem:v9+s11+$0x0], $0xffff;
	_ =	sdelay $0x4  }
0xf3: {  	v55 =	vshll.u32 v10, $0x3  }
0xf4: {  	v56 =	vand.u32 $0x7F, v10;
	v13 =	vand.u32 $0xFFFFFC00, v55  }
0xf5: {  	v13 =	vor.u32 v56, v13  }
0xf6: {  	v13 =	vadd.s32 v2, v13;
	_ =	sdelay $0x4  }
0xf7: {  	v13 =	vld.idx.msk [tilespmem:v13+s2+$0x0], $0xffff;
	_ =	sdelay $0x4  }
0xf8: {  	v13 =	vsub.f32 $0.0e+00, v13;
	_ =	sdelay $0x1  }
0xf9: {  	v13 =	vmul.f32 $1.442695020e+00, v13;
	_ =	sdelay $0x1  }
0xfa: {  	(erf) = vpow2.f32 v13;
	_ =	sdelay $0x8  }
0xfb: {  	v13 =	vpop (erf)  }
0xfc: {  	v13 =	vadd.f32 $1.000000000e+00, v13;
	_ =	sdelay $0x1  }
0xfd: {  	(erf) = vrcp.f32 v13;
	_ =	sdelay $0x1  }
0xfe: {  	v57 =	vadd.s32 v3, v10;
	_ =	sdelay $0x2  }
0xff: {  	v9 =	vld.idx.msk [tilespmem:v9+s12+$0x0], $0xffff;
	_ =	sdelay $0x1  }
0x100: {  	v58 =	vld.idx.msk [tilespmem:v57+s14+$0x0], $0xffff;
	_ =	sdelay $0x1  }
0x101: {  	s22 =	sadd.s32 $0x180, s22;
	v15 =	vpop (erf)  }
0x102: {  	vm14 =	vle.f32 v9, v15;
	v9 =	vor.u32 s22, v7  }
0x103: {  	v15 =	vsel vm14, $0x3F800000, v1  }
0x104: {  	[tilespmem:v57+s14+$0x0] =	vst.idx.msk $0xffff, v15;
	v59 =	vsub.f32 v15, v58  }
0x105: {  	[tilespmem:s20+$0xFFFFFFF0] =	vst v10  }
0x106: {  	[tilespmem:s21+$0xFFFFFFF0] =	vst v59  }
0x107: {  	v10 =	vld.idx.msk [tilespmem:v9+s11+$0x0], $0xffff;
	_ =	sdelay $0x4  }
0x108: {  	v60 =	vshll.u32 v10, $0x3  }
0x109: {  	v61 =	vand.u32 $0x7F, v10;
	v14 =	vand.u32 $0xFFFFFC00, v60  }
0x10a: {  	v14 =	vor.u32 v61, v14  }
0x10b: {  	v14 =	vadd.s32 v2, v14;
	_ =	sdelay $0x4  }
0x10c: {  	v14 =	vld.idx.msk [tilespmem:v14+s2+$0x0], $0xffff;
	_ =	sdelay $0x4  }
0x10d: {  	v14 =	vsub.f32 $0.0e+00, v14;
	_ =	sdelay $0x1  }
0x10e: {  	v14 =	vmul.f32 $1.442695020e+00, v14;
	_ =	sdelay $0x1  }
0x10f: {  	(erf) = vpow2.f32 v14;
	_ =	sdelay $0x8  }
0x110: {  	v14 =	vpop (erf)  }
0x111: {  	v14 =	vadd.f32 $1.000000000e+00, v14;
	_ =	sdelay $0x1  }
0x112: {  	(erf) = vrcp.f32 v14;
	_ =	sdelay $0x1  }
0x113: {  	v62 =	vadd.s32 v3, v10;
	_ =	sdelay $0x2  }
0x114: {  	v9 =	vld.idx.msk [tilespmem:v9+s12+$0x0], $0xffff;
	_ =	sdelay $0x1  }
0x115: {  	v63 =	vld.idx.msk [tilespmem:v62+s14+$0x0], $0xffff  }
0x116: {  	v8 =	vadd.f32 v11, v8  }
0x117: {  	p0 =	sne.s32 s19, $0x1C;
	v11 =	vpop (erf)  }
.Ltmp4:
0x118: {  	v8 =	vadd.f32 v54, v8;
	vm15 =	vle.f32 v9, v11;
	(pc) =	sbr.rel @p0 .LBB2_11-.Ltmp4, $4  }
0x119: {  	v9 =	vsel vm15, $0x3F800000, v1  }
0x11a: {  	v8 =	vadd.f32 v59, v8;
	[tilespmem:v62+s14+$0x0] =	vst.idx.msk $0xffff, v9;
	v9 =	vsub.f32 v9, v63  }
0x11b: {  	[tilespmem:s20+$0x0] =	vst v10  }
0x11c: {  	s19 =	sadd.s32 $0x4, s19;
	s20 =	sadd.s32 $0x40, s20;
	[tilespmem:s21+$0x0] =	vst v9;
	v8 =	vadd.f32 v9, v8;
	s21 =	sadd.s32 $0x40, s21  }
0x11d: {  	_ = 	snop  }
0x11e: {  	v7 =	vmax.f32 v8, $1.000000000e+00  }
0x11f: {  	(erf) = vrcp.f32 v7;
	_ =	sdelay $0x8  }
0x120: {  	v7 =	vpop (erf)  }
0x121: {  	s19 =	simm.s32 $0x0;
	v7 =	vmul.f32 $2.500000000e-01, v7  }
.LBB2_13:
0x122: {  	s20 =	sshra.s32 s19, $0x2  }
0x123: {  	v8 =	vld [tilespmem:s20+$0x1A200];
	_ =	sdelay $0x4  }
0x124: {  	v9 =	vshll.u32 v8, $0x3  }
0x125: {  	v10 =	vld [tilespmem:s20+$0x1AA00];
	v11 =	vand.u32 $0x7F, v8;
	v9 =	vand.u32 $0xFFFFFC00, v9  }
0x126: {  	v9 =	vor.u32 v11, v9  }
0x127: {  	v9 =	vadd.s32 v2, v9  }
0x128: {  	v8 =	vadd.s32 v3, v8;
	_ =	sdelay $0x1  }
0x129: {  	v10 =	vmul.f32 v10, v7;
	_ =	sdelay $0x1  }
0x12a: {  	[tilespmem:v9+s10+$0x0] =	vst.idx.add.f32.msk $0xffff, v10  }
0x12b: {  	[tilespmem:v8+s14+$0x0] =	vst.idx.msk $0xffff, v1  }
0x12c: {  	v8 =	vld [tilespmem:s20+$0x1A210];
	_ =	sdelay $0x4  }
0x12d: {  	v58 =	vshll.u32 v8, $0x3  }
0x12e: {  	v10 =	vld [tilespmem:s20+$0x1AA10];
	v59 =	vand.u32 $0x7F, v8;
	v9 =	vand.u32 $0xFFFFFC00, v58  }
0x12f: {  	v9 =	vor.u32 v59, v9  }
0x130: {  	v9 =	vadd.s32 v2, v9  }
0x131: {  	v8 =	vadd.s32 v3, v8;
	_ =	sdelay $0x1  }
0x132: {  	v10 =	vmul.f32 v10, v7;
	_ =	sdelay $0x1  }
0x133: {  	[tilespmem:v9+s10+$0x0] =	vst.idx.add.f32.msk $0xffff, v10  }
0x134: {  	[tilespmem:v8+s14+$0x0] =	vst.idx.msk $0xffff, v1  }
0x135: {  	v8 =	vld [tilespmem:s20+$0x1A220];
	_ =	sdelay $0x4  }
0x136: {  	v60 =	vshll.u32 v8, $0x3  }
0x137: {  	v10 =	vld [tilespmem:s20+$0x1AA20];
	v61 =	vand.u32 $0x7F, v8;
	v9 =	vand.u32 $0xFFFFFC00, v60  }
0x138: {  	v9 =	vor.u32 v61, v9  }
0x139: {  	v9 =	vadd.s32 v2, v9  }
0x13a: {  	v8 =	vadd.s32 v3, v8;
	_ =	sdelay $0x1  }
0x13b: {  	v10 =	vmul.f32 v10, v7;
	_ =	sdelay $0x1  }
0x13c: {  	[tilespmem:v9+s10+$0x0] =	vst.idx.add.f32.msk $0xffff, v10  }
0x13d: {  	[tilespmem:v8+s14+$0x0] =	vst.idx.msk $0xffff, v1  }
0x13e: {  	v8 =	vld [tilespmem:s20+$0x1A230];
	_ =	sdelay $0x4  }
0x13f: {  	v62 =	vshll.u32 v8, $0x3  }
0x140: {  	v10 =	vld [tilespmem:s20+$0x1AA30];
	v63 =	vand.u32 $0x7F, v8;
	v9 =	vand.u32 $0xFFFFFC00, v62  }
0x141: {  	v9 =	vor.u32 v63, v9  }
0x142: {  	v9 =	vadd.s32 v2, v9  }
0x143: {  	p0 =	sne.s32 s19, $0x700;
	v8 =	vadd.s32 v3, v8  }
.Ltmp5:
0x144: {  	_ = 	snop;
	(pc) =	sbr.rel @p0 .LBB2_13-.Ltmp5, $3  }
0x145: {  	v10 =	vmul.f32 v10, v7;
	_ =	sdelay $0x1  }
0x146: {  	[tilespmem:v9+s10+$0x0] =	vst.idx.add.f32.msk $0xffff, v10  }
0x147: {  	s19 =	sadd.s32 $0x100, s19;
	[tilespmem:v8+s14+$0x0] =	vst.idx.msk $0xffff, v1  }
0x148: {  	v7 =	vor.u32 v5, v6;
	v8 =	vimm.f32 $0.0e+00;
	s19 =	simm.s32 $0x0;
	s20 =	simm.s32 $0x1A430;
	s21 =	simm.s32 $0x1AC30  }
.LBB2_15:
0x149: {  	s22 =	sshll.u32 s19, $0x7  }
0x14a: {  	v9 =	vor.u32 s22, v7;
	_ =	sdelay $0x4  }
0x14b: {  	v10 =	vld.idx.msk [tilespmem:v9+s11+$0x0], $0xffff;
	_ =	sdelay $0x4  }
0x14c: {  	v11 =	vshll.u32 v10, $0x3  }
0x14d: {  	v12 =	vand.u32 $0x7F, v10;
	v11 =	vand.u32 $0xFFFFFC00, v11  }
0x14e: {  	v11 =	vor.u32 v12, v11  }
0x14f: {  	v11 =	vadd.s32 v2, v11;
	_ =	sdelay $0x4  }
0x150: {  	v11 =	vld.idx.msk [tilespmem:v11+s2+$0x0], $0xffff;
	_ =	sdelay $0x4  }
0x151: {  	v11 =	vsub.f32 $0.0e+00, v11;
	_ =	sdelay $0x1  }
0x152: {  	v11 =	vmul.f32 $1.442695020e+00, v11;
	_ =	sdelay $0x1  }
0x153: {  	(erf) = vpow2.f32 v11;
	_ =	sdelay $0x8  }
0x154: {  	v11 =	vpop (erf)  }
0x155: {  	v11 =	vadd.f32 $1.000000000e+00, v11;
	_ =	sdelay $0x1  }
0x156: {  	(erf) = vrcp.f32 v11;
	_ =	sdelay $0x1  }
0x157: {  	v11 =	vadd.s32 v3, v10;
	_ =	sdelay $0x2  }
0x158: {  	v9 =	vld.idx.msk [tilespmem:v9+s12+$0x0], $0xffff;
	_ =	sdelay $0x1  }
0x159: {  	v49 =	vld.idx.msk [tilespmem:v11+s14+$0x0], $0xffff;
	_ =	sdelay $0x1  }
0x15a: {  	s23 =	sadd.s32 $0x80, s22;
	v13 =	vpop (erf)  }
0x15b: {  	vm0 =	vle.f32 v9, v13;
	v9 =	vor.u32 s23, v7  }
0x15c: {  	v13 =	vsel vm0, $0x3F800000, v1  }
0x15d: {  	[tilespmem:v11+s14+$0x0] =	vst.idx.msk $0xffff, v13;
	v11 =	vsub.f32 v13, v49  }
0x15e: {  	[tilespmem:s20+$0xFFFFFFD0] =	vst v10  }
0x15f: {  	[tilespmem:s21+$0xFFFFFFD0] =	vst v11  }
0x160: {  	v10 =	vld.idx.msk [tilespmem:v9+s11+$0x0], $0xffff;
	_ =	sdelay $0x4  }
0x161: {  	v50 =	vshll.u32 v10, $0x3  }
0x162: {  	v51 =	vand.u32 $0x7F, v10;
	v12 =	vand.u32 $0xFFFFFC00, v50  }
0x163: {  	v12 =	vor.u32 v51, v12  }
0x164: {  	v12 =	vadd.s32 v2, v12;
	_ =	sdelay $0x4  }
0x165: {  	v12 =	vld.idx.msk [tilespmem:v12+s2+$0x0], $0xffff;
	_ =	sdelay $0x4  }
0x166: {  	v12 =	vsub.f32 $0.0e+00, v12;
	_ =	sdelay $0x1  }
0x167: {  	v12 =	vmul.f32 $1.442695020e+00, v12;
	_ =	sdelay $0x1  }
0x168: {  	(erf) = vpow2.f32 v12;
	_ =	sdelay $0x8  }
0x169: {  	v12 =	vpop (erf)  }
0x16a: {  	v12 =	vadd.f32 $1.000000000e+00, v12;
	_ =	sdelay $0x1  }
0x16b: {  	(erf) = vrcp.f32 v12;
	_ =	sdelay $0x1  }
0x16c: {  	v52 =	vadd.s32 v3, v10;
	_ =	sdelay $0x2  }
0x16d: {  	v9 =	vld.idx.msk [tilespmem:v9+s12+$0x0], $0xffff;
	_ =	sdelay $0x1  }
0x16e: {  	v53 =	vld.idx.msk [tilespmem:v52+s14+$0x0], $0xffff;
	_ =	sdelay $0x1  }
0x16f: {  	s31 =	sadd.s32 $0x100, s22;
	v14 =	vpop (erf)  }
0x170: {  	vm13 =	vle.f32 v9, v14;
	v9 =	vor.u32 s31, v7  }
0x171: {  	v14 =	vsel vm13, $0x3F800000, v1  }
0x172: {  	[tilespmem:v52+s14+$0x0] =	vst.idx.msk $0xffff, v14;
	v54 =	vsub.f32 v14, v53  }
0x173: {  	[tilespmem:s20+$0xFFFFFFE0] =	vst v10  }
0x174: {  	[tilespmem:s21+$0xFFFFFFE0] =	vst v54  }
0x175: {  	v10 =	vld.idx.msk [tilespmem:v9+s11+$0x0], $0xffff;
	_ =	sdelay $0x4  }
0x176: {  	v55 =	vshll.u32 v10, $0x3  }
0x177: {  	v56 =	vand.u32 $0x7F, v10;
	v13 =	vand.u32 $0xFFFFFC00, v55  }
0x178: {  	v13 =	vor.u32 v56, v13  }
0x179: {  	v13 =	vadd.s32 v2, v13;
	_ =	sdelay $0x4  }
0x17a: {  	v13 =	vld.idx.msk [tilespmem:v13+s2+$0x0], $0xffff;
	_ =	sdelay $0x4  }
0x17b: {  	v13 =	vsub.f32 $0.0e+00, v13;
	_ =	sdelay $0x1  }
0x17c: {  	v13 =	vmul.f32 $1.442695020e+00, v13;
	_ =	sdelay $0x1  }
0x17d: {  	(erf) = vpow2.f32 v13;
	_ =	sdelay $0x8  }
0x17e: {  	v13 =	vpop (erf)  }
0x17f: {  	v13 =	vadd.f32 $1.000000000e+00, v13;
	_ =	sdelay $0x1  }
0x180: {  	(erf) = vrcp.f32 v13;
	_ =	sdelay $0x1  }
0x181: {  	v57 =	vadd.s32 v3, v10;
	_ =	sdelay $0x2  }
0x182: {  	v9 =	vld.idx.msk [tilespmem:v9+s12+$0x0], $0xffff;
	_ =	sdelay $0x1  }
0x183: {  	v58 =	vld.idx.msk [tilespmem:v57+s14+$0x0], $0xffff;
	_ =	sdelay $0x1  }
0x184: {  	s22 =	sadd.s32 $0x180, s22;
	v15 =	vpop (erf)  }
0x185: {  	vm14 =	vle.f32 v9, v15;
	v9 =	vor.u32 s22, v7  }
0x186: {  	v15 =	vsel vm14, $0x3F800000, v1  }
0x187: {  	[tilespmem:v57+s14+$0x0] =	vst.idx.msk $0xffff, v15;
	v59 =	vsub.f32 v15, v58  }
0x188: {  	[tilespmem:s20+$0xFFFFFFF0] =	vst v10  }
0x189: {  	[tilespmem:s21+$0xFFFFFFF0] =	vst v59  }
0x18a: {  	v10 =	vld.idx.msk [tilespmem:v9+s11+$0x0], $0xffff;
	_ =	sdelay $0x4  }
0x18b: {  	v60 =	vshll.u32 v10, $0x3  }
0x18c: {  	v61 =	vand.u32 $0x7F, v10;
	v14 =	vand.u32 $0xFFFFFC00, v60  }
0x18d: {  	v14 =	vor.u32 v61, v14  }
0x18e: {  	v14 =	vadd.s32 v2, v14;
	_ =	sdelay $0x4  }
0x18f: {  	v14 =	vld.idx.msk [tilespmem:v14+s2+$0x0], $0xffff;
	_ =	sdelay $0x4  }
0x190: {  	v14 =	vsub.f32 $0.0e+00, v14;
	_ =	sdelay $0x1  }
0x191: {  	v14 =	vmul.f32 $1.442695020e+00, v14;
	_ =	sdelay $0x1  }
0x192: {  	(erf) = vpow2.f32 v14;
	_ =	sdelay $0x8  }
0x193: {  	v14 =	vpop (erf)  }
0x194: {  	v14 =	vadd.f32 $1.000000000e+00, v14;
	_ =	sdelay $0x1  }
0x195: {  	(erf) = vrcp.f32 v14;
	_ =	sdelay $0x1  }
0x196: {  	v62 =	vadd.s32 v3, v10;
	_ =	sdelay $0x2  }
0x197: {  	v9 =	vld.idx.msk [tilespmem:v9+s12+$0x0], $0xffff;
	_ =	sdelay $0x1  }
0x198: {  	v63 =	vld.idx.msk [tilespmem:v62+s14+$0x0], $0xffff  }
0x199: {  	v8 =	vadd.f32 v11, v8  }
0x19a: {  	p0 =	sne.s32 s19, $0x1C;
	v11 =	vpop (erf)  }
.Ltmp6:
0x19b: {  	v8 =	vadd.f32 v54, v8;
	vm15 =	vle.f32 v9, v11;
	(pc) =	sbr.rel @p0 .LBB2_15-.Ltmp6, $4  }
0x19c: {  	v9 =	vsel vm15, $0x3F800000, v1  }
0x19d: {  	v8 =	vadd.f32 v59, v8;
	[tilespmem:v62+s14+$0x0] =	vst.idx.msk $0xffff, v9;
	v9 =	vsub.f32 v9, v63  }
0x19e: {  	[tilespmem:s20+$0x0] =	vst v10  }
0x19f: {  	s19 =	sadd.s32 $0x4, s19;
	s20 =	sadd.s32 $0x40, s20;
	[tilespmem:s21+$0x0] =	vst v9;
	v8 =	vadd.f32 v9, v8;
	s21 =	sadd.s32 $0x40, s21  }
0x1a0: {  	_ = 	snop  }
0x1a1: {  	v7 =	vmax.f32 v8, $1.000000000e+00  }
0x1a2: {  	(erf) = vrcp.f32 v7;
	_ =	sdelay $0x8  }
0x1a3: {  	v7 =	vpop (erf)  }
0x1a4: {  	s19 =	simm.s32 $0x0;
	v7 =	vmul.f32 $2.500000000e-01, v7  }
.LBB2_17:
0x1a5: {  	s20 =	sshra.s32 s19, $0x2  }
0x1a6: {  	v8 =	vld [tilespmem:s20+$0x1A400];
	_ =	sdelay $0x4  }
0x1a7: {  	v9 =	vshll.u32 v8, $0x3  }
0x1a8: {  	v10 =	vld [tilespmem:s20+$0x1AC00];
	v11 =	vand.u32 $0x7F, v8;
	v9 =	vand.u32 $0xFFFFFC00, v9  }
0x1a9: {  	v9 =	vor.u32 v11, v9  }
0x1aa: {  	v9 =	vadd.s32 v2, v9  }
0x1ab: {  	v8 =	vadd.s32 v3, v8;
	_ =	sdelay $0x1  }
0x1ac: {  	v10 =	vmul.f32 v10, v7;
	_ =	sdelay $0x1  }
0x1ad: {  	[tilespmem:v9+s10+$0x0] =	vst.idx.add.f32.msk $0xffff, v10  }
0x1ae: {  	[tilespmem:v8+s14+$0x0] =	vst.idx.msk $0xffff, v1  }
0x1af: {  	v8 =	vld [tilespmem:s20+$0x1A410];
	_ =	sdelay $0x4  }
0x1b0: {  	v58 =	vshll.u32 v8, $0x3  }
0x1b1: {  	v10 =	vld [tilespmem:s20+$0x1AC10];
	v59 =	vand.u32 $0x7F, v8;
	v9 =	vand.u32 $0xFFFFFC00, v58  }
0x1b2: {  	v9 =	vor.u32 v59, v9  }
0x1b3: {  	v9 =	vadd.s32 v2, v9  }
0x1b4: {  	v8 =	vadd.s32 v3, v8;
	_ =	sdelay $0x1  }
0x1b5: {  	v10 =	vmul.f32 v10, v7;
	_ =	sdelay $0x1  }
0x1b6: {  	[tilespmem:v9+s10+$0x0] =	vst.idx.add.f32.msk $0xffff, v10  }
0x1b7: {  	[tilespmem:v8+s14+$0x0] =	vst.idx.msk $0xffff, v1  }
0x1b8: {  	v8 =	vld [tilespmem:s20+$0x1A420];
	_ =	sdelay $0x4  }
0x1b9: {  	v60 =	vshll.u32 v8, $0x3  }
0x1ba: {  	v10 =	vld [tilespmem:s20+$0x1AC20];
	v61 =	vand.u32 $0x7F, v8;
	v9 =	vand.u32 $0xFFFFFC00, v60  }
0x1bb: {  	v9 =	vor.u32 v61, v9  }
0x1bc: {  	v9 =	vadd.s32 v2, v9  }
0x1bd: {  	v8 =	vadd.s32 v3, v8;
	_ =	sdelay $0x1  }
0x1be: {  	v10 =	vmul.f32 v10, v7;
	_ =	sdelay $0x1  }
0x1bf: {  	[tilespmem:v9+s10+$0x0] =	vst.idx.add.f32.msk $0xffff, v10  }
0x1c0: {  	[tilespmem:v8+s14+$0x0] =	vst.idx.msk $0xffff, v1  }
0x1c1: {  	v8 =	vld [tilespmem:s20+$0x1A430];
	_ =	sdelay $0x4  }
0x1c2: {  	v62 =	vshll.u32 v8, $0x3  }
0x1c3: {  	v10 =	vld [tilespmem:s20+$0x1AC30];
	v63 =	vand.u32 $0x7F, v8;
	v9 =	vand.u32 $0xFFFFFC00, v62  }
0x1c4: {  	v9 =	vor.u32 v63, v9  }
0x1c5: {  	v9 =	vadd.s32 v2, v9  }
0x1c6: {  	p0 =	sne.s32 s19, $0x700;
	v8 =	vadd.s32 v3, v8  }
.Ltmp7:
0x1c7: {  	_ = 	snop;
	(pc) =	sbr.rel @p0 .LBB2_17-.Ltmp7, $3  }
0x1c8: {  	v10 =	vmul.f32 v10, v7;
	_ =	sdelay $0x1  }
0x1c9: {  	[tilespmem:v9+s10+$0x0] =	vst.idx.add.f32.msk $0xffff, v10  }
0x1ca: {  	s19 =	sadd.s32 $0x100, s19;
	[tilespmem:v8+s14+$0x0] =	vst.idx.msk $0xffff, v1  }
0x1cb: {  	v7 =	vor.u32 $0x3, v0  }
0x1cc: {  	s19 =	simm.s32 $0x0;
	s20 =	simm.s32 $0x1A630;
	s21 =	simm.s32 $0x1AE30;
	v6 =	vor.u32 v7, v6;
	v7 =	vimm.f32 $0.0e+00  }
.LBB2_19:
0x1cd: {  	s22 =	sshll.u32 s19, $0x7  }
0x1ce: {  	v8 =	vor.u32 s22, v6;
	_ =	sdelay $0x4  }
0x1cf: {  	v9 =	vld.idx.msk [tilespmem:v8+s11+$0x0], $0xffff;
	_ =	sdelay $0x4  }
0x1d0: {  	v10 =	vshll.u32 v9, $0x3  }
0x1d1: {  	v11 =	vand.u32 $0x7F, v9;
	v10 =	vand.u32 $0xFFFFFC00, v10  }
0x1d2: {  	v10 =	vor.u32 v11, v10  }
0x1d3: {  	v10 =	vadd.s32 v2, v10;
	_ =	sdelay $0x4  }
0x1d4: {  	v10 =	vld.idx.msk [tilespmem:v10+s2+$0x0], $0xffff;
	_ =	sdelay $0x4  }
0x1d5: {  	v10 =	vsub.f32 $0.0e+00, v10;
	_ =	sdelay $0x1  }
0x1d6: {  	v10 =	vmul.f32 $1.442695020e+00, v10;
	_ =	sdelay $0x1  }
0x1d7: {  	(erf) = vpow2.f32 v10;
	_ =	sdelay $0x8  }
0x1d8: {  	v10 =	vpop (erf)  }
0x1d9: {  	v10 =	vadd.f32 $1.000000000e+00, v10;
	_ =	sdelay $0x1  }
0x1da: {  	(erf) = vrcp.f32 v10;
	_ =	sdelay $0x1  }
0x1db: {  	v46 =	vadd.s32 v3, v9;
	_ =	sdelay $0x2  }
0x1dc: {  	v8 =	vld.idx.msk [tilespmem:v8+s12+$0x0], $0xffff;
	_ =	sdelay $0x1  }
0x1dd: {  	v47 =	vld.idx.msk [tilespmem:v46+s14+$0x0], $0xffff;
	_ =	sdelay $0x1  }
0x1de: {  	s23 =	sadd.s32 $0x80, s22;
	v12 =	vpop (erf)  }
0x1df: {  	vm0 =	vle.f32 v8, v12;
	v8 =	vor.u32 s23, v6  }
0x1e0: {  	v12 =	vsel vm0, $0x3F800000, v1  }
0x1e1: {  	[tilespmem:v46+s14+$0x0] =	vst.idx.msk $0xffff, v12;
	v48 =	vsub.f32 v12, v47  }
0x1e2: {  	[tilespmem:s20+$0xFFFFFFD0] =	vst v9  }
0x1e3: {  	[tilespmem:s21+$0xFFFFFFD0] =	vst v48  }
0x1e4: {  	v9 =	vld.idx.msk [tilespmem:v8+s11+$0x0], $0xffff;
	_ =	sdelay $0x4  }
0x1e5: {  	v49 =	vshll.u32 v9, $0x3  }
0x1e6: {  	v50 =	vand.u32 $0x7F, v9;
	v11 =	vand.u32 $0xFFFFFC00, v49  }
0x1e7: {  	v11 =	vor.u32 v50, v11  }
0x1e8: {  	v11 =	vadd.s32 v2, v11;
	_ =	sdelay $0x4  }
0x1e9: {  	v11 =	vld.idx.msk [tilespmem:v11+s2+$0x0], $0xffff;
	_ =	sdelay $0x4  }
0x1ea: {  	v11 =	vsub.f32 $0.0e+00, v11;
	_ =	sdelay $0x1  }
0x1eb: {  	v11 =	vmul.f32 $1.442695020e+00, v11;
	_ =	sdelay $0x1  }
0x1ec: {  	(erf) = vpow2.f32 v11;
	_ =	sdelay $0x8  }
0x1ed: {  	v11 =	vpop (erf)  }
0x1ee: {  	v11 =	vadd.f32 $1.000000000e+00, v11;
	_ =	sdelay $0x1  }
0x1ef: {  	(erf) = vrcp.f32 v11;
	_ =	sdelay $0x1  }
0x1f0: {  	v51 =	vadd.s32 v3, v9;
	_ =	sdelay $0x2  }
0x1f1: {  	v8 =	vld.idx.msk [tilespmem:v8+s12+$0x0], $0xffff;
	_ =	sdelay $0x1  }
0x1f2: {  	v52 =	vld.idx.msk [tilespmem:v51+s14+$0x0], $0xffff;
	_ =	sdelay $0x1  }
0x1f3: {  	s31 =	sadd.s32 $0x100, s22;
	v13 =	vpop (erf)  }
0x1f4: {  	vm13 =	vle.f32 v8, v13;
	v8 =	vor.u32 s31, v6  }
0x1f5: {  	v13 =	vsel vm13, $0x3F800000, v1  }
0x1f6: {  	[tilespmem:v51+s14+$0x0] =	vst.idx.msk $0xffff, v13;
	v53 =	vsub.f32 v13, v52  }
0x1f7: {  	[tilespmem:s20+$0xFFFFFFE0] =	vst v9  }
0x1f8: {  	[tilespmem:s21+$0xFFFFFFE0] =	vst v53  }
0x1f9: {  	v9 =	vld.idx.msk [tilespmem:v8+s11+$0x0], $0xffff;
	_ =	sdelay $0x4  }
0x1fa: {  	v54 =	vshll.u32 v9, $0x3  }
0x1fb: {  	v55 =	vand.u32 $0x7F, v9;
	v12 =	vand.u32 $0xFFFFFC00, v54  }
0x1fc: {  	v12 =	vor.u32 v55, v12  }
0x1fd: {  	v12 =	vadd.s32 v2, v12;
	_ =	sdelay $0x4  }
0x1fe: {  	v12 =	vld.idx.msk [tilespmem:v12+s2+$0x0], $0xffff;
	_ =	sdelay $0x4  }
0x1ff: {  	v12 =	vsub.f32 $0.0e+00, v12;
	_ =	sdelay $0x1  }
0x200: {  	v12 =	vmul.f32 $1.442695020e+00, v12;
	_ =	sdelay $0x1  }
0x201: {  	(erf) = vpow2.f32 v12;
	_ =	sdelay $0x8  }
0x202: {  	v12 =	vpop (erf)  }
0x203: {  	v12 =	vadd.f32 $1.000000000e+00, v12;
	_ =	sdelay $0x1  }
0x204: {  	(erf) = vrcp.f32 v12;
	_ =	sdelay $0x1  }
0x205: {  	v56 =	vadd.s32 v3, v9;
	_ =	sdelay $0x2  }
0x206: {  	v8 =	vld.idx.msk [tilespmem:v8+s12+$0x0], $0xffff;
	_ =	sdelay $0x1  }
0x207: {  	v57 =	vld.idx.msk [tilespmem:v56+s14+$0x0], $0xffff;
	_ =	sdelay $0x1  }
0x208: {  	s22 =	sadd.s32 $0x180, s22;
	v14 =	vpop (erf)  }
0x209: {  	vm14 =	vle.f32 v8, v14;
	v8 =	vor.u32 s22, v6  }
0x20a: {  	v14 =	vsel vm14, $0x3F800000, v1  }
0x20b: {  	[tilespmem:v56+s14+$0x0] =	vst.idx.msk $0xffff, v14;
	v58 =	vsub.f32 v14, v57  }
0x20c: {  	[tilespmem:s20+$0xFFFFFFF0] =	vst v9  }
0x20d: {  	[tilespmem:s21+$0xFFFFFFF0] =	vst v58  }
0x20e: {  	v9 =	vld.idx.msk [tilespmem:v8+s11+$0x0], $0xffff;
	_ =	sdelay $0x4  }
0x20f: {  	v59 =	vshll.u32 v9, $0x3  }
0x210: {  	v60 =	vand.u32 $0x7F, v9;
	v13 =	vand.u32 $0xFFFFFC00, v59  }
0x211: {  	v13 =	vor.u32 v60, v13  }
0x212: {  	v13 =	vadd.s32 v2, v13;
	_ =	sdelay $0x4  }
0x213: {  	v13 =	vld.idx.msk [tilespmem:v13+s2+$0x0], $0xffff;
	_ =	sdelay $0x4  }
0x214: {  	v13 =	vsub.f32 $0.0e+00, v13;
	_ =	sdelay $0x1  }
0x215: {  	v13 =	vmul.f32 $1.442695020e+00, v13;
	_ =	sdelay $0x1  }
0x216: {  	(erf) = vpow2.f32 v13;
	_ =	sdelay $0x8  }
0x217: {  	v13 =	vpop (erf)  }
0x218: {  	v13 =	vadd.f32 $1.000000000e+00, v13;
	_ =	sdelay $0x1  }
0x219: {  	(erf) = vrcp.f32 v13;
	_ =	sdelay $0x1  }
0x21a: {  	v61 =	vadd.s32 v3, v9;
	_ =	sdelay $0x2  }
0x21b: {  	v8 =	vld.idx.msk [tilespmem:v8+s12+$0x0], $0xffff;
	_ =	sdelay $0x1  }
0x21c: {  	v62 =	vld.idx.msk [tilespmem:v61+s14+$0x0], $0xffff  }
0x21d: {  	v7 =	vadd.f32 v48, v7  }
0x21e: {  	p0 =	sne.s32 s19, $0x1C;
	v63 =	vpop (erf)  }
.Ltmp8:
0x21f: {  	v7 =	vadd.f32 v53, v7;
	vm15 =	vle.f32 v8, v63;
	(pc) =	sbr.rel @p0 .LBB2_19-.Ltmp8, $4  }
0x220: {  	v8 =	vsel vm15, $0x3F800000, v1  }
0x221: {  	v7 =	vadd.f32 v58, v7;
	[tilespmem:v61+s14+$0x0] =	vst.idx.msk $0xffff, v8;
	v8 =	vsub.f32 v8, v62  }
0x222: {  	[tilespmem:s20+$0x0] =	vst v9  }
0x223: {  	s19 =	sadd.s32 $0x4, s19;
	s20 =	sadd.s32 $0x40, s20;
	[tilespmem:s21+$0x0] =	vst v8;
	v7 =	vadd.f32 v8, v7;
	s21 =	sadd.s32 $0x40, s21  }
0x224: {  	_ = 	snop  }
0x225: {  	v6 =	vmax.f32 v7, $1.000000000e+00  }
0x226: {  	(erf) = vrcp.f32 v6;
	_ =	sdelay $0x8  }
0x227: {  	v6 =	vpop (erf)  }
0x228: {  	s19 =	simm.s32 $0x0;
	v6 =	vmul.f32 $2.500000000e-01, v6  }
.LBB2_21:
0x229: {  	s20 =	sshra.s32 s19, $0x2  }
0x22a: {  	v7 =	vld [tilespmem:s20+$0x1A600];
	_ =	sdelay $0x4  }
0x22b: {  	v8 =	vshll.u32 v7, $0x3  }
0x22c: {  	v9 =	vld [tilespmem:s20+$0x1AE00];
	v10 =	vand.u32 $0x7F, v7;
	v8 =	vand.u32 $0xFFFFFC00, v8  }
0x22d: {  	v8 =	vor.u32 v10, v8  }
0x22e: {  	v8 =	vadd.s32 v2, v8  }
0x22f: {  	v7 =	vadd.s32 v3, v7;
	_ =	sdelay $0x1  }
0x230: {  	v9 =	vmul.f32 v9, v6;
	_ =	sdelay $0x1  }
0x231: {  	[tilespmem:v8+s10+$0x0] =	vst.idx.add.f32.msk $0xffff, v9  }
0x232: {  	[tilespmem:v7+s14+$0x0] =	vst.idx.msk $0xffff, v1  }
0x233: {  	v7 =	vld [tilespmem:s20+$0x1A610];
	_ =	sdelay $0x4  }
0x234: {  	v8 =	vshll.u32 v7, $0x3  }
0x235: {  	v9 =	vld [tilespmem:s20+$0x1AE10];
	v61 =	vand.u32 $0x7F, v7;
	v8 =	vand.u32 $0xFFFFFC00, v8  }
0x236: {  	v8 =	vor.u32 v61, v8  }
0x237: {  	v8 =	vadd.s32 v2, v8  }
0x238: {  	v7 =	vadd.s32 v3, v7;
	_ =	sdelay $0x1  }
0x239: {  	v9 =	vmul.f32 v9, v6;
	_ =	sdelay $0x1  }
0x23a: {  	[tilespmem:v8+s10+$0x0] =	vst.idx.add.f32.msk $0xffff, v9  }
0x23b: {  	[tilespmem:v7+s14+$0x0] =	vst.idx.msk $0xffff, v1  }
0x23c: {  	v7 =	vld [tilespmem:s20+$0x1A620];
	_ =	sdelay $0x4  }
0x23d: {  	v8 =	vshll.u32 v7, $0x3  }
0x23e: {  	v9 =	vld [tilespmem:s20+$0x1AE20];
	v62 =	vand.u32 $0x7F, v7;
	v8 =	vand.u32 $0xFFFFFC00, v8  }
0x23f: {  	v8 =	vor.u32 v62, v8  }
0x240: {  	v8 =	vadd.s32 v2, v8  }
0x241: {  	v7 =	vadd.s32 v3, v7;
	_ =	sdelay $0x1  }
0x242: {  	v9 =	vmul.f32 v9, v6;
	_ =	sdelay $0x1  }
0x243: {  	[tilespmem:v8+s10+$0x0] =	vst.idx.add.f32.msk $0xffff, v9  }
0x244: {  	[tilespmem:v7+s14+$0x0] =	vst.idx.msk $0xffff, v1  }
0x245: {  	v7 =	vld [tilespmem:s20+$0x1A630];
	_ =	sdelay $0x4  }
0x246: {  	v8 =	vshll.u32 v7, $0x3  }
0x247: {  	v9 =	vld [tilespmem:s20+$0x1AE30];
	v63 =	vand.u32 $0x7F, v7;
	v8 =	vand.u32 $0xFFFFFC00, v8  }
0x248: {  	v8 =	vor.u32 v63, v8  }
0x249: {  	v8 =	vadd.s32 v2, v8  }
0x24a: {  	p0 =	sne.s32 s19, $0x700;
	v7 =	vadd.s32 v3, v7  }
.Ltmp9:
0x24b: {  	_ = 	snop;
	(pc) =	sbr.rel @p0 .LBB2_21-.Ltmp9, $3  }
0x24c: {  	v9 =	vmul.f32 v9, v6;
	_ =	sdelay $0x1  }
0x24d: {  	[tilespmem:v8+s10+$0x0] =	vst.idx.add.f32.msk $0xffff, v9  }
0x24e: {  	s19 =	sadd.s32 $0x100, s19;
	[tilespmem:v7+s14+$0x0] =	vst.idx.msk $0xffff, v1  }
0x24f: {  	s19 =	sadd.s32 s6, s18;
	s18 =	simm.s32 $0x0  }
0x250: {  	[hbm4b:s19+s18] =	stream.linear.scatter [tilespmem:s10], [sflag:$0x2], $0x8000, $0x38;
	[tilespmem:$0x1B000] =	vst v63  }
0x251: {  	_ =	swait.ge [sflag:s15], $0x8000  }
0x252: {  	[sflag:s15] =	ssyncset.done $0x0  }
0x253: {  	[sflag:s15] =	ssyncadd.s32 $0xFFFF8000  }
.LBB2_23:
0x254: {  	s19 =	sshra.s32 s18, $0x2  }
0x255: {  	v6 =	vld [tilespmem:s19+$0x1A000];
	_ =	sdelay $0x4  }
0x256: {  	v7 =	vshll.u32 v6, $0x3  }
0x257: {  	v6 =	vand.u32 $0x7F, v6;
	v7 =	vand.u32 $0xFFFFFC00, v7  }
0x258: {  	v6 =	vor.u32 v6, v7  }
0x259: {  	v6 =	vadd.s32 v2, v6;
	_ =	sdelay $0x4  }
0x25a: {  	[tilespmem:v6+s10+$0x0] =	vst.idx.msk $0xffff, v1  }
0x25b: {  	v6 =	vld [tilespmem:s19+$0x1A010];
	_ =	sdelay $0x4  }
0x25c: {  	v7 =	vshll.u32 v6, $0x3  }
0x25d: {  	v6 =	vand.u32 $0x7F, v6;
	v7 =	vand.u32 $0xFFFFFC00, v7  }
0x25e: {  	v6 =	vor.u32 v6, v7  }
0x25f: {  	v6 =	vadd.s32 v2, v6;
	_ =	sdelay $0x4  }
0x260: {  	[tilespmem:v6+s10+$0x0] =	vst.idx.msk $0xffff, v1  }
0x261: {  	v6 =	vld [tilespmem:s19+$0x1A020];
	_ =	sdelay $0x4  }
0x262: {  	v7 =	vshll.u32 v6, $0x3  }
0x263: {  	v6 =	vand.u32 $0x7F, v6;
	v7 =	vand.u32 $0xFFFFFC00, v7  }
0x264: {  	v6 =	vor.u32 v6, v7  }
0x265: {  	v6 =	vadd.s32 v2, v6;
	_ =	sdelay $0x4  }
0x266: {  	[tilespmem:v6+s10+$0x0] =	vst.idx.msk $0xffff, v1  }
0x267: {  	v6 =	vld [tilespmem:s19+$0x1A030];
	_ =	sdelay $0x4  }
0x268: {  	v7 =	vshll.u32 v6, $0x3  }
0x269: {  	v6 =	vand.u32 $0x7F, v6;
	v7 =	vand.u32 $0xFFFFFC00, v7  }
0x26a: {  	v6 =	vor.u32 v6, v7  }
0x26b: {  	p0 =	sne.s32 s18, $0x1F00;
	v6 =	vadd.s32 v2, v6  }
.Ltmp10:
0x26c: {  	_ = 	snop;
	(pc) =	sbr.rel @p0 .LBB2_23-.Ltmp10, $2  }
0x26d: {  	_ =	sdelay $0x2  }
0x26e: {  	s18 =	sadd.s32 $0x100, s18;
	[tilespmem:v6+s10+$0x0] =	vst.idx.msk $0xffff, v1  }
0x26f: {  	s17 =	sadd.s32 $0x1, s17  }
0x270: {  	p0 =	sne.s32 s17, $0x4  }
.Ltmp11:
0x271: {  	_ = 	snop;
	(pc) =	sbr.rel @p0 .LBB2_6-.Ltmp11, $1  }
0x272: {  	_ =	sdelay $0x3  }
0x273: {  	s16 =	sadd.s32 $0x1, s16  }
0x274: {  	p0 =	sne.s32 s16, s8  }
.Ltmp12:
0x275: {  	_ = 	snop;
	(pc) =	sbr.rel @p0 .LBB2_1-.Ltmp12, $1  }
0x276: {  	_ =	sdelay $0x3  }
0x277: {  	_ =	sfence.sel $0x180000  }
0x278: {  	[bflag:$0x0] =	sbarrier.arrive $0xFFFF  }
0x279: {  	p0 =	sne.s32 s4, $0x0;
	_ =	strace $0x9000004A  }
0x27a: {  	s0 =	sadd.s32 @!p0 $0x100000, s0;
	[bflag:$0x2] =	sbarrier.arrive $0xFFFF  }
0x27b: {  	[sflag:s0] =	ssyncadd.tile.s32 @!p0 $0x1;
	_ =	shalt  }
.Lfunc_end2:
_tile_overlayer_lowered:
.L_overlay_start_2:
0x27c: {  	(tag) =	ssettag $0x2  }
0x27d: {  	s0 =	rddreg [dreg:$0x0];
	s2 =	stileid.u32  }
0x27e: {  	s1 =	rddreg [dreg:$0x1];
	p0 =	sne.s32 s2, $0x0  }
0x27f: {  	s3 =	rddreg [dreg:$0x2];
	[bflag:$0x3] =	sbarrier.arrive $0xFFFF;
	s2 =	simm.s32 @!p0 $0x1C02  }
0x280: {  	[timem:s3], [sflag:s2] =	dma.local @!p0 [hbm:s0], s1  }
0x281: {  	s0 =	simm.s32 @!p0 $0x2  }
0x282: {  	_ =	swait.ge @!p0 [sflag:s0], s1  }
0x283: {  	s1 =	ssub.s32 @!p0 $0x0, s1;
	[sflag:s0] =	ssyncset.done @!p0 $0x0  }
0x284: {  	[sflag:s0] =	ssyncadd.s32 @!p0 s1  }
0x285: {  	[bflag:$0x3] =	sbarrier.arrive $0xFFFF  }
0x286: {  	_ =	shalt  }

</sc_bundles>
